<compile_context>
chip_gen: v7x
topology: tpu7x:2x2x1
jax: 0.10.2.dev20260603
libtpu: 0.0.44.dev20260713+nightly
codegen_flags: <defaults>
</compile_context>

<pallas_src>
import functools

import jax
import jax.numpy as jnp
from jax import lax
from jax.experimental import pallas as pl
from jax.experimental.pallas import tpu as pltpu
from jax.experimental.pallas import tpu_sc as plsc

VOCAB = 1000001
EMB_DIM = 64
XROWS = 4096
XCOLS = 200

_NC = 2
_NS = 16
_NW = _NC * _NS
_B = XROWS * XCOLS
_C = 128
_NCHUNK = _B // _C // _NW
_NBUF = 3


def _make_kernel():
    mesh = plsc.VectorSubcoreMesh(core_axis_name="c", subcore_axis_name="s")

    @functools.partial(
        pl.kernel,
        mesh=mesh,
        compiler_params=pltpu.CompilerParams(use_tc_tiling_on_sc=True),
        out_type=jax.ShapeDtypeStruct((_B, EMB_DIM), jnp.float32),
        scratch_types=[
            pltpu.VMEM((_NCHUNK, _C), jnp.int32),
            *[pltpu.VMEM((_C, 2 * EMB_DIM), jnp.float32) for _ in range(_NBUF)],
            *[pltpu.VMEM((_C, EMB_DIM), jnp.float32) for _ in range(_NBUF)],
            *[pltpu.SemaphoreType.DMA for _ in range(2 * _NBUF)],
        ],
    )
    def emb_kernel(x_hbm, table_hbm, out_hbm, idx_v,
                   r0, r1, r2, c0, c1, c2, g0, g1, g2, s0, s1, s2):
        rows = (r0, r1, r2)
        cbuf = (c0, c1, c2)
        gsem = (g0, g1, g2)
        ssem = (s0, s1, s2)

        wid = lax.axis_index("s") * _NC + lax.axis_index("c")
        cbase = pl.multiple_of(wid * _NCHUNK, 8)
        pltpu.sync_copy(x_hbm.at[pl.ds(cbase, _NCHUNK)], idx_v)

        def issue_gather(c, b):
            pltpu.async_copy(table_hbm.at[idx_v.at[c]], rows[b], gsem[b])

        def wait_gather(b):
            pltpu.make_async_copy(
                table_hbm.at[pl.ds(0, _C)], rows[b], gsem[b]).wait()

        def issue_store(c, b):
            off = pl.multiple_of((cbase + c) * _C, 8)
            pltpu.async_copy(cbuf[b], out_hbm.at[pl.ds(off, _C)], ssem[b])

        def wait_store(b):
            pltpu.make_async_copy(
                cbuf[b], out_hbm.at[pl.ds(0, _C)], ssem[b]).wait()

        def compute(b):
            r = rows[b]
            cb = cbuf[b]

            def row_body(k2, carry):
                for u in range(2):
                    k = 2 * k2 + u
                    for j in range(EMB_DIM // 16):
                        val = r[k, pl.ds(j * 16, 16)]
                        t = jnp.exp(val + val)
                        cb[k, pl.ds(j * 16, 16)] = 1.0 - 2.0 / (t + 1.0)
                return carry

            lax.fori_loop(0, _C // 2, row_body, 0)

        issue_gather(0, 0)
        issue_gather(1, 1)

        wait_gather(0)
        compute(0)
        issue_store(0, 0)
        issue_gather(2, 2)

        for c in (1, 2):
            b = c
            wait_gather(b)
            compute(b)
            issue_store(c, b)
            b2 = (b + 2) % _NBUF
            wait_store(b2)
            issue_gather(c + 2, b2)

        def group_body(g, carry):
            c0_ = 3 * g + 3
            for b in range(_NBUF):
                c = c0_ + b
                wait_gather(b)
                compute(b)
                issue_store(c, b)
                b2 = (b + 2) % _NBUF
                wait_store(b2)
                issue_gather(c + 2, b2)
            return carry

        lax.fori_loop(0, (_NCHUNK - 5) // 3, group_body, 0)

        for c in (_NCHUNK - 2, _NCHUNK - 1):
            b = c % _NBUF
            wait_gather(b)
            compute(b)
            issue_store(c, b)

        for b in range(_NBUF):
            wait_store(b)

    return emb_kernel


_EMB = _make_kernel()


def kernel(x, table):
    eye = jnp.eye(EMB_DIM, dtype=jnp.float32)
    dup = jnp.concatenate([eye, eye], axis=1)
    t2 = jax.lax.dot(table, dup)
    x2 = jnp.reshape(x, (_B // _C, _C)).astype(jnp.int32)
    out = _EMB(x2, t2)
    return jnp.reshape(out, (XROWS, XCOLS, EMB_DIM))

# --- scband reference (transcript-rebuilt; emitter-appended) ---
"""Pipeline reference for scband-word-embedding-21818433863730 (READ-ONLY COPY).

The authoritative reference and input builder live on the scoring server;
editing this copy changes nothing except your own understanding.
"""

import jax, jax.numpy as jnp
import numpy as np

VOCAB = 1000001  # padding_idx + 1
EMB_DIM = 64
PADDING_IDX = 1000000

def setup_inputs(seed: int = 0) -> dict:
    key = jax.random.key(seed)
    k_idx, k_tab = jax.random.split(key)
    x = jax.random.randint(k_idx, (4096, 200), 0, 1000000, dtype=jnp.int64) if jax.config.jax_enable_x64 else jax.random.randint(k_idx, (4096, 200), 0, 1000000, dtype=jnp.int32)
    table = jax.random.normal(k_tab, (VOCAB, EMB_DIM), dtype=jnp.float32)
    # nn.Embedding zeroes the padding row
    table = table.at[PADDING_IDX].set(0.0)
    return {"x": x, "table": table}

def reference(x, table):
    # emb = self.emb(x): gather rows from the embedding table
    emb = jnp.take(table, x, axis=0)
    # dropout is identity in eval mode (deterministic reference)
    # emb = self.tanh(emb)
    emb = jnp.tanh(emb)
    return emb

if __name__ == "__main__":
    import jax
    _d = setup_inputs()
    print(jax.jit(kernel)(*tuple(_d.values())))

</pallas_src>

<mosaic_0001>
#map = affine_map<(d0, d1) -> (0, 0)>
module attributes {stable_mosaic.version = 14 : i64} {
  func.func @emb_kernel(%arg0: i32, %arg1: i32, %arg2: memref<6400x128xi32, #tpu.memory_space<hbm>>, %arg3: memref<1000001x128xf32, #tpu.memory_space<hbm>>, %arg4: memref<819200x64xf32, #tpu.memory_space<hbm>>, %arg5: memref<200x128xi32, #tpu.memory_space<vmem>>, %arg6: memref<128x128xf32, #tpu.memory_space<vmem>>, %arg7: memref<128x128xf32, #tpu.memory_space<vmem>>, %arg8: memref<128x128xf32, #tpu.memory_space<vmem>>, %arg9: memref<128x64xf32, #tpu.memory_space<vmem>>, %arg10: memref<128x64xf32, #tpu.memory_space<vmem>>, %arg11: memref<128x64xf32, #tpu.memory_space<vmem>>, %arg12: memref<!tpu.dma_semaphore, #tpu.memory_space<semaphore_mem>>, %arg13: memref<!tpu.dma_semaphore, #tpu.memory_space<semaphore_mem>>, %arg14: memref<!tpu.dma_semaphore, #tpu.memory_space<semaphore_mem>>, %arg15: memref<!tpu.dma_semaphore, #tpu.memory_space<semaphore_mem>>, %arg16: memref<!tpu.dma_semaphore, #tpu.memory_space<semaphore_mem>>, %arg17: memref<!tpu.dma_semaphore, #tpu.memory_space<semaphore_mem>>) attributes {dimension_semantics = [#tpu.dimension_semantics<core_parallel>, #tpu.dimension_semantics<subcore_parallel>], iteration_bounds = array<i64: 2, 16>, scalar_prefetch = 0 : i64, scratch_operands = 13 : i64, tpu.core_type = #tpu.core_type<sc_vector_subcore>, window_params = [{transform_indices = #map}, {transform_indices = #map}, {transform_indices = #map}]} {
    %mul3A = arith.constant 2 : i32
    %mul3A_0 = arith.muli %arg1, %mul3A : i32
    %add3A = arith.addi %mul3A_0, %arg0 : i32
    %mul3A_1 = arith.constant 200 : i32
    %mul3A_2 = arith.muli %add3A, %mul3A_1 : i32
    %multiple_of3A = tpu.assume_multiple %mul3A_2, 8 : i32
    "tpu.region"() ({
      %run_scoped3A = tpu.sem_alloc : memref<!tpu.dma_semaphore, #tpu.memory_space<semaphore_mem>>
      %dma_start3A_176 = arith.constant 0 : i32
      %dma_start3A_177 = tpu.memref_slice %arg2[%multiple_of3A, %dma_start3A_176] : memref<6400x128xi32, #tpu.memory_space<hbm>> -> memref<200x128xi32, #tpu.memory_space<hbm>>
      %dma_start3A_178 = arith.constant 0 : i32
      %dma_start3A_179 = tpu.memref_slice %arg2[%multiple_of3A, %dma_start3A_178] : memref<6400x128xi32, #tpu.memory_space<hbm>> -> memref<200x128xi32, #tpu.memory_space<hbm>>
      tpu.enqueue_dma source(%dma_start3A_179 : memref<200x128xi32, #tpu.memory_space<hbm>>) target(%arg5 : memref<200x128xi32, #tpu.memory_space<vmem>>) target_semaphore(%run_scoped3A : memref<!tpu.dma_semaphore, #tpu.memory_space<semaphore_mem>>)
      %dma_wait3A_180 = arith.constant 0 : i32
      %dma_wait3A_181 = tpu.memref_slice %arg2[%multiple_of3A, %dma_wait3A_180] : memref<6400x128xi32, #tpu.memory_space<hbm>> -> memref<200x128xi32, #tpu.memory_space<hbm>>
      %dma_wait3A_182 = arith.constant 0 : i32
      %dma_wait3A_183 = tpu.memref_slice %arg2[%multiple_of3A, %dma_wait3A_182] : memref<6400x128xi32, #tpu.memory_space<hbm>> -> memref<200x128xi32, #tpu.memory_space<hbm>>
      tpu.wait_dma2 semaphore(%run_scoped3A : memref<!tpu.dma_semaphore, #tpu.memory_space<semaphore_mem>>) src(%dma_wait3A_183 : memref<200x128xi32, #tpu.memory_space<hbm>>) dst(%arg5 : memref<200x128xi32, #tpu.memory_space<vmem>>)
      tpu.yield
    }) : () -> ()
    %dma_start3A = arith.constant 0 : i32
    %dma_start3A_3 = arith.constant 0 : i32
    %dma_start3A_4 = tpu.memref_slice %arg5[%dma_start3A, %dma_start3A_3] : memref<200x128xi32, #tpu.memory_space<vmem>> -> memref<1x128xi32, #tpu.memory_space<vmem>>
    %dma_start3A_5 = tpu.memref_squeeze %dma_start3A_4 : memref<1x128xi32, #tpu.memory_space<vmem>> -> memref<128xi32, #tpu.memory_space<vmem>>
    %dma_start3A_6 = arith.constant 0 : i32
    %dma_start3A_7 = arith.constant 0 : i32
    %dma_start3A_8 = tpu.memref_slice %arg3[%dma_start3A_6, %dma_start3A_7] : memref<1000001x128xf32, #tpu.memory_space<hbm>> -> memref<1000001x128xf32, #tpu.memory_space<hbm>>
    tpu.enqueue_indirect_dma source(%dma_start3A_8 : memref<1000001x128xf32, #tpu.memory_space<hbm>>) target(%arg6 : memref<128x128xf32, #tpu.memory_space<vmem>>) offsets(%dma_start3A_5 : memref<128xi32, #tpu.memory_space<vmem>>) semaphore(%arg12 : memref<!tpu.dma_semaphore, #tpu.memory_space<semaphore_mem>>)
    %dma_start3A_9 = arith.constant 1 : i32
    %dma_start3A_10 = arith.constant 0 : i32
    %dma_start3A_11 = tpu.memref_slice %arg5[%dma_start3A_9, %dma_start3A_10] : memref<200x128xi32, #tpu.memory_space<vmem>> -> memref<1x128xi32, #tpu.memory_space<vmem>>
    %dma_start3A_12 = tpu.memref_squeeze %dma_start3A_11 : memref<1x128xi32, #tpu.memory_space<vmem>> -> memref<128xi32, #tpu.memory_space<vmem>>
    %dma_start3A_13 = arith.constant 0 : i32
    %dma_start3A_14 = arith.constant 0 : i32
    %dma_start3A_15 = tpu.memref_slice %arg3[%dma_start3A_13, %dma_start3A_14] : memref<1000001x128xf32, #tpu.memory_space<hbm>> -> memref<1000001x128xf32, #tpu.memory_space<hbm>>
    tpu.enqueue_indirect_dma source(%dma_start3A_15 : memref<1000001x128xf32, #tpu.memory_space<hbm>>) target(%arg7 : memref<128x128xf32, #tpu.memory_space<vmem>>) offsets(%dma_start3A_12 : memref<128xi32, #tpu.memory_space<vmem>>) semaphore(%arg13 : memref<!tpu.dma_semaphore, #tpu.memory_space<semaphore_mem>>)
    %dma_wait3A = arith.constant 0 : i32
    %dma_wait3A_16 = arith.constant 0 : i32
    %dma_wait3A_17 = tpu.memref_slice %arg3[%dma_wait3A, %dma_wait3A_16] : memref<1000001x128xf32, #tpu.memory_space<hbm>> -> memref<128x128xf32, #tpu.memory_space<hbm>>
    %dma_wait3A_18 = arith.constant 0 : i32
    %dma_wait3A_19 = arith.constant 0 : i32
    %dma_wait3A_20 = tpu.memref_slice %arg3[%dma_wait3A_18, %dma_wait3A_19] : memref<1000001x128xf32, #tpu.memory_space<hbm>> -> memref<128x128xf32, #tpu.memory_space<hbm>>
    tpu.wait_dma2 semaphore(%arg12 : memref<!tpu.dma_semaphore, #tpu.memory_space<semaphore_mem>>) src(%dma_wait3A_20 : memref<128x128xf32, #tpu.memory_space<hbm>>) dst(%arg6 : memref<128x128xf32, #tpu.memory_space<vmem>>)
    %scan3A = arith.constant 0 : i32
    %scan3A_21 = arith.constant 0 : i32
    %scan3A_22 = arith.constant 64 : i32
    %scan3A_23 = arith.addi %scan3A_21, %scan3A_22 : i32
    %scan3A_24 = arith.constant 1 : i32
    scf.for %scan3A_176 = %scan3A_21 to %scan3A_23 step %scan3A_24  : i32 {
      %mul3A_177 = arith.constant 2 : i32
      %mul3A_178 = arith.muli %mul3A_177, %scan3A_176 : i32
      %add3A_179 = arith.constant 0 : i32
      %add3A_180 = arith.addi %mul3A_178, %add3A_179 : i32
      %get3A = arith.index_cast %add3A_180 : i32 to index
      %get3A_181 = arith.constant 0 : index
      %get3A_182 = tpu.vector_load %arg6[%get3A, %get3A_181] {strides = array<i32>} : memref<128x128xf32, #tpu.memory_space<vmem>>, vector<1x16xf32>,
      %get3A_183 = vector.shape_cast %get3A_182 : vector<1x16xf32> to vector<16xf32>
      %add3A_184 = arith.addf %get3A_183, %get3A_183 : vector<16xf32>
      %exp3A = math.exp %add3A_184 : vector<16xf32>
      %add3A_185 = arith.constant 1.000000e+00 : f32
      %add3A_186 = vector.broadcast %add3A_185 : f32 to vector<16xf32>
      %add3A_187 = arith.addf %exp3A, %add3A_186 : vector<16xf32>
      %div3A = arith.constant 2.000000e+00 : f32
      %div3A_188 = vector.broadcast %div3A : f32 to vector<16xf32>
      %div3A_189 = arith.divf %div3A_188, %add3A_187 : vector<16xf32>
      %sub3A = arith.constant 1.000000e+00 : f32
      %sub3A_190 = vector.broadcast %sub3A : f32 to vector<16xf32>
      %sub3A_191 = arith.subf %sub3A_190, %div3A_189 : vector<16xf32>
      %swap3A = arith.index_cast %add3A_180 : i32 to index
      %swap3A_192 = arith.constant 0 : index
      %swap3A_193 = tpu.vector_load %arg9[%swap3A, %swap3A_192] {strides = array<i32>} : memref<128x64xf32, #tpu.memory_space<vmem>>, vector<1x16xf32>,
      %swap3A_194 = vector.shape_cast %swap3A_193 : vector<1x16xf32> to vector<16xf32>
      %swap3A_195 = vector.shape_cast %sub3A_191 : vector<16xf32> to vector<1x16xf32>
      tpu.vector_store %arg9[%swap3A, %swap3A_192], %swap3A_195 {strides = array<i32>} : memref<128x64xf32, #tpu.memory_space<vmem>>, vector<1x16xf32>,
      %get3A_196 = arith.index_cast %add3A_180 : i32 to index
      %get3A_197 = arith.constant 16 : index
      %get3A_198 = tpu.vector_load %arg6[%get3A_196, %get3A_197] {strides = array<i32>} : memref<128x128xf32, #tpu.memory_space<vmem>>, vector<1x16xf32>,
      %get3A_199 = vector.shape_cast %get3A_198 : vector<1x16xf32> to vector<16xf32>
      %add3A_200 = arith.addf %get3A_199, %get3A_199 : vector<16xf32>
      %exp3A_201 = math.exp %add3A_200 : vector<16xf32>
      %add3A_202 = arith.constant 1.000000e+00 : f32
      %add3A_203 = vector.broadcast %add3A_202 : f32 to vector<16xf32>
      %add3A_204 = arith.addf %exp3A_201, %add3A_203 : vector<16xf32>
      %div3A_205 = arith.constant 2.000000e+00 : f32
      %div3A_206 = vector.broadcast %div3A_205 : f32 to vector<16xf32>
      %div3A_207 = arith.divf %div3A_206, %add3A_204 : vector<16xf32>
      %sub3A_208 = arith.constant 1.000000e+00 : f32
      %sub3A_209 = vector.broadcast %sub3A_208 : f32 to vector<16xf32>
      %sub3A_210 = arith.subf %sub3A_209, %div3A_207 : vector<16xf32>
      %swap3A_211 = arith.index_cast %add3A_180 : i32 to index
      %swap3A_212 = arith.constant 16 : index
      %swap3A_213 = tpu.vector_load %arg9[%swap3A_211, %swap3A_212] {strides = array<i32>} : memref<128x64xf32, #tpu.memory_space<vmem>>, vector<1x16xf32>,
      %swap3A_214 = vector.shape_cast %swap3A_213 : vector<1x16xf32> to vector<16xf32>
      %swap3A_215 = vector.shape_cast %sub3A_210 : vector<16xf32> to vector<1x16xf32>
      tpu.vector_store %arg9[%swap3A_211, %swap3A_212], %swap3A_215 {strides = array<i32>} : memref<128x64xf32, #tpu.memory_space<vmem>>, vector<1x16xf32>,
      %get3A_216 = arith.index_cast %add3A_180 : i32 to index
      %get3A_217 = arith.constant 32 : index
      %get3A_218 = tpu.vector_load %arg6[%get3A_216, %get3A_217] {strides = array<i32>} : memref<128x128xf32, #tpu.memory_space<vmem>>, vector<1x16xf32>,
      %get3A_219 = vector.shape_cast %get3A_218 : vector<1x16xf32> to vector<16xf32>
      %add3A_220 = arith.addf %get3A_219, %get3A_219 : vector<16xf32>
      %exp3A_221 = math.exp %add3A_220 : vector<16xf32>
      %add3A_222 = arith.constant 1.000000e+00 : f32
      %add3A_223 = vector.broadcast %add3A_222 : f32 to vector<16xf32>
      %add3A_224 = arith.addf %exp3A_221, %add3A_223 : vector<16xf32>
      %div3A_225 = arith.constant 2.000000e+00 : f32
      %div3A_226 = vector.broadcast %div3A_225 : f32 to vector<16xf32>
      %div3A_227 = arith.divf %div3A_226, %add3A_224 : vector<16xf32>
      %sub3A_228 = arith.constant 1.000000e+00 : f32
      %sub3A_229 = vector.broadcast %sub3A_228 : f32 to vector<16xf32>
      %sub3A_230 = arith.subf %sub3A_229, %div3A_227 : vector<16xf32>
      %swap3A_231 = arith.index_cast %add3A_180 : i32 to index
      %swap3A_232 = arith.constant 32 : index
      %swap3A_233 = tpu.vector_load %arg9[%swap3A_231, %swap3A_232] {strides = array<i32>} : memref<128x64xf32, #tpu.memory_space<vmem>>, vector<1x16xf32>,
      %swap3A_234 = vector.shape_cast %swap3A_233 : vector<1x16xf32> to vector<16xf32>
      %swap3A_235 = vector.shape_cast %sub3A_230 : vector<16xf32> to vector<1x16xf32>
      tpu.vector_store %arg9[%swap3A_231, %swap3A_232], %swap3A_235 {strides = array<i32>} : memref<128x64xf32, #tpu.memory_space<vmem>>, vector<1x16xf32>,
      %get3A_236 = arith.index_cast %add3A_180 : i32 to index
      %get3A_237 = arith.constant 48 : index
      %get3A_238 = tpu.vector_load %arg6[%get3A_236, %get3A_237] {strides = array<i32>} : memref<128x128xf32, #tpu.memory_space<vmem>>, vector<1x16xf32>,
      %get3A_239 = vector.shape_cast %get3A_238 : vector<1x16xf32> to vector<16xf32>
      %add3A_240 = arith.addf %get3A_239, %get3A_239 : vector<16xf32>
      %exp3A_241 = math.exp %add3A_240 : vector<16xf32>
      %add3A_242 = arith.constant 1.000000e+00 : f32
      %add3A_243 = vector.broadcast %add3A_242 : f32 to vector<16xf32>
      %add3A_244 = arith.addf %exp3A_241, %add3A_243 : vector<16xf32>
      %div3A_245 = arith.constant 2.000000e+00 : f32
      %div3A_246 = vector.broadcast %div3A_245 : f32 to vector<16xf32>
      %div3A_247 = arith.divf %div3A_246, %add3A_244 : vector<16xf32>
      %sub3A_248 = arith.constant 1.000000e+00 : f32
      %sub3A_249 = vector.broadcast %sub3A_248 : f32 to vector<16xf32>
      %sub3A_250 = arith.subf %sub3A_249, %div3A_247 : vector<16xf32>
      %swap3A_251 = arith.index_cast %add3A_180 : i32 to index
      %swap3A_252 = arith.constant 48 : index
      %swap3A_253 = tpu.vector_load %arg9[%swap3A_251, %swap3A_252] {strides = array<i32>} : memref<128x64xf32, #tpu.memory_space<vmem>>, vector<1x16xf32>,
      %swap3A_254 = vector.shape_cast %swap3A_253 : vector<1x16xf32> to vector<16xf32>
      %swap3A_255 = vector.shape_cast %sub3A_250 : vector<16xf32> to vector<1x16xf32>
      tpu.vector_store %arg9[%swap3A_251, %swap3A_252], %swap3A_255 {strides = array<i32>} : memref<128x64xf32, #tpu.memory_space<vmem>>, vector<1x16xf32>,
      %mul3A_256 = arith.constant 2 : i32
      %mul3A_257 = arith.muli %mul3A_256, %scan3A_176 : i32
      %add3A_258 = arith.constant 1 : i32
      %add3A_259 = arith.addi %mul3A_257, %add3A_258 : i32
      %get3A_260 = arith.index_cast %add3A_259 : i32 to index
      %get3A_261 = arith.constant 0 : index
      %get3A_262 = tpu.vector_load %arg6[%get3A_260, %get3A_261] {strides = array<i32>} : memref<128x128xf32, #tpu.memory_space<vmem>>, vector<1x16xf32>,
      %get3A_263 = vector.shape_cast %get3A_262 : vector<1x16xf32> to vector<16xf32>
      %add3A_264 = arith.addf %get3A_263, %get3A_263 : vector<16xf32>
      %exp3A_265 = math.exp %add3A_264 : vector<16xf32>
      %add3A_266 = arith.constant 1.000000e+00 : f32
      %add3A_267 = vector.broadcast %add3A_266 : f32 to vector<16xf32>
      %add3A_268 = arith.addf %exp3A_265, %add3A_267 : vector<16xf32>
      %div3A_269 = arith.constant 2.000000e+00 : f32
      %div3A_270 = vector.broadcast %div3A_269 : f32 to vector<16xf32>
      %div3A_271 = arith.divf %div3A_270, %add3A_268 : vector<16xf32>
      %sub3A_272 = arith.constant 1.000000e+00 : f32
      %sub3A_273 = vector.broadcast %sub3A_272 : f32 to vector<16xf32>
      %sub3A_274 = arith.subf %sub3A_273, %div3A_271 : vector<16xf32>
      %swap3A_275 = arith.index_cast %add3A_259 : i32 to index
      %swap3A_276 = arith.constant 0 : index
      %swap3A_277 = tpu.vector_load %arg9[%swap3A_275, %swap3A_276] {strides = array<i32>} : memref<128x64xf32, #tpu.memory_space<vmem>>, vector<1x16xf32>,
      %swap3A_278 = vector.shape_cast %swap3A_277 : vector<1x16xf32> to vector<16xf32>
      %swap3A_279 = vector.shape_cast %sub3A_274 : vector<16xf32> to vector<1x16xf32>
      tpu.vector_store %arg9[%swap3A_275, %swap3A_276], %swap3A_279 {strides = array<i32>} : memref<128x64xf32, #tpu.memory_space<vmem>>, vector<1x16xf32>,
      %get3A_280 = arith.index_cast %add3A_259 : i32 to index
      %get3A_281 = arith.constant 16 : index
      %get3A_282 = tpu.vector_load %arg6[%get3A_280, %get3A_281] {strides = array<i32>} : memref<128x128xf32, #tpu.memory_space<vmem>>, vector<1x16xf32>,
      %get3A_283 = vector.shape_cast %get3A_282 : vector<1x16xf32> to vector<16xf32>
      %add3A_284 = arith.addf %get3A_283, %get3A_283 : vector<16xf32>
      %exp3A_285 = math.exp %add3A_284 : vector<16xf32>
      %add3A_286 = arith.constant 1.000000e+00 : f32
      %add3A_287 = vector.broadcast %add3A_286 : f32 to vector<16xf32>
      %add3A_288 = arith.addf %exp3A_285, %add3A_287 : vector<16xf32>
      %div3A_289 = arith.constant 2.000000e+00 : f32
      %div3A_290 = vector.broadcast %div3A_289 : f32 to vector<16xf32>
      %div3A_291 = arith.divf %div3A_290, %add3A_288 : vector<16xf32>
      %sub3A_292 = arith.constant 1.000000e+00 : f32
      %sub3A_293 = vector.broadcast %sub3A_292 : f32 to vector<16xf32>
      %sub3A_294 = arith.subf %sub3A_293, %div3A_291 : vector<16xf32>
      %swap3A_295 = arith.index_cast %add3A_259 : i32 to index
      %swap3A_296 = arith.constant 16 : index
      %swap3A_297 = tpu.vector_load %arg9[%swap3A_295, %swap3A_296] {strides = array<i32>} : memref<128x64xf32, #tpu.memory_space<vmem>>, vector<1x16xf32>,
      %swap3A_298 = vector.shape_cast %swap3A_297 : vector<1x16xf32> to vector<16xf32>
      %swap3A_299 = vector.shape_cast %sub3A_294 : vector<16xf32> to vector<1x16xf32>
      tpu.vector_store %arg9[%swap3A_295, %swap3A_296], %swap3A_299 {strides = array<i32>} : memref<128x64xf32, #tpu.memory_space<vmem>>, vector<1x16xf32>,
      %get3A_300 = arith.index_cast %add3A_259 : i32 to index
      %get3A_301 = arith.constant 32 : index
      %get3A_302 = tpu.vector_load %arg6[%get3A_300, %get3A_301] {strides = array<i32>} : memref<128x128xf32, #tpu.memory_space<vmem>>, vector<1x16xf32>,
      %get3A_303 = vector.shape_cast %get3A_302 : vector<1x16xf32> to vector<16xf32>
      %add3A_304 = arith.addf %get3A_303, %get3A_303 : vector<16xf32>
      %exp3A_305 = math.exp %add3A_304 : vector<16xf32>
      %add3A_306 = arith.constant 1.000000e+00 : f32
      %add3A_307 = vector.broadcast %add3A_306 : f32 to vector<16xf32>
      %add3A_308 = arith.addf %exp3A_305, %add3A_307 : vector<16xf32>
      %div3A_309 = arith.constant 2.000000e+00 : f32
      %div3A_310 = vector.broadcast %div3A_309 : f32 to vector<16xf32>
      %div3A_311 = arith.divf %div3A_310, %add3A_308 : vector<16xf32>
      %sub3A_312 = arith.constant 1.000000e+00 : f32
      %sub3A_313 = vector.broadcast %sub3A_312 : f32 to vector<16xf32>
      %sub3A_314 = arith.subf %sub3A_313, %div3A_311 : vector<16xf32>
      %swap3A_315 = arith.index_cast %add3A_259 : i32 to index
      %swap3A_316 = arith.constant 32 : index
      %swap3A_317 = tpu.vector_load %arg9[%swap3A_315, %swap3A_316] {strides = array<i32>} : memref<128x64xf32, #tpu.memory_space<vmem>>, vector<1x16xf32>,
      %swap3A_318 = vector.shape_cast %swap3A_317 : vector<1x16xf32> to vector<16xf32>
      %swap3A_319 = vector.shape_cast %sub3A_314 : vector<16xf32> to vector<1x16xf32>
      tpu.vector_store %arg9[%swap3A_315, %swap3A_316], %swap3A_319 {strides = array<i32>} : memref<128x64xf32, #tpu.memory_space<vmem>>, vector<1x16xf32>,
      %get3A_320 = arith.index_cast %add3A_259 : i32 to index
      %get3A_321 = arith.constant 48 : index
      %get3A_322 = tpu.vector_load %arg6[%get3A_320, %get3A_321] {strides = array<i32>} : memref<128x128xf32, #tpu.memory_space<vmem>>, vector<1x16xf32>,
      %get3A_323 = vector.shape_cast %get3A_322 : vector<1x16xf32> to vector<16xf32>
      %add3A_324 = arith.addf %get3A_323, %get3A_323 : vector<16xf32>
      %exp3A_325 = math.exp %add3A_324 : vector<16xf32>
      %add3A_326 = arith.constant 1.000000e+00 : f32
      %add3A_327 = vector.broadcast %add3A_326 : f32 to vector<16xf32>
      %add3A_328 = arith.addf %exp3A_325, %add3A_327 : vector<16xf32>
      %div3A_329 = arith.constant 2.000000e+00 : f32
      %div3A_330 = vector.broadcast %div3A_329 : f32 to vector<16xf32>
      %div3A_331 = arith.divf %div3A_330, %add3A_328 : vector<16xf32>
      %sub3A_332 = arith.constant 1.000000e+00 : f32
      %sub3A_333 = vector.broadcast %sub3A_332 : f32 to vector<16xf32>
      %sub3A_334 = arith.subf %sub3A_333, %div3A_331 : vector<16xf32>
      %swap3A_335 = arith.index_cast %add3A_259 : i32 to index
      %swap3A_336 = arith.constant 48 : index
      %swap3A_337 = tpu.vector_load %arg9[%swap3A_335, %swap3A_336] {strides = array<i32>} : memref<128x64xf32, #tpu.memory_space<vmem>>, vector<1x16xf32>,
      %swap3A_338 = vector.shape_cast %swap3A_337 : vector<1x16xf32> to vector<16xf32>
      %swap3A_339 = vector.shape_cast %sub3A_334 : vector<16xf32> to vector<1x16xf32>
      tpu.vector_store %arg9[%swap3A_335, %swap3A_336], %swap3A_339 {strides = array<i32>} : memref<128x64xf32, #tpu.memory_space<vmem>>, vector<1x16xf32>,
    }
    %scan3A_25 = arith.constant 64 : i32
    %add3A_26 = arith.constant 0 : i32
    %add3A_27 = arith.addi %multiple_of3A, %add3A_26 : i32
    %mul3A_28 = arith.constant 128 : i32
    %mul3A_29 = arith.muli %add3A_27, %mul3A_28 : i32
    %multiple_of3A_30 = tpu.assume_multiple %mul3A_29, 8 : i32
    %dma_start3A_31 = arith.constant 0 : i32
    %dma_start3A_32 = tpu.memref_slice %arg4[%multiple_of3A_30, %dma_start3A_31] : memref<819200x64xf32, #tpu.memory_space<hbm>> -> memref<128x64xf32, #tpu.memory_space<hbm>>
    %dma_start3A_33 = arith.constant 0 : i32
    %dma_start3A_34 = tpu.memref_slice %arg4[%multiple_of3A_30, %dma_start3A_33] : memref<819200x64xf32, #tpu.memory_space<hbm>> -> memref<128x64xf32, #tpu.memory_space<hbm>>
    tpu.enqueue_dma source(%arg9 : memref<128x64xf32, #tpu.memory_space<vmem>>) target(%dma_start3A_34 : memref<128x64xf32, #tpu.memory_space<hbm>>) target_semaphore(%arg15 : memref<!tpu.dma_semaphore, #tpu.memory_space<semaphore_mem>>)
    %dma_start3A_35 = arith.constant 2 : i32
    %dma_start3A_36 = arith.constant 0 : i32
    %dma_start3A_37 = tpu.memref_slice %arg5[%dma_start3A_35, %dma_start3A_36] : memref<200x128xi32, #tpu.memory_space<vmem>> -> memref<1x128xi32, #tpu.memory_space<vmem>>
    %dma_start3A_38 = tpu.memref_squeeze %dma_start3A_37 : memref<1x128xi32, #tpu.memory_space<vmem>> -> memref<128xi32, #tpu.memory_space<vmem>>
    %dma_start3A_39 = arith.constant 0 : i32
    %dma_start3A_40 = arith.constant 0 : i32
    %dma_start3A_41 = tpu.memref_slice %arg3[%dma_start3A_39, %dma_start3A_40] : memref<1000001x128xf32, #tpu.memory_space<hbm>> -> memref<1000001x128xf32, #tpu.memory_space<hbm>>
    tpu.enqueue_indirect_dma source(%dma_start3A_41 : memref<1000001x128xf32, #tpu.memory_space<hbm>>) target(%arg8 : memref<128x128xf32, #tpu.memory_space<vmem>>) offsets(%dma_start3A_38 : memref<128xi32, #tpu.memory_space<vmem>>) semaphore(%arg14 : memref<!tpu.dma_semaphore, #tpu.memory_space<semaphore_mem>>)
    %dma_wait3A_42 = arith.constant 0 : i32
    %dma_wait3A_43 = arith.constant 0 : i32
    %dma_wait3A_44 = tpu.memref_slice %arg3[%dma_wait3A_42, %dma_wait3A_43] : memref<1000001x128xf32, #tpu.memory_space<hbm>> -> memref<128x128xf32, #tpu.memory_space<hbm>>
    %dma_wait3A_45 = arith.constant 0 : i32
    %dma_wait3A_46 = arith.constant 0 : i32
    %dma_wait3A_47 = tpu.memref_slice %arg3[%dma_wait3A_45, %dma_wait3A_46] : memref<1000001x128xf32, #tpu.memory_space<hbm>> -> memref<128x128xf32, #tpu.memory_space<hbm>>
    tpu.wait_dma2 semaphore(%arg13 : memref<!tpu.dma_semaphore, #tpu.memory_space<semaphore_mem>>) src(%dma_wait3A_47 : memref<128x128xf32, #tpu.memory_space<hbm>>) dst(%arg7 : memref<128x128xf32, #tpu.memory_space<vmem>>)
    %scan3A_48 = arith.constant 0 : i32
    %scan3A_49 = arith.constant 0 : i32
    %scan3A_50 = arith.constant 64 : i32
    %scan3A_51 = arith.addi %scan3A_49, %scan3A_50 : i32
    %scan3A_52 = arith.constant 1 : i32
    scf.for %scan3A_176 = %scan3A_49 to %scan3A_51 step %scan3A_52  : i32 {
      %mul3A_177 = arith.constant 2 : i32
      %mul3A_178 = arith.muli %mul3A_177, %scan3A_176 : i32
      %add3A_179 = arith.constant 0 : i32
      %add3A_180 = arith.addi %mul3A_178, %add3A_179 : i32
      %get3A = arith.index_cast %add3A_180 : i32 to index
      %get3A_181 = arith.constant 0 : index
      %get3A_182 = tpu.vector_load %arg7[%get3A, %get3A_181] {strides = array<i32>} : memref<128x128xf32, #tpu.memory_space<vmem>>, vector<1x16xf32>,
      %get3A_183 = vector.shape_cast %get3A_182 : vector<1x16xf32> to vector<16xf32>
      %add3A_184 = arith.addf %get3A_183, %get3A_183 : vector<16xf32>
      %exp3A = math.exp %add3A_184 : vector<16xf32>
      %add3A_185 = arith.constant 1.000000e+00 : f32
      %add3A_186 = vector.broadcast %add3A_185 : f32 to vector<16xf32>
      %add3A_187 = arith.addf %exp3A, %add3A_186 : vector<16xf32>
      %div3A = arith.constant 2.000000e+00 : f32
      %div3A_188 = vector.broadcast %div3A : f32 to vector<16xf32>
      %div3A_189 = arith.divf %div3A_188, %add3A_187 : vector<16xf32>
      %sub3A = arith.constant 1.000000e+00 : f32
      %sub3A_190 = vector.broadcast %sub3A : f32 to vector<16xf32>
      %sub3A_191 = arith.subf %sub3A_190, %div3A_189 : vector<16xf32>
      %swap3A = arith.index_cast %add3A_180 : i32 to index
      %swap3A_192 = arith.constant 0 : index
      %swap3A_193 = tpu.vector_load %arg10[%swap3A, %swap3A_192] {strides = array<i32>} : memref<128x64xf32, #tpu.memory_space<vmem>>, vector<1x16xf32>,
      %swap3A_194 = vector.shape_cast %swap3A_193 : vector<1x16xf32> to vector<16xf32>
      %swap3A_195 = vector.shape_cast %sub3A_191 : vector<16xf32> to vector<1x16xf32>
      tpu.vector_store %arg10[%swap3A, %swap3A_192], %swap3A_195 {strides = array<i32>} : memref<128x64xf32, #tpu.memory_space<vmem>>, vector<1x16xf32>,
      %get3A_196 = arith.index_cast %add3A_180 : i32 to index
      %get3A_197 = arith.constant 16 : index
      %get3A_198 = tpu.vector_load %arg7[%get3A_196, %get3A_197] {strides = array<i32>} : memref<128x128xf32, #tpu.memory_space<vmem>>, vector<1x16xf32>,
      %get3A_199 = vector.shape_cast %get3A_198 : vector<1x16xf32> to vector<16xf32>
      %add3A_200 = arith.addf %get3A_199, %get3A_199 : vector<16xf32>
      %exp3A_201 = math.exp %add3A_200 : vector<16xf32>
      %add3A_202 = arith.constant 1.000000e+00 : f32
      %add3A_203 = vector.broadcast %add3A_202 : f32 to vector<16xf32>
      %add3A_204 = arith.addf %exp3A_201, %add3A_203 : vector<16xf32>
      %div3A_205 = arith.constant 2.000000e+00 : f32
      %div3A_206 = vector.broadcast %div3A_205 : f32 to vector<16xf32>
      %div3A_207 = arith.divf %div3A_206, %add3A_204 : vector<16xf32>
      %sub3A_208 = arith.constant 1.000000e+00 : f32
      %sub3A_209 = vector.broadcast %sub3A_208 : f32 to vector<16xf32>
      %sub3A_210 = arith.subf %sub3A_209, %div3A_207 : vector<16xf32>
      %swap3A_211 = arith.index_cast %add3A_180 : i32 to index
      %swap3A_212 = arith.constant 16 : index
      %swap3A_213 = tpu.vector_load %arg10[%swap3A_211, %swap3A_212] {strides = array<i32>} : memref<128x64xf32, #tpu.memory_space<vmem>>, vector<1x16xf32>,
      %swap3A_214 = vector.shape_cast %swap3A_213 : vector<1x16xf32> to vector<16xf32>
      %swap3A_215 = vector.shape_cast %sub3A_210 : vector<16xf32> to vector<1x16xf32>
      tpu.vector_store %arg10[%swap3A_211, %swap3A_212], %swap3A_215 {strides = array<i32>} : memref<128x64xf32, #tpu.memory_space<vmem>>, vector<1x16xf32>,
      %get3A_216 = arith.index_cast %add3A_180 : i32 to index
      %get3A_217 = arith.constant 32 : index
      %get3A_218 = tpu.vector_load %arg7[%get3A_216, %get3A_217] {strides = array<i32>} : memref<128x128xf32, #tpu.memory_space<vmem>>, vector<1x16xf32>,
      %get3A_219 = vector.shape_cast %get3A_218 : vector<1x16xf32> to vector<16xf32>
      %add3A_220 = arith.addf %get3A_219, %get3A_219 : vector<16xf32>
      %exp3A_221 = math.exp %add3A_220 : vector<16xf32>
      %add3A_222 = arith.constant 1.000000e+00 : f32
      %add3A_223 = vector.broadcast %add3A_222 : f32 to vector<16xf32>
      %add3A_224 = arith.addf %exp3A_221, %add3A_223 : vector<16xf32>
      %div3A_225 = arith.constant 2.000000e+00 : f32
      %div3A_226 = vector.broadcast %div3A_225 : f32 to vector<16xf32>
      %div3A_227 = arith.divf %div3A_226, %add3A_224 : vector<16xf32>
      %sub3A_228 = arith.constant 1.000000e+00 : f32
      %sub3A_229 = vector.broadcast %sub3A_228 : f32 to vector<16xf32>
      %sub3A_230 = arith.subf %sub3A_229, %div3A_227 : vector<16xf32>
      %swap3A_231 = arith.index_cast %add3A_180 : i32 to index
      %swap3A_232 = arith.constant 32 : index
      %swap3A_233 = tpu.vector_load %arg10[%swap3A_231, %swap3A_232] {strides = array<i32>} : memref<128x64xf32, #tpu.memory_space<vmem>>, vector<1x16xf32>,
      %swap3A_234 = vector.shape_cast %swap3A_233 : vector<1x16xf32> to vector<16xf32>
      %swap3A_235 = vector.shape_cast %sub3A_230 : vector<16xf32> to vector<1x16xf32>
      tpu.vector_store %arg10[%swap3A_231, %swap3A_232], %swap3A_235 {strides = array<i32>} : memref<128x64xf32, #tpu.memory_space<vmem>>, vector<1x16xf32>,
      %get3A_236 = arith.index_cast %add3A_180 : i32 to index
      %get3A_237 = arith.constant 48 : index
      %get3A_238 = tpu.vector_load %arg7[%get3A_236, %get3A_237] {strides = array<i32>} : memref<128x128xf32, #tpu.memory_space<vmem>>, vector<1x16xf32>,
      %get3A_239 = vector.shape_cast %get3A_238 : vector<1x16xf32> to vector<16xf32>
      %add3A_240 = arith.addf %get3A_239, %get3A_239 : vector<16xf32>
      %exp3A_241 = math.exp %add3A_240 : vector<16xf32>
      %add3A_242 = arith.constant 1.000000e+00 : f32
      %add3A_243 = vector.broadcast %add3A_242 : f32 to vector<16xf32>
      %add3A_244 = arith.addf %exp3A_241, %add3A_243 : vector<16xf32>
      %div3A_245 = arith.constant 2.000000e+00 : f32
      %div3A_246 = vector.broadcast %div3A_245 : f32 to vector<16xf32>
      %div3A_247 = arith.divf %div3A_246, %add3A_244 : vector<16xf32>
      %sub3A_248 = arith.constant 1.000000e+00 : f32
      %sub3A_249 = vector.broadcast %sub3A_248 : f32 to vector<16xf32>
      %sub3A_250 = arith.subf %sub3A_249, %div3A_247 : vector<16xf32>
      %swap3A_251 = arith.index_cast %add3A_180 : i32 to index
      %swap3A_252 = arith.constant 48 : index
      %swap3A_253 = tpu.vector_load %arg10[%swap3A_251, %swap3A_252] {strides = array<i32>} : memref<128x64xf32, #tpu.memory_space<vmem>>, vector<1x16xf32>,
      %swap3A_254 = vector.shape_cast %swap3A_253 : vector<1x16xf32> to vector<16xf32>
      %swap3A_255 = vector.shape_cast %sub3A_250 : vector<16xf32> to vector<1x16xf32>
      tpu.vector_store %arg10[%swap3A_251, %swap3A_252], %swap3A_255 {strides = array<i32>} : memref<128x64xf32, #tpu.memory_space<vmem>>, vector<1x16xf32>,
      %mul3A_256 = arith.constant 2 : i32
      %mul3A_257 = arith.muli %mul3A_256, %scan3A_176 : i32
      %add3A_258 = arith.constant 1 : i32
      %add3A_259 = arith.addi %mul3A_257, %add3A_258 : i32
      %get3A_260 = arith.index_cast %add3A_259 : i32 to index
      %get3A_261 = arith.constant 0 : index
      %get3A_262 = tpu.vector_load %arg7[%get3A_260, %get3A_261] {strides = array<i32>} : memref<128x128xf32, #tpu.memory_space<vmem>>, vector<1x16xf32>,
      %get3A_263 = vector.shape_cast %get3A_262 : vector<1x16xf32> to vector<16xf32>
      %add3A_264 = arith.addf %get3A_263, %get3A_263 : vector<16xf32>
      %exp3A_265 = math.exp %add3A_264 : vector<16xf32>
      %add3A_266 = arith.constant 1.000000e+00 : f32
      %add3A_267 = vector.broadcast %add3A_266 : f32 to vector<16xf32>
      %add3A_268 = arith.addf %exp3A_265, %add3A_267 : vector<16xf32>
      %div3A_269 = arith.constant 2.000000e+00 : f32
      %div3A_270 = vector.broadcast %div3A_269 : f32 to vector<16xf32>
      %div3A_271 = arith.divf %div3A_270, %add3A_268 : vector<16xf32>
      %sub3A_272 = arith.constant 1.000000e+00 : f32
      %sub3A_273 = vector.broadcast %sub3A_272 : f32 to vector<16xf32>
      %sub3A_274 = arith.subf %sub3A_273, %div3A_271 : vector<16xf32>
      %swap3A_275 = arith.index_cast %add3A_259 : i32 to index
      %swap3A_276 = arith.constant 0 : index
      %swap3A_277 = tpu.vector_load %arg10[%swap3A_275, %swap3A_276] {strides = array<i32>} : memref<128x64xf32, #tpu.memory_space<vmem>>, vector<1x16xf32>,
      %swap3A_278 = vector.shape_cast %swap3A_277 : vector<1x16xf32> to vector<16xf32>
      %swap3A_279 = vector.shape_cast %sub3A_274 : vector<16xf32> to vector<1x16xf32>
      tpu.vector_store %arg10[%swap3A_275, %swap3A_276], %swap3A_279 {strides = array<i32>} : memref<128x64xf32, #tpu.memory_space<vmem>>, vector<1x16xf32>,
      %get3A_280 = arith.index_cast %add3A_259 : i32 to index
      %get3A_281 = arith.constant 16 : index
      %get3A_282 = tpu.vector_load %arg7[%get3A_280, %get3A_281] {strides = array<i32>} : memref<128x128xf32, #tpu.memory_space<vmem>>, vector<1x16xf32>,
      %get3A_283 = vector.shape_cast %get3A_282 : vector<1x16xf32> to vector<16xf32>
      %add3A_284 = arith.addf %get3A_283, %get3A_283 : vector<16xf32>
      %exp3A_285 = math.exp %add3A_284 : vector<16xf32>
      %add3A_286 = arith.constant 1.000000e+00 : f32
      %add3A_287 = vector.broadcast %add3A_286 : f32 to vector<16xf32>
      %add3A_288 = arith.addf %exp3A_285, %add3A_287 : vector<16xf32>
      %div3A_289 = arith.constant 2.000000e+00 : f32
      %div3A_290 = vector.broadcast %div3A_289 : f32 to vector<16xf32>
      %div3A_291 = arith.divf %div3A_290, %add3A_288 : vector<16xf32>
      %sub3A_292 = arith.constant 1.000000e+00 : f32
      %sub3A_293 = vector.broadcast %sub3A_292 : f32 to vector<16xf32>
      %sub3A_294 = arith.subf %sub3A_293, %div3A_291 : vector<16xf32>
      %swap3A_295 = arith.index_cast %add3A_259 : i32 to index
      %swap3A_296 = arith.constant 16 : index
      %swap3A_297 = tpu.vector_load %arg10[%swap3A_295, %swap3A_296] {strides = array<i32>} : memref<128x64xf32, #tpu.memory_space<vmem>>, vector<1x16xf32>,
      %swap3A_298 = vector.shape_cast %swap3A_297 : vector<1x16xf32> to vector<16xf32>
      %swap3A_299 = vector.shape_cast %sub3A_294 : vector<16xf32> to vector<1x16xf32>
      tpu.vector_store %arg10[%swap3A_295, %swap3A_296], %swap3A_299 {strides = array<i32>} : memref<128x64xf32, #tpu.memory_space<vmem>>, vector<1x16xf32>,
      %get3A_300 = arith.index_cast %add3A_259 : i32 to index
      %get3A_301 = arith.constant 32 : index
      %get3A_302 = tpu.vector_load %arg7[%get3A_300, %get3A_301] {strides = array<i32>} : memref<128x128xf32, #tpu.memory_space<vmem>>, vector<1x16xf32>,
      %get3A_303 = vector.shape_cast %get3A_302 : vector<1x16xf32> to vector<16xf32>
      %add3A_304 = arith.addf %get3A_303, %get3A_303 : vector<16xf32>
      %exp3A_305 = math.exp %add3A_304 : vector<16xf32>
      %add3A_306 = arith.constant 1.000000e+00 : f32
      %add3A_307 = vector.broadcast %add3A_306 : f32 to vector<16xf32>
      %add3A_308 = arith.addf %exp3A_305, %add3A_307 : vector<16xf32>
      %div3A_309 = arith.constant 2.000000e+00 : f32
      %div3A_310 = vector.broadcast %div3A_309 : f32 to vector<16xf32>
      %div3A_311 = arith.divf %div3A_310, %add3A_308 : vector<16xf32>
      %sub3A_312 = arith.constant 1.000000e+00 : f32
      %sub3A_313 = vector.broadcast %sub3A_312 : f32 to vector<16xf32>
      %sub3A_314 = arith.subf %sub3A_313, %div3A_311 : vector<16xf32>
      %swap3A_315 = arith.index_cast %add3A_259 : i32 to index
      %swap3A_316 = arith.constant 32 : index
      %swap3A_317 = tpu.vector_load %arg10[%swap3A_315, %swap3A_316] {strides = array<i32>} : memref<128x64xf32, #tpu.memory_space<vmem>>, vector<1x16xf32>,
      %swap3A_318 = vector.shape_cast %swap3A_317 : vector<1x16xf32> to vector<16xf32>
      %swap3A_319 = vector.shape_cast %sub3A_314 : vector<16xf32> to vector<1x16xf32>
      tpu.vector_store %arg10[%swap3A_315, %swap3A_316], %swap3A_319 {strides = array<i32>} : memref<128x64xf32, #tpu.memory_space<vmem>>, vector<1x16xf32>,
      %get3A_320 = arith.index_cast %add3A_259 : i32 to index
      %get3A_321 = arith.constant 48 : index
      %get3A_322 = tpu.vector_load %arg7[%get3A_320, %get3A_321] {strides = array<i32>} : memref<128x128xf32, #tpu.memory_space<vmem>>, vector<1x16xf32>,
      %get3A_323 = vector.shape_cast %get3A_322 : vector<1x16xf32> to vector<16xf32>
      %add3A_324 = arith.addf %get3A_323, %get3A_323 : vector<16xf32>
      %exp3A_325 = math.exp %add3A_324 : vector<16xf32>
      %add3A_326 = arith.constant 1.000000e+00 : f32
      %add3A_327 = vector.broadcast %add3A_326 : f32 to vector<16xf32>
      %add3A_328 = arith.addf %exp3A_325, %add3A_327 : vector<16xf32>
      %div3A_329 = arith.constant 2.000000e+00 : f32
      %div3A_330 = vector.broadcast %div3A_329 : f32 to vector<16xf32>
      %div3A_331 = arith.divf %div3A_330, %add3A_328 : vector<16xf32>
      %sub3A_332 = arith.constant 1.000000e+00 : f32
      %sub3A_333 = vector.broadcast %sub3A_332 : f32 to vector<16xf32>
      %sub3A_334 = arith.subf %sub3A_333, %div3A_331 : vector<16xf32>
      %swap3A_335 = arith.index_cast %add3A_259 : i32 to index
      %swap3A_336 = arith.constant 48 : index
      %swap3A_337 = tpu.vector_load %arg10[%swap3A_335, %swap3A_336] {strides = array<i32>} : memref<128x64xf32, #tpu.memory_space<vmem>>, vector<1x16xf32>,
      %swap3A_338 = vector.shape_cast %swap3A_337 : vector<1x16xf32> to vector<16xf32>
      %swap3A_339 = vector.shape_cast %sub3A_334 : vector<16xf32> to vector<1x16xf32>
      tpu.vector_store %arg10[%swap3A_335, %swap3A_336], %swap3A_339 {strides = array<i32>} : memref<128x64xf32, #tpu.memory_space<vmem>>, vector<1x16xf32>,
    }
    %scan3A_53 = arith.constant 64 : i32
    %add3A_54 = arith.constant 1 : i32
    %add3A_55 = arith.addi %multiple_of3A, %add3A_54 : i32
    %mul3A_56 = arith.constant 128 : i32
    %mul3A_57 = arith.muli %add3A_55, %mul3A_56 : i32
    %multiple_of3A_58 = tpu.assume_multiple %mul3A_57, 8 : i32
    %dma_start3A_59 = arith.constant 0 : i32
    %dma_start3A_60 = tpu.memref_slice %arg4[%multiple_of3A_58, %dma_start3A_59] : memref<819200x64xf32, #tpu.memory_space<hbm>> -> memref<128x64xf32, #tpu.memory_space<hbm>>
    %dma_start3A_61 = arith.constant 0 : i32
    %dma_start3A_62 = tpu.memref_slice %arg4[%multiple_of3A_58, %dma_start3A_61] : memref<819200x64xf32, #tpu.memory_space<hbm>> -> memref<128x64xf32, #tpu.memory_space<hbm>>
    tpu.enqueue_dma source(%arg10 : memref<128x64xf32, #tpu.memory_space<vmem>>) target(%dma_start3A_62 : memref<128x64xf32, #tpu.memory_space<hbm>>) target_semaphore(%arg16 : memref<!tpu.dma_semaphore, #tpu.memory_space<semaphore_mem>>)
    %dma_wait3A_63 = arith.constant 0 : i32
    %dma_wait3A_64 = arith.constant 0 : i32
    %dma_wait3A_65 = tpu.memref_slice %arg4[%dma_wait3A_63, %dma_wait3A_64] : memref<819200x64xf32, #tpu.memory_space<hbm>> -> memref<128x64xf32, #tpu.memory_space<hbm>>
    %dma_wait3A_66 = arith.constant 0 : i32
    %dma_wait3A_67 = arith.constant 0 : i32
    %dma_wait3A_68 = tpu.memref_slice %arg4[%dma_wait3A_66, %dma_wait3A_67] : memref<819200x64xf32, #tpu.memory_space<hbm>> -> memref<128x64xf32, #tpu.memory_space<hbm>>
    tpu.wait_dma2 semaphore(%arg15 : memref<!tpu.dma_semaphore, #tpu.memory_space<semaphore_mem>>) src(%arg9 : memref<128x64xf32, #tpu.memory_space<vmem>>) dst(%dma_wait3A_68 : memref<128x64xf32, #tpu.memory_space<hbm>>)
    %dma_start3A_69 = arith.constant 3 : i32
    %dma_start3A_70 = arith.constant 0 : i32
    %dma_start3A_71 = tpu.memref_slice %arg5[%dma_start3A_69, %dma_start3A_70] : memref<200x128xi32, #tpu.memory_space<vmem>> -> memref<1x128xi32, #tpu.memory_space<vmem>>
    %dma_start3A_72 = tpu.memref_squeeze %dma_start3A_71 : memref<1x128xi32, #tpu.memory_space<vmem>> -> memref<128xi32, #tpu.memory_space<vmem>>
    %dma_start3A_73 = arith.constant 0 : i32
    %dma_start3A_74 = arith.constant 0 : i32
    %dma_start3A_75 = tpu.memref_slice %arg3[%dma_start3A_73, %dma_start3A_74] : memref<1000001x128xf32, #tpu.memory_space<hbm>> -> memref<1000001x128xf32, #tpu.memory_space<hbm>>
    tpu.enqueue_indirect_dma source(%dma_start3A_75 : memref<1000001x128xf32, #tpu.memory_space<hbm>>) target(%arg6 : memref<128x128xf32, #tpu.memory_space<vmem>>) offsets(%dma_start3A_72 : memref<128xi32, #tpu.memory_space<vmem>>) semaphore(%arg12 : memref<!tpu.dma_semaphore, #tpu.memory_space<semaphore_mem>>)
    %dma_wait3A_76 = arith.constant 0 : i32
    %dma_wait3A_77 = arith.constant 0 : i32
    %dma_wait3A_78 = tpu.memref_slice %arg3[%dma_wait3A_76, %dma_wait3A_77] : memref<1000001x128xf32, #tpu.memory_space<hbm>> -> memref<128x128xf32, #tpu.memory_space<hbm>>
    %dma_wait3A_79 = arith.constant 0 : i32
    %dma_wait3A_80 = arith.constant 0 : i32
    %dma_wait3A_81 = tpu.memref_slice %arg3[%dma_wait3A_79, %dma_wait3A_80] : memref<1000001x128xf32, #tpu.memory_space<hbm>> -> memref<128x128xf32, #tpu.memory_space<hbm>>
    tpu.wait_dma2 semaphore(%arg14 : memref<!tpu.dma_semaphore, #tpu.memory_space<semaphore_mem>>) src(%dma_wait3A_81 : memref<128x128xf32, #tpu.memory_space<hbm>>) dst(%arg8 : memref<128x128xf32, #tpu.memory_space<vmem>>)
    %scan3A_82 = arith.constant 0 : i32
    %scan3A_83 = arith.constant 0 : i32
    %scan3A_84 = arith.constant 64 : i32
    %scan3A_85 = arith.addi %scan3A_83, %scan3A_84 : i32
    %scan3A_86 = arith.constant 1 : i32
    scf.for %scan3A_176 = %scan3A_83 to %scan3A_85 step %scan3A_86  : i32 {
      %mul3A_177 = arith.constant 2 : i32
      %mul3A_178 = arith.muli %mul3A_177, %scan3A_176 : i32
      %add3A_179 = arith.constant 0 : i32
      %add3A_180 = arith.addi %mul3A_178, %add3A_179 : i32
      %get3A = arith.index_cast %add3A_180 : i32 to index
      %get3A_181 = arith.constant 0 : index
      %get3A_182 = tpu.vector_load %arg8[%get3A, %get3A_181] {strides = array<i32>} : memref<128x128xf32, #tpu.memory_space<vmem>>, vector<1x16xf32>,
      %get3A_183 = vector.shape_cast %get3A_182 : vector<1x16xf32> to vector<16xf32>
      %add3A_184 = arith.addf %get3A_183, %get3A_183 : vector<16xf32>
      %exp3A = math.exp %add3A_184 : vector<16xf32>
      %add3A_185 = arith.constant 1.000000e+00 : f32
      %add3A_186 = vector.broadcast %add3A_185 : f32 to vector<16xf32>
      %add3A_187 = arith.addf %exp3A, %add3A_186 : vector<16xf32>
      %div3A = arith.constant 2.000000e+00 : f32
      %div3A_188 = vector.broadcast %div3A : f32 to vector<16xf32>
      %div3A_189 = arith.divf %div3A_188, %add3A_187 : vector<16xf32>
      %sub3A = arith.constant 1.000000e+00 : f32
      %sub3A_190 = vector.broadcast %sub3A : f32 to vector<16xf32>
      %sub3A_191 = arith.subf %sub3A_190, %div3A_189 : vector<16xf32>
      %swap3A = arith.index_cast %add3A_180 : i32 to index
      %swap3A_192 = arith.constant 0 : index
      %swap3A_193 = tpu.vector_load %arg11[%swap3A, %swap3A_192] {strides = array<i32>} : memref<128x64xf32, #tpu.memory_space<vmem>>, vector<1x16xf32>,
      %swap3A_194 = vector.shape_cast %swap3A_193 : vector<1x16xf32> to vector<16xf32>
      %swap3A_195 = vector.shape_cast %sub3A_191 : vector<16xf32> to vector<1x16xf32>
      tpu.vector_store %arg11[%swap3A, %swap3A_192], %swap3A_195 {strides = array<i32>} : memref<128x64xf32, #tpu.memory_space<vmem>>, vector<1x16xf32>,
      %get3A_196 = arith.index_cast %add3A_180 : i32 to index
      %get3A_197 = arith.constant 16 : index
      %get3A_198 = tpu.vector_load %arg8[%get3A_196, %get3A_197] {strides = array<i32>} : memref<128x128xf32, #tpu.memory_space<vmem>>, vector<1x16xf32>,
      %get3A_199 = vector.shape_cast %get3A_198 : vector<1x16xf32> to vector<16xf32>
      %add3A_200 = arith.addf %get3A_199, %get3A_199 : vector<16xf32>
      %exp3A_201 = math.exp %add3A_200 : vector<16xf32>
      %add3A_202 = arith.constant 1.000000e+00 : f32
      %add3A_203 = vector.broadcast %add3A_202 : f32 to vector<16xf32>
      %add3A_204 = arith.addf %exp3A_201, %add3A_203 : vector<16xf32>
      %div3A_205 = arith.constant 2.000000e+00 : f32
      %div3A_206 = vector.broadcast %div3A_205 : f32 to vector<16xf32>
      %div3A_207 = arith.divf %div3A_206, %add3A_204 : vector<16xf32>
      %sub3A_208 = arith.constant 1.000000e+00 : f32
      %sub3A_209 = vector.broadcast %sub3A_208 : f32 to vector<16xf32>
      %sub3A_210 = arith.subf %sub3A_209, %div3A_207 : vector<16xf32>
      %swap3A_211 = arith.index_cast %add3A_180 : i32 to index
      %swap3A_212 = arith.constant 16 : index
      %swap3A_213 = tpu.vector_load %arg11[%swap3A_211, %swap3A_212] {strides = array<i32>} : memref<128x64xf32, #tpu.memory_space<vmem>>, vector<1x16xf32>,
      %swap3A_214 = vector.shape_cast %swap3A_213 : vector<1x16xf32> to vector<16xf32>
      %swap3A_215 = vector.shape_cast %sub3A_210 : vector<16xf32> to vector<1x16xf32>
      tpu.vector_store %arg11[%swap3A_211, %swap3A_212], %swap3A_215 {strides = array<i32>} : memref<128x64xf32, #tpu.memory_space<vmem>>, vector<1x16xf32>,
      %get3A_216 = arith.index_cast %add3A_180 : i32 to index
      %get3A_217 = arith.constant 32 : index
      %get3A_218 = tpu.vector_load %arg8[%get3A_216, %get3A_217] {strides = array<i32>} : memref<128x128xf32, #tpu.memory_space<vmem>>, vector<1x16xf32>,
      %get3A_219 = vector.shape_cast %get3A_218 : vector<1x16xf32> to vector<16xf32>
      %add3A_220 = arith.addf %get3A_219, %get3A_219 : vector<16xf32>
      %exp3A_221 = math.exp %add3A_220 : vector<16xf32>
      %add3A_222 = arith.constant 1.000000e+00 : f32
      %add3A_223 = vector.broadcast %add3A_222 : f32 to vector<16xf32>
      %add3A_224 = arith.addf %exp3A_221, %add3A_223 : vector<16xf32>
      %div3A_225 = arith.constant 2.000000e+00 : f32
      %div3A_226 = vector.broadcast %div3A_225 : f32 to vector<16xf32>
      %div3A_227 = arith.divf %div3A_226, %add3A_224 : vector<16xf32>
      %sub3A_228 = arith.constant 1.000000e+00 : f32
      %sub3A_229 = vector.broadcast %sub3A_228 : f32 to vector<16xf32>
      %sub3A_230 = arith.subf %sub3A_229, %div3A_227 : vector<16xf32>
      %swap3A_231 = arith.index_cast %add3A_180 : i32 to index
      %swap3A_232 = arith.constant 32 : index
      %swap3A_233 = tpu.vector_load %arg11[%swap3A_231, %swap3A_232] {strides = array<i32>} : memref<128x64xf32, #tpu.memory_space<vmem>>, vector<1x16xf32>,
      %swap3A_234 = vector.shape_cast %swap3A_233 : vector<1x16xf32> to vector<16xf32>
      %swap3A_235 = vector.shape_cast %sub3A_230 : vector<16xf32> to vector<1x16xf32>
      tpu.vector_store %arg11[%swap3A_231, %swap3A_232], %swap3A_235 {strides = array<i32>} : memref<128x64xf32, #tpu.memory_space<vmem>>, vector<1x16xf32>,
      %get3A_236 = arith.index_cast %add3A_180 : i32 to index
      %get3A_237 = arith.constant 48 : index
      %get3A_238 = tpu.vector_load %arg8[%get3A_236, %get3A_237] {strides = array<i32>} : memref<128x128xf32, #tpu.memory_space<vmem>>, vector<1x16xf32>,
      %get3A_239 = vector.shape_cast %get3A_238 : vector<1x16xf32> to vector<16xf32>
      %add3A_240 = arith.addf %get3A_239, %get3A_239 : vector<16xf32>
      %exp3A_241 = math.exp %add3A_240 : vector<16xf32>
      %add3A_242 = arith.constant 1.000000e+00 : f32
      %add3A_243 = vector.broadcast %add3A_242 : f32 to vector<16xf32>
      %add3A_244 = arith.addf %exp3A_241, %add3A_243 : vector<16xf32>
      %div3A_245 = arith.constant 2.000000e+00 : f32
      %div3A_246 = vector.broadcast %div3A_245 : f32 to vector<16xf32>
      %div3A_247 = arith.divf %div3A_246, %add3A_244 : vector<16xf32>
      %sub3A_248 = arith.constant 1.000000e+00 : f32
      %sub3A_249 = vector.broadcast %sub3A_248 : f32 to vector<16xf32>
      %sub3A_250 = arith.subf %sub3A_249, %div3A_247 : vector<16xf32>
      %swap3A_251 = arith.index_cast %add3A_180 : i32 to index
      %swap3A_252 = arith.constant 48 : index
      %swap3A_253 = tpu.vector_load %arg11[%swap3A_251, %swap3A_252] {strides = array<i32>} : memref<128x64xf32, #tpu.memory_space<vmem>>, vector<1x16xf32>,
      %swap3A_254 = vector.shape_cast %swap3A_253 : vector<1x16xf32> to vector<16xf32>
      %swap3A_255 = vector.shape_cast %sub3A_250 : vector<16xf32> to vector<1x16xf32>
      tpu.vector_store %arg11[%swap3A_251, %swap3A_252], %swap3A_255 {strides = array<i32>} : memref<128x64xf32, #tpu.memory_space<vmem>>, vector<1x16xf32>,
      %mul3A_256 = arith.constant 2 : i32
      %mul3A_257 = arith.muli %mul3A_256, %scan3A_176 : i32
      %add3A_258 = arith.constant 1 : i32
      %add3A_259 = arith.addi %mul3A_257, %add3A_258 : i32
      %get3A_260 = arith.index_cast %add3A_259 : i32 to index
      %get3A_261 = arith.constant 0 : index
      %get3A_262 = tpu.vector_load %arg8[%get3A_260, %get3A_261] {strides = array<i32>} : memref<128x128xf32, #tpu.memory_space<vmem>>, vector<1x16xf32>,
      %get3A_263 = vector.shape_cast %get3A_262 : vector<1x16xf32> to vector<16xf32>
      %add3A_264 = arith.addf %get3A_263, %get3A_263 : vector<16xf32>
      %exp3A_265 = math.exp %add3A_264 : vector<16xf32>
      %add3A_266 = arith.constant 1.000000e+00 : f32
      %add3A_267 = vector.broadcast %add3A_266 : f32 to vector<16xf32>
      %add3A_268 = arith.addf %exp3A_265, %add3A_267 : vector<16xf32>
      %div3A_269 = arith.constant 2.000000e+00 : f32
      %div3A_270 = vector.broadcast %div3A_269 : f32 to vector<16xf32>
      %div3A_271 = arith.divf %div3A_270, %add3A_268 : vector<16xf32>
      %sub3A_272 = arith.constant 1.000000e+00 : f32
      %sub3A_273 = vector.broadcast %sub3A_272 : f32 to vector<16xf32>
      %sub3A_274 = arith.subf %sub3A_273, %div3A_271 : vector<16xf32>
      %swap3A_275 = arith.index_cast %add3A_259 : i32 to index
      %swap3A_276 = arith.constant 0 : index
      %swap3A_277 = tpu.vector_load %arg11[%swap3A_275, %swap3A_276] {strides = array<i32>} : memref<128x64xf32, #tpu.memory_space<vmem>>, vector<1x16xf32>,
      %swap3A_278 = vector.shape_cast %swap3A_277 : vector<1x16xf32> to vector<16xf32>
      %swap3A_279 = vector.shape_cast %sub3A_274 : vector<16xf32> to vector<1x16xf32>
      tpu.vector_store %arg11[%swap3A_275, %swap3A_276], %swap3A_279 {strides = array<i32>} : memref<128x64xf32, #tpu.memory_space<vmem>>, vector<1x16xf32>,
      %get3A_280 = arith.index_cast %add3A_259 : i32 to index
      %get3A_281 = arith.constant 16 : index
      %get3A_282 = tpu.vector_load %arg8[%get3A_280, %get3A_281] {strides = array<i32>} : memref<128x128xf32, #tpu.memory_space<vmem>>, vector<1x16xf32>,
      %get3A_283 = vector.shape_cast %get3A_282 : vector<1x16xf32> to vector<16xf32>
      %add3A_284 = arith.addf %get3A_283, %get3A_283 : vector<16xf32>
      %exp3A_285 = math.exp %add3A_284 : vector<16xf32>
      %add3A_286 = arith.constant 1.000000e+00 : f32
      %add3A_287 = vector.broadcast %add3A_286 : f32 to vector<16xf32>
      %add3A_288 = arith.addf %exp3A_285, %add3A_287 : vector<16xf32>
      %div3A_289 = arith.constant 2.000000e+00 : f32
      %div3A_290 = vector.broadcast %div3A_289 : f32 to vector<16xf32>
      %div3A_291 = arith.divf %div3A_290, %add3A_288 : vector<16xf32>
      %sub3A_292 = arith.constant 1.000000e+00 : f32
      %sub3A_293 = vector.broadcast %sub3A_292 : f32 to vector<16xf32>
      %sub3A_294 = arith.subf %sub3A_293, %div3A_291 : vector<16xf32>
      %swap3A_295 = arith.index_cast %add3A_259 : i32 to index
      %swap3A_296 = arith.constant 16 : index
      %swap3A_297 = tpu.vector_load %arg11[%swap3A_295, %swap3A_296] {strides = array<i32>} : memref<128x64xf32, #tpu.memory_space<vmem>>, vector<1x16xf32>,
      %swap3A_298 = vector.shape_cast %swap3A_297 : vector<1x16xf32> to vector<16xf32>
      %swap3A_299 = vector.shape_cast %sub3A_294 : vector<16xf32> to vector<1x16xf32>
      tpu.vector_store %arg11[%swap3A_295, %swap3A_296], %swap3A_299 {strides = array<i32>} : memref<128x64xf32, #tpu.memory_space<vmem>>, vector<1x16xf32>,
      %get3A_300 = arith.index_cast %add3A_259 : i32 to index
      %get3A_301 = arith.constant 32 : index
      %get3A_302 = tpu.vector_load %arg8[%get3A_300, %get3A_301] {strides = array<i32>} : memref<128x128xf32, #tpu.memory_space<vmem>>, vector<1x16xf32>,
      %get3A_303 = vector.shape_cast %get3A_302 : vector<1x16xf32> to vector<16xf32>
      %add3A_304 = arith.addf %get3A_303, %get3A_303 : vector<16xf32>
      %exp3A_305 = math.exp %add3A_304 : vector<16xf32>
      %add3A_306 = arith.constant 1.000000e+00 : f32
      %add3A_307 = vector.broadcast %add3A_306 : f32 to vector<16xf32>
      %add3A_308 = arith.addf %exp3A_305, %add3A_307 : vector<16xf32>
      %div3A_309 = arith.constant 2.000000e+00 : f32
      %div3A_310 = vector.broadcast %div3A_309 : f32 to vector<16xf32>
      %div3A_311 = arith.divf %div3A_310, %add3A_308 : vector<16xf32>
      %sub3A_312 = arith.constant 1.000000e+00 : f32
      %sub3A_313 = vector.broadcast %sub3A_312 : f32 to vector<16xf32>
      %sub3A_314 = arith.subf %sub3A_313, %div3A_311 : vector<16xf32>
      %swap3A_315 = arith.index_cast %add3A_259 : i32 to index
      %swap3A_316 = arith.constant 32 : index
      %swap3A_317 = tpu.vector_load %arg11[%swap3A_315, %swap3A_316] {strides = array<i32>} : memref<128x64xf32, #tpu.memory_space<vmem>>, vector<1x16xf32>,
      %swap3A_318 = vector.shape_cast %swap3A_317 : vector<1x16xf32> to vector<16xf32>
      %swap3A_319 = vector.shape_cast %sub3A_314 : vector<16xf32> to vector<1x16xf32>
      tpu.vector_store %arg11[%swap3A_315, %swap3A_316], %swap3A_319 {strides = array<i32>} : memref<128x64xf32, #tpu.memory_space<vmem>>, vector<1x16xf32>,
      %get3A_320 = arith.index_cast %add3A_259 : i32 to index
      %get3A_321 = arith.constant 48 : index
      %get3A_322 = tpu.vector_load %arg8[%get3A_320, %get3A_321] {strides = array<i32>} : memref<128x128xf32, #tpu.memory_space<vmem>>, vector<1x16xf32>,
      %get3A_323 = vector.shape_cast %get3A_322 : vector<1x16xf32> to vector<16xf32>
      %add3A_324 = arith.addf %get3A_323, %get3A_323 : vector<16xf32>
      %exp3A_325 = math.exp %add3A_324 : vector<16xf32>
      %add3A_326 = arith.constant 1.000000e+00 : f32
      %add3A_327 = vector.broadcast %add3A_326 : f32 to vector<16xf32>
      %add3A_328 = arith.addf %exp3A_325, %add3A_327 : vector<16xf32>
      %div3A_329 = arith.constant 2.000000e+00 : f32
      %div3A_330 = vector.broadcast %div3A_329 : f32 to vector<16xf32>
      %div3A_331 = arith.divf %div3A_330, %add3A_328 : vector<16xf32>
      %sub3A_332 = arith.constant 1.000000e+00 : f32
      %sub3A_333 = vector.broadcast %sub3A_332 : f32 to vector<16xf32>
      %sub3A_334 = arith.subf %sub3A_333, %div3A_331 : vector<16xf32>
      %swap3A_335 = arith.index_cast %add3A_259 : i32 to index
      %swap3A_336 = arith.constant 48 : index
      %swap3A_337 = tpu.vector_load %arg11[%swap3A_335, %swap3A_336] {strides = array<i32>} : memref<128x64xf32, #tpu.memory_space<vmem>>, vector<1x16xf32>,
      %swap3A_338 = vector.shape_cast %swap3A_337 : vector<1x16xf32> to vector<16xf32>
      %swap3A_339 = vector.shape_cast %sub3A_334 : vector<16xf32> to vector<1x16xf32>
      tpu.vector_store %arg11[%swap3A_335, %swap3A_336], %swap3A_339 {strides = array<i32>} : memref<128x64xf32, #tpu.memory_space<vmem>>, vector<1x16xf32>,
    }
    %scan3A_87 = arith.constant 64 : i32
    %add3A_88 = arith.constant 2 : i32
    %add3A_89 = arith.addi %multiple_of3A, %add3A_88 : i32
    %mul3A_90 = arith.constant 128 : i32
    %mul3A_91 = arith.muli %add3A_89, %mul3A_90 : i32
    %multiple_of3A_92 = tpu.assume_multiple %mul3A_91, 8 : i32
    %dma_start3A_93 = arith.constant 0 : i32
    %dma_start3A_94 = tpu.memref_slice %arg4[%multiple_of3A_92, %dma_start3A_93] : memref<819200x64xf32, #tpu.memory_space<hbm>> -> memref<128x64xf32, #tpu.memory_space<hbm>>
    %dma_start3A_95 = arith.constant 0 : i32
    %dma_start3A_96 = tpu.memref_slice %arg4[%multiple_of3A_92, %dma_start3A_95] : memref<819200x64xf32, #tpu.memory_space<hbm>> -> memref<128x64xf32, #tpu.memory_space<hbm>>
    tpu.enqueue_dma source(%arg11 : memref<128x64xf32, #tpu.memory_space<vmem>>) target(%dma_start3A_96 : memref<128x64xf32, #tpu.memory_space<hbm>>) target_semaphore(%arg17 : memref<!tpu.dma_semaphore, #tpu.memory_space<semaphore_mem>>)
    %dma_wait3A_97 = arith.constant 0 : i32
    %dma_wait3A_98 = arith.constant 0 : i32
    %dma_wait3A_99 = tpu.memref_slice %arg4[%dma_wait3A_97, %dma_wait3A_98] : memref<819200x64xf32, #tpu.memory_space<hbm>> -> memref<128x64xf32, #tpu.memory_space<hbm>>
    %dma_wait3A_100 = arith.constant 0 : i32
    %dma_wait3A_101 = arith.constant 0 : i32
    %dma_wait3A_102 = tpu.memref_slice %arg4[%dma_wait3A_100, %dma_wait3A_101] : memref<819200x64xf32, #tpu.memory_space<hbm>> -> memref<128x64xf32, #tpu.memory_space<hbm>>
    tpu.wait_dma2 semaphore(%arg16 : memref<!tpu.dma_semaphore, #tpu.memory_space<semaphore_mem>>) src(%arg10 : memref<128x64xf32, #tpu.memory_space<vmem>>) dst(%dma_wait3A_102 : memref<128x64xf32, #tpu.memory_space<hbm>>)
    %dma_start3A_103 = arith.constant 4 : i32
    %dma_start3A_104 = arith.constant 0 : i32
    %dma_start3A_105 = tpu.memref_slice %arg5[%dma_start3A_103, %dma_start3A_104] : memref<200x128xi32, #tpu.memory_space<vmem>> -> memref<1x128xi32, #tpu.memory_space<vmem>>
    %dma_start3A_106 = tpu.memref_squeeze %dma_start3A_105 : memref<1x128xi32, #tpu.memory_space<vmem>> -> memref<128xi32, #tpu.memory_space<vmem>>
    %dma_start3A_107 = arith.constant 0 : i32
    %dma_start3A_108 = arith.constant 0 : i32
    %dma_start3A_109 = tpu.memref_slice %arg3[%dma_start3A_107, %dma_start3A_108] : memref<1000001x128xf32, #tpu.memory_space<hbm>> -> memref<1000001x128xf32, #tpu.memory_space<hbm>>
    tpu.enqueue_indirect_dma source(%dma_start3A_109 : memref<1000001x128xf32, #tpu.memory_space<hbm>>) target(%arg7 : memref<128x128xf32, #tpu.memory_space<vmem>>) offsets(%dma_start3A_106 : memref<128xi32, #tpu.memory_space<vmem>>) semaphore(%arg13 : memref<!tpu.dma_semaphore, #tpu.memory_space<semaphore_mem>>)
    %scan3A_110 = arith.constant 0 : i32
    %scan3A_111 = arith.constant 0 : i32
    %scan3A_112 = arith.constant 65 : i32
    %scan3A_113 = arith.addi %scan3A_111, %scan3A_112 : i32
    %scan3A_114 = arith.constant 1 : i32
    scf.for %scan3A_176 = %scan3A_111 to %scan3A_113 step %scan3A_114  : i32 {
      %mul3A_177 = arith.constant 3 : i32
      %mul3A_178 = arith.muli %mul3A_177, %scan3A_176 : i32
      %add3A_179 = arith.constant 3 : i32
      %add3A_180 = arith.addi %mul3A_178, %add3A_179 : i32
      %add3A_181 = arith.constant 0 : i32
      %add3A_182 = arith.addi %add3A_180, %add3A_181 : i32
      %dma_wait3A_183 = arith.constant 0 : i32
      %dma_wait3A_184 = arith.constant 0 : i32
      %dma_wait3A_185 = tpu.memref_slice %arg3[%dma_wait3A_183, %dma_wait3A_184] : memref<1000001x128xf32, #tpu.memory_space<hbm>> -> memref<128x128xf32, #tpu.memory_space<hbm>>
      %dma_wait3A_186 = arith.constant 0 : i32
      %dma_wait3A_187 = arith.constant 0 : i32
      %dma_wait3A_188 = tpu.memref_slice %arg3[%dma_wait3A_186, %dma_wait3A_187] : memref<1000001x128xf32, #tpu.memory_space<hbm>> -> memref<128x128xf32, #tpu.memory_space<hbm>>
      tpu.wait_dma2 semaphore(%arg12 : memref<!tpu.dma_semaphore, #tpu.memory_space<semaphore_mem>>) src(%dma_wait3A_188 : memref<128x128xf32, #tpu.memory_space<hbm>>) dst(%arg6 : memref<128x128xf32, #tpu.memory_space<vmem>>)
      %scan3A_189 = arith.constant 0 : i32
      %scan3A_190 = arith.constant 0 : i32
      %scan3A_191 = arith.constant 64 : i32
      %scan3A_192 = arith.addi %scan3A_190, %scan3A_191 : i32
      %scan3A_193 = arith.constant 1 : i32
      scf.for %scan3A_289 = %scan3A_190 to %scan3A_192 step %scan3A_193  : i32 {
        %mul3A_290 = arith.constant 2 : i32
        %mul3A_291 = arith.muli %mul3A_290, %scan3A_289 : i32
        %add3A_292 = arith.constant 0 : i32
        %add3A_293 = arith.addi %mul3A_291, %add3A_292 : i32
        %get3A = arith.index_cast %add3A_293 : i32 to index
        %get3A_294 = arith.constant 0 : index
        %get3A_295 = tpu.vector_load %arg6[%get3A, %get3A_294] {strides = array<i32>} : memref<128x128xf32, #tpu.memory_space<vmem>>, vector<1x16xf32>,
        %get3A_296 = vector.shape_cast %get3A_295 : vector<1x16xf32> to vector<16xf32>
        %add3A_297 = arith.addf %get3A_296, %get3A_296 : vector<16xf32>
        %exp3A = math.exp %add3A_297 : vector<16xf32>
        %add3A_298 = arith.constant 1.000000e+00 : f32
        %add3A_299 = vector.broadcast %add3A_298 : f32 to vector<16xf32>
        %add3A_300 = arith.addf %exp3A, %add3A_299 : vector<16xf32>
        %div3A = arith.constant 2.000000e+00 : f32
        %div3A_301 = vector.broadcast %div3A : f32 to vector<16xf32>
        %div3A_302 = arith.divf %div3A_301, %add3A_300 : vector<16xf32>
        %sub3A = arith.constant 1.000000e+00 : f32
        %sub3A_303 = vector.broadcast %sub3A : f32 to vector<16xf32>
        %sub3A_304 = arith.subf %sub3A_303, %div3A_302 : vector<16xf32>
        %swap3A = arith.index_cast %add3A_293 : i32 to index
        %swap3A_305 = arith.constant 0 : index
        %swap3A_306 = tpu.vector_load %arg9[%swap3A, %swap3A_305] {strides = array<i32>} : memref<128x64xf32, #tpu.memory_space<vmem>>, vector<1x16xf32>,
        %swap3A_307 = vector.shape_cast %swap3A_306 : vector<1x16xf32> to vector<16xf32>
        %swap3A_308 = vector.shape_cast %sub3A_304 : vector<16xf32> to vector<1x16xf32>
        tpu.vector_store %arg9[%swap3A, %swap3A_305], %swap3A_308 {strides = array<i32>} : memref<128x64xf32, #tpu.memory_space<vmem>>, vector<1x16xf32>,
        %get3A_309 = arith.index_cast %add3A_293 : i32 to index
        %get3A_310 = arith.constant 16 : index
        %get3A_311 = tpu.vector_load %arg6[%get3A_309, %get3A_310] {strides = array<i32>} : memref<128x128xf32, #tpu.memory_space<vmem>>, vector<1x16xf32>,
        %get3A_312 = vector.shape_cast %get3A_311 : vector<1x16xf32> to vector<16xf32>
        %add3A_313 = arith.addf %get3A_312, %get3A_312 : vector<16xf32>
        %exp3A_314 = math.exp %add3A_313 : vector<16xf32>
        %add3A_315 = arith.constant 1.000000e+00 : f32
        %add3A_316 = vector.broadcast %add3A_315 : f32 to vector<16xf32>
        %add3A_317 = arith.addf %exp3A_314, %add3A_316 : vector<16xf32>
        %div3A_318 = arith.constant 2.000000e+00 : f32
        %div3A_319 = vector.broadcast %div3A_318 : f32 to vector<16xf32>
        %div3A_320 = arith.divf %div3A_319, %add3A_317 : vector<16xf32>
        %sub3A_321 = arith.constant 1.000000e+00 : f32
        %sub3A_322 = vector.broadcast %sub3A_321 : f32 to vector<16xf32>
        %sub3A_323 = arith.subf %sub3A_322, %div3A_320 : vector<16xf32>
        %swap3A_324 = arith.index_cast %add3A_293 : i32 to index
        %swap3A_325 = arith.constant 16 : index
        %swap3A_326 = tpu.vector_load %arg9[%swap3A_324, %swap3A_325] {strides = array<i32>} : memref<128x64xf32, #tpu.memory_space<vmem>>, vector<1x16xf32>,
        %swap3A_327 = vector.shape_cast %swap3A_326 : vector<1x16xf32> to vector<16xf32>
        %swap3A_328 = vector.shape_cast %sub3A_323 : vector<16xf32> to vector<1x16xf32>
        tpu.vector_store %arg9[%swap3A_324, %swap3A_325], %swap3A_328 {strides = array<i32>} : memref<128x64xf32, #tpu.memory_space<vmem>>, vector<1x16xf32>,
        %get3A_329 = arith.index_cast %add3A_293 : i32 to index
        %get3A_330 = arith.constant 32 : index
        %get3A_331 = tpu.vector_load %arg6[%get3A_329, %get3A_330] {strides = array<i32>} : memref<128x128xf32, #tpu.memory_space<vmem>>, vector<1x16xf32>,
        %get3A_332 = vector.shape_cast %get3A_331 : vector<1x16xf32> to vector<16xf32>
        %add3A_333 = arith.addf %get3A_332, %get3A_332 : vector<16xf32>
        %exp3A_334 = math.exp %add3A_333 : vector<16xf32>
        %add3A_335 = arith.constant 1.000000e+00 : f32
        %add3A_336 = vector.broadcast %add3A_335 : f32 to vector<16xf32>
        %add3A_337 = arith.addf %exp3A_334, %add3A_336 : vector<16xf32>
        %div3A_338 = arith.constant 2.000000e+00 : f32
        %div3A_339 = vector.broadcast %div3A_338 : f32 to vector<16xf32>
        %div3A_340 = arith.divf %div3A_339, %add3A_337 : vector<16xf32>
        %sub3A_341 = arith.constant 1.000000e+00 : f32
        %sub3A_342 = vector.broadcast %sub3A_341 : f32 to vector<16xf32>
        %sub3A_343 = arith.subf %sub3A_342, %div3A_340 : vector<16xf32>
        %swap3A_344 = arith.index_cast %add3A_293 : i32 to index
        %swap3A_345 = arith.constant 32 : index
        %swap3A_346 = tpu.vector_load %arg9[%swap3A_344, %swap3A_345] {strides = array<i32>} : memref<128x64xf32, #tpu.memory_space<vmem>>, vector<1x16xf32>,
        %swap3A_347 = vector.shape_cast %swap3A_346 : vector<1x16xf32> to vector<16xf32>
        %swap3A_348 = vector.shape_cast %sub3A_343 : vector<16xf32> to vector<1x16xf32>
        tpu.vector_store %arg9[%swap3A_344, %swap3A_345], %swap3A_348 {strides = array<i32>} : memref<128x64xf32, #tpu.memory_space<vmem>>, vector<1x16xf32>,
        %get3A_349 = arith.index_cast %add3A_293 : i32 to index
        %get3A_350 = arith.constant 48 : index
        %get3A_351 = tpu.vector_load %arg6[%get3A_349, %get3A_350] {strides = array<i32>} : memref<128x128xf32, #tpu.memory_space<vmem>>, vector<1x16xf32>,
        %get3A_352 = vector.shape_cast %get3A_351 : vector<1x16xf32> to vector<16xf32>
        %add3A_353 = arith.addf %get3A_352, %get3A_352 : vector<16xf32>
        %exp3A_354 = math.exp %add3A_353 : vector<16xf32>
        %add3A_355 = arith.constant 1.000000e+00 : f32
        %add3A_356 = vector.broadcast %add3A_355 : f32 to vector<16xf32>
        %add3A_357 = arith.addf %exp3A_354, %add3A_356 : vector<16xf32>
        %div3A_358 = arith.constant 2.000000e+00 : f32
        %div3A_359 = vector.broadcast %div3A_358 : f32 to vector<16xf32>
        %div3A_360 = arith.divf %div3A_359, %add3A_357 : vector<16xf32>
        %sub3A_361 = arith.constant 1.000000e+00 : f32
        %sub3A_362 = vector.broadcast %sub3A_361 : f32 to vector<16xf32>
        %sub3A_363 = arith.subf %sub3A_362, %div3A_360 : vector<16xf32>
        %swap3A_364 = arith.index_cast %add3A_293 : i32 to index
        %swap3A_365 = arith.constant 48 : index
        %swap3A_366 = tpu.vector_load %arg9[%swap3A_364, %swap3A_365] {strides = array<i32>} : memref<128x64xf32, #tpu.memory_space<vmem>>, vector<1x16xf32>,
        %swap3A_367 = vector.shape_cast %swap3A_366 : vector<1x16xf32> to vector<16xf32>
        %swap3A_368 = vector.shape_cast %sub3A_363 : vector<16xf32> to vector<1x16xf32>
        tpu.vector_store %arg9[%swap3A_364, %swap3A_365], %swap3A_368 {strides = array<i32>} : memref<128x64xf32, #tpu.memory_space<vmem>>, vector<1x16xf32>,
        %mul3A_369 = arith.constant 2 : i32
        %mul3A_370 = arith.muli %mul3A_369, %scan3A_289 : i32
        %add3A_371 = arith.constant 1 : i32
        %add3A_372 = arith.addi %mul3A_370, %add3A_371 : i32
        %get3A_373 = arith.index_cast %add3A_372 : i32 to index
        %get3A_374 = arith.constant 0 : index
        %get3A_375 = tpu.vector_load %arg6[%get3A_373, %get3A_374] {strides = array<i32>} : memref<128x128xf32, #tpu.memory_space<vmem>>, vector<1x16xf32>,
        %get3A_376 = vector.shape_cast %get3A_375 : vector<1x16xf32> to vector<16xf32>
        %add3A_377 = arith.addf %get3A_376, %get3A_376 : vector<16xf32>
        %exp3A_378 = math.exp %add3A_377 : vector<16xf32>
        %add3A_379 = arith.constant 1.000000e+00 : f32
        %add3A_380 = vector.broadcast %add3A_379 : f32 to vector<16xf32>
        %add3A_381 = arith.addf %exp3A_378, %add3A_380 : vector<16xf32>
        %div3A_382 = arith.constant 2.000000e+00 : f32
        %div3A_383 = vector.broadcast %div3A_382 : f32 to vector<16xf32>
        %div3A_384 = arith.divf %div3A_383, %add3A_381 : vector<16xf32>
        %sub3A_385 = arith.constant 1.000000e+00 : f32
        %sub3A_386 = vector.broadcast %sub3A_385 : f32 to vector<16xf32>
        %sub3A_387 = arith.subf %sub3A_386, %div3A_384 : vector<16xf32>
        %swap3A_388 = arith.index_cast %add3A_372 : i32 to index
        %swap3A_389 = arith.constant 0 : index
        %swap3A_390 = tpu.vector_load %arg9[%swap3A_388, %swap3A_389] {strides = array<i32>} : memref<128x64xf32, #tpu.memory_space<vmem>>, vector<1x16xf32>,
        %swap3A_391 = vector.shape_cast %swap3A_390 : vector<1x16xf32> to vector<16xf32>
        %swap3A_392 = vector.shape_cast %sub3A_387 : vector<16xf32> to vector<1x16xf32>
        tpu.vector_store %arg9[%swap3A_388, %swap3A_389], %swap3A_392 {strides = array<i32>} : memref<128x64xf32, #tpu.memory_space<vmem>>, vector<1x16xf32>,
        %get3A_393 = arith.index_cast %add3A_372 : i32 to index
        %get3A_394 = arith.constant 16 : index
        %get3A_395 = tpu.vector_load %arg6[%get3A_393, %get3A_394] {strides = array<i32>} : memref<128x128xf32, #tpu.memory_space<vmem>>, vector<1x16xf32>,
        %get3A_396 = vector.shape_cast %get3A_395 : vector<1x16xf32> to vector<16xf32>
        %add3A_397 = arith.addf %get3A_396, %get3A_396 : vector<16xf32>
        %exp3A_398 = math.exp %add3A_397 : vector<16xf32>
        %add3A_399 = arith.constant 1.000000e+00 : f32
        %add3A_400 = vector.broadcast %add3A_399 : f32 to vector<16xf32>
        %add3A_401 = arith.addf %exp3A_398, %add3A_400 : vector<16xf32>
        %div3A_402 = arith.constant 2.000000e+00 : f32
        %div3A_403 = vector.broadcast %div3A_402 : f32 to vector<16xf32>
        %div3A_404 = arith.divf %div3A_403, %add3A_401 : vector<16xf32>
        %sub3A_405 = arith.constant 1.000000e+00 : f32
        %sub3A_406 = vector.broadcast %sub3A_405 : f32 to vector<16xf32>
        %sub3A_407 = arith.subf %sub3A_406, %div3A_404 : vector<16xf32>
        %swap3A_408 = arith.index_cast %add3A_372 : i32 to index
        %swap3A_409 = arith.constant 16 : index
        %swap3A_410 = tpu.vector_load %arg9[%swap3A_408, %swap3A_409] {strides = array<i32>} : memref<128x64xf32, #tpu.memory_space<vmem>>, vector<1x16xf32>,
        %swap3A_411 = vector.shape_cast %swap3A_410 : vector<1x16xf32> to vector<16xf32>
        %swap3A_412 = vector.shape_cast %sub3A_407 : vector<16xf32> to vector<1x16xf32>
        tpu.vector_store %arg9[%swap3A_408, %swap3A_409], %swap3A_412 {strides = array<i32>} : memref<128x64xf32, #tpu.memory_space<vmem>>, vector<1x16xf32>,
        %get3A_413 = arith.index_cast %add3A_372 : i32 to index
        %get3A_414 = arith.constant 32 : index
        %get3A_415 = tpu.vector_load %arg6[%get3A_413, %get3A_414] {strides = array<i32>} : memref<128x128xf32, #tpu.memory_space<vmem>>, vector<1x16xf32>,
        %get3A_416 = vector.shape_cast %get3A_415 : vector<1x16xf32> to vector<16xf32>
        %add3A_417 = arith.addf %get3A_416, %get3A_416 : vector<16xf32>
        %exp3A_418 = math.exp %add3A_417 : vector<16xf32>
        %add3A_419 = arith.constant 1.000000e+00 : f32
        %add3A_420 = vector.broadcast %add3A_419 : f32 to vector<16xf32>
        %add3A_421 = arith.addf %exp3A_418, %add3A_420 : vector<16xf32>
        %div3A_422 = arith.constant 2.000000e+00 : f32
        %div3A_423 = vector.broadcast %div3A_422 : f32 to vector<16xf32>
        %div3A_424 = arith.divf %div3A_423, %add3A_421 : vector<16xf32>
        %sub3A_425 = arith.constant 1.000000e+00 : f32
        %sub3A_426 = vector.broadcast %sub3A_425 : f32 to vector<16xf32>
        %sub3A_427 = arith.subf %sub3A_426, %div3A_424 : vector<16xf32>
        %swap3A_428 = arith.index_cast %add3A_372 : i32 to index
        %swap3A_429 = arith.constant 32 : index
        %swap3A_430 = tpu.vector_load %arg9[%swap3A_428, %swap3A_429] {strides = array<i32>} : memref<128x64xf32, #tpu.memory_space<vmem>>, vector<1x16xf32>,
        %swap3A_431 = vector.shape_cast %swap3A_430 : vector<1x16xf32> to vector<16xf32>
        %swap3A_432 = vector.shape_cast %sub3A_427 : vector<16xf32> to vector<1x16xf32>
        tpu.vector_store %arg9[%swap3A_428, %swap3A_429], %swap3A_432 {strides = array<i32>} : memref<128x64xf32, #tpu.memory_space<vmem>>, vector<1x16xf32>,
        %get3A_433 = arith.index_cast %add3A_372 : i32 to index
        %get3A_434 = arith.constant 48 : index
        %get3A_435 = tpu.vector_load %arg6[%get3A_433, %get3A_434] {strides = array<i32>} : memref<128x128xf32, #tpu.memory_space<vmem>>, vector<1x16xf32>,
        %get3A_436 = vector.shape_cast %get3A_435 : vector<1x16xf32> to vector<16xf32>
        %add3A_437 = arith.addf %get3A_436, %get3A_436 : vector<16xf32>
        %exp3A_438 = math.exp %add3A_437 : vector<16xf32>
        %add3A_439 = arith.constant 1.000000e+00 : f32
        %add3A_440 = vector.broadcast %add3A_439 : f32 to vector<16xf32>
        %add3A_441 = arith.addf %exp3A_438, %add3A_440 : vector<16xf32>
        %div3A_442 = arith.constant 2.000000e+00 : f32
        %div3A_443 = vector.broadcast %div3A_442 : f32 to vector<16xf32>
        %div3A_444 = arith.divf %div3A_443, %add3A_441 : vector<16xf32>
        %sub3A_445 = arith.constant 1.000000e+00 : f32
        %sub3A_446 = vector.broadcast %sub3A_445 : f32 to vector<16xf32>
        %sub3A_447 = arith.subf %sub3A_446, %div3A_444 : vector<16xf32>
        %swap3A_448 = arith.index_cast %add3A_372 : i32 to index
        %swap3A_449 = arith.constant 48 : index
        %swap3A_450 = tpu.vector_load %arg9[%swap3A_448, %swap3A_449] {strides = array<i32>} : memref<128x64xf32, #tpu.memory_space<vmem>>, vector<1x16xf32>,
        %swap3A_451 = vector.shape_cast %swap3A_450 : vector<1x16xf32> to vector<16xf32>
        %swap3A_452 = vector.shape_cast %sub3A_447 : vector<16xf32> to vector<1x16xf32>
        tpu.vector_store %arg9[%swap3A_448, %swap3A_449], %swap3A_452 {strides = array<i32>} : memref<128x64xf32, #tpu.memory_space<vmem>>, vector<1x16xf32>,
      }
      %scan3A_194 = arith.constant 64 : i32
      %add3A_195 = arith.addi %multiple_of3A, %add3A_182 : i32
      %mul3A_196 = arith.constant 128 : i32
      %mul3A_197 = arith.muli %add3A_195, %mul3A_196 : i32
      %multiple_of3A_198 = tpu.assume_multiple %mul3A_197, 8 : i32
      %dma_start3A_199 = arith.constant 0 : i32
      %dma_start3A_200 = tpu.memref_slice %arg4[%multiple_of3A_198, %dma_start3A_199] : memref<819200x64xf32, #tpu.memory_space<hbm>> -> memref<128x64xf32, #tpu.memory_space<hbm>>
      %dma_start3A_201 = arith.constant 0 : i32
      %dma_start3A_202 = tpu.memref_slice %arg4[%multiple_of3A_198, %dma_start3A_201] : memref<819200x64xf32, #tpu.memory_space<hbm>> -> memref<128x64xf32, #tpu.memory_space<hbm>>
      tpu.enqueue_dma source(%arg9 : memref<128x64xf32, #tpu.memory_space<vmem>>) target(%dma_start3A_202 : memref<128x64xf32, #tpu.memory_space<hbm>>) target_semaphore(%arg15 : memref<!tpu.dma_semaphore, #tpu.memory_space<semaphore_mem>>)
      %dma_wait3A_203 = arith.constant 0 : i32
      %dma_wait3A_204 = arith.constant 0 : i32
      %dma_wait3A_205 = tpu.memref_slice %arg4[%dma_wait3A_203, %dma_wait3A_204] : memref<819200x64xf32, #tpu.memory_space<hbm>> -> memref<128x64xf32, #tpu.memory_space<hbm>>
      %dma_wait3A_206 = arith.constant 0 : i32
      %dma_wait3A_207 = arith.constant 0 : i32
      %dma_wait3A_208 = tpu.memref_slice %arg4[%dma_wait3A_206, %dma_wait3A_207] : memref<819200x64xf32, #tpu.memory_space<hbm>> -> memref<128x64xf32, #tpu.memory_space<hbm>>
      tpu.wait_dma2 semaphore(%arg17 : memref<!tpu.dma_semaphore, #tpu.memory_space<semaphore_mem>>) src(%arg11 : memref<128x64xf32, #tpu.memory_space<vmem>>) dst(%dma_wait3A_208 : memref<128x64xf32, #tpu.memory_space<hbm>>)
      %add3A_209 = arith.constant 2 : i32
      %add3A_210 = arith.addi %add3A_182, %add3A_209 : i32
      %dma_start3A_211 = arith.constant 0 : i32
      %dma_start3A_212 = tpu.memref_slice %arg5[%add3A_210, %dma_start3A_211] : memref<200x128xi32, #tpu.memory_space<vmem>> -> memref<1x128xi32, #tpu.memory_space<vmem>>
      %dma_start3A_213 = tpu.memref_squeeze %dma_start3A_212 : memref<1x128xi32, #tpu.memory_space<vmem>> -> memref<128xi32, #tpu.memory_space<vmem>>
      %dma_start3A_214 = arith.constant 0 : i32
      %dma_start3A_215 = arith.constant 0 : i32
      %dma_start3A_216 = tpu.memref_slice %arg3[%dma_start3A_214, %dma_start3A_215] : memref<1000001x128xf32, #tpu.memory_space<hbm>> -> memref<1000001x128xf32, #tpu.memory_space<hbm>>
      tpu.enqueue_indirect_dma source(%dma_start3A_216 : memref<1000001x128xf32, #tpu.memory_space<hbm>>) target(%arg8 : memref<128x128xf32, #tpu.memory_space<vmem>>) offsets(%dma_start3A_213 : memref<128xi32, #tpu.memory_space<vmem>>) semaphore(%arg14 : memref<!tpu.dma_semaphore, #tpu.memory_space<semaphore_mem>>)
      %add3A_217 = arith.constant 1 : i32
      %add3A_218 = arith.addi %add3A_180, %add3A_217 : i32
      %dma_wait3A_219 = arith.constant 0 : i32
      %dma_wait3A_220 = arith.constant 0 : i32
      %dma_wait3A_221 = tpu.memref_slice %arg3[%dma_wait3A_219, %dma_wait3A_220] : memref<1000001x128xf32, #tpu.memory_space<hbm>> -> memref<128x128xf32, #tpu.memory_space<hbm>>
      %dma_wait3A_222 = arith.constant 0 : i32
      %dma_wait3A_223 = arith.constant 0 : i32
      %dma_wait3A_224 = tpu.memref_slice %arg3[%dma_wait3A_222, %dma_wait3A_223] : memref<1000001x128xf32, #tpu.memory_space<hbm>> -> memref<128x128xf32, #tpu.memory_space<hbm>>
      tpu.wait_dma2 semaphore(%arg13 : memref<!tpu.dma_semaphore, #tpu.memory_space<semaphore_mem>>) src(%dma_wait3A_224 : memref<128x128xf32, #tpu.memory_space<hbm>>) dst(%arg7 : memref<128x128xf32, #tpu.memory_space<vmem>>)
      %scan3A_225 = arith.constant 0 : i32
      %scan3A_226 = arith.constant 0 : i32
      %scan3A_227 = arith.constant 64 : i32
      %scan3A_228 = arith.addi %scan3A_226, %scan3A_227 : i32
      %scan3A_229 = arith.constant 1 : i32
      scf.for %scan3A_289 = %scan3A_226 to %scan3A_228 step %scan3A_229  : i32 {
        %mul3A_290 = arith.constant 2 : i32
        %mul3A_291 = arith.muli %mul3A_290, %scan3A_289 : i32
        %add3A_292 = arith.constant 0 : i32
        %add3A_293 = arith.addi %mul3A_291, %add3A_292 : i32
        %get3A = arith.index_cast %add3A_293 : i32 to index
        %get3A_294 = arith.constant 0 : index
        %get3A_295 = tpu.vector_load %arg7[%get3A, %get3A_294] {strides = array<i32>} : memref<128x128xf32, #tpu.memory_space<vmem>>, vector<1x16xf32>,
        %get3A_296 = vector.shape_cast %get3A_295 : vector<1x16xf32> to vector<16xf32>
        %add3A_297 = arith.addf %get3A_296, %get3A_296 : vector<16xf32>
        %exp3A = math.exp %add3A_297 : vector<16xf32>
        %add3A_298 = arith.constant 1.000000e+00 : f32
        %add3A_299 = vector.broadcast %add3A_298 : f32 to vector<16xf32>
        %add3A_300 = arith.addf %exp3A, %add3A_299 : vector<16xf32>
        %div3A = arith.constant 2.000000e+00 : f32
        %div3A_301 = vector.broadcast %div3A : f32 to vector<16xf32>
        %div3A_302 = arith.divf %div3A_301, %add3A_300 : vector<16xf32>
        %sub3A = arith.constant 1.000000e+00 : f32
        %sub3A_303 = vector.broadcast %sub3A : f32 to vector<16xf32>
        %sub3A_304 = arith.subf %sub3A_303, %div3A_302 : vector<16xf32>
        %swap3A = arith.index_cast %add3A_293 : i32 to index
        %swap3A_305 = arith.constant 0 : index
        %swap3A_306 = tpu.vector_load %arg10[%swap3A, %swap3A_305] {strides = array<i32>} : memref<128x64xf32, #tpu.memory_space<vmem>>, vector<1x16xf32>,
        %swap3A_307 = vector.shape_cast %swap3A_306 : vector<1x16xf32> to vector<16xf32>
        %swap3A_308 = vector.shape_cast %sub3A_304 : vector<16xf32> to vector<1x16xf32>
        tpu.vector_store %arg10[%swap3A, %swap3A_305], %swap3A_308 {strides = array<i32>} : memref<128x64xf32, #tpu.memory_space<vmem>>, vector<1x16xf32>,
        %get3A_309 = arith.index_cast %add3A_293 : i32 to index
        %get3A_310 = arith.constant 16 : index
        %get3A_311 = tpu.vector_load %arg7[%get3A_309, %get3A_310] {strides = array<i32>} : memref<128x128xf32, #tpu.memory_space<vmem>>, vector<1x16xf32>,
        %get3A_312 = vector.shape_cast %get3A_311 : vector<1x16xf32> to vector<16xf32>
        %add3A_313 = arith.addf %get3A_312, %get3A_312 : vector<16xf32>
        %exp3A_314 = math.exp %add3A_313 : vector<16xf32>
        %add3A_315 = arith.constant 1.000000e+00 : f32
        %add3A_316 = vector.broadcast %add3A_315 : f32 to vector<16xf32>
        %add3A_317 = arith.addf %exp3A_314, %add3A_316 : vector<16xf32>
        %div3A_318 = arith.constant 2.000000e+00 : f32
        %div3A_319 = vector.broadcast %div3A_318 : f32 to vector<16xf32>
        %div3A_320 = arith.divf %div3A_319, %add3A_317 : vector<16xf32>
        %sub3A_321 = arith.constant 1.000000e+00 : f32
        %sub3A_322 = vector.broadcast %sub3A_321 : f32 to vector<16xf32>
        %sub3A_323 = arith.subf %sub3A_322, %div3A_320 : vector<16xf32>
        %swap3A_324 = arith.index_cast %add3A_293 : i32 to index
        %swap3A_325 = arith.constant 16 : index
        %swap3A_326 = tpu.vector_load %arg10[%swap3A_324, %swap3A_325] {strides = array<i32>} : memref<128x64xf32, #tpu.memory_space<vmem>>, vector<1x16xf32>,
        %swap3A_327 = vector.shape_cast %swap3A_326 : vector<1x16xf32> to vector<16xf32>
        %swap3A_328 = vector.shape_cast %sub3A_323 : vector<16xf32> to vector<1x16xf32>
        tpu.vector_store %arg10[%swap3A_324, %swap3A_325], %swap3A_328 {strides = array<i32>} : memref<128x64xf32, #tpu.memory_space<vmem>>, vector<1x16xf32>,
        %get3A_329 = arith.index_cast %add3A_293 : i32 to index
        %get3A_330 = arith.constant 32 : index
        %get3A_331 = tpu.vector_load %arg7[%get3A_329, %get3A_330] {strides = array<i32>} : memref<128x128xf32, #tpu.memory_space<vmem>>, vector<1x16xf32>,
        %get3A_332 = vector.shape_cast %get3A_331 : vector<1x16xf32> to vector<16xf32>
        %add3A_333 = arith.addf %get3A_332, %get3A_332 : vector<16xf32>
        %exp3A_334 = math.exp %add3A_333 : vector<16xf32>
        %add3A_335 = arith.constant 1.000000e+00 : f32
        %add3A_336 = vector.broadcast %add3A_335 : f32 to vector<16xf32>
        %add3A_337 = arith.addf %exp3A_334, %add3A_336 : vector<16xf32>
        %div3A_338 = arith.constant 2.000000e+00 : f32
        %div3A_339 = vector.broadcast %div3A_338 : f32 to vector<16xf32>
        %div3A_340 = arith.divf %div3A_339, %add3A_337 : vector<16xf32>
        %sub3A_341 = arith.constant 1.000000e+00 : f32
        %sub3A_342 = vector.broadcast %sub3A_341 : f32 to vector<16xf32>
        %sub3A_343 = arith.subf %sub3A_342, %div3A_340 : vector<16xf32>
        %swap3A_344 = arith.index_cast %add3A_293 : i32 to index
        %swap3A_345 = arith.constant 32 : index
        %swap3A_346 = tpu.vector_load %arg10[%swap3A_344, %swap3A_345] {strides = array<i32>} : memref<128x64xf32, #tpu.memory_space<vmem>>, vector<1x16xf32>,
        %swap3A_347 = vector.shape_cast %swap3A_346 : vector<1x16xf32> to vector<16xf32>
        %swap3A_348 = vector.shape_cast %sub3A_343 : vector<16xf32> to vector<1x16xf32>
        tpu.vector_store %arg10[%swap3A_344, %swap3A_345], %swap3A_348 {strides = array<i32>} : memref<128x64xf32, #tpu.memory_space<vmem>>, vector<1x16xf32>,
        %get3A_349 = arith.index_cast %add3A_293 : i32 to index
        %get3A_350 = arith.constant 48 : index
        %get3A_351 = tpu.vector_load %arg7[%get3A_349, %get3A_350] {strides = array<i32>} : memref<128x128xf32, #tpu.memory_space<vmem>>, vector<1x16xf32>,
        %get3A_352 = vector.shape_cast %get3A_351 : vector<1x16xf32> to vector<16xf32>
        %add3A_353 = arith.addf %get3A_352, %get3A_352 : vector<16xf32>
        %exp3A_354 = math.exp %add3A_353 : vector<16xf32>
        %add3A_355 = arith.constant 1.000000e+00 : f32
        %add3A_356 = vector.broadcast %add3A_355 : f32 to vector<16xf32>
        %add3A_357 = arith.addf %exp3A_354, %add3A_356 : vector<16xf32>
        %div3A_358 = arith.constant 2.000000e+00 : f32
        %div3A_359 = vector.broadcast %div3A_358 : f32 to vector<16xf32>
        %div3A_360 = arith.divf %div3A_359, %add3A_357 : vector<16xf32>
        %sub3A_361 = arith.constant 1.000000e+00 : f32
        %sub3A_362 = vector.broadcast %sub3A_361 : f32 to vector<16xf32>
        %sub3A_363 = arith.subf %sub3A_362, %div3A_360 : vector<16xf32>
        %swap3A_364 = arith.index_cast %add3A_293 : i32 to index
        %swap3A_365 = arith.constant 48 : index
        %swap3A_366 = tpu.vector_load %arg10[%swap3A_364, %swap3A_365] {strides = array<i32>} : memref<128x64xf32, #tpu.memory_space<vmem>>, vector<1x16xf32>,
        %swap3A_367 = vector.shape_cast %swap3A_366 : vector<1x16xf32> to vector<16xf32>
        %swap3A_368 = vector.shape_cast %sub3A_363 : vector<16xf32> to vector<1x16xf32>
        tpu.vector_store %arg10[%swap3A_364, %swap3A_365], %swap3A_368 {strides = array<i32>} : memref<128x64xf32, #tpu.memory_space<vmem>>, vector<1x16xf32>,
        %mul3A_369 = arith.constant 2 : i32
        %mul3A_370 = arith.muli %mul3A_369, %scan3A_289 : i32
        %add3A_371 = arith.constant 1 : i32
        %add3A_372 = arith.addi %mul3A_370, %add3A_371 : i32
        %get3A_373 = arith.index_cast %add3A_372 : i32 to index
        %get3A_374 = arith.constant 0 : index
        %get3A_375 = tpu.vector_load %arg7[%get3A_373, %get3A_374] {strides = array<i32>} : memref<128x128xf32, #tpu.memory_space<vmem>>, vector<1x16xf32>,
        %get3A_376 = vector.shape_cast %get3A_375 : vector<1x16xf32> to vector<16xf32>
        %add3A_377 = arith.addf %get3A_376, %get3A_376 : vector<16xf32>
        %exp3A_378 = math.exp %add3A_377 : vector<16xf32>
        %add3A_379 = arith.constant 1.000000e+00 : f32
        %add3A_380 = vector.broadcast %add3A_379 : f32 to vector<16xf32>
        %add3A_381 = arith.addf %exp3A_378, %add3A_380 : vector<16xf32>
        %div3A_382 = arith.constant 2.000000e+00 : f32
        %div3A_383 = vector.broadcast %div3A_382 : f32 to vector<16xf32>
        %div3A_384 = arith.divf %div3A_383, %add3A_381 : vector<16xf32>
        %sub3A_385 = arith.constant 1.000000e+00 : f32
        %sub3A_386 = vector.broadcast %sub3A_385 : f32 to vector<16xf32>
        %sub3A_387 = arith.subf %sub3A_386, %div3A_384 : vector<16xf32>
        %swap3A_388 = arith.index_cast %add3A_372 : i32 to index
        %swap3A_389 = arith.constant 0 : index
        %swap3A_390 = tpu.vector_load %arg10[%swap3A_388, %swap3A_389] {strides = array<i32>} : memref<128x64xf32, #tpu.memory_space<vmem>>, vector<1x16xf32>,
        %swap3A_391 = vector.shape_cast %swap3A_390 : vector<1x16xf32> to vector<16xf32>
        %swap3A_392 = vector.shape_cast %sub3A_387 : vector<16xf32> to vector<1x16xf32>
        tpu.vector_store %arg10[%swap3A_388, %swap3A_389], %swap3A_392 {strides = array<i32>} : memref<128x64xf32, #tpu.memory_space<vmem>>, vector<1x16xf32>,
        %get3A_393 = arith.index_cast %add3A_372 : i32 to index
        %get3A_394 = arith.constant 16 : index
        %get3A_395 = tpu.vector_load %arg7[%get3A_393, %get3A_394] {strides = array<i32>} : memref<128x128xf32, #tpu.memory_space<vmem>>, vector<1x16xf32>,
        %get3A_396 = vector.shape_cast %get3A_395 : vector<1x16xf32> to vector<16xf32>
        %add3A_397 = arith.addf %get3A_396, %get3A_396 : vector<16xf32>
        %exp3A_398 = math.exp %add3A_397 : vector<16xf32>
        %add3A_399 = arith.constant 1.000000e+00 : f32
        %add3A_400 = vector.broadcast %add3A_399 : f32 to vector<16xf32>
        %add3A_401 = arith.addf %exp3A_398, %add3A_400 : vector<16xf32>
        %div3A_402 = arith.constant 2.000000e+00 : f32
        %div3A_403 = vector.broadcast %div3A_402 : f32 to vector<16xf32>
        %div3A_404 = arith.divf %div3A_403, %add3A_401 : vector<16xf32>
        %sub3A_405 = arith.constant 1.000000e+00 : f32
        %sub3A_406 = vector.broadcast %sub3A_405 : f32 to vector<16xf32>
        %sub3A_407 = arith.subf %sub3A_406, %div3A_404 : vector<16xf32>
        %swap3A_408 = arith.index_cast %add3A_372 : i32 to index
        %swap3A_409 = arith.constant 16 : index
        %swap3A_410 = tpu.vector_load %arg10[%swap3A_408, %swap3A_409] {strides = array<i32>} : memref<128x64xf32, #tpu.memory_space<vmem>>, vector<1x16xf32>,
        %swap3A_411 = vector.shape_cast %swap3A_410 : vector<1x16xf32> to vector<16xf32>
        %swap3A_412 = vector.shape_cast %sub3A_407 : vector<16xf32> to vector<1x16xf32>
        tpu.vector_store %arg10[%swap3A_408, %swap3A_409], %swap3A_412 {strides = array<i32>} : memref<128x64xf32, #tpu.memory_space<vmem>>, vector<1x16xf32>,
        %get3A_413 = arith.index_cast %add3A_372 : i32 to index
        %get3A_414 = arith.constant 32 : index
        %get3A_415 = tpu.vector_load %arg7[%get3A_413, %get3A_414] {strides = array<i32>} : memref<128x128xf32, #tpu.memory_space<vmem>>, vector<1x16xf32>,
        %get3A_416 = vector.shape_cast %get3A_415 : vector<1x16xf32> to vector<16xf32>
        %add3A_417 = arith.addf %get3A_416, %get3A_416 : vector<16xf32>
        %exp3A_418 = math.exp %add3A_417 : vector<16xf32>
        %add3A_419 = arith.constant 1.000000e+00 : f32
        %add3A_420 = vector.broadcast %add3A_419 : f32 to vector<16xf32>
        %add3A_421 = arith.addf %exp3A_418, %add3A_420 : vector<16xf32>
        %div3A_422 = arith.constant 2.000000e+00 : f32
        %div3A_423 = vector.broadcast %div3A_422 : f32 to vector<16xf32>
        %div3A_424 = arith.divf %div3A_423, %add3A_421 : vector<16xf32>
        %sub3A_425 = arith.constant 1.000000e+00 : f32
        %sub3A_426 = vector.broadcast %sub3A_425 : f32 to vector<16xf32>
        %sub3A_427 = arith.subf %sub3A_426, %div3A_424 : vector<16xf32>
        %swap3A_428 = arith.index_cast %add3A_372 : i32 to index
        %swap3A_429 = arith.constant 32 : index
        %swap3A_430 = tpu.vector_load %arg10[%swap3A_428, %swap3A_429] {strides = array<i32>} : memref<128x64xf32, #tpu.memory_space<vmem>>, vector<1x16xf32>,
        %swap3A_431 = vector.shape_cast %swap3A_430 : vector<1x16xf32> to vector<16xf32>
        %swap3A_432 = vector.shape_cast %sub3A_427 : vector<16xf32> to vector<1x16xf32>
        tpu.vector_store %arg10[%swap3A_428, %swap3A_429], %swap3A_432 {strides = array<i32>} : memref<128x64xf32, #tpu.memory_space<vmem>>, vector<1x16xf32>,
        %get3A_433 = arith.index_cast %add3A_372 : i32 to index
        %get3A_434 = arith.constant 48 : index
        %get3A_435 = tpu.vector_load %arg7[%get3A_433, %get3A_434] {strides = array<i32>} : memref<128x128xf32, #tpu.memory_space<vmem>>, vector<1x16xf32>,
        %get3A_436 = vector.shape_cast %get3A_435 : vector<1x16xf32> to vector<16xf32>
        %add3A_437 = arith.addf %get3A_436, %get3A_436 : vector<16xf32>
        %exp3A_438 = math.exp %add3A_437 : vector<16xf32>
        %add3A_439 = arith.constant 1.000000e+00 : f32
        %add3A_440 = vector.broadcast %add3A_439 : f32 to vector<16xf32>
        %add3A_441 = arith.addf %exp3A_438, %add3A_440 : vector<16xf32>
        %div3A_442 = arith.constant 2.000000e+00 : f32
        %div3A_443 = vector.broadcast %div3A_442 : f32 to vector<16xf32>
        %div3A_444 = arith.divf %div3A_443, %add3A_441 : vector<16xf32>
        %sub3A_445 = arith.constant 1.000000e+00 : f32
        %sub3A_446 = vector.broadcast %sub3A_445 : f32 to vector<16xf32>
        %sub3A_447 = arith.subf %sub3A_446, %div3A_444 : vector<16xf32>
        %swap3A_448 = arith.index_cast %add3A_372 : i32 to index
        %swap3A_449 = arith.constant 48 : index
        %swap3A_450 = tpu.vector_load %arg10[%swap3A_448, %swap3A_449] {strides = array<i32>} : memref<128x64xf32, #tpu.memory_space<vmem>>, vector<1x16xf32>,
        %swap3A_451 = vector.shape_cast %swap3A_450 : vector<1x16xf32> to vector<16xf32>
        %swap3A_452 = vector.shape_cast %sub3A_447 : vector<16xf32> to vector<1x16xf32>
        tpu.vector_store %arg10[%swap3A_448, %swap3A_449], %swap3A_452 {strides = array<i32>} : memref<128x64xf32, #tpu.memory_space<vmem>>, vector<1x16xf32>,
      }
      %scan3A_230 = arith.constant 64 : i32
      %add3A_231 = arith.addi %multiple_of3A, %add3A_218 : i32
      %mul3A_232 = arith.constant 128 : i32
      %mul3A_233 = arith.muli %add3A_231, %mul3A_232 : i32
      %multiple_of3A_234 = tpu.assume_multiple %mul3A_233, 8 : i32
      %dma_start3A_235 = arith.constant 0 : i32
      %dma_start3A_236 = tpu.memref_slice %arg4[%multiple_of3A_234, %dma_start3A_235] : memref<819200x64xf32, #tpu.memory_space<hbm>> -> memref<128x64xf32, #tpu.memory_space<hbm>>
      %dma_start3A_237 = arith.constant 0 : i32
      %dma_start3A_238 = tpu.memref_slice %arg4[%multiple_of3A_234, %dma_start3A_237] : memref<819200x64xf32, #tpu.memory_space<hbm>> -> memref<128x64xf32, #tpu.memory_space<hbm>>
      tpu.enqueue_dma source(%arg10 : memref<128x64xf32, #tpu.memory_space<vmem>>) target(%dma_start3A_238 : memref<128x64xf32, #tpu.memory_space<hbm>>) target_semaphore(%arg16 : memref<!tpu.dma_semaphore, #tpu.memory_space<semaphore_mem>>)
      %dma_wait3A_239 = arith.constant 0 : i32
      %dma_wait3A_240 = arith.constant 0 : i32
      %dma_wait3A_241 = tpu.memref_slice %arg4[%dma_wait3A_239, %dma_wait3A_240] : memref<819200x64xf32, #tpu.memory_space<hbm>> -> memref<128x64xf32, #tpu.memory_space<hbm>>
      %dma_wait3A_242 = arith.constant 0 : i32
      %dma_wait3A_243 = arith.constant 0 : i32
      %dma_wait3A_244 = tpu.memref_slice %arg4[%dma_wait3A_242, %dma_wait3A_243] : memref<819200x64xf32, #tpu.memory_space<hbm>> -> memref<128x64xf32, #tpu.memory_space<hbm>>
      tpu.wait_dma2 semaphore(%arg15 : memref<!tpu.dma_semaphore, #tpu.memory_space<semaphore_mem>>) src(%arg9 : memref<128x64xf32, #tpu.memory_space<vmem>>) dst(%dma_wait3A_244 : memref<128x64xf32, #tpu.memory_space<hbm>>)
      %add3A_245 = arith.constant 2 : i32
      %add3A_246 = arith.addi %add3A_218, %add3A_245 : i32
      %dma_start3A_247 = arith.constant 0 : i32
      %dma_start3A_248 = tpu.memref_slice %arg5[%add3A_246, %dma_start3A_247] : memref<200x128xi32, #tpu.memory_space<vmem>> -> memref<1x128xi32, #tpu.memory_space<vmem>>
      %dma_start3A_249 = tpu.memref_squeeze %dma_start3A_248 : memref<1x128xi32, #tpu.memory_space<vmem>> -> memref<128xi32, #tpu.memory_space<vmem>>
      %dma_start3A_250 = arith.constant 0 : i32
      %dma_start3A_251 = arith.constant 0 : i32
      %dma_start3A_252 = tpu.memref_slice %arg3[%dma_start3A_250, %dma_start3A_251] : memref<1000001x128xf32, #tpu.memory_space<hbm>> -> memref<1000001x128xf32, #tpu.memory_space<hbm>>
      tpu.enqueue_indirect_dma source(%dma_start3A_252 : memref<1000001x128xf32, #tpu.memory_space<hbm>>) target(%arg6 : memref<128x128xf32, #tpu.memory_space<vmem>>) offsets(%dma_start3A_249 : memref<128xi32, #tpu.memory_space<vmem>>) semaphore(%arg12 : memref<!tpu.dma_semaphore, #tpu.memory_space<semaphore_mem>>)
      %add3A_253 = arith.constant 2 : i32
      %add3A_254 = arith.addi %add3A_180, %add3A_253 : i32
      %dma_wait3A_255 = arith.constant 0 : i32
      %dma_wait3A_256 = arith.constant 0 : i32
      %dma_wait3A_257 = tpu.memref_slice %arg3[%dma_wait3A_255, %dma_wait3A_256] : memref<1000001x128xf32, #tpu.memory_space<hbm>> -> memref<128x128xf32, #tpu.memory_space<hbm>>
      %dma_wait3A_258 = arith.constant 0 : i32
      %dma_wait3A_259 = arith.constant 0 : i32
      %dma_wait3A_260 = tpu.memref_slice %arg3[%dma_wait3A_258, %dma_wait3A_259] : memref<1000001x128xf32, #tpu.memory_space<hbm>> -> memref<128x128xf32, #tpu.memory_space<hbm>>
      tpu.wait_dma2 semaphore(%arg14 : memref<!tpu.dma_semaphore, #tpu.memory_space<semaphore_mem>>) src(%dma_wait3A_260 : memref<128x128xf32, #tpu.memory_space<hbm>>) dst(%arg8 : memref<128x128xf32, #tpu.memory_space<vmem>>)
      %scan3A_261 = arith.constant 0 : i32
      %scan3A_262 = arith.constant 0 : i32
      %scan3A_263 = arith.constant 64 : i32
      %scan3A_264 = arith.addi %scan3A_262, %scan3A_263 : i32
      %scan3A_265 = arith.constant 1 : i32
      scf.for %scan3A_289 = %scan3A_262 to %scan3A_264 step %scan3A_265  : i32 {
        %mul3A_290 = arith.constant 2 : i32
        %mul3A_291 = arith.muli %mul3A_290, %scan3A_289 : i32
        %add3A_292 = arith.constant 0 : i32
        %add3A_293 = arith.addi %mul3A_291, %add3A_292 : i32
        %get3A = arith.index_cast %add3A_293 : i32 to index
        %get3A_294 = arith.constant 0 : index
        %get3A_295 = tpu.vector_load %arg8[%get3A, %get3A_294] {strides = array<i32>} : memref<128x128xf32, #tpu.memory_space<vmem>>, vector<1x16xf32>,
        %get3A_296 = vector.shape_cast %get3A_295 : vector<1x16xf32> to vector<16xf32>
        %add3A_297 = arith.addf %get3A_296, %get3A_296 : vector<16xf32>
        %exp3A = math.exp %add3A_297 : vector<16xf32>
        %add3A_298 = arith.constant 1.000000e+00 : f32
        %add3A_299 = vector.broadcast %add3A_298 : f32 to vector<16xf32>
        %add3A_300 = arith.addf %exp3A, %add3A_299 : vector<16xf32>
        %div3A = arith.constant 2.000000e+00 : f32
        %div3A_301 = vector.broadcast %div3A : f32 to vector<16xf32>
        %div3A_302 = arith.divf %div3A_301, %add3A_300 : vector<16xf32>
        %sub3A = arith.constant 1.000000e+00 : f32
        %sub3A_303 = vector.broadcast %sub3A : f32 to vector<16xf32>
        %sub3A_304 = arith.subf %sub3A_303, %div3A_302 : vector<16xf32>
        %swap3A = arith.index_cast %add3A_293 : i32 to index
        %swap3A_305 = arith.constant 0 : index
        %swap3A_306 = tpu.vector_load %arg11[%swap3A, %swap3A_305] {strides = array<i32>} : memref<128x64xf32, #tpu.memory_space<vmem>>, vector<1x16xf32>,
        %swap3A_307 = vector.shape_cast %swap3A_306 : vector<1x16xf32> to vector<16xf32>
        %swap3A_308 = vector.shape_cast %sub3A_304 : vector<16xf32> to vector<1x16xf32>
        tpu.vector_store %arg11[%swap3A, %swap3A_305], %swap3A_308 {strides = array<i32>} : memref<128x64xf32, #tpu.memory_space<vmem>>, vector<1x16xf32>,
        %get3A_309 = arith.index_cast %add3A_293 : i32 to index
        %get3A_310 = arith.constant 16 : index
        %get3A_311 = tpu.vector_load %arg8[%get3A_309, %get3A_310] {strides = array<i32>} : memref<128x128xf32, #tpu.memory_space<vmem>>, vector<1x16xf32>,
        %get3A_312 = vector.shape_cast %get3A_311 : vector<1x16xf32> to vector<16xf32>
        %add3A_313 = arith.addf %get3A_312, %get3A_312 : vector<16xf32>
        %exp3A_314 = math.exp %add3A_313 : vector<16xf32>
        %add3A_315 = arith.constant 1.000000e+00 : f32
        %add3A_316 = vector.broadcast %add3A_315 : f32 to vector<16xf32>
        %add3A_317 = arith.addf %exp3A_314, %add3A_316 : vector<16xf32>
        %div3A_318 = arith.constant 2.000000e+00 : f32
        %div3A_319 = vector.broadcast %div3A_318 : f32 to vector<16xf32>
        %div3A_320 = arith.divf %div3A_319, %add3A_317 : vector<16xf32>
        %sub3A_321 = arith.constant 1.000000e+00 : f32
        %sub3A_322 = vector.broadcast %sub3A_321 : f32 to vector<16xf32>
        %sub3A_323 = arith.subf %sub3A_322, %div3A_320 : vector<16xf32>
        %swap3A_324 = arith.index_cast %add3A_293 : i32 to index
        %swap3A_325 = arith.constant 16 : index
        %swap3A_326 = tpu.vector_load %arg11[%swap3A_324, %swap3A_325] {strides = array<i32>} : memref<128x64xf32, #tpu.memory_space<vmem>>, vector<1x16xf32>,
        %swap3A_327 = vector.shape_cast %swap3A_326 : vector<1x16xf32> to vector<16xf32>
        %swap3A_328 = vector.shape_cast %sub3A_323 : vector<16xf32> to vector<1x16xf32>
        tpu.vector_store %arg11[%swap3A_324, %swap3A_325], %swap3A_328 {strides = array<i32>} : memref<128x64xf32, #tpu.memory_space<vmem>>, vector<1x16xf32>,
        %get3A_329 = arith.index_cast %add3A_293 : i32 to index
        %get3A_330 = arith.constant 32 : index
        %get3A_331 = tpu.vector_load %arg8[%get3A_329, %get3A_330] {strides = array<i32>} : memref<128x128xf32, #tpu.memory_space<vmem>>, vector<1x16xf32>,
        %get3A_332 = vector.shape_cast %get3A_331 : vector<1x16xf32> to vector<16xf32>
        %add3A_333 = arith.addf %get3A_332, %get3A_332 : vector<16xf32>
        %exp3A_334 = math.exp %add3A_333 : vector<16xf32>
        %add3A_335 = arith.constant 1.000000e+00 : f32
        %add3A_336 = vector.broadcast %add3A_335 : f32 to vector<16xf32>
        %add3A_337 = arith.addf %exp3A_334, %add3A_336 : vector<16xf32>
        %div3A_338 = arith.constant 2.000000e+00 : f32
        %div3A_339 = vector.broadcast %div3A_338 : f32 to vector<16xf32>
        %div3A_340 = arith.divf %div3A_339, %add3A_337 : vector<16xf32>
        %sub3A_341 = arith.constant 1.000000e+00 : f32
        %sub3A_342 = vector.broadcast %sub3A_341 : f32 to vector<16xf32>
        %sub3A_343 = arith.subf %sub3A_342, %div3A_340 : vector<16xf32>
        %swap3A_344 = arith.index_cast %add3A_293 : i32 to index
        %swap3A_345 = arith.constant 32 : index
        %swap3A_346 = tpu.vector_load %arg11[%swap3A_344, %swap3A_345] {strides = array<i32>} : memref<128x64xf32, #tpu.memory_space<vmem>>, vector<1x16xf32>,
        %swap3A_347 = vector.shape_cast %swap3A_346 : vector<1x16xf32> to vector<16xf32>
        %swap3A_348 = vector.shape_cast %sub3A_343 : vector<16xf32> to vector<1x16xf32>
        tpu.vector_store %arg11[%swap3A_344, %swap3A_345], %swap3A_348 {strides = array<i32>} : memref<128x64xf32, #tpu.memory_space<vmem>>, vector<1x16xf32>,
        %get3A_349 = arith.index_cast %add3A_293 : i32 to index
        %get3A_350 = arith.constant 48 : index
        %get3A_351 = tpu.vector_load %arg8[%get3A_349, %get3A_350] {strides = array<i32>} : memref<128x128xf32, #tpu.memory_space<vmem>>, vector<1x16xf32>,
        %get3A_352 = vector.shape_cast %get3A_351 : vector<1x16xf32> to vector<16xf32>
        %add3A_353 = arith.addf %get3A_352, %get3A_352 : vector<16xf32>
        %exp3A_354 = math.exp %add3A_353 : vector<16xf32>
        %add3A_355 = arith.constant 1.000000e+00 : f32
        %add3A_356 = vector.broadcast %add3A_355 : f32 to vector<16xf32>
        %add3A_357 = arith.addf %exp3A_354, %add3A_356 : vector<16xf32>
        %div3A_358 = arith.constant 2.000000e+00 : f32
        %div3A_359 = vector.broadcast %div3A_358 : f32 to vector<16xf32>
        %div3A_360 = arith.divf %div3A_359, %add3A_357 : vector<16xf32>
        %sub3A_361 = arith.constant 1.000000e+00 : f32
        %sub3A_362 = vector.broadcast %sub3A_361 : f32 to vector<16xf32>
        %sub3A_363 = arith.subf %sub3A_362, %div3A_360 : vector<16xf32>
        %swap3A_364 = arith.index_cast %add3A_293 : i32 to index
        %swap3A_365 = arith.constant 48 : index
        %swap3A_366 = tpu.vector_load %arg11[%swap3A_364, %swap3A_365] {strides = array<i32>} : memref<128x64xf32, #tpu.memory_space<vmem>>, vector<1x16xf32>,
        %swap3A_367 = vector.shape_cast %swap3A_366 : vector<1x16xf32> to vector<16xf32>
        %swap3A_368 = vector.shape_cast %sub3A_363 : vector<16xf32> to vector<1x16xf32>
        tpu.vector_store %arg11[%swap3A_364, %swap3A_365], %swap3A_368 {strides = array<i32>} : memref<128x64xf32, #tpu.memory_space<vmem>>, vector<1x16xf32>,
        %mul3A_369 = arith.constant 2 : i32
        %mul3A_370 = arith.muli %mul3A_369, %scan3A_289 : i32
        %add3A_371 = arith.constant 1 : i32
        %add3A_372 = arith.addi %mul3A_370, %add3A_371 : i32
        %get3A_373 = arith.index_cast %add3A_372 : i32 to index
        %get3A_374 = arith.constant 0 : index
        %get3A_375 = tpu.vector_load %arg8[%get3A_373, %get3A_374] {strides = array<i32>} : memref<128x128xf32, #tpu.memory_space<vmem>>, vector<1x16xf32>,
        %get3A_376 = vector.shape_cast %get3A_375 : vector<1x16xf32> to vector<16xf32>
        %add3A_377 = arith.addf %get3A_376, %get3A_376 : vector<16xf32>
        %exp3A_378 = math.exp %add3A_377 : vector<16xf32>
        %add3A_379 = arith.constant 1.000000e+00 : f32
        %add3A_380 = vector.broadcast %add3A_379 : f32 to vector<16xf32>
        %add3A_381 = arith.addf %exp3A_378, %add3A_380 : vector<16xf32>
        %div3A_382 = arith.constant 2.000000e+00 : f32
        %div3A_383 = vector.broadcast %div3A_382 : f32 to vector<16xf32>
        %div3A_384 = arith.divf %div3A_383, %add3A_381 : vector<16xf32>
        %sub3A_385 = arith.constant 1.000000e+00 : f32
        %sub3A_386 = vector.broadcast %sub3A_385 : f32 to vector<16xf32>
        %sub3A_387 = arith.subf %sub3A_386, %div3A_384 : vector<16xf32>
        %swap3A_388 = arith.index_cast %add3A_372 : i32 to index
        %swap3A_389 = arith.constant 0 : index
        %swap3A_390 = tpu.vector_load %arg11[%swap3A_388, %swap3A_389] {strides = array<i32>} : memref<128x64xf32, #tpu.memory_space<vmem>>, vector<1x16xf32>,
        %swap3A_391 = vector.shape_cast %swap3A_390 : vector<1x16xf32> to vector<16xf32>
        %swap3A_392 = vector.shape_cast %sub3A_387 : vector<16xf32> to vector<1x16xf32>
        tpu.vector_store %arg11[%swap3A_388, %swap3A_389], %swap3A_392 {strides = array<i32>} : memref<128x64xf32, #tpu.memory_space<vmem>>, vector<1x16xf32>,
        %get3A_393 = arith.index_cast %add3A_372 : i32 to index
        %get3A_394 = arith.constant 16 : index
        %get3A_395 = tpu.vector_load %arg8[%get3A_393, %get3A_394] {strides = array<i32>} : memref<128x128xf32, #tpu.memory_space<vmem>>, vector<1x16xf32>,
        %get3A_396 = vector.shape_cast %get3A_395 : vector<1x16xf32> to vector<16xf32>
        %add3A_397 = arith.addf %get3A_396, %get3A_396 : vector<16xf32>
        %exp3A_398 = math.exp %add3A_397 : vector<16xf32>
        %add3A_399 = arith.constant 1.000000e+00 : f32
        %add3A_400 = vector.broadcast %add3A_399 : f32 to vector<16xf32>
        %add3A_401 = arith.addf %exp3A_398, %add3A_400 : vector<16xf32>
        %div3A_402 = arith.constant 2.000000e+00 : f32
        %div3A_403 = vector.broadcast %div3A_402 : f32 to vector<16xf32>
        %div3A_404 = arith.divf %div3A_403, %add3A_401 : vector<16xf32>
        %sub3A_405 = arith.constant 1.000000e+00 : f32
        %sub3A_406 = vector.broadcast %sub3A_405 : f32 to vector<16xf32>
        %sub3A_407 = arith.subf %sub3A_406, %div3A_404 : vector<16xf32>
        %swap3A_408 = arith.index_cast %add3A_372 : i32 to index
        %swap3A_409 = arith.constant 16 : index
        %swap3A_410 = tpu.vector_load %arg11[%swap3A_408, %swap3A_409] {strides = array<i32>} : memref<128x64xf32, #tpu.memory_space<vmem>>, vector<1x16xf32>,
        %swap3A_411 = vector.shape_cast %swap3A_410 : vector<1x16xf32> to vector<16xf32>
        %swap3A_412 = vector.shape_cast %sub3A_407 : vector<16xf32> to vector<1x16xf32>
        tpu.vector_store %arg11[%swap3A_408, %swap3A_409], %swap3A_412 {strides = array<i32>} : memref<128x64xf32, #tpu.memory_space<vmem>>, vector<1x16xf32>,
        %get3A_413 = arith.index_cast %add3A_372 : i32 to index
        %get3A_414 = arith.constant 32 : index
        %get3A_415 = tpu.vector_load %arg8[%get3A_413, %get3A_414] {strides = array<i32>} : memref<128x128xf32, #tpu.memory_space<vmem>>, vector<1x16xf32>,
        %get3A_416 = vector.shape_cast %get3A_415 : vector<1x16xf32> to vector<16xf32>
        %add3A_417 = arith.addf %get3A_416, %get3A_416 : vector<16xf32>
        %exp3A_418 = math.exp %add3A_417 : vector<16xf32>
        %add3A_419 = arith.constant 1.000000e+00 : f32
        %add3A_420 = vector.broadcast %add3A_419 : f32 to vector<16xf32>
        %add3A_421 = arith.addf %exp3A_418, %add3A_420 : vector<16xf32>
        %div3A_422 = arith.constant 2.000000e+00 : f32
        %div3A_423 = vector.broadcast %div3A_422 : f32 to vector<16xf32>
        %div3A_424 = arith.divf %div3A_423, %add3A_421 : vector<16xf32>
        %sub3A_425 = arith.constant 1.000000e+00 : f32
        %sub3A_426 = vector.broadcast %sub3A_425 : f32 to vector<16xf32>
        %sub3A_427 = arith.subf %sub3A_426, %div3A_424 : vector<16xf32>
        %swap3A_428 = arith.index_cast %add3A_372 : i32 to index
        %swap3A_429 = arith.constant 32 : index
        %swap3A_430 = tpu.vector_load %arg11[%swap3A_428, %swap3A_429] {strides = array<i32>} : memref<128x64xf32, #tpu.memory_space<vmem>>, vector<1x16xf32>,
        %swap3A_431 = vector.shape_cast %swap3A_430 : vector<1x16xf32> to vector<16xf32>
        %swap3A_432 = vector.shape_cast %sub3A_427 : vector<16xf32> to vector<1x16xf32>
        tpu.vector_store %arg11[%swap3A_428, %swap3A_429], %swap3A_432 {strides = array<i32>} : memref<128x64xf32, #tpu.memory_space<vmem>>, vector<1x16xf32>,
        %get3A_433 = arith.index_cast %add3A_372 : i32 to index
        %get3A_434 = arith.constant 48 : index
        %get3A_435 = tpu.vector_load %arg8[%get3A_433, %get3A_434] {strides = array<i32>} : memref<128x128xf32, #tpu.memory_space<vmem>>, vector<1x16xf32>,
        %get3A_436 = vector.shape_cast %get3A_435 : vector<1x16xf32> to vector<16xf32>
        %add3A_437 = arith.addf %get3A_436, %get3A_436 : vector<16xf32>
        %exp3A_438 = math.exp %add3A_437 : vector<16xf32>
        %add3A_439 = arith.constant 1.000000e+00 : f32
        %add3A_440 = vector.broadcast %add3A_439 : f32 to vector<16xf32>
        %add3A_441 = arith.addf %exp3A_438, %add3A_440 : vector<16xf32>
        %div3A_442 = arith.constant 2.000000e+00 : f32
        %div3A_443 = vector.broadcast %div3A_442 : f32 to vector<16xf32>
        %div3A_444 = arith.divf %div3A_443, %add3A_441 : vector<16xf32>
        %sub3A_445 = arith.constant 1.000000e+00 : f32
        %sub3A_446 = vector.broadcast %sub3A_445 : f32 to vector<16xf32>
        %sub3A_447 = arith.subf %sub3A_446, %div3A_444 : vector<16xf32>
        %swap3A_448 = arith.index_cast %add3A_372 : i32 to index
        %swap3A_449 = arith.constant 48 : index
        %swap3A_450 = tpu.vector_load %arg11[%swap3A_448, %swap3A_449] {strides = array<i32>} : memref<128x64xf32, #tpu.memory_space<vmem>>, vector<1x16xf32>,
        %swap3A_451 = vector.shape_cast %swap3A_450 : vector<1x16xf32> to vector<16xf32>
        %swap3A_452 = vector.shape_cast %sub3A_447 : vector<16xf32> to vector<1x16xf32>
        tpu.vector_store %arg11[%swap3A_448, %swap3A_449], %swap3A_452 {strides = array<i32>} : memref<128x64xf32, #tpu.memory_space<vmem>>, vector<1x16xf32>,
      }
      %scan3A_266 = arith.constant 64 : i32
      %add3A_267 = arith.addi %multiple_of3A, %add3A_254 : i32
      %mul3A_268 = arith.constant 128 : i32
      %mul3A_269 = arith.muli %add3A_267, %mul3A_268 : i32
      %multiple_of3A_270 = tpu.assume_multiple %mul3A_269, 8 : i32
      %dma_start3A_271 = arith.constant 0 : i32
      %dma_start3A_272 = tpu.memref_slice %arg4[%multiple_of3A_270, %dma_start3A_271] : memref<819200x64xf32, #tpu.memory_space<hbm>> -> memref<128x64xf32, #tpu.memory_space<hbm>>
      %dma_start3A_273 = arith.constant 0 : i32
      %dma_start3A_274 = tpu.memref_slice %arg4[%multiple_of3A_270, %dma_start3A_273] : memref<819200x64xf32, #tpu.memory_space<hbm>> -> memref<128x64xf32, #tpu.memory_space<hbm>>
      tpu.enqueue_dma source(%arg11 : memref<128x64xf32, #tpu.memory_space<vmem>>) target(%dma_start3A_274 : memref<128x64xf32, #tpu.memory_space<hbm>>) target_semaphore(%arg17 : memref<!tpu.dma_semaphore, #tpu.memory_space<semaphore_mem>>)
      %dma_wait3A_275 = arith.constant 0 : i32
      %dma_wait3A_276 = arith.constant 0 : i32
      %dma_wait3A_277 = tpu.memref_slice %arg4[%dma_wait3A_275, %dma_wait3A_276] : memref<819200x64xf32, #tpu.memory_space<hbm>> -> memref<128x64xf32, #tpu.memory_space<hbm>>
      %dma_wait3A_278 = arith.constant 0 : i32
      %dma_wait3A_279 = arith.constant 0 : i32
      %dma_wait3A_280 = tpu.memref_slice %arg4[%dma_wait3A_278, %dma_wait3A_279] : memref<819200x64xf32, #tpu.memory_space<hbm>> -> memref<128x64xf32, #tpu.memory_space<hbm>>
      tpu.wait_dma2 semaphore(%arg16 : memref<!tpu.dma_semaphore, #tpu.memory_space<semaphore_mem>>) src(%arg10 : memref<128x64xf32, #tpu.memory_space<vmem>>) dst(%dma_wait3A_280 : memref<128x64xf32, #tpu.memory_space<hbm>>)
      %add3A_281 = arith.constant 2 : i32
      %add3A_282 = arith.addi %add3A_254, %add3A_281 : i32
      %dma_start3A_283 = arith.constant 0 : i32
      %dma_start3A_284 = tpu.memref_slice %arg5[%add3A_282, %dma_start3A_283] : memref<200x128xi32, #tpu.memory_space<vmem>> -> memref<1x128xi32, #tpu.memory_space<vmem>>
      %dma_start3A_285 = tpu.memref_squeeze %dma_start3A_284 : memref<1x128xi32, #tpu.memory_space<vmem>> -> memref<128xi32, #tpu.memory_space<vmem>>
      %dma_start3A_286 = arith.constant 0 : i32
      %dma_start3A_287 = arith.constant 0 : i32
      %dma_start3A_288 = tpu.memref_slice %arg3[%dma_start3A_286, %dma_start3A_287] : memref<1000001x128xf32, #tpu.memory_space<hbm>> -> memref<1000001x128xf32, #tpu.memory_space<hbm>>
      tpu.enqueue_indirect_dma source(%dma_start3A_288 : memref<1000001x128xf32, #tpu.memory_space<hbm>>) target(%arg7 : memref<128x128xf32, #tpu.memory_space<vmem>>) offsets(%dma_start3A_285 : memref<128xi32, #tpu.memory_space<vmem>>) semaphore(%arg13 : memref<!tpu.dma_semaphore, #tpu.memory_space<semaphore_mem>>)
    }
    %scan3A_115 = arith.constant 65 : i32
    %dma_wait3A_116 = arith.constant 0 : i32
    %dma_wait3A_117 = arith.constant 0 : i32
    %dma_wait3A_118 = tpu.memref_slice %arg3[%dma_wait3A_116, %dma_wait3A_117] : memref<1000001x128xf32, #tpu.memory_space<hbm>> -> memref<128x128xf32, #tpu.memory_space<hbm>>
    %dma_wait3A_119 = arith.constant 0 : i32
    %dma_wait3A_120 = arith.constant 0 : i32
    %dma_wait3A_121 = tpu.memref_slice %arg3[%dma_wait3A_119, %dma_wait3A_120] : memref<1000001x128xf32, #tpu.memory_space<hbm>> -> memref<128x128xf32, #tpu.memory_space<hbm>>
    tpu.wait_dma2 semaphore(%arg12 : memref<!tpu.dma_semaphore, #tpu.memory_space<semaphore_mem>>) src(%dma_wait3A_121 : memref<128x128xf32, #tpu.memory_space<hbm>>) dst(%arg6 : memref<128x128xf32, #tpu.memory_space<vmem>>)
    %scan3A_122 = arith.constant 0 : i32
    %scan3A_123 = arith.constant 0 : i32
    %scan3A_124 = arith.constant 64 : i32
    %scan3A_125 = arith.addi %scan3A_123, %scan3A_124 : i32
    %scan3A_126 = arith.constant 1 : i32
    scf.for %scan3A_176 = %scan3A_123 to %scan3A_125 step %scan3A_126  : i32 {
      %mul3A_177 = arith.constant 2 : i32
      %mul3A_178 = arith.muli %mul3A_177, %scan3A_176 : i32
      %add3A_179 = arith.constant 0 : i32
      %add3A_180 = arith.addi %mul3A_178, %add3A_179 : i32
      %get3A = arith.index_cast %add3A_180 : i32 to index
      %get3A_181 = arith.constant 0 : index
      %get3A_182 = tpu.vector_load %arg6[%get3A, %get3A_181] {strides = array<i32>} : memref<128x128xf32, #tpu.memory_space<vmem>>, vector<1x16xf32>,
      %get3A_183 = vector.shape_cast %get3A_182 : vector<1x16xf32> to vector<16xf32>
      %add3A_184 = arith.addf %get3A_183, %get3A_183 : vector<16xf32>
      %exp3A = math.exp %add3A_184 : vector<16xf32>
      %add3A_185 = arith.constant 1.000000e+00 : f32
      %add3A_186 = vector.broadcast %add3A_185 : f32 to vector<16xf32>
      %add3A_187 = arith.addf %exp3A, %add3A_186 : vector<16xf32>
      %div3A = arith.constant 2.000000e+00 : f32
      %div3A_188 = vector.broadcast %div3A : f32 to vector<16xf32>
      %div3A_189 = arith.divf %div3A_188, %add3A_187 : vector<16xf32>
      %sub3A = arith.constant 1.000000e+00 : f32
      %sub3A_190 = vector.broadcast %sub3A : f32 to vector<16xf32>
      %sub3A_191 = arith.subf %sub3A_190, %div3A_189 : vector<16xf32>
      %swap3A = arith.index_cast %add3A_180 : i32 to index
      %swap3A_192 = arith.constant 0 : index
      %swap3A_193 = tpu.vector_load %arg9[%swap3A, %swap3A_192] {strides = array<i32>} : memref<128x64xf32, #tpu.memory_space<vmem>>, vector<1x16xf32>,
      %swap3A_194 = vector.shape_cast %swap3A_193 : vector<1x16xf32> to vector<16xf32>
      %swap3A_195 = vector.shape_cast %sub3A_191 : vector<16xf32> to vector<1x16xf32>
      tpu.vector_store %arg9[%swap3A, %swap3A_192], %swap3A_195 {strides = array<i32>} : memref<128x64xf32, #tpu.memory_space<vmem>>, vector<1x16xf32>,
      %get3A_196 = arith.index_cast %add3A_180 : i32 to index
      %get3A_197 = arith.constant 16 : index
      %get3A_198 = tpu.vector_load %arg6[%get3A_196, %get3A_197] {strides = array<i32>} : memref<128x128xf32, #tpu.memory_space<vmem>>, vector<1x16xf32>,
      %get3A_199 = vector.shape_cast %get3A_198 : vector<1x16xf32> to vector<16xf32>
      %add3A_200 = arith.addf %get3A_199, %get3A_199 : vector<16xf32>
      %exp3A_201 = math.exp %add3A_200 : vector<16xf32>
      %add3A_202 = arith.constant 1.000000e+00 : f32
      %add3A_203 = vector.broadcast %add3A_202 : f32 to vector<16xf32>
      %add3A_204 = arith.addf %exp3A_201, %add3A_203 : vector<16xf32>
      %div3A_205 = arith.constant 2.000000e+00 : f32
      %div3A_206 = vector.broadcast %div3A_205 : f32 to vector<16xf32>
      %div3A_207 = arith.divf %div3A_206, %add3A_204 : vector<16xf32>
      %sub3A_208 = arith.constant 1.000000e+00 : f32
      %sub3A_209 = vector.broadcast %sub3A_208 : f32 to vector<16xf32>
      %sub3A_210 = arith.subf %sub3A_209, %div3A_207 : vector<16xf32>
      %swap3A_211 = arith.index_cast %add3A_180 : i32 to index
      %swap3A_212 = arith.constant 16 : index
      %swap3A_213 = tpu.vector_load %arg9[%swap3A_211, %swap3A_212] {strides = array<i32>} : memref<128x64xf32, #tpu.memory_space<vmem>>, vector<1x16xf32>,
      %swap3A_214 = vector.shape_cast %swap3A_213 : vector<1x16xf32> to vector<16xf32>
      %swap3A_215 = vector.shape_cast %sub3A_210 : vector<16xf32> to vector<1x16xf32>
      tpu.vector_store %arg9[%swap3A_211, %swap3A_212], %swap3A_215 {strides = array<i32>} : memref<128x64xf32, #tpu.memory_space<vmem>>, vector<1x16xf32>,
      %get3A_216 = arith.index_cast %add3A_180 : i32 to index
      %get3A_217 = arith.constant 32 : index
      %get3A_218 = tpu.vector_load %arg6[%get3A_216, %get3A_217] {strides = array<i32>} : memref<128x128xf32, #tpu.memory_space<vmem>>, vector<1x16xf32>,
      %get3A_219 = vector.shape_cast %get3A_218 : vector<1x16xf32> to vector<16xf32>
      %add3A_220 = arith.addf %get3A_219, %get3A_219 : vector<16xf32>
      %exp3A_221 = math.exp %add3A_220 : vector<16xf32>
      %add3A_222 = arith.constant 1.000000e+00 : f32
      %add3A_223 = vector.broadcast %add3A_222 : f32 to vector<16xf32>
      %add3A_224 = arith.addf %exp3A_221, %add3A_223 : vector<16xf32>
      %div3A_225 = arith.constant 2.000000e+00 : f32
      %div3A_226 = vector.broadcast %div3A_225 : f32 to vector<16xf32>
      %div3A_227 = arith.divf %div3A_226, %add3A_224 : vector<16xf32>
      %sub3A_228 = arith.constant 1.000000e+00 : f32
      %sub3A_229 = vector.broadcast %sub3A_228 : f32 to vector<16xf32>
      %sub3A_230 = arith.subf %sub3A_229, %div3A_227 : vector<16xf32>
      %swap3A_231 = arith.index_cast %add3A_180 : i32 to index
      %swap3A_232 = arith.constant 32 : index
      %swap3A_233 = tpu.vector_load %arg9[%swap3A_231, %swap3A_232] {strides = array<i32>} : memref<128x64xf32, #tpu.memory_space<vmem>>, vector<1x16xf32>,
      %swap3A_234 = vector.shape_cast %swap3A_233 : vector<1x16xf32> to vector<16xf32>
      %swap3A_235 = vector.shape_cast %sub3A_230 : vector<16xf32> to vector<1x16xf32>
      tpu.vector_store %arg9[%swap3A_231, %swap3A_232], %swap3A_235 {strides = array<i32>} : memref<128x64xf32, #tpu.memory_space<vmem>>, vector<1x16xf32>,
      %get3A_236 = arith.index_cast %add3A_180 : i32 to index
      %get3A_237 = arith.constant 48 : index
      %get3A_238 = tpu.vector_load %arg6[%get3A_236, %get3A_237] {strides = array<i32>} : memref<128x128xf32, #tpu.memory_space<vmem>>, vector<1x16xf32>,
      %get3A_239 = vector.shape_cast %get3A_238 : vector<1x16xf32> to vector<16xf32>
      %add3A_240 = arith.addf %get3A_239, %get3A_239 : vector<16xf32>
      %exp3A_241 = math.exp %add3A_240 : vector<16xf32>
      %add3A_242 = arith.constant 1.000000e+00 : f32
      %add3A_243 = vector.broadcast %add3A_242 : f32 to vector<16xf32>
      %add3A_244 = arith.addf %exp3A_241, %add3A_243 : vector<16xf32>
      %div3A_245 = arith.constant 2.000000e+00 : f32
      %div3A_246 = vector.broadcast %div3A_245 : f32 to vector<16xf32>
      %div3A_247 = arith.divf %div3A_246, %add3A_244 : vector<16xf32>
      %sub3A_248 = arith.constant 1.000000e+00 : f32
      %sub3A_249 = vector.broadcast %sub3A_248 : f32 to vector<16xf32>
      %sub3A_250 = arith.subf %sub3A_249, %div3A_247 : vector<16xf32>
      %swap3A_251 = arith.index_cast %add3A_180 : i32 to index
      %swap3A_252 = arith.constant 48 : index
      %swap3A_253 = tpu.vector_load %arg9[%swap3A_251, %swap3A_252] {strides = array<i32>} : memref<128x64xf32, #tpu.memory_space<vmem>>, vector<1x16xf32>,
      %swap3A_254 = vector.shape_cast %swap3A_253 : vector<1x16xf32> to vector<16xf32>
      %swap3A_255 = vector.shape_cast %sub3A_250 : vector<16xf32> to vector<1x16xf32>
      tpu.vector_store %arg9[%swap3A_251, %swap3A_252], %swap3A_255 {strides = array<i32>} : memref<128x64xf32, #tpu.memory_space<vmem>>, vector<1x16xf32>,
      %mul3A_256 = arith.constant 2 : i32
      %mul3A_257 = arith.muli %mul3A_256, %scan3A_176 : i32
      %add3A_258 = arith.constant 1 : i32
      %add3A_259 = arith.addi %mul3A_257, %add3A_258 : i32
      %get3A_260 = arith.index_cast %add3A_259 : i32 to index
      %get3A_261 = arith.constant 0 : index
      %get3A_262 = tpu.vector_load %arg6[%get3A_260, %get3A_261] {strides = array<i32>} : memref<128x128xf32, #tpu.memory_space<vmem>>, vector<1x16xf32>,
      %get3A_263 = vector.shape_cast %get3A_262 : vector<1x16xf32> to vector<16xf32>
      %add3A_264 = arith.addf %get3A_263, %get3A_263 : vector<16xf32>
      %exp3A_265 = math.exp %add3A_264 : vector<16xf32>
      %add3A_266 = arith.constant 1.000000e+00 : f32
      %add3A_267 = vector.broadcast %add3A_266 : f32 to vector<16xf32>
      %add3A_268 = arith.addf %exp3A_265, %add3A_267 : vector<16xf32>
      %div3A_269 = arith.constant 2.000000e+00 : f32
      %div3A_270 = vector.broadcast %div3A_269 : f32 to vector<16xf32>
      %div3A_271 = arith.divf %div3A_270, %add3A_268 : vector<16xf32>
      %sub3A_272 = arith.constant 1.000000e+00 : f32
      %sub3A_273 = vector.broadcast %sub3A_272 : f32 to vector<16xf32>
      %sub3A_274 = arith.subf %sub3A_273, %div3A_271 : vector<16xf32>
      %swap3A_275 = arith.index_cast %add3A_259 : i32 to index
      %swap3A_276 = arith.constant 0 : index
      %swap3A_277 = tpu.vector_load %arg9[%swap3A_275, %swap3A_276] {strides = array<i32>} : memref<128x64xf32, #tpu.memory_space<vmem>>, vector<1x16xf32>,
      %swap3A_278 = vector.shape_cast %swap3A_277 : vector<1x16xf32> to vector<16xf32>
      %swap3A_279 = vector.shape_cast %sub3A_274 : vector<16xf32> to vector<1x16xf32>
      tpu.vector_store %arg9[%swap3A_275, %swap3A_276], %swap3A_279 {strides = array<i32>} : memref<128x64xf32, #tpu.memory_space<vmem>>, vector<1x16xf32>,
      %get3A_280 = arith.index_cast %add3A_259 : i32 to index
      %get3A_281 = arith.constant 16 : index
      %get3A_282 = tpu.vector_load %arg6[%get3A_280, %get3A_281] {strides = array<i32>} : memref<128x128xf32, #tpu.memory_space<vmem>>, vector<1x16xf32>,
      %get3A_283 = vector.shape_cast %get3A_282 : vector<1x16xf32> to vector<16xf32>
      %add3A_284 = arith.addf %get3A_283, %get3A_283 : vector<16xf32>
      %exp3A_285 = math.exp %add3A_284 : vector<16xf32>
      %add3A_286 = arith.constant 1.000000e+00 : f32
      %add3A_287 = vector.broadcast %add3A_286 : f32 to vector<16xf32>
      %add3A_288 = arith.addf %exp3A_285, %add3A_287 : vector<16xf32>
      %div3A_289 = arith.constant 2.000000e+00 : f32
      %div3A_290 = vector.broadcast %div3A_289 : f32 to vector<16xf32>
      %div3A_291 = arith.divf %div3A_290, %add3A_288 : vector<16xf32>
      %sub3A_292 = arith.constant 1.000000e+00 : f32
      %sub3A_293 = vector.broadcast %sub3A_292 : f32 to vector<16xf32>
      %sub3A_294 = arith.subf %sub3A_293, %div3A_291 : vector<16xf32>
      %swap3A_295 = arith.index_cast %add3A_259 : i32 to index
      %swap3A_296 = arith.constant 16 : index
      %swap3A_297 = tpu.vector_load %arg9[%swap3A_295, %swap3A_296] {strides = array<i32>} : memref<128x64xf32, #tpu.memory_space<vmem>>, vector<1x16xf32>,
      %swap3A_298 = vector.shape_cast %swap3A_297 : vector<1x16xf32> to vector<16xf32>
      %swap3A_299 = vector.shape_cast %sub3A_294 : vector<16xf32> to vector<1x16xf32>
      tpu.vector_store %arg9[%swap3A_295, %swap3A_296], %swap3A_299 {strides = array<i32>} : memref<128x64xf32, #tpu.memory_space<vmem>>, vector<1x16xf32>,
      %get3A_300 = arith.index_cast %add3A_259 : i32 to index
      %get3A_301 = arith.constant 32 : index
      %get3A_302 = tpu.vector_load %arg6[%get3A_300, %get3A_301] {strides = array<i32>} : memref<128x128xf32, #tpu.memory_space<vmem>>, vector<1x16xf32>,
      %get3A_303 = vector.shape_cast %get3A_302 : vector<1x16xf32> to vector<16xf32>
      %add3A_304 = arith.addf %get3A_303, %get3A_303 : vector<16xf32>
      %exp3A_305 = math.exp %add3A_304 : vector<16xf32>
      %add3A_306 = arith.constant 1.000000e+00 : f32
      %add3A_307 = vector.broadcast %add3A_306 : f32 to vector<16xf32>
      %add3A_308 = arith.addf %exp3A_305, %add3A_307 : vector<16xf32>
      %div3A_309 = arith.constant 2.000000e+00 : f32
      %div3A_310 = vector.broadcast %div3A_309 : f32 to vector<16xf32>
      %div3A_311 = arith.divf %div3A_310, %add3A_308 : vector<16xf32>
      %sub3A_312 = arith.constant 1.000000e+00 : f32
      %sub3A_313 = vector.broadcast %sub3A_312 : f32 to vector<16xf32>
      %sub3A_314 = arith.subf %sub3A_313, %div3A_311 : vector<16xf32>
      %swap3A_315 = arith.index_cast %add3A_259 : i32 to index
      %swap3A_316 = arith.constant 32 : index
      %swap3A_317 = tpu.vector_load %arg9[%swap3A_315, %swap3A_316] {strides = array<i32>} : memref<128x64xf32, #tpu.memory_space<vmem>>, vector<1x16xf32>,
      %swap3A_318 = vector.shape_cast %swap3A_317 : vector<1x16xf32> to vector<16xf32>
      %swap3A_319 = vector.shape_cast %sub3A_314 : vector<16xf32> to vector<1x16xf32>
      tpu.vector_store %arg9[%swap3A_315, %swap3A_316], %swap3A_319 {strides = array<i32>} : memref<128x64xf32, #tpu.memory_space<vmem>>, vector<1x16xf32>,
      %get3A_320 = arith.index_cast %add3A_259 : i32 to index
      %get3A_321 = arith.constant 48 : index
      %get3A_322 = tpu.vector_load %arg6[%get3A_320, %get3A_321] {strides = array<i32>} : memref<128x128xf32, #tpu.memory_space<vmem>>, vector<1x16xf32>,
      %get3A_323 = vector.shape_cast %get3A_322 : vector<1x16xf32> to vector<16xf32>
      %add3A_324 = arith.addf %get3A_323, %get3A_323 : vector<16xf32>
      %exp3A_325 = math.exp %add3A_324 : vector<16xf32>
      %add3A_326 = arith.constant 1.000000e+00 : f32
      %add3A_327 = vector.broadcast %add3A_326 : f32 to vector<16xf32>
      %add3A_328 = arith.addf %exp3A_325, %add3A_327 : vector<16xf32>
      %div3A_329 = arith.constant 2.000000e+00 : f32
      %div3A_330 = vector.broadcast %div3A_329 : f32 to vector<16xf32>
      %div3A_331 = arith.divf %div3A_330, %add3A_328 : vector<16xf32>
      %sub3A_332 = arith.constant 1.000000e+00 : f32
      %sub3A_333 = vector.broadcast %sub3A_332 : f32 to vector<16xf32>
      %sub3A_334 = arith.subf %sub3A_333, %div3A_331 : vector<16xf32>
      %swap3A_335 = arith.index_cast %add3A_259 : i32 to index
      %swap3A_336 = arith.constant 48 : index
      %swap3A_337 = tpu.vector_load %arg9[%swap3A_335, %swap3A_336] {strides = array<i32>} : memref<128x64xf32, #tpu.memory_space<vmem>>, vector<1x16xf32>,
      %swap3A_338 = vector.shape_cast %swap3A_337 : vector<1x16xf32> to vector<16xf32>
      %swap3A_339 = vector.shape_cast %sub3A_334 : vector<16xf32> to vector<1x16xf32>
      tpu.vector_store %arg9[%swap3A_335, %swap3A_336], %swap3A_339 {strides = array<i32>} : memref<128x64xf32, #tpu.memory_space<vmem>>, vector<1x16xf32>,
    }
    %scan3A_127 = arith.constant 64 : i32
    %add3A_128 = arith.constant 198 : i32
    %add3A_129 = arith.addi %multiple_of3A, %add3A_128 : i32
    %mul3A_130 = arith.constant 128 : i32
    %mul3A_131 = arith.muli %add3A_129, %mul3A_130 : i32
    %multiple_of3A_132 = tpu.assume_multiple %mul3A_131, 8 : i32
    %dma_start3A_133 = arith.constant 0 : i32
    %dma_start3A_134 = tpu.memref_slice %arg4[%multiple_of3A_132, %dma_start3A_133] : memref<819200x64xf32, #tpu.memory_space<hbm>> -> memref<128x64xf32, #tpu.memory_space<hbm>>
    %dma_start3A_135 = arith.constant 0 : i32
    %dma_start3A_136 = tpu.memref_slice %arg4[%multiple_of3A_132, %dma_start3A_135] : memref<819200x64xf32, #tpu.memory_space<hbm>> -> memref<128x64xf32, #tpu.memory_space<hbm>>
    tpu.enqueue_dma source(%arg9 : memref<128x64xf32, #tpu.memory_space<vmem>>) target(%dma_start3A_136 : memref<128x64xf32, #tpu.memory_space<hbm>>) target_semaphore(%arg15 : memref<!tpu.dma_semaphore, #tpu.memory_space<semaphore_mem>>)
    %dma_wait3A_137 = arith.constant 0 : i32
    %dma_wait3A_138 = arith.constant 0 : i32
    %dma_wait3A_139 = tpu.memref_slice %arg3[%dma_wait3A_137, %dma_wait3A_138] : memref<1000001x128xf32, #tpu.memory_space<hbm>> -> memref<128x128xf32, #tpu.memory_space<hbm>>
    %dma_wait3A_140 = arith.constant 0 : i32
    %dma_wait3A_141 = arith.constant 0 : i32
    %dma_wait3A_142 = tpu.memref_slice %arg3[%dma_wait3A_140, %dma_wait3A_141] : memref<1000001x128xf32, #tpu.memory_space<hbm>> -> memref<128x128xf32, #tpu.memory_space<hbm>>
    tpu.wait_dma2 semaphore(%arg13 : memref<!tpu.dma_semaphore, #tpu.memory_space<semaphore_mem>>) src(%dma_wait3A_142 : memref<128x128xf32, #tpu.memory_space<hbm>>) dst(%arg7 : memref<128x128xf32, #tpu.memory_space<vmem>>)
    %scan3A_143 = arith.constant 0 : i32
    %scan3A_144 = arith.constant 0 : i32
    %scan3A_145 = arith.constant 64 : i32
    %scan3A_146 = arith.addi %scan3A_144, %scan3A_145 : i32
    %scan3A_147 = arith.constant 1 : i32
    scf.for %scan3A_176 = %scan3A_144 to %scan3A_146 step %scan3A_147  : i32 {
      %mul3A_177 = arith.constant 2 : i32
      %mul3A_178 = arith.muli %mul3A_177, %scan3A_176 : i32
      %add3A_179 = arith.constant 0 : i32
      %add3A_180 = arith.addi %mul3A_178, %add3A_179 : i32
      %get3A = arith.index_cast %add3A_180 : i32 to index
      %get3A_181 = arith.constant 0 : index
      %get3A_182 = tpu.vector_load %arg7[%get3A, %get3A_181] {strides = array<i32>} : memref<128x128xf32, #tpu.memory_space<vmem>>, vector<1x16xf32>,
      %get3A_183 = vector.shape_cast %get3A_182 : vector<1x16xf32> to vector<16xf32>
      %add3A_184 = arith.addf %get3A_183, %get3A_183 : vector<16xf32>
      %exp3A = math.exp %add3A_184 : vector<16xf32>
      %add3A_185 = arith.constant 1.000000e+00 : f32
      %add3A_186 = vector.broadcast %add3A_185 : f32 to vector<16xf32>
      %add3A_187 = arith.addf %exp3A, %add3A_186 : vector<16xf32>
      %div3A = arith.constant 2.000000e+00 : f32
      %div3A_188 = vector.broadcast %div3A : f32 to vector<16xf32>
      %div3A_189 = arith.divf %div3A_188, %add3A_187 : vector<16xf32>
      %sub3A = arith.constant 1.000000e+00 : f32
      %sub3A_190 = vector.broadcast %sub3A : f32 to vector<16xf32>
      %sub3A_191 = arith.subf %sub3A_190, %div3A_189 : vector<16xf32>
      %swap3A = arith.index_cast %add3A_180 : i32 to index
      %swap3A_192 = arith.constant 0 : index
      %swap3A_193 = tpu.vector_load %arg10[%swap3A, %swap3A_192] {strides = array<i32>} : memref<128x64xf32, #tpu.memory_space<vmem>>, vector<1x16xf32>,
      %swap3A_194 = vector.shape_cast %swap3A_193 : vector<1x16xf32> to vector<16xf32>
      %swap3A_195 = vector.shape_cast %sub3A_191 : vector<16xf32> to vector<1x16xf32>
      tpu.vector_store %arg10[%swap3A, %swap3A_192], %swap3A_195 {strides = array<i32>} : memref<128x64xf32, #tpu.memory_space<vmem>>, vector<1x16xf32>,
      %get3A_196 = arith.index_cast %add3A_180 : i32 to index
      %get3A_197 = arith.constant 16 : index
      %get3A_198 = tpu.vector_load %arg7[%get3A_196, %get3A_197] {strides = array<i32>} : memref<128x128xf32, #tpu.memory_space<vmem>>, vector<1x16xf32>,
      %get3A_199 = vector.shape_cast %get3A_198 : vector<1x16xf32> to vector<16xf32>
      %add3A_200 = arith.addf %get3A_199, %get3A_199 : vector<16xf32>
      %exp3A_201 = math.exp %add3A_200 : vector<16xf32>
      %add3A_202 = arith.constant 1.000000e+00 : f32
      %add3A_203 = vector.broadcast %add3A_202 : f32 to vector<16xf32>
      %add3A_204 = arith.addf %exp3A_201, %add3A_203 : vector<16xf32>
      %div3A_205 = arith.constant 2.000000e+00 : f32
      %div3A_206 = vector.broadcast %div3A_205 : f32 to vector<16xf32>
      %div3A_207 = arith.divf %div3A_206, %add3A_204 : vector<16xf32>
      %sub3A_208 = arith.constant 1.000000e+00 : f32
      %sub3A_209 = vector.broadcast %sub3A_208 : f32 to vector<16xf32>
      %sub3A_210 = arith.subf %sub3A_209, %div3A_207 : vector<16xf32>
      %swap3A_211 = arith.index_cast %add3A_180 : i32 to index
      %swap3A_212 = arith.constant 16 : index
      %swap3A_213 = tpu.vector_load %arg10[%swap3A_211, %swap3A_212] {strides = array<i32>} : memref<128x64xf32, #tpu.memory_space<vmem>>, vector<1x16xf32>,
      %swap3A_214 = vector.shape_cast %swap3A_213 : vector<1x16xf32> to vector<16xf32>
      %swap3A_215 = vector.shape_cast %sub3A_210 : vector<16xf32> to vector<1x16xf32>
      tpu.vector_store %arg10[%swap3A_211, %swap3A_212], %swap3A_215 {strides = array<i32>} : memref<128x64xf32, #tpu.memory_space<vmem>>, vector<1x16xf32>,
      %get3A_216 = arith.index_cast %add3A_180 : i32 to index
      %get3A_217 = arith.constant 32 : index
      %get3A_218 = tpu.vector_load %arg7[%get3A_216, %get3A_217] {strides = array<i32>} : memref<128x128xf32, #tpu.memory_space<vmem>>, vector<1x16xf32>,
      %get3A_219 = vector.shape_cast %get3A_218 : vector<1x16xf32> to vector<16xf32>
      %add3A_220 = arith.addf %get3A_219, %get3A_219 : vector<16xf32>
      %exp3A_221 = math.exp %add3A_220 : vector<16xf32>
      %add3A_222 = arith.constant 1.000000e+00 : f32
      %add3A_223 = vector.broadcast %add3A_222 : f32 to vector<16xf32>
      %add3A_224 = arith.addf %exp3A_221, %add3A_223 : vector<16xf32>
      %div3A_225 = arith.constant 2.000000e+00 : f32
      %div3A_226 = vector.broadcast %div3A_225 : f32 to vector<16xf32>
      %div3A_227 = arith.divf %div3A_226, %add3A_224 : vector<16xf32>
      %sub3A_228 = arith.constant 1.000000e+00 : f32
      %sub3A_229 = vector.broadcast %sub3A_228 : f32 to vector<16xf32>
      %sub3A_230 = arith.subf %sub3A_229, %div3A_227 : vector<16xf32>
      %swap3A_231 = arith.index_cast %add3A_180 : i32 to index
      %swap3A_232 = arith.constant 32 : index
      %swap3A_233 = tpu.vector_load %arg10[%swap3A_231, %swap3A_232] {strides = array<i32>} : memref<128x64xf32, #tpu.memory_space<vmem>>, vector<1x16xf32>,
      %swap3A_234 = vector.shape_cast %swap3A_233 : vector<1x16xf32> to vector<16xf32>
      %swap3A_235 = vector.shape_cast %sub3A_230 : vector<16xf32> to vector<1x16xf32>
      tpu.vector_store %arg10[%swap3A_231, %swap3A_232], %swap3A_235 {strides = array<i32>} : memref<128x64xf32, #tpu.memory_space<vmem>>, vector<1x16xf32>,
      %get3A_236 = arith.index_cast %add3A_180 : i32 to index
      %get3A_237 = arith.constant 48 : index
      %get3A_238 = tpu.vector_load %arg7[%get3A_236, %get3A_237] {strides = array<i32>} : memref<128x128xf32, #tpu.memory_space<vmem>>, vector<1x16xf32>,
      %get3A_239 = vector.shape_cast %get3A_238 : vector<1x16xf32> to vector<16xf32>
      %add3A_240 = arith.addf %get3A_239, %get3A_239 : vector<16xf32>
      %exp3A_241 = math.exp %add3A_240 : vector<16xf32>
      %add3A_242 = arith.constant 1.000000e+00 : f32
      %add3A_243 = vector.broadcast %add3A_242 : f32 to vector<16xf32>
      %add3A_244 = arith.addf %exp3A_241, %add3A_243 : vector<16xf32>
      %div3A_245 = arith.constant 2.000000e+00 : f32
      %div3A_246 = vector.broadcast %div3A_245 : f32 to vector<16xf32>
      %div3A_247 = arith.divf %div3A_246, %add3A_244 : vector<16xf32>
      %sub3A_248 = arith.constant 1.000000e+00 : f32
      %sub3A_249 = vector.broadcast %sub3A_248 : f32 to vector<16xf32>
      %sub3A_250 = arith.subf %sub3A_249, %div3A_247 : vector<16xf32>
      %swap3A_251 = arith.index_cast %add3A_180 : i32 to index
      %swap3A_252 = arith.constant 48 : index
      %swap3A_253 = tpu.vector_load %arg10[%swap3A_251, %swap3A_252] {strides = array<i32>} : memref<128x64xf32, #tpu.memory_space<vmem>>, vector<1x16xf32>,
      %swap3A_254 = vector.shape_cast %swap3A_253 : vector<1x16xf32> to vector<16xf32>
      %swap3A_255 = vector.shape_cast %sub3A_250 : vector<16xf32> to vector<1x16xf32>
      tpu.vector_store %arg10[%swap3A_251, %swap3A_252], %swap3A_255 {strides = array<i32>} : memref<128x64xf32, #tpu.memory_space<vmem>>, vector<1x16xf32>,
      %mul3A_256 = arith.constant 2 : i32
      %mul3A_257 = arith.muli %mul3A_256, %scan3A_176 : i32
      %add3A_258 = arith.constant 1 : i32
      %add3A_259 = arith.addi %mul3A_257, %add3A_258 : i32
      %get3A_260 = arith.index_cast %add3A_259 : i32 to index
      %get3A_261 = arith.constant 0 : index
      %get3A_262 = tpu.vector_load %arg7[%get3A_260, %get3A_261] {strides = array<i32>} : memref<128x128xf32, #tpu.memory_space<vmem>>, vector<1x16xf32>,
      %get3A_263 = vector.shape_cast %get3A_262 : vector<1x16xf32> to vector<16xf32>
      %add3A_264 = arith.addf %get3A_263, %get3A_263 : vector<16xf32>
      %exp3A_265 = math.exp %add3A_264 : vector<16xf32>
      %add3A_266 = arith.constant 1.000000e+00 : f32
      %add3A_267 = vector.broadcast %add3A_266 : f32 to vector<16xf32>
      %add3A_268 = arith.addf %exp3A_265, %add3A_267 : vector<16xf32>
      %div3A_269 = arith.constant 2.000000e+00 : f32
      %div3A_270 = vector.broadcast %div3A_269 : f32 to vector<16xf32>
      %div3A_271 = arith.divf %div3A_270, %add3A_268 : vector<16xf32>
      %sub3A_272 = arith.constant 1.000000e+00 : f32
      %sub3A_273 = vector.broadcast %sub3A_272 : f32 to vector<16xf32>
      %sub3A_274 = arith.subf %sub3A_273, %div3A_271 : vector<16xf32>
      %swap3A_275 = arith.index_cast %add3A_259 : i32 to index
      %swap3A_276 = arith.constant 0 : index
      %swap3A_277 = tpu.vector_load %arg10[%swap3A_275, %swap3A_276] {strides = array<i32>} : memref<128x64xf32, #tpu.memory_space<vmem>>, vector<1x16xf32>,
      %swap3A_278 = vector.shape_cast %swap3A_277 : vector<1x16xf32> to vector<16xf32>
      %swap3A_279 = vector.shape_cast %sub3A_274 : vector<16xf32> to vector<1x16xf32>
      tpu.vector_store %arg10[%swap3A_275, %swap3A_276], %swap3A_279 {strides = array<i32>} : memref<128x64xf32, #tpu.memory_space<vmem>>, vector<1x16xf32>,
      %get3A_280 = arith.index_cast %add3A_259 : i32 to index
      %get3A_281 = arith.constant 16 : index
      %get3A_282 = tpu.vector_load %arg7[%get3A_280, %get3A_281] {strides = array<i32>} : memref<128x128xf32, #tpu.memory_space<vmem>>, vector<1x16xf32>,
      %get3A_283 = vector.shape_cast %get3A_282 : vector<1x16xf32> to vector<16xf32>
      %add3A_284 = arith.addf %get3A_283, %get3A_283 : vector<16xf32>
      %exp3A_285 = math.exp %add3A_284 : vector<16xf32>
      %add3A_286 = arith.constant 1.000000e+00 : f32
      %add3A_287 = vector.broadcast %add3A_286 : f32 to vector<16xf32>
      %add3A_288 = arith.addf %exp3A_285, %add3A_287 : vector<16xf32>
      %div3A_289 = arith.constant 2.000000e+00 : f32
      %div3A_290 = vector.broadcast %div3A_289 : f32 to vector<16xf32>
      %div3A_291 = arith.divf %div3A_290, %add3A_288 : vector<16xf32>
      %sub3A_292 = arith.constant 1.000000e+00 : f32
      %sub3A_293 = vector.broadcast %sub3A_292 : f32 to vector<16xf32>
      %sub3A_294 = arith.subf %sub3A_293, %div3A_291 : vector<16xf32>
      %swap3A_295 = arith.index_cast %add3A_259 : i32 to index
      %swap3A_296 = arith.constant 16 : index
      %swap3A_297 = tpu.vector_load %arg10[%swap3A_295, %swap3A_296] {strides = array<i32>} : memref<128x64xf32, #tpu.memory_space<vmem>>, vector<1x16xf32>,
      %swap3A_298 = vector.shape_cast %swap3A_297 : vector<1x16xf32> to vector<16xf32>
      %swap3A_299 = vector.shape_cast %sub3A_294 : vector<16xf32> to vector<1x16xf32>
      tpu.vector_store %arg10[%swap3A_295, %swap3A_296], %swap3A_299 {strides = array<i32>} : memref<128x64xf32, #tpu.memory_space<vmem>>, vector<1x16xf32>,
      %get3A_300 = arith.index_cast %add3A_259 : i32 to index
      %get3A_301 = arith.constant 32 : index
      %get3A_302 = tpu.vector_load %arg7[%get3A_300, %get3A_301] {strides = array<i32>} : memref<128x128xf32, #tpu.memory_space<vmem>>, vector<1x16xf32>,
      %get3A_303 = vector.shape_cast %get3A_302 : vector<1x16xf32> to vector<16xf32>
      %add3A_304 = arith.addf %get3A_303, %get3A_303 : vector<16xf32>
      %exp3A_305 = math.exp %add3A_304 : vector<16xf32>
      %add3A_306 = arith.constant 1.000000e+00 : f32
      %add3A_307 = vector.broadcast %add3A_306 : f32 to vector<16xf32>
      %add3A_308 = arith.addf %exp3A_305, %add3A_307 : vector<16xf32>
      %div3A_309 = arith.constant 2.000000e+00 : f32
      %div3A_310 = vector.broadcast %div3A_309 : f32 to vector<16xf32>
      %div3A_311 = arith.divf %div3A_310, %add3A_308 : vector<16xf32>
      %sub3A_312 = arith.constant 1.000000e+00 : f32
      %sub3A_313 = vector.broadcast %sub3A_312 : f32 to vector<16xf32>
      %sub3A_314 = arith.subf %sub3A_313, %div3A_311 : vector<16xf32>
      %swap3A_315 = arith.index_cast %add3A_259 : i32 to index
      %swap3A_316 = arith.constant 32 : index
      %swap3A_317 = tpu.vector_load %arg10[%swap3A_315, %swap3A_316] {strides = array<i32>} : memref<128x64xf32, #tpu.memory_space<vmem>>, vector<1x16xf32>,
      %swap3A_318 = vector.shape_cast %swap3A_317 : vector<1x16xf32> to vector<16xf32>
      %swap3A_319 = vector.shape_cast %sub3A_314 : vector<16xf32> to vector<1x16xf32>
      tpu.vector_store %arg10[%swap3A_315, %swap3A_316], %swap3A_319 {strides = array<i32>} : memref<128x64xf32, #tpu.memory_space<vmem>>, vector<1x16xf32>,
      %get3A_320 = arith.index_cast %add3A_259 : i32 to index
      %get3A_321 = arith.constant 48 : index
      %get3A_322 = tpu.vector_load %arg7[%get3A_320, %get3A_321] {strides = array<i32>} : memref<128x128xf32, #tpu.memory_space<vmem>>, vector<1x16xf32>,
      %get3A_323 = vector.shape_cast %get3A_322 : vector<1x16xf32> to vector<16xf32>
      %add3A_324 = arith.addf %get3A_323, %get3A_323 : vector<16xf32>
      %exp3A_325 = math.exp %add3A_324 : vector<16xf32>
      %add3A_326 = arith.constant 1.000000e+00 : f32
      %add3A_327 = vector.broadcast %add3A_326 : f32 to vector<16xf32>
      %add3A_328 = arith.addf %exp3A_325, %add3A_327 : vector<16xf32>
      %div3A_329 = arith.constant 2.000000e+00 : f32
      %div3A_330 = vector.broadcast %div3A_329 : f32 to vector<16xf32>
      %div3A_331 = arith.divf %div3A_330, %add3A_328 : vector<16xf32>
      %sub3A_332 = arith.constant 1.000000e+00 : f32
      %sub3A_333 = vector.broadcast %sub3A_332 : f32 to vector<16xf32>
      %sub3A_334 = arith.subf %sub3A_333, %div3A_331 : vector<16xf32>
      %swap3A_335 = arith.index_cast %add3A_259 : i32 to index
      %swap3A_336 = arith.constant 48 : index
      %swap3A_337 = tpu.vector_load %arg10[%swap3A_335, %swap3A_336] {strides = array<i32>} : memref<128x64xf32, #tpu.memory_space<vmem>>, vector<1x16xf32>,
      %swap3A_338 = vector.shape_cast %swap3A_337 : vector<1x16xf32> to vector<16xf32>
      %swap3A_339 = vector.shape_cast %sub3A_334 : vector<16xf32> to vector<1x16xf32>
      tpu.vector_store %arg10[%swap3A_335, %swap3A_336], %swap3A_339 {strides = array<i32>} : memref<128x64xf32, #tpu.memory_space<vmem>>, vector<1x16xf32>,
    }
    %scan3A_148 = arith.constant 64 : i32
    %add3A_149 = arith.constant 199 : i32
    %add3A_150 = arith.addi %multiple_of3A, %add3A_149 : i32
    %mul3A_151 = arith.constant 128 : i32
    %mul3A_152 = arith.muli %add3A_150, %mul3A_151 : i32
    %multiple_of3A_153 = tpu.assume_multiple %mul3A_152, 8 : i32
    %dma_start3A_154 = arith.constant 0 : i32
    %dma_start3A_155 = tpu.memref_slice %arg4[%multiple_of3A_153, %dma_start3A_154] : memref<819200x64xf32, #tpu.memory_space<hbm>> -> memref<128x64xf32, #tpu.memory_space<hbm>>
    %dma_start3A_156 = arith.constant 0 : i32
    %dma_start3A_157 = tpu.memref_slice %arg4[%multiple_of3A_153, %dma_start3A_156] : memref<819200x64xf32, #tpu.memory_space<hbm>> -> memref<128x64xf32, #tpu.memory_space<hbm>>
    tpu.enqueue_dma source(%arg10 : memref<128x64xf32, #tpu.memory_space<vmem>>) target(%dma_start3A_157 : memref<128x64xf32, #tpu.memory_space<hbm>>) target_semaphore(%arg16 : memref<!tpu.dma_semaphore, #tpu.memory_space<semaphore_mem>>)
    %dma_wait3A_158 = arith.constant 0 : i32
    %dma_wait3A_159 = arith.constant 0 : i32
    %dma_wait3A_160 = tpu.memref_slice %arg4[%dma_wait3A_158, %dma_wait3A_159] : memref<819200x64xf32, #tpu.memory_space<hbm>> -> memref<128x64xf32, #tpu.memory_space<hbm>>
    %dma_wait3A_161 = arith.constant 0 : i32
    %dma_wait3A_162 = arith.constant 0 : i32
    %dma_wait3A_163 = tpu.memref_slice %arg4[%dma_wait3A_161, %dma_wait3A_162] : memref<819200x64xf32, #tpu.memory_space<hbm>> -> memref<128x64xf32, #tpu.memory_space<hbm>>
    tpu.wait_dma2 semaphore(%arg15 : memref<!tpu.dma_semaphore, #tpu.memory_space<semaphore_mem>>) src(%arg9 : memref<128x64xf32, #tpu.memory_space<vmem>>) dst(%dma_wait3A_163 : memref<128x64xf32, #tpu.memory_space<hbm>>)
    %dma_wait3A_164 = arith.constant 0 : i32
    %dma_wait3A_165 = arith.constant 0 : i32
    %dma_wait3A_166 = tpu.memref_slice %arg4[%dma_wait3A_164, %dma_wait3A_165] : memref<819200x64xf32, #tpu.memory_space<hbm>> -> memref<128x64xf32, #tpu.memory_space<hbm>>
    %dma_wait3A_167 = arith.constant 0 : i32
    %dma_wait3A_168 = arith.constant 0 : i32
    %dma_wait3A_169 = tpu.memref_slice %arg4[%dma_wait3A_167, %dma_wait3A_168] : memref<819200x64xf32, #tpu.memory_space<hbm>> -> memref<128x64xf32, #tpu.memory_space<hbm>>
    tpu.wait_dma2 semaphore(%arg16 : memref<!tpu.dma_semaphore, #tpu.memory_space<semaphore_mem>>) src(%arg10 : memref<128x64xf32, #tpu.memory_space<vmem>>) dst(%dma_wait3A_169 : memref<128x64xf32, #tpu.memory_space<hbm>>)
    %dma_wait3A_170 = arith.constant 0 : i32
    %dma_wait3A_171 = arith.constant 0 : i32
    %dma_wait3A_172 = tpu.memref_slice %arg4[%dma_wait3A_170, %dma_wait3A_171] : memref<819200x64xf32, #tpu.memory_space<hbm>> -> memref<128x64xf32, #tpu.memory_space<hbm>>
    %dma_wait3A_173 = arith.constant 0 : i32
    %dma_wait3A_174 = arith.constant 0 : i32
    %dma_wait3A_175 = tpu.memref_slice %arg4[%dma_wait3A_173, %dma_wait3A_174] : memref<819200x64xf32, #tpu.memory_space<hbm>> -> memref<128x64xf32, #tpu.memory_space<hbm>>
    tpu.wait_dma2 semaphore(%arg17 : memref<!tpu.dma_semaphore, #tpu.memory_space<semaphore_mem>>) src(%arg11 : memref<128x64xf32, #tpu.memory_space<vmem>>) dst(%dma_wait3A_175 : memref<128x64xf32, #tpu.memory_space<hbm>>)
    return
  }
}

</mosaic_0001>

<sc_bundles>
// kernel: kernel.3.cloned.1.call-start
scs
__scs_entry_jumppad:
0x0: {  	(pc) =	sbr.rel $0x88, $3  }
0x1: {  	(tag) =	ssettag $0x0;
	lr =	simm.s32 $0x1  }
0x2: {  	[smem:$0x3F9F] =	sst lr;
	_ =	strace $0xD0000000  }
0x3: {  	_ = 	snop  }
0x4: {  	_ = 	snop  }
0x5: {  	_ = 	snop  }
0x6: {  	_ = 	snop  }
0x7: {  	_ = 	snop  }
__scs_overlays_trampoline_lowered:
0x8: {  	[smem:$0x3FAE] =	sst s0  }
0x9: {  	[smem:$0x3FAF] =	sst s1  }
0xa: {  	[smem:$0x3FB0] =	sst s2  }
0xb: {  	[smem:$0x3FB1] =	sst s3  }
0xc: {  	[smem:$0x3FB2] =	sst s4  }
0xd: {  	[smem:$0x3FB3] =	sst s5  }
0xe: {  	[smem:$0x3FB4] =	sst s6  }
0xf: {  	[smem:$0x3FB5] =	sst s7  }
0x10: {  	[smem:$0x3FB6] =	sst s8  }
0x11: {  	[smem:$0x3FB7] =	sst s9;
	s0 =	simm.s32 @!p0 $0x0  }
0x12: {  	s1 =	sld [smem:$0x3F9D];
	s0 =	simm.s32 @p0 $0x1  }
0x13: {  	[smem:$0x3FB8] =	sst s0;
	s0 =	simm.s32 @!p1 $0x0  }
0x14: {  	s2 =	sld [smem:$0x3F9C];
	s0 =	simm.s32 @p1 $0x1  }
0x15: {  	[smem:$0x3FB9] =	sst s0;
	s0 =	simm.s32 @!p2 $0x0  }
0x16: {  	s3 =	sld [smem:$0x3FDB];
	s0 =	simm.s32 @p2 $0x1  }
0x17: {  	s4 =	simm.s32 $0x1BF5;
	[smem:$0x3FBB] =	sst s0  }
0x18: {  	s0 =	sld [smem:$0x3F9E];
	_ =	swait.ge [sflag:s4], $0x0  }
0x19: {  	s7 =	sld [smem:$0x3F9F]  }
0x1a: {  	s8 =	sadd.s32 $0xFFFFE003, lr  }
0x1b: {  	s9 =	sadd.s32 $0xFFFFFEF7, lr;
	s5 =	simm.s32 $0xFFFFFFFF;
	p2 =	slt.u32 s8, $0xFFFFF086  }
0x1c: {  	p1 =	slt.u32 s9, $0xF7A;
	s5 =	simm.s32 @!p2 $0x0  }
0x1d: {  	s5 =	simm.s32 @p1 $0x1;
	p0 =	seq.s32 s7, s2  }
0x1e: {  	s7 =	smul.u32 @!p0 $0xF7A, s2;
	p2 =	seq.s32 @!p0 s5, $0x0  }
0x1f: {  	s9 =	smul.u32 $0xF7A, s1;
	s8 =	simm.s32 @!p0 $0x1BF5;
	p2 =	por !p2, p0  }
0x20: {  	[sflag:s8] =	ssyncset.s32 @!p0 $0xFFFFF086;
	s6 =	sadd.s32 @!p0 s3, s7;
	s7 =	simm.s32 @!p0 $0x108  }
0x21: {  	s3 =	sadd.s32 s3, s9;
	s6 =	sadd.s32 @!p0 $0x88, s6;
	s7 =	simm.s32 @p2 $0x1082  }
0x22: {  	[simem:s7], [sflag:s8] =	dma.local @!p0 [hbm:s6], $0xF7A  }
0x23: {  	s9 =	sor.u32 $0xD0000000, s2;
	s6 =	simm.s32 $0x108;
	_ =	swait.ge @!p0 [sflag:s8], $0x0  }
0x24: {  	s3 =	sadd.s32 $0x88, s3;
	s6 =	simm.s32 @!p1 $0x1082;
	[sflag:s4] =	ssyncset.s32 $0xFFFFF086  }
0x25: {  	[simem:s6], [sflag:s4] =	dma.local [hbm:s3], $0xF7A  }
0x26: {  	[smem:$0x3F9F] =	sst s1;
	(tag) =	ssettag s2;
	_ =	strace s9  }
0x27: {  	s1 =	sld [smem:$0x3FAF]  }
0x28: {  	s2 =	sld [smem:$0x3FB0]  }
0x29: {  	s4 =	sld [smem:$0x3FB2]  }
0x2a: {  	p0 =	seq.s32 s5, $0x0;
	s5 =	sld [smem:$0x3FB3]  }
0x2b: {  	s6 =	sld [smem:$0x3FB4]  }
0x2c: {  	s7 =	sld [smem:$0x3FB5]  }
0x2d: {  	s3 =	simm.s32 $0x108;
	s8 =	sld [smem:$0x3FB6]  }
0x2e: {  	s3 =	simm.s32 @!p0 $0x1082;
	s9 =	sld [smem:$0x3FB7]  }
0x2f: {  	lr =	sadd.s32 s0, s3;
	s0 =	sld [smem:$0x3FAE]  }
0x30: {  	s3 =	sld [smem:$0x3FB1]  }
0x31: {  	[smem:$0x3FBA] =	sst s10  }
0x32: {  	s10 =	sld [smem:$0x3FB8];
	_ =	sdelay $0x3  }
0x33: {  	p0 =	seq.s32 s10, $0x1;
	s10 =	sld [smem:$0x3FBA];
	_ =	sdelay $0x3  }
0x34: {  	[smem:$0x3FBA] =	sst s10  }
0x35: {  	s10 =	sld [smem:$0x3FB9];
	_ =	sdelay $0x3  }
0x36: {  	p1 =	seq.s32 s10, $0x1;
	s10 =	sld [smem:$0x3FBA];
	_ =	sdelay $0x3  }
0x37: {  	[smem:$0x3FBA] =	sst s10  }
0x38: {  	s10 =	sld [smem:$0x3FBB]  }
0x39: {  	_ = 	snop;
	(pc) =	sbr.ind lr, $3  }
0x3a: {  	_ = 	snop  }
0x3b: {  	_ = 	snop  }
0x3c: {  	p2 =	seq.s32 s10, $0x1;
	s10 =	sld [smem:$0x3FBA]  }
0x3d: {  	_ =	shalt  }
0x3e: {  	_ =	shalt  }
0x3f: {  	_ =	shalt  }
0x40: {  	_ =	shalt  }
0x41: {  	_ =	shalt  }
0x42: {  	_ =	shalt  }
0x43: {  	_ =	shalt  }
0x44: {  	_ =	shalt  }
0x45: {  	_ =	shalt  }
0x46: {  	_ =	shalt  }
0x47: {  	_ =	shalt  }
0x48: {  	_ =	shalt  }
0x49: {  	_ =	shalt  }
0x4a: {  	_ =	shalt  }
0x4b: {  	_ =	shalt  }
0x4c: {  	_ =	shalt  }
0x4d: {  	_ =	shalt  }
0x4e: {  	_ =	shalt  }
0x4f: {  	_ =	shalt  }
0x50: {  	_ =	shalt  }
0x51: {  	_ =	shalt  }
0x52: {  	_ =	shalt  }
0x53: {  	_ =	shalt  }
0x54: {  	_ =	shalt  }
0x55: {  	_ =	shalt  }
0x56: {  	_ =	shalt  }
0x57: {  	_ =	shalt  }
0x58: {  	_ =	shalt  }
0x59: {  	_ =	shalt  }
0x5a: {  	_ =	shalt  }
0x5b: {  	_ =	shalt  }
0x5c: {  	_ =	shalt  }
0x5d: {  	_ =	shalt  }
0x5e: {  	_ =	shalt  }
0x5f: {  	_ =	shalt  }
0x60: {  	_ =	shalt  }
0x61: {  	_ =	shalt  }
0x62: {  	_ =	shalt  }
0x63: {  	_ =	shalt  }
0x64: {  	_ =	shalt  }
0x65: {  	_ =	shalt  }
0x66: {  	_ =	shalt  }
0x67: {  	_ =	shalt  }
0x68: {  	_ =	shalt  }
0x69: {  	_ =	shalt  }
0x6a: {  	_ =	shalt  }
0x6b: {  	_ =	shalt  }
0x6c: {  	_ =	shalt  }
0x6d: {  	_ =	shalt  }
0x6e: {  	_ =	shalt  }
0x6f: {  	_ =	shalt  }
0x70: {  	_ =	shalt  }
0x71: {  	_ =	shalt  }
0x72: {  	_ =	shalt  }
0x73: {  	_ =	shalt  }
0x74: {  	_ =	shalt  }
0x75: {  	_ =	shalt  }
0x76: {  	_ =	shalt  }
0x77: {  	_ =	shalt  }
0x78: {  	_ =	shalt  }
0x79: {  	_ =	shalt  }
0x7a: {  	_ =	shalt  }
0x7b: {  	_ =	shalt  }
0x7c: {  	_ =	shalt  }
0x7d: {  	_ =	shalt  }
0x7e: {  	_ =	shalt  }
0x7f: {  	_ =	shalt  }
0x80: {  	_ =	shalt  }
0x81: {  	_ =	shalt  }
0x82: {  	_ =	shalt  }
0x83: {  	_ =	shalt  }
0x84: {  	_ =	shalt  }
0x85: {  	_ =	shalt  }
0x86: {  	_ =	shalt  }
0x87: {  	_ =	shalt  }
.Lfunc_end0:
.L_simem_size_0:
called_computation.1_lowered:
.L_overlay_start_0:
0x88: {  	s2 =	sld [smem:$0x3FD9]  }
0x89: {  	s3 =	sld [smem:$0x3FFE];
	_ =	sdelay $0x1  }
0x8a: {  	s1 =	srdreg.scid  }
0x8b: {  	s0 =	sand.u32 $0x1, s1  }
0x8c: {  	s17 =	sshll.u32 s0, $0xA;
	s2 =	sadd.s32 s3, s2  }
0x8d: {  	s2 =	sadd.s32 s2, s17  }
0x8e: {  	[smem:$0x3FC6] =	sst s2  }
0x8f: {  	_ = 	snop  }
0x90: {  	s2 =	sld [smem:$0x3FD0];
	(tm) =	ssettm $0x1  }
0x91: {  	s18 =	sld [smem:$0x3FFB];
	_ =	sdelay $0x3  }
0x92: {  	_ =	strace s18  }
0x93: {  	s3 =	sld [smem:$0x3FFC];
	_ =	sdelay $0x3  }
0x94: {  	_ =	strace s3  }
0x95: {  	s3 =	sld [smem:$0x3FFD];
	_ =	sdelay $0x3  }
0x96: {  	_ =	strace s3  }
0x97: {  	_ =	strace $0x8FFFFFFF  }
0x98: {  	s19 =	sld [smem:$0x3FDB];
	_ =	sdelay $0x1  }
0x99: {  	s4 =	simm.s32 $_scs_section_size  }
0x9a: {  	s5 =	simm.s32 $_size__tile_overlayer_lowered;
	s6 =	simm.s32 $_tile_overlayer_lowered  }
0x9b: {  	s22 =	simm.s32 $0x1BFF;
	s21 =	sshll.u32 s6, $0x1;
	s3 =	sadd.s32 s4, s19  }
0x9c: {  	s7 =	simm.s32 $0x0;
	s20 =	sshll.u32 s5, $0x1;
	s5 =	sadd.s32 s21, s3  }
0x9d: {  	[timem:s7], [sflag:s22] =	dma.local [hbm:s5], s20  }
0x9e: {  	_ =	swait.ge [sflag:s22], s20  }
0x9f: {  	s4 =	ssub.s32 $0x0, s20;
	[sflag:s22] =	ssyncset.done $0x0  }
0xa0: {  	[sflag:s22] =	ssyncadd.s32 s4;
	_ =	sdelay $0x1  }
0xa1: {  	s23 =	simm.s32 $0x1B8B  }
0xa2: {  	_ =	swait.ge [sflag:s23], $0x1  }
0xa3: {  	[sflag:s23] =	ssyncset.done $0x0  }
0xa4: {  	s25 =	simm.s32 $0x1B8E;
	s24 =	sld [smem:$0x3FFE];
	[sflag:s23] =	ssyncadd.s32 $0xFFFFFFFF  }
0xa5: {  	s26 =	simm.s32 $execute0_lowered;
	[smem:$0x3FD2] =	sst s25  }
0xa6: {  	s5 =	sshll.u32 s26, $0x1;
	_ =	strace $0x80000046;
	[dreg:$0x1] =	wrdreg $0xFFFFFFFF  }
0xa7: {  	s28 =	simm.s32 $_size_execute0_lowered;
	s3 =	sadd.s32 s3, s5;
	[dreg:$0x0] =	wrdreg $0x0  }
0xa8: {  	s5 =	sshll.u32 s28, $0x1;
	[dreg:$0x2] =	wrdreg s3  }
0xa9: {  	[dreg:$0x3] =	wrdreg s5  }
0xaa: {  	[dreg:$0x4] =	wrdreg $0xC0  }
0xab: {  	_ =	task [dreg:s7], $0x5FFFF  }
0xac: {  	[dreg:$0x1] =	wrdreg $0xFFFFFFFF  }
0xad: {  	[dreg:$0x0] =	wrdreg $0x60  }
0xae: {  	[dreg:$0x2] =	wrdreg s2  }
0xaf: {  	[dreg:$0x3] =	wrdreg s24  }
0xb0: {  	[dreg:$0x4] =	wrdreg $0x9  }
0xb1: {  	_ =	task.clear_ibuf [dreg:s7], $0x5FFFF;
	_ =	strace $0x90000046  }
0xb2: {  	s29 =	simm.s32 $0x9;
	_ =	strace $0x80000048  }
0xb3: {  	_ =	swait.ge [sflag:s29], $0x1  }
0xb4: {  	[sflag:s29] =	ssyncadd.s32 $0xFFFFFFFF  }
0xb5: {  	_ =	strace $0x90000048  }
0xb6: {  	_ =	sfence  }
0xb7: {  	s30 =	sld [smem:$0x0];
	_ =	sdelay $0x2  }
0xb8: {  	s31 =	sshll.u32 s1, $0xD;
	s1 =	sshrl.u32 s1, $0x2  }
0xb9: {  	s3 =	sand.u32 $0x4000, s31;
	s1 =	sadd.s32 s1, s30  }
0xba: {  	s0 =	sor.u32 s3, s0;
	s1 =	sshll.u32 s1, $0x11  }
0xbb: {  	s0 =	sor.u32 s1, s0  }
0xbc: {  	s0 =	sadd.s32 $0x8F2B, s0  }
0xbd: {  	[sflag:s0] =	ssyncadd.remote.s32 $0x1  }
0xbe: {  	_ =	sfence.sel $0xFFFF  }
0xbf: {  	[dreg:$0x0] =	wrdreg $0xFFFFFFFF;
	(pc) =	sbr.abs _section_cstart, $3  }
0xc0: {  	[dreg:$0x1] =	wrdreg $0xFFFFFFFF  }
0xc1: {  	_ =	task.clear_ibuf [dreg:s7], $0x2FFFF;
	_ =	strace $0x9FFFFFFF  }
0xc2: {  	(tm) =	ssettm $0x7FFFFFFF  }
0xc3: {  	_ =	shalt  }
tec
execute0_lowered:
.L_overlay_start_1:
0x0: {  	(tag) =	ssettag $0x1  }
0x1: {  	s0 =	rddreg [dreg:$0x0]  }
0x2: {  	s1 =	rddreg [dreg:$0x1]  }
0x3: {  	s3 =	srdreg.scid;
	s4 =	stileid.u32;
	s2 =	simm.s32 $0x0  }
0x4: {  	s15 =	simm.s32 $0x7;
	s16 =	simm.s32 $0x80;
	s17 =	simm.s32 $0x6400  }
0x5: {  	s18 =	simm.s32 $0xA400;
	s19 =	simm.s32 $0x1;
	s20 =	simm.s32 $0x12400  }
0x6: {  	s28 =	simm.s32 $0x3;
	s3 =	sand.u32 $0x1, s3;
	s4 =	sshll.u32 s4, $0x1  }
0x7: {  	s29 =	simm.s32 $0x1A400;
	[smem:$0x7FF] =	sst s2;
	s5 =	sor.u32 s3, s4  }
0x8: {  	s30 =	simm.s32 $0x5;
	_ =	strace $0x80000047;
	s7 =	smul.u32 $0xC80, s5  }
0x9: {  	s6 =	ssub.s32 $0x2, s3;
	s3 =	sadd.s32 $0x800, s1;
	s9 =	smul.u32 $0x64000, s5  }
0xa: {  	s4 =	sadd.s32 $0xF42E00, s1;
	s8 =	sshrl.u32 s6, $0x1;
	s23 =	smul.u32 $0x320000, s5  }
0xb: {  	s1 =	simm.s32 $0x0;
	s5 =	smul.u32 $0xC8, s5;
	s22 =	ssub.s32 s6, s8  }
0xc: {  	s0 =	sadd.s32 s0, s7;
	s7 =	sadd.s32 s4, s9;
	s26 =	sshrl.u32 s23, $0x3  }
0xd: {  	s10 =	sor.u32 $0x3, s5;
	s11 =	sor.u32 $0x4, s5;
	s14 =	smax.u32 s22, $0x1  }
0xe: {  	s22 =	simm.s32 $0xE400;
	[dreg:$0x3] =	wrdreg s0;
	s24 =	sadd.s32 $0x800, s7  }
0xf: {  	s25 =	sadd.s32 $0x1000, s7;
	s0 =	sadd.s32 s4, s26;
	[dreg:$0x4] =	wrdreg s24  }
0x10: {  	s23 =	simm.s32 $0x2;
	[dreg:$0x5] =	wrdreg s25;
	s31 =	sadd.s32 $0x63000, s0  }
0x11: {  	s0 =	sadd.s32 $0x63800, s0;
	s24 =	simm.s32 $0x16400;
	[dreg:$0x6] =	wrdreg s31  }
0x12: {  	s25 =	simm.s32 $0x4;
	[dreg:$0x7] =	wrdreg s0;
	s0 =	simm.s32 $0x6  }
.LBB2_1:
0x13: {  	s6 =	rddreg [dreg:$0x3]  }
0x14: {  	[tilespmem:s2], [sflag:$0x7] =	stream.linear.gather [hbm4b:s6+s2], $0x6400, $0x38;
	[tilespmem:$0x1E400] =	vst v63  }
0x15: {  	_ =	swait.ge [sflag:s15], $0x6400  }
0x16: {  	[sflag:s15] =	ssyncset.done $0x0  }
0x17: {  	[sflag:s15] =	ssyncadd.s32 $0xFFFF9C00  }
0x18: {  	[tilespmem:s17], [sflag:$0x1] =	stream.indirect.gather [hbm4b:s3+s16], $0x80, s2, s16, $0xb8;
	[tilespmem:$0x1E400] =	vst v63  }
0x19: {  	_ = 	snop  }
0x1a: {  	[tilespmem:s18], [sflag:$0x2] =	stream.indirect.gather [hbm4b:s3+s16], $0x80, s16, s16, $0xb8;
	[tilespmem:$0x1E400] =	vst v63  }
0x1b: {  	_ =	swait.ge [sflag:s19], $0x4000  }
0x1c: {  	[sflag:s19] =	ssyncset.done $0x0  }
0x1d: {  	s6 =	simm.s32 $0x0;
	[sflag:s19] =	ssyncadd.s32 $0xFFFFC000  }
0x1e: {  	v0 =	vld [tilespmem:s6+$0x64B0];
	_ =	sdelay $0x1  }
0x1f: {  	v1 =	vld [tilespmem:s6+$0x6400]  }
0x20: {  	v2 =	vld [tilespmem:s6+$0x6410]  }
0x21: {  	v3 =	vld [tilespmem:s6+$0x6420]  }
0x22: {  	v0 =	vadd.f32 v0, v0  }
0x23: {  	v4 =	vld [tilespmem:s6+$0x6430]  }
0x24: {  	v5 =	vld [tilespmem:s6+$0x6480];
	v1 =	vadd.f32 v1, v1;
	v0 =	vmul.f32 $1.442695020e+00, v0  }
0x25: {  	v2 =	vadd.f32 v2, v2  }
0x26: {  	v3 =	vadd.f32 v3, v3;
	v1 =	vmul.f32 $1.442695020e+00, v1;
	(erf) = vpow2.f32 v0  }
0x27: {  	v2 =	vmul.f32 $1.442695020e+00, v2;
	v0 =	vld [tilespmem:s6+$0x6490]  }
0x28: {  	v6 =	vld [tilespmem:s6+$0x64A0];
	v3 =	vmul.f32 $1.442695020e+00, v3;
	(erf) = vpow2.f32 v1  }
0x29: {  	v1 =	vadd.f32 v4, v4;
	v4 =	vadd.f32 v5, v5;
	(erf) = vpow2.f32 v2;
	_ =	sdelay $0x1  }
0x2a: {  	v2 =	vmul.f32 $1.442695020e+00, v4;
	(erf) = vpow2.f32 v3  }
0x2b: {  	v1 =	vmul.f32 $1.442695020e+00, v1;
	v0 =	vadd.f32 v0, v0  }
0x2c: {  	v4 =	vadd.f32 v6, v6  }
0x2d: {  	(erf) = vpow2.f32 v1;
	v0 =	vmul.f32 $1.442695020e+00, v0  }
0x2e: {  	s21 =	simm.s32 $0x100;
	v1 =	vmul.f32 $1.442695020e+00, v4;
	(erf) = vpow2.f32 v2;
	v2 =	vpop (erf)  }
0x2f: {  	v3 =	vld [tilespmem:s21+$0x6400];
	(erf) = vpow2.f32 v0;
	v0 =	vadd.f32 $1.000000000e+00, v2  }
0x30: {  	(erf) = vpow2.f32 v1;
	v1 =	vld [tilespmem:s21+$0x64B0];
	v2 =	vpop (erf)  }
0x31: {  	v4 =	vpop (erf);
	(erf) = vrcp.f32 v0;
	v0 =	vadd.f32 $1.000000000e+00, v2  }
0x32: {  	v2 =	vld [tilespmem:s21+$0x6410];
	v4 =	vadd.f32 $1.000000000e+00, v4  }
0x33: {  	v5 =	vld [tilespmem:s21+$0x6420];
	v6 =	vpop (erf);
	(erf) = vrcp.f32 v0  }
0x34: {  	v3 =	vadd.f32 v3, v3;
	v6 =	vadd.f32 $1.000000000e+00, v6  }
0x35: {  	v7 =	vld [tilespmem:s21+$0x6480];
	v1 =	vadd.f32 v1, v1  }
0x36: {  	v3 =	vmul.f32 $1.442695020e+00, v3;
	v0 =	vld [tilespmem:s21+$0x6430];
	(erf) = vrcp.f32 v4;
	v4 =	vpop (erf)  }
0x37: {  	v9 =	vld [tilespmem:s21+$0x6490];
	v8 =	vpop (erf);
	v2 =	vadd.f32 v2, v2;
	v1 =	vmul.f32 $1.442695020e+00, v1  }
0x38: {  	v5 =	vadd.f32 v5, v5;
	(erf) = vrcp.f32 v6;
	v6 =	vpop (erf)  }
0x39: {  	v11 =	vpop (erf);
	v2 =	vmul.f32 $1.442695020e+00, v2;
	(erf) = vpow2.f32 v1  }
0x3a: {  	v10 =	vld [tilespmem:s21+$0x64A0];
	v5 =	vmul.f32 $1.442695020e+00, v5;
	(erf) = vpow2.f32 v3;
	v3 =	vpop (erf)  }
0x3b: {  	v0 =	vadd.f32 v0, v0;
	(erf) = vpow2.f32 v2;
	v2 =	vadd.f32 v3, v3  }
0x3c: {  	v1 =	vadd.f32 v7, v7;
	v3 =	vadd.f32 v9, v9;
	v9 =	vpop (erf)  }
0x3d: {  	(erf) = vpow2.f32 v5;
	v2 =	vsub.f32 $1.000000000e+00, v2;
	v5 =	vadd.f32 v9, v9  }
0x3e: {  	v0 =	vmul.f32 $1.442695020e+00, v0  }
0x3f: {  	v7 =	vadd.f32 v10, v10;
	v1 =	vmul.f32 $1.442695020e+00, v1;
	[tilespmem:s6+$0x124B0] =	vst v2;
	v2 =	vsub.f32 $1.000000000e+00, v5  }
0x40: {  	(erf) = vpow2.f32 v0;
	v0 =	vadd.f32 $1.000000000e+00, v4;
	v3 =	vmul.f32 $1.442695020e+00, v3;
	v4 =	vpop (erf)  }
0x41: {  	s8 =	simm.s32 $0x200;
	v7 =	vmul.f32 $1.442695020e+00, v7;
	(erf) = vpow2.f32 v1;
	v5 =	vadd.f32 $1.000000000e+00, v6;
	v6 =	vpop (erf)  }
0x42: {  	v1 =	vadd.f32 v4, v4;
	v4 =	vadd.f32 $1.000000000e+00, v8;
	(erf) = vpow2.f32 v3;
	v3 =	vld [tilespmem:s8+$0x64B0];
	v8 =	vpop (erf)  }
0x43: {  	(erf) = vpow2.f32 v7;
	v7 =	vld [tilespmem:s8+$0x6400];
	[tilespmem:s6+$0x12400] =	vst v2;
	v2 =	vpop (erf)  }
0x44: {  	v6 =	vadd.f32 v6, v6;
	(erf) = vrcp.f32 v0;
	v2 =	vadd.f32 $1.000000000e+00, v2  }
0x45: {  	v1 =	vsub.f32 $1.000000000e+00, v1;
	v0 =	vadd.f32 $1.000000000e+00, v8;
	(erf) = vrcp.f32 v4  }
0x46: {  	v4 =	vld [tilespmem:s8+$0x6410];
	(erf) = vrcp.f32 v5;
	v8 =	vpop (erf)  }
0x47: {  	v6 =	vsub.f32 $1.000000000e+00, v6;
	[tilespmem:s6+$0x12410] =	vst v1;
	(erf) = vrcp.f32 v0;
	v1 =	vadd.f32 $1.000000000e+00, v8  }
0x48: {  	(erf) = vrcp.f32 v2;
	v2 =	vpop (erf)  }
0x49: {  	v0 =	vld [tilespmem:s8+$0x6420];
	[tilespmem:s6+$0x12420] =	vst v6;
	v3 =	vadd.f32 v3, v3;
	v2 =	vadd.f32 $1.000000000e+00, v2  }
0x4a: {  	v5 =	vadd.f32 $1.000000000e+00, v11;
	v6 =	vld [tilespmem:s8+$0x6430]  }
0x4b: {  	v8 =	vld [tilespmem:s8+$0x6480];
	v4 =	vadd.f32 v4, v4;
	v3 =	vmul.f32 $1.442695020e+00, v3;
	(erf) = vrcp.f32 v1;
	v1 =	vpop (erf)  }
0x4c: {  	(erf) = vrcp.f32 v5;
	v5 =	vadd.f32 v7, v7;
	v7 =	vld [tilespmem:s8+$0x6490];
	v11 =	vadd.f32 $1.000000000e+00, v1;
	v1 =	vpop (erf)  }
0x4d: {  	v9 =	vld [tilespmem:s8+$0x64A0];
	(erf) = vrcp.f32 v2;
	v2 =	vpop (erf)  }
0x4e: {  	v12 =	vadd.f32 v0, v0;
	v4 =	vmul.f32 $1.442695020e+00, v4;
	v10 =	vpop (erf)  }
0x4f: {  	v6 =	vadd.f32 v6, v6;
	v5 =	vmul.f32 $1.442695020e+00, v5;
	v0 =	vadd.f32 $1.000000000e+00, v10;
	v10 =	vpop (erf)  }
0x50: {  	v8 =	vadd.f32 v8, v8;
	v12 =	vmul.f32 $1.442695020e+00, v12;
	(erf) = vpow2.f32 v3;
	v3 =	vpop (erf)  }
0x51: {  	(erf) = vpow2.f32 v5;
	v5 =	vmul.f32 $1.442695020e+00, v6;
	v6 =	vadd.f32 v7, v7;
	v13 =	vpop (erf)  }
0x52: {  	v7 =	vmul.f32 $1.442695020e+00, v8;
	v8 =	vadd.f32 v9, v9;
	(erf) = vpow2.f32 v4;
	v4 =	vpop (erf)  }
0x53: {  	v1 =	vadd.f32 $1.000000000e+00, v1;
	v14 =	vmul.f32 $1.442695020e+00, v6;
	v4 =	vadd.f32 v4, v4  }
0x54: {  	v2 =	vadd.f32 $1.000000000e+00, v2;
	(erf) = vpow2.f32 v12;
	v8 =	vmul.f32 $1.442695020e+00, v8;
	v9 =	vpop (erf)  }
0x55: {  	(erf) = vpow2.f32 v5;
	v63 =	vadd.f32 v9, v9;
	v6 =	vpop (erf);
	v9 =	vsub.f32 $1.000000000e+00, v4  }
0x56: {  	v5 =	vadd.f32 v3, v3;
	v15 =	vpop (erf);
	(erf) = vpow2.f32 v7;
	v16 =	vadd.f32 v6, v6  }
0x57: {  	v6 =	vadd.f32 v10, v10;
	(erf) = vpow2.f32 v14;
	v3 =	vadd.f32 v15, v15;
	v4 =	vpop (erf)  }
0x58: {  	v10 =	vsub.f32 $1.000000000e+00, v63;
	(erf) = vpow2.f32 v8;
	v7 =	vadd.f32 v4, v4  }
0x59: {  	s9 =	simm.s32 $0x300;
	s12 =	simm.s32 $0x1000;
	[tilespmem:s21+$0x124B0] =	vst v9;
	v8 =	vsub.f32 $1.000000000e+00, v16;
	v4 =	vadd.f32 v13, v13;
	(erf) = vrcp.f32 v11;
	v9 =	vpop (erf)  }
.LBB2_2:
0x5a: {  	p0 =	sne.s32 s12, $0xFC00;
	v11 =	vld [tilespmem:s9+$0x64B0];
	v14 =	vadd.f32 $1.000000000e+00, v9;
	v12 =	vpop (erf);
	v7 =	vsub.f32 $1.000000000e+00, v7;
	(erf) = vrcp.f32 v1  }
0x5b: {  	v1 =	vld [tilespmem:s9+$0x6400];
	v12 =	vadd.f32 $1.000000000e+00, v12;
	v13 =	vpop (erf);
	[tilespmem:s21+$0x12400] =	vst v10;
	(erf) = vrcp.f32 v2;
	v2 =	vsub.f32 $1.000000000e+00, v6  }
0x5c: {  	v5 =	vsub.f32 $1.000000000e+00, v5;
	v6 =	vld [tilespmem:s9+$0x6410];
	v13 =	vadd.f32 $1.000000000e+00, v13;
	(erf) = vrcp.f32 v14;
	[tilespmem:s21+$0x12410] =	vst v8  }
0x5d: {  	v4 =	vsub.f32 $1.000000000e+00, v4;
	v3 =	vsub.f32 $1.000000000e+00, v3;
	v8 =	vld [tilespmem:s9+$0x6420];
	(erf) = vrcp.f32 v12;
	v9 =	vpop (erf);
	[tilespmem:s21+$0x12420] =	vst v7  }
0x5e: {  	v7 =	vld [tilespmem:s9+$0x6430];
	v14 =	vadd.f32 $1.000000000e+00, v9;
	(erf) = vrcp.f32 v13;
	v10 =	vpop (erf);
	[tilespmem:s6+$0x12430] =	vst v2  }
0x5f: {  	v12 =	vld [tilespmem:s9+$0x6480];
	v2 =	vadd.f32 v11, v11;
	v11 =	vadd.f32 $1.000000000e+00, v10;
	v10 =	vpop (erf);
	(erf) = vrcp.f32 v0;
	[tilespmem:s6+$0x12480] =	vst v5  }
0x60: {  	v0 =	vadd.f32 v1, v1;
	v5 =	vld [tilespmem:s9+$0x6490];
	v1 =	vadd.f32 $1.000000000e+00, v10;
	(erf) = vrcp.f32 v14;
	v9 =	vpop (erf);
	[tilespmem:s6+$0x12490] =	vst v4  }
0x61: {  	v4 =	vadd.f32 v6, v6;
	v6 =	vld [tilespmem:s9+$0x64A0];
	v13 =	vmul.f32 $1.442695020e+00, v2;
	v2 =	vadd.f32 $1.000000000e+00, v9;
	v9 =	vpop (erf);
	[tilespmem:s6+$0x124A0] =	vst v3;
	s6 =	smov.u32 s21;
	s21 =	smov.u32 s8;
	s8 =	smov.u32 s9  }
0x62: {  	v14 =	vmul.f32 $1.442695020e+00, v0;
	v8 =	vadd.f32 v8, v8;
	v0 =	vadd.f32 $1.000000000e+00, v9;
	v9 =	vpop (erf)  }
0x63: {  	v15 =	vmul.f32 $1.442695020e+00, v4;
	v7 =	vadd.f32 v7, v7;
	(erf) = vpow2.f32 v13;
	v10 =	vpop (erf)  }
0x64: {  	v8 =	vmul.f32 $1.442695020e+00, v8;
	v12 =	vadd.f32 v12, v12;
	(erf) = vpow2.f32 v14;
	v3 =	vpop (erf)  }
0x65: {  	v7 =	vmul.f32 $1.442695020e+00, v7;
	v5 =	vadd.f32 v5, v5;
	(erf) = vpow2.f32 v15;
	v4 =	vpop (erf)  }
0x66: {  	v12 =	vmul.f32 $1.442695020e+00, v12;
	v6 =	vadd.f32 v6, v6;
	v4 =	vadd.f32 v4, v4;
	v13 =	vpop (erf)  }
0x67: {  	v5 =	vmul.f32 $1.442695020e+00, v5;
	(erf) = vpow2.f32 v8;
	v8 =	vadd.f32 v13, v13;
	v13 =	vpop (erf)  }
.Ltmp0:
0x68: {  	v14 =	vmul.f32 $1.442695020e+00, v6;
	(erf) = vpow2.f32 v7;
	v4 =	vsub.f32 $1.000000000e+00, v4;
	v15 =	vpop (erf);
	(pc) =	sbr.rel @p0 .LBB2_2-.Ltmp0, $4  }
0x69: {  	v6 =	vadd.f32 v9, v9;
	(erf) = vpow2.f32 v12;
	v12 =	vadd.f32 v13, v13;
	v7 =	vpop (erf)  }
0x6a: {  	(erf) = vpow2.f32 v5;
	v7 =	vadd.f32 v7, v7;
	[tilespmem:s21+$0x124B0] =	vst v4;
	v5 =	vadd.f32 v10, v10  }
0x6b: {  	v4 =	vadd.f32 v3, v3;
	v3 =	vadd.f32 v15, v15;
	(erf) = vpow2.f32 v14  }
0x6c: {  	s9 =	sshra.s32 s12, $0x2;
	s12 =	sadd.s32 $0x400, s12;
	v10 =	vsub.f32 $1.000000000e+00, v8;
	v8 =	vsub.f32 $1.000000000e+00, v12;
	v9 =	vpop (erf);
	(erf) = vrcp.f32 v11  }
0x6d: {  	v11 =	vld [tilespmem:s9+$0x64B0]  }
0x6e: {  	v12 =	vld [tilespmem:s9+$0x6400];
	v7 =	vsub.f32 $1.000000000e+00, v7;
	[tilespmem:s21+$0x12400] =	vst v10  }
0x6f: {  	v10 =	vld [tilespmem:s9+$0x6410];
	[tilespmem:s21+$0x12410] =	vst v8  }
0x70: {  	v8 =	vld [tilespmem:s9+$0x6420];
	[tilespmem:s21+$0x12420] =	vst v7;
	v7 =	vadd.f32 $1.000000000e+00, v9;
	v9 =	vpop (erf)  }
0x71: {  	v6 =	vsub.f32 $1.000000000e+00, v6;
	(erf) = vrcp.f32 v1;
	v13 =	vpop (erf)  }
0x72: {  	(erf) = vrcp.f32 v2;
	v2 =	vsub.f32 $1.000000000e+00, v5;
	v5 =	vadd.f32 $1.000000000e+00, v13  }
0x73: {  	v9 =	vadd.f32 $1.000000000e+00, v9  }
0x74: {  	v4 =	vsub.f32 $1.000000000e+00, v4;
	v1 =	vld [tilespmem:s9+$0x6430];
	[tilespmem:s6+$0x12430] =	vst v6;
	(erf) = vrcp.f32 v7;
	v7 =	vpop (erf)  }
0x75: {  	v6 =	vld [tilespmem:s9+$0x6480];
	(erf) = vrcp.f32 v9;
	v9 =	vadd.f32 v11, v11;
	[tilespmem:s6+$0x12480] =	vst v2;
	v2 =	vadd.f32 $1.000000000e+00, v7  }
0x76: {  	(erf) = vrcp.f32 v5;
	v7 =	vadd.f32 v12, v12;
	v5 =	vpop (erf)  }
0x77: {  	v11 =	vld [tilespmem:s9+$0x6490];
	[tilespmem:s6+$0x12490] =	vst v4;
	v4 =	vmul.f32 $1.442695020e+00, v9;
	v57 =	vpop (erf);
	(erf) = vrcp.f32 v0;
	v0 =	vadd.f32 v10, v10  }
0x78: {  	v9 =	vld [tilespmem:s9+$0x64A0];
	v7 =	vmul.f32 $1.442695020e+00, v7  }
0x79: {  	v8 =	vadd.f32 v8, v8;
	(erf) = vrcp.f32 v2;
	v2 =	vpop (erf);
	v0 =	vmul.f32 $1.442695020e+00, v0  }
0x7a: {  	v1 =	vadd.f32 v1, v1;
	v10 =	vpop (erf);
	(erf) = vpow2.f32 v4  }
0x7b: {  	v8 =	vmul.f32 $1.442695020e+00, v8;
	v6 =	vadd.f32 v6, v6;
	v4 =	vpop (erf);
	(erf) = vpow2.f32 v7  }
0x7c: {  	v1 =	vmul.f32 $1.442695020e+00, v1;
	v7 =	vpop (erf)  }
0x7d: {  	v6 =	vmul.f32 $1.442695020e+00, v6;
	v9 =	vadd.f32 v9, v9;
	(erf) = vpow2.f32 v0;
	v0 =	vpop (erf)  }
0x7e: {  	v11 =	vadd.f32 v11, v11;
	v58 =	vpop (erf)  }
0x7f: {  	v9 =	vmul.f32 $1.442695020e+00, v9;
	(erf) = vpow2.f32 v8;
	v8 =	vpop (erf)  }
0x80: {  	v11 =	vmul.f32 $1.442695020e+00, v11;
	(erf) = vpow2.f32 v1;
	v1 =	vpop (erf)  }
0x81: {  	(erf) = vpow2.f32 v6;
	v6 =	vpop (erf)  }
0x82: {  	v5 =	vadd.f32 $1.000000000e+00, v5;
	(erf) = vpow2.f32 v11;
	v59 =	vpop (erf)  }
0x83: {  	v11 =	vadd.f32 $1.000000000e+00, v57;
	(erf) = vpow2.f32 v9;
	v9 =	vpop (erf)  }
0x84: {  	(erf) = vrcp.f32 v5;
	v5 =	vadd.f32 $1.000000000e+00, v9;
	v9 =	vpop (erf)  }
0x85: {  	v2 =	vadd.f32 $1.000000000e+00, v2;
	v9 =	vadd.f32 $1.000000000e+00, v9  }
0x86: {  	(erf) = vrcp.f32 v11  }
0x87: {  	v11 =	vpop (erf);
	(erf) = vrcp.f32 v2  }
0x88: {  	v2 =	vsub.f32 $1.000000000e+00, v3;
	v3 =	vadd.f32 $1.000000000e+00, v11;
	(erf) = vrcp.f32 v5  }
0x89: {  	(erf) = vrcp.f32 v9;
	v9 =	vpop (erf)  }
0x8a: {  	v9 =	vadd.f32 $1.000000000e+00, v9  }
0x8b: {  	v5 =	vadd.f32 $1.000000000e+00, v10;
	v10 =	vadd.f32 v58, v58  }
0x8c: {  	v8 =	vadd.f32 v8, v8;
	(erf) = vrcp.f32 v3;
	v3 =	vpop (erf)  }
0x8d: {  	v4 =	vadd.f32 v4, v4;
	v10 =	vsub.f32 $1.000000000e+00, v10;
	v11 =	vpop (erf);
	(erf) = vrcp.f32 v5  }
0x8e: {  	v7 =	vadd.f32 v7, v7;
	v0 =	vadd.f32 v0, v0;
	(erf) = vrcp.f32 v9;
	v9 =	vpop (erf)  }
0x8f: {  	v1 =	vadd.f32 v1, v1;
	[tilespmem:s6+$0x124A0] =	vst v2;
	v2 =	vadd.f32 v6, v6;
	v60 =	vpop (erf)  }
0x90: {  	v6 =	vsub.f32 $1.000000000e+00, v8;
	v5 =	vadd.f32 v59, v59;
	v8 =	vpop (erf)  }
0x91: {  	v1 =	vsub.f32 $1.000000000e+00, v1;
	[tilespmem:s8+$0x124B0] =	vst v10;
	v3 =	vadd.f32 $1.000000000e+00, v3;
	v10 =	vpop (erf)  }
0x92: {  	[tilespmem:s8+$0x12400] =	vst v6;
	v6 =	vadd.f32 $1.000000000e+00, v11;
	v5 =	vsub.f32 $1.000000000e+00, v5;
	v11 =	vpop (erf)  }
0x93: {  	[tilespmem:s8+$0x12410] =	vst v1;
	v1 =	vadd.f32 $1.000000000e+00, v9;
	v9 =	vpop (erf);
	(erf) = vrcp.f32 v3;
	v3 =	vsub.f32 $1.000000000e+00, v7  }
0x94: {  	v4 =	vsub.f32 $1.000000000e+00, v4;
	[tilespmem:s8+$0x12420] =	vst v5;
	v5 =	vadd.f32 $1.000000000e+00, v60  }
0x95: {  	v7 =	vpop (erf)  }
0x96: {  	v0 =	vsub.f32 $1.000000000e+00, v0;
	[tilespmem:s21+$0x12430] =	vst v4;
	(erf) = vrcp.f32 v6;
	v4 =	vadd.f32 v9, v9;
	v6 =	vpop (erf)  }
0x97: {  	(erf) = vrcp.f32 v1;
	v1 =	vsub.f32 $1.000000000e+00, v2;
	[tilespmem:s21+$0x12480] =	vst v3;
	v2 =	vadd.f32 v7, v7;
	v3 =	vpop (erf)  }
0x98: {  	[tilespmem:s21+$0x12490] =	vst v0;
	v0 =	vsub.f32 $1.000000000e+00, v4;
	v4 =	vadd.f32 v6, v6;
	(erf) = vrcp.f32 v5;
	v5 =	vpop (erf)  }
0x99: {  	[tilespmem:s21+$0x124A0] =	vst v1;
	v1 =	vadd.f32 v5, v5  }
0x9a: {  	v2 =	vsub.f32 $1.000000000e+00, v2;
	[tilespmem:s9+$0x124B0] =	vst v0;
	v0 =	vsub.f32 $1.000000000e+00, v4  }
0x9b: {  	v4 =	vadd.f32 v10, v10;
	v1 =	vsub.f32 $1.000000000e+00, v1  }
0x9c: {  	v5 =	vadd.f32 v8, v8;
	[tilespmem:s9+$0x12400] =	vst v2;
	v2 =	vadd.f32 v11, v11  }
0x9d: {  	[tilespmem:s9+$0x12410] =	vst v0;
	v0 =	vadd.f32 v3, v3;
	v3 =	vsub.f32 $1.000000000e+00, v4  }
0x9e: {  	v5 =	vsub.f32 $1.000000000e+00, v5;
	v2 =	vsub.f32 $1.000000000e+00, v2  }
0x9f: {  	[tilespmem:s9+$0x12420] =	vst v1;
	v1 =	vpop (erf)  }
0xa0: {  	[tilespmem:s8+$0x12430] =	vst v5;
	v4 =	vpop (erf);
	v1 =	vadd.f32 v1, v1  }
0xa1: {  	v0 =	vsub.f32 $1.000000000e+00, v0;
	[tilespmem:s8+$0x12480] =	vst v3;
	v3 =	vpop (erf);
	v4 =	vadd.f32 v4, v4  }
0xa2: {  	[tilespmem:s8+$0x12490] =	vst v2;
	v2 =	vpop (erf);
	v3 =	vadd.f32 v3, v3;
	v1 =	vsub.f32 $1.000000000e+00, v1  }
0xa3: {  	[tilespmem:s8+$0x124A0] =	vst v0;
	v0 =	vadd.f32 v2, v2;
	v2 =	vsub.f32 $1.000000000e+00, v4  }
0xa4: {  	v3 =	vsub.f32 $1.000000000e+00, v3;
	[tilespmem:s9+$0x12430] =	vst v1  }
0xa5: {  	v0 =	vsub.f32 $1.000000000e+00, v0;
	[tilespmem:s9+$0x12480] =	vst v2  }
0xa6: {  	[tilespmem:s9+$0x12490] =	vst v3  }
0xa7: {  	s26 =	simm.s32 $0x0;
	[tilespmem:s9+$0x124A0] =	vst v0  }
0xa8: {  	[hbm4b:s7+s26] =	stream.linear.scatter [tilespmem:s20], [sflag:$0x4], $0x4000, $0x38;
	[tilespmem:$0x1E400] =	vst v63  }
0xa9: {  	s31 =	simm.s32 $0x100  }
0xaa: {  	[tilespmem:s22], [sflag:$0x3] =	stream.indirect.gather [hbm4b:s3+s16], $0x80, s31, s16, $0xb8;
	[tilespmem:$0x1E400] =	vst v63  }
0xab: {  	_ =	swait.ge [sflag:s23], $0x4000  }
0xac: {  	[sflag:s23] =	ssyncset.done $0x0  }
0xad: {  	s6 =	simm.s32 $0x0;
	[sflag:s23] =	ssyncadd.s32 $0xFFFFC000  }
0xae: {  	v0 =	vld [tilespmem:s6+$0xA4B0];
	_ =	sdelay $0x1  }
0xaf: {  	v1 =	vld [tilespmem:s6+$0xA400]  }
0xb0: {  	v2 =	vld [tilespmem:s6+$0xA410]  }
0xb1: {  	v3 =	vld [tilespmem:s6+$0xA420]  }
0xb2: {  	v0 =	vadd.f32 v0, v0  }
0xb3: {  	v4 =	vld [tilespmem:s6+$0xA430]  }
0xb4: {  	v5 =	vld [tilespmem:s6+$0xA480];
	v1 =	vadd.f32 v1, v1;
	v0 =	vmul.f32 $1.442695020e+00, v0  }
0xb5: {  	v2 =	vadd.f32 v2, v2  }
0xb6: {  	v3 =	vadd.f32 v3, v3;
	v1 =	vmul.f32 $1.442695020e+00, v1;
	(erf) = vpow2.f32 v0  }
0xb7: {  	v2 =	vmul.f32 $1.442695020e+00, v2;
	v0 =	vld [tilespmem:s6+$0xA490]  }
0xb8: {  	v6 =	vld [tilespmem:s6+$0xA4A0];
	v3 =	vmul.f32 $1.442695020e+00, v3;
	(erf) = vpow2.f32 v1  }
0xb9: {  	v1 =	vadd.f32 v4, v4;
	v4 =	vadd.f32 v5, v5;
	(erf) = vpow2.f32 v2;
	_ =	sdelay $0x1  }
0xba: {  	v2 =	vmul.f32 $1.442695020e+00, v4;
	(erf) = vpow2.f32 v3  }
0xbb: {  	v1 =	vmul.f32 $1.442695020e+00, v1;
	v0 =	vadd.f32 v0, v0  }
0xbc: {  	v4 =	vadd.f32 v6, v6  }
0xbd: {  	(erf) = vpow2.f32 v1;
	v0 =	vmul.f32 $1.442695020e+00, v0  }
0xbe: {  	s21 =	simm.s32 $0x100;
	v1 =	vmul.f32 $1.442695020e+00, v4;
	(erf) = vpow2.f32 v2;
	v2 =	vpop (erf)  }
0xbf: {  	v3 =	vld [tilespmem:s21+$0xA400];
	(erf) = vpow2.f32 v0;
	v0 =	vadd.f32 $1.000000000e+00, v2  }
0xc0: {  	(erf) = vpow2.f32 v1;
	v1 =	vld [tilespmem:s21+$0xA4B0];
	v2 =	vpop (erf)  }
0xc1: {  	v4 =	vpop (erf);
	(erf) = vrcp.f32 v0;
	v0 =	vadd.f32 $1.000000000e+00, v2  }
0xc2: {  	v2 =	vld [tilespmem:s21+$0xA410];
	v4 =	vadd.f32 $1.000000000e+00, v4  }
0xc3: {  	v5 =	vld [tilespmem:s21+$0xA420];
	v6 =	vpop (erf);
	(erf) = vrcp.f32 v0  }
0xc4: {  	v3 =	vadd.f32 v3, v3;
	v6 =	vadd.f32 $1.000000000e+00, v6  }
0xc5: {  	v7 =	vld [tilespmem:s21+$0xA480];
	v1 =	vadd.f32 v1, v1  }
0xc6: {  	v3 =	vmul.f32 $1.442695020e+00, v3;
	v0 =	vld [tilespmem:s21+$0xA430];
	(erf) = vrcp.f32 v4;
	v4 =	vpop (erf)  }
0xc7: {  	v9 =	vld [tilespmem:s21+$0xA490];
	v8 =	vpop (erf);
	v2 =	vadd.f32 v2, v2;
	v1 =	vmul.f32 $1.442695020e+00, v1  }
0xc8: {  	v5 =	vadd.f32 v5, v5;
	(erf) = vrcp.f32 v6;
	v6 =	vpop (erf)  }
0xc9: {  	v11 =	vpop (erf);
	v2 =	vmul.f32 $1.442695020e+00, v2;
	(erf) = vpow2.f32 v1  }
0xca: {  	v10 =	vld [tilespmem:s21+$0xA4A0];
	v5 =	vmul.f32 $1.442695020e+00, v5;
	(erf) = vpow2.f32 v3;
	v3 =	vpop (erf)  }
0xcb: {  	v0 =	vadd.f32 v0, v0;
	(erf) = vpow2.f32 v2;
	v2 =	vadd.f32 v3, v3  }
0xcc: {  	v1 =	vadd.f32 v7, v7;
	v3 =	vadd.f32 v9, v9;
	v9 =	vpop (erf)  }
0xcd: {  	(erf) = vpow2.f32 v5;
	v2 =	vsub.f32 $1.000000000e+00, v2;
	v5 =	vadd.f32 v9, v9  }
0xce: {  	v0 =	vmul.f32 $1.442695020e+00, v0  }
0xcf: {  	v7 =	vadd.f32 v10, v10;
	v1 =	vmul.f32 $1.442695020e+00, v1;
	[tilespmem:s6+$0x164B0] =	vst v2;
	v2 =	vsub.f32 $1.000000000e+00, v5  }
0xd0: {  	(erf) = vpow2.f32 v0;
	v0 =	vadd.f32 $1.000000000e+00, v4;
	v3 =	vmul.f32 $1.442695020e+00, v3;
	v4 =	vpop (erf)  }
0xd1: {  	s8 =	simm.s32 $0x200;
	v7 =	vmul.f32 $1.442695020e+00, v7;
	(erf) = vpow2.f32 v1;
	v5 =	vadd.f32 $1.000000000e+00, v6;
	v6 =	vpop (erf)  }
0xd2: {  	v1 =	vadd.f32 v4, v4;
	v4 =	vadd.f32 $1.000000000e+00, v8;
	(erf) = vpow2.f32 v3;
	v3 =	vld [tilespmem:s8+$0xA4B0];
	v8 =	vpop (erf)  }
0xd3: {  	(erf) = vpow2.f32 v7;
	v7 =	vld [tilespmem:s8+$0xA400];
	[tilespmem:s6+$0x16400] =	vst v2;
	v2 =	vpop (erf)  }
0xd4: {  	v6 =	vadd.f32 v6, v6;
	(erf) = vrcp.f32 v0;
	v2 =	vadd.f32 $1.000000000e+00, v2  }
0xd5: {  	v1 =	vsub.f32 $1.000000000e+00, v1;
	v0 =	vadd.f32 $1.000000000e+00, v8;
	(erf) = vrcp.f32 v4  }
0xd6: {  	v4 =	vld [tilespmem:s8+$0xA410];
	(erf) = vrcp.f32 v5;
	v8 =	vpop (erf)  }
0xd7: {  	v6 =	vsub.f32 $1.000000000e+00, v6;
	[tilespmem:s6+$0x16410] =	vst v1;
	(erf) = vrcp.f32 v0;
	v1 =	vadd.f32 $1.000000000e+00, v8  }
0xd8: {  	(erf) = vrcp.f32 v2;
	v2 =	vpop (erf)  }
0xd9: {  	v0 =	vld [tilespmem:s8+$0xA420];
	[tilespmem:s6+$0x16420] =	vst v6;
	v3 =	vadd.f32 v3, v3;
	v2 =	vadd.f32 $1.000000000e+00, v2  }
0xda: {  	v5 =	vadd.f32 $1.000000000e+00, v11;
	v6 =	vld [tilespmem:s8+$0xA430]  }
0xdb: {  	v8 =	vld [tilespmem:s8+$0xA480];
	v4 =	vadd.f32 v4, v4;
	v3 =	vmul.f32 $1.442695020e+00, v3;
	(erf) = vrcp.f32 v1;
	v1 =	vpop (erf)  }
0xdc: {  	(erf) = vrcp.f32 v5;
	v5 =	vadd.f32 v7, v7;
	v7 =	vld [tilespmem:s8+$0xA490];
	v11 =	vadd.f32 $1.000000000e+00, v1;
	v1 =	vpop (erf)  }
0xdd: {  	v9 =	vld [tilespmem:s8+$0xA4A0];
	(erf) = vrcp.f32 v2;
	v2 =	vpop (erf)  }
0xde: {  	v61 =	vadd.f32 v0, v0;
	v4 =	vmul.f32 $1.442695020e+00, v4;
	v10 =	vpop (erf)  }
0xdf: {  	v6 =	vadd.f32 v6, v6;
	v5 =	vmul.f32 $1.442695020e+00, v5;
	v0 =	vadd.f32 $1.000000000e+00, v10;
	v10 =	vpop (erf)  }
0xe0: {  	v8 =	vadd.f32 v8, v8;
	v12 =	vmul.f32 $1.442695020e+00, v61;
	(erf) = vpow2.f32 v3;
	v3 =	vpop (erf)  }
0xe1: {  	(erf) = vpow2.f32 v5;
	v5 =	vmul.f32 $1.442695020e+00, v6;
	v6 =	vadd.f32 v7, v7;
	v62 =	vpop (erf)  }
0xe2: {  	v7 =	vmul.f32 $1.442695020e+00, v8;
	v8 =	vadd.f32 v9, v9;
	(erf) = vpow2.f32 v4;
	v4 =	vpop (erf)  }
0xe3: {  	v1 =	vadd.f32 $1.000000000e+00, v1;
	v14 =	vmul.f32 $1.442695020e+00, v6;
	v4 =	vadd.f32 v4, v4  }
0xe4: {  	v2 =	vadd.f32 $1.000000000e+00, v2;
	(erf) = vpow2.f32 v12;
	v8 =	vmul.f32 $1.442695020e+00, v8;
	v9 =	vpop (erf)  }
0xe5: {  	(erf) = vpow2.f32 v5;
	v63 =	vadd.f32 v9, v9;
	v6 =	vpop (erf);
	v9 =	vsub.f32 $1.000000000e+00, v4  }
0xe6: {  	v5 =	vadd.f32 v3, v3;
	v15 =	vpop (erf);
	(erf) = vpow2.f32 v7;
	v16 =	vadd.f32 v6, v6  }
0xe7: {  	v6 =	vadd.f32 v10, v10;
	(erf) = vpow2.f32 v14;
	v3 =	vadd.f32 v15, v15;
	v4 =	vpop (erf)  }
0xe8: {  	v10 =	vsub.f32 $1.000000000e+00, v63;
	(erf) = vpow2.f32 v8;
	v7 =	vadd.f32 v4, v4  }
0xe9: {  	s12 =	simm.s32 $0x1000;
	s9 =	simm.s32 $0x300;
	[tilespmem:s21+$0x164B0] =	vst v9;
	v8 =	vsub.f32 $1.000000000e+00, v16;
	v4 =	vadd.f32 v62, v62;
	(erf) = vrcp.f32 v11;
	v9 =	vpop (erf)  }
.LBB2_4:
0xea: {  	p0 =	sne.s32 s12, $0xFC00;
	v11 =	vld [tilespmem:s9+$0xA4B0];
	v14 =	vadd.f32 $1.000000000e+00, v9;
	v12 =	vpop (erf);
	v7 =	vsub.f32 $1.000000000e+00, v7;
	(erf) = vrcp.f32 v1  }
0xeb: {  	v1 =	vld [tilespmem:s9+$0xA400];
	v12 =	vadd.f32 $1.000000000e+00, v12;
	v13 =	vpop (erf);
	[tilespmem:s21+$0x16400] =	vst v10;
	(erf) = vrcp.f32 v2;
	v2 =	vsub.f32 $1.000000000e+00, v6  }
0xec: {  	v5 =	vsub.f32 $1.000000000e+00, v5;
	v6 =	vld [tilespmem:s9+$0xA410];
	v13 =	vadd.f32 $1.000000000e+00, v13;
	(erf) = vrcp.f32 v14;
	[tilespmem:s21+$0x16410] =	vst v8  }
0xed: {  	v4 =	vsub.f32 $1.000000000e+00, v4;
	v3 =	vsub.f32 $1.000000000e+00, v3;
	v8 =	vld [tilespmem:s9+$0xA420];
	(erf) = vrcp.f32 v12;
	v9 =	vpop (erf);
	[tilespmem:s21+$0x16420] =	vst v7  }
0xee: {  	v7 =	vld [tilespmem:s9+$0xA430];
	v14 =	vadd.f32 $1.000000000e+00, v9;
	(erf) = vrcp.f32 v13;
	v10 =	vpop (erf);
	[tilespmem:s6+$0x16430] =	vst v2  }
0xef: {  	v12 =	vld [tilespmem:s9+$0xA480];
	v2 =	vadd.f32 v11, v11;
	v11 =	vadd.f32 $1.000000000e+00, v10;
	v10 =	vpop (erf);
	(erf) = vrcp.f32 v0;
	[tilespmem:s6+$0x16480] =	vst v5  }
0xf0: {  	v0 =	vadd.f32 v1, v1;
	v5 =	vld [tilespmem:s9+$0xA490];
	v1 =	vadd.f32 $1.000000000e+00, v10;
	(erf) = vrcp.f32 v14;
	v9 =	vpop (erf);
	[tilespmem:s6+$0x16490] =	vst v4  }
0xf1: {  	v4 =	vadd.f32 v6, v6;
	v6 =	vld [tilespmem:s9+$0xA4A0];
	v13 =	vmul.f32 $1.442695020e+00, v2;
	v2 =	vadd.f32 $1.000000000e+00, v9;
	v9 =	vpop (erf);
	[tilespmem:s6+$0x164A0] =	vst v3;
	s6 =	smov.u32 s21;
	s21 =	smov.u32 s8;
	s8 =	smov.u32 s9  }
0xf2: {  	v14 =	vmul.f32 $1.442695020e+00, v0;
	v8 =	vadd.f32 v8, v8;
	v0 =	vadd.f32 $1.000000000e+00, v9;
	v9 =	vpop (erf)  }
0xf3: {  	v15 =	vmul.f32 $1.442695020e+00, v4;
	v7 =	vadd.f32 v7, v7;
	(erf) = vpow2.f32 v13;
	v10 =	vpop (erf)  }
0xf4: {  	v8 =	vmul.f32 $1.442695020e+00, v8;
	v12 =	vadd.f32 v12, v12;
	(erf) = vpow2.f32 v14;
	v3 =	vpop (erf)  }
0xf5: {  	v7 =	vmul.f32 $1.442695020e+00, v7;
	v5 =	vadd.f32 v5, v5;
	(erf) = vpow2.f32 v15;
	v4 =	vpop (erf)  }
0xf6: {  	v12 =	vmul.f32 $1.442695020e+00, v12;
	v6 =	vadd.f32 v6, v6;
	v4 =	vadd.f32 v4, v4;
	v13 =	vpop (erf)  }
0xf7: {  	v5 =	vmul.f32 $1.442695020e+00, v5;
	(erf) = vpow2.f32 v8;
	v8 =	vadd.f32 v13, v13;
	v13 =	vpop (erf)  }
.Ltmp1:
0xf8: {  	v14 =	vmul.f32 $1.442695020e+00, v6;
	(erf) = vpow2.f32 v7;
	v4 =	vsub.f32 $1.000000000e+00, v4;
	v15 =	vpop (erf);
	(pc) =	sbr.rel @p0 .LBB2_4-.Ltmp1, $4  }
0xf9: {  	v6 =	vadd.f32 v9, v9;
	(erf) = vpow2.f32 v12;
	v12 =	vadd.f32 v13, v13;
	v7 =	vpop (erf)  }
0xfa: {  	(erf) = vpow2.f32 v5;
	v7 =	vadd.f32 v7, v7;
	[tilespmem:s21+$0x164B0] =	vst v4;
	v5 =	vadd.f32 v10, v10  }
0xfb: {  	v4 =	vadd.f32 v3, v3;
	v3 =	vadd.f32 v15, v15;
	(erf) = vpow2.f32 v14  }
0xfc: {  	s9 =	sshra.s32 s12, $0x2;
	s12 =	sadd.s32 $0x400, s12;
	v10 =	vsub.f32 $1.000000000e+00, v8;
	v8 =	vsub.f32 $1.000000000e+00, v12;
	v9 =	vpop (erf);
	(erf) = vrcp.f32 v11  }
0xfd: {  	v11 =	vld [tilespmem:s9+$0xA4B0]  }
0xfe: {  	v12 =	vld [tilespmem:s9+$0xA400];
	v7 =	vsub.f32 $1.000000000e+00, v7;
	[tilespmem:s21+$0x16400] =	vst v10  }
0xff: {  	v10 =	vld [tilespmem:s9+$0xA410];
	[tilespmem:s21+$0x16410] =	vst v8  }
0x100: {  	v8 =	vld [tilespmem:s9+$0xA420];
	[tilespmem:s21+$0x16420] =	vst v7;
	v7 =	vadd.f32 $1.000000000e+00, v9;
	v9 =	vpop (erf)  }
0x101: {  	v6 =	vsub.f32 $1.000000000e+00, v6;
	(erf) = vrcp.f32 v1;
	v13 =	vpop (erf)  }
0x102: {  	(erf) = vrcp.f32 v2;
	v2 =	vsub.f32 $1.000000000e+00, v5;
	v5 =	vadd.f32 $1.000000000e+00, v13  }
0x103: {  	v9 =	vadd.f32 $1.000000000e+00, v9  }
0x104: {  	v4 =	vsub.f32 $1.000000000e+00, v4;
	v1 =	vld [tilespmem:s9+$0xA430];
	[tilespmem:s6+$0x16430] =	vst v6;
	(erf) = vrcp.f32 v7;
	v7 =	vpop (erf)  }
0x105: {  	v6 =	vld [tilespmem:s9+$0xA480];
	(erf) = vrcp.f32 v9;
	v9 =	vadd.f32 v11, v11;
	[tilespmem:s6+$0x16480] =	vst v2;
	v2 =	vadd.f32 $1.000000000e+00, v7  }
0x106: {  	(erf) = vrcp.f32 v5;
	v7 =	vadd.f32 v12, v12;
	v5 =	vpop (erf)  }
0x107: {  	v11 =	vld [tilespmem:s9+$0xA490];
	[tilespmem:s6+$0x16490] =	vst v4;
	v4 =	vmul.f32 $1.442695020e+00, v9;
	v57 =	vpop (erf);
	(erf) = vrcp.f32 v0;
	v0 =	vadd.f32 v10, v10  }
0x108: {  	v9 =	vld [tilespmem:s9+$0xA4A0];
	v7 =	vmul.f32 $1.442695020e+00, v7  }
0x109: {  	v8 =	vadd.f32 v8, v8;
	(erf) = vrcp.f32 v2;
	v2 =	vpop (erf);
	v0 =	vmul.f32 $1.442695020e+00, v0  }
0x10a: {  	v1 =	vadd.f32 v1, v1;
	v10 =	vpop (erf);
	(erf) = vpow2.f32 v4  }
0x10b: {  	v8 =	vmul.f32 $1.442695020e+00, v8;
	v6 =	vadd.f32 v6, v6;
	v4 =	vpop (erf);
	(erf) = vpow2.f32 v7  }
0x10c: {  	v1 =	vmul.f32 $1.442695020e+00, v1;
	v7 =	vpop (erf)  }
0x10d: {  	v6 =	vmul.f32 $1.442695020e+00, v6;
	v9 =	vadd.f32 v9, v9;
	(erf) = vpow2.f32 v0;
	v0 =	vpop (erf)  }
0x10e: {  	v11 =	vadd.f32 v11, v11;
	v58 =	vpop (erf)  }
0x10f: {  	v9 =	vmul.f32 $1.442695020e+00, v9;
	(erf) = vpow2.f32 v8;
	v8 =	vpop (erf)  }
0x110: {  	v11 =	vmul.f32 $1.442695020e+00, v11;
	(erf) = vpow2.f32 v1;
	v1 =	vpop (erf)  }
0x111: {  	(erf) = vpow2.f32 v6;
	v6 =	vpop (erf)  }
0x112: {  	v5 =	vadd.f32 $1.000000000e+00, v5;
	(erf) = vpow2.f32 v11;
	v59 =	vpop (erf)  }
0x113: {  	v11 =	vadd.f32 $1.000000000e+00, v57;
	(erf) = vpow2.f32 v9;
	v9 =	vpop (erf)  }
0x114: {  	(erf) = vrcp.f32 v5;
	v5 =	vadd.f32 $1.000000000e+00, v9;
	v9 =	vpop (erf)  }
0x115: {  	v2 =	vadd.f32 $1.000000000e+00, v2;
	v9 =	vadd.f32 $1.000000000e+00, v9  }
0x116: {  	(erf) = vrcp.f32 v11  }
0x117: {  	v11 =	vpop (erf);
	(erf) = vrcp.f32 v2  }
0x118: {  	v2 =	vsub.f32 $1.000000000e+00, v3;
	v3 =	vadd.f32 $1.000000000e+00, v11;
	(erf) = vrcp.f32 v5  }
0x119: {  	(erf) = vrcp.f32 v9;
	v9 =	vpop (erf)  }
0x11a: {  	v9 =	vadd.f32 $1.000000000e+00, v9  }
0x11b: {  	v5 =	vadd.f32 $1.000000000e+00, v10;
	v10 =	vadd.f32 v58, v58  }
0x11c: {  	v8 =	vadd.f32 v8, v8;
	(erf) = vrcp.f32 v3;
	v3 =	vpop (erf)  }
0x11d: {  	v4 =	vadd.f32 v4, v4;
	v10 =	vsub.f32 $1.000000000e+00, v10;
	v11 =	vpop (erf);
	(erf) = vrcp.f32 v5  }
0x11e: {  	v7 =	vadd.f32 v7, v7;
	v0 =	vadd.f32 v0, v0;
	(erf) = vrcp.f32 v9;
	v9 =	vpop (erf)  }
0x11f: {  	v1 =	vadd.f32 v1, v1;
	[tilespmem:s6+$0x164A0] =	vst v2;
	v2 =	vadd.f32 v6, v6;
	v60 =	vpop (erf)  }
0x120: {  	v6 =	vsub.f32 $1.000000000e+00, v8;
	v5 =	vadd.f32 v59, v59;
	v8 =	vpop (erf)  }
0x121: {  	v1 =	vsub.f32 $1.000000000e+00, v1;
	[tilespmem:s8+$0x164B0] =	vst v10;
	v3 =	vadd.f32 $1.000000000e+00, v3;
	v10 =	vpop (erf)  }
0x122: {  	[tilespmem:s8+$0x16400] =	vst v6;
	v6 =	vadd.f32 $1.000000000e+00, v11;
	v5 =	vsub.f32 $1.000000000e+00, v5;
	v11 =	vpop (erf)  }
0x123: {  	[tilespmem:s8+$0x16410] =	vst v1;
	v1 =	vadd.f32 $1.000000000e+00, v9;
	v9 =	vpop (erf);
	(erf) = vrcp.f32 v3;
	v3 =	vsub.f32 $1.000000000e+00, v7  }
0x124: {  	v4 =	vsub.f32 $1.000000000e+00, v4;
	[tilespmem:s8+$0x16420] =	vst v5;
	v5 =	vadd.f32 $1.000000000e+00, v60  }
0x125: {  	v7 =	vpop (erf)  }
0x126: {  	v0 =	vsub.f32 $1.000000000e+00, v0;
	[tilespmem:s21+$0x16430] =	vst v4;
	(erf) = vrcp.f32 v6;
	v4 =	vadd.f32 v9, v9;
	v6 =	vpop (erf)  }
0x127: {  	(erf) = vrcp.f32 v1;
	v1 =	vsub.f32 $1.000000000e+00, v2;
	[tilespmem:s21+$0x16480] =	vst v3;
	v2 =	vadd.f32 v7, v7;
	v3 =	vpop (erf)  }
0x128: {  	[tilespmem:s21+$0x16490] =	vst v0;
	v0 =	vsub.f32 $1.000000000e+00, v4;
	v4 =	vadd.f32 v6, v6;
	(erf) = vrcp.f32 v5;
	v5 =	vpop (erf)  }
0x129: {  	[tilespmem:s21+$0x164A0] =	vst v1;
	v1 =	vadd.f32 v5, v5  }
0x12a: {  	v2 =	vsub.f32 $1.000000000e+00, v2;
	[tilespmem:s9+$0x164B0] =	vst v0;
	v0 =	vsub.f32 $1.000000000e+00, v4  }
0x12b: {  	v4 =	vadd.f32 v10, v10;
	v1 =	vsub.f32 $1.000000000e+00, v1  }
0x12c: {  	v5 =	vadd.f32 v8, v8;
	[tilespmem:s9+$0x16400] =	vst v2;
	v2 =	vadd.f32 v11, v11  }
0x12d: {  	[tilespmem:s9+$0x16410] =	vst v0;
	v0 =	vadd.f32 v3, v3;
	v3 =	vsub.f32 $1.000000000e+00, v4  }
0x12e: {  	v5 =	vsub.f32 $1.000000000e+00, v5;
	v2 =	vsub.f32 $1.000000000e+00, v2  }
0x12f: {  	[tilespmem:s9+$0x16420] =	vst v1;
	v1 =	vpop (erf)  }
0x130: {  	[tilespmem:s8+$0x16430] =	vst v5;
	v4 =	vpop (erf);
	v1 =	vadd.f32 v1, v1  }
0x131: {  	v0 =	vsub.f32 $1.000000000e+00, v0;
	[tilespmem:s8+$0x16480] =	vst v3;
	v3 =	vpop (erf);
	v4 =	vadd.f32 v4, v4  }
0x132: {  	[tilespmem:s8+$0x16490] =	vst v2;
	v2 =	vpop (erf);
	v3 =	vadd.f32 v3, v3;
	v1 =	vsub.f32 $1.000000000e+00, v1  }
0x133: {  	[tilespmem:s8+$0x164A0] =	vst v0;
	v0 =	vadd.f32 v2, v2;
	v2 =	vsub.f32 $1.000000000e+00, v4  }
0x134: {  	v3 =	vsub.f32 $1.000000000e+00, v3;
	[tilespmem:s9+$0x16430] =	vst v1  }
0x135: {  	v0 =	vsub.f32 $1.000000000e+00, v0;
	[tilespmem:s9+$0x16480] =	vst v2  }
0x136: {  	[tilespmem:s9+$0x16490] =	vst v3  }
0x137: {  	s26 =	rddreg [dreg:$0x4];
	s21 =	simm.s32 $0x0;
	[tilespmem:s9+$0x164A0] =	vst v0  }
0x138: {  	[hbm4b:s26+s21] =	stream.linear.scatter [tilespmem:s24], [sflag:$0x5], $0x4000, $0x38;
	[tilespmem:$0x1E400] =	vst v63  }
0x139: {  	_ =	swait.ge [sflag:s25], $0x4000  }
0x13a: {  	[sflag:s25] =	ssyncset.done $0x0  }
0x13b: {  	s31 =	simm.s32 $0x180;
	[sflag:s25] =	ssyncadd.s32 $0xFFFFC000  }
0x13c: {  	[tilespmem:s17], [sflag:$0x1] =	stream.indirect.gather [hbm4b:s3+s16], $0x80, s31, s16, $0xb8;
	[tilespmem:$0x1E400] =	vst v63  }
0x13d: {  	_ =	swait.ge [sflag:s28], $0x4000  }
0x13e: {  	[sflag:s28] =	ssyncset.done $0x0  }
0x13f: {  	s6 =	simm.s32 $0x0;
	[sflag:s28] =	ssyncadd.s32 $0xFFFFC000  }
0x140: {  	v0 =	vld [tilespmem:s6+$0xE4B0];
	_ =	sdelay $0x1  }
0x141: {  	v1 =	vld [tilespmem:s6+$0xE400]  }
0x142: {  	v2 =	vld [tilespmem:s6+$0xE410]  }
0x143: {  	v3 =	vld [tilespmem:s6+$0xE420]  }
0x144: {  	v0 =	vadd.f32 v0, v0  }
0x145: {  	v4 =	vld [tilespmem:s6+$0xE430]  }
0x146: {  	v5 =	vld [tilespmem:s6+$0xE480];
	v1 =	vadd.f32 v1, v1;
	v0 =	vmul.f32 $1.442695020e+00, v0  }
0x147: {  	v2 =	vadd.f32 v2, v2  }
0x148: {  	v3 =	vadd.f32 v3, v3;
	v1 =	vmul.f32 $1.442695020e+00, v1;
	(erf) = vpow2.f32 v0  }
0x149: {  	v2 =	vmul.f32 $1.442695020e+00, v2;
	v0 =	vld [tilespmem:s6+$0xE490]  }
0x14a: {  	v6 =	vld [tilespmem:s6+$0xE4A0];
	v3 =	vmul.f32 $1.442695020e+00, v3;
	(erf) = vpow2.f32 v1  }
0x14b: {  	v1 =	vadd.f32 v4, v4;
	v4 =	vadd.f32 v5, v5;
	(erf) = vpow2.f32 v2;
	_ =	sdelay $0x1  }
0x14c: {  	v2 =	vmul.f32 $1.442695020e+00, v4;
	(erf) = vpow2.f32 v3  }
0x14d: {  	v1 =	vmul.f32 $1.442695020e+00, v1;
	v0 =	vadd.f32 v0, v0  }
0x14e: {  	v4 =	vadd.f32 v6, v6  }
0x14f: {  	(erf) = vpow2.f32 v1;
	v0 =	vmul.f32 $1.442695020e+00, v0  }
0x150: {  	s21 =	simm.s32 $0x100;
	v1 =	vmul.f32 $1.442695020e+00, v4;
	(erf) = vpow2.f32 v2;
	v2 =	vpop (erf)  }
0x151: {  	v3 =	vld [tilespmem:s21+$0xE400];
	(erf) = vpow2.f32 v0;
	v0 =	vadd.f32 $1.000000000e+00, v2  }
0x152: {  	(erf) = vpow2.f32 v1;
	v1 =	vld [tilespmem:s21+$0xE4B0];
	v2 =	vpop (erf)  }
0x153: {  	v4 =	vpop (erf);
	(erf) = vrcp.f32 v0;
	v0 =	vadd.f32 $1.000000000e+00, v2  }
0x154: {  	v2 =	vld [tilespmem:s21+$0xE410];
	v4 =	vadd.f32 $1.000000000e+00, v4  }
0x155: {  	v5 =	vld [tilespmem:s21+$0xE420];
	v6 =	vpop (erf);
	(erf) = vrcp.f32 v0  }
0x156: {  	v3 =	vadd.f32 v3, v3;
	v6 =	vadd.f32 $1.000000000e+00, v6  }
0x157: {  	v7 =	vld [tilespmem:s21+$0xE480];
	v1 =	vadd.f32 v1, v1  }
0x158: {  	v3 =	vmul.f32 $1.442695020e+00, v3;
	v0 =	vld [tilespmem:s21+$0xE430];
	(erf) = vrcp.f32 v4;
	v4 =	vpop (erf)  }
0x159: {  	v9 =	vld [tilespmem:s21+$0xE490];
	v8 =	vpop (erf);
	v2 =	vadd.f32 v2, v2;
	v1 =	vmul.f32 $1.442695020e+00, v1  }
0x15a: {  	v5 =	vadd.f32 v5, v5;
	(erf) = vrcp.f32 v6;
	v6 =	vpop (erf)  }
0x15b: {  	v11 =	vpop (erf);
	v2 =	vmul.f32 $1.442695020e+00, v2;
	(erf) = vpow2.f32 v1  }
0x15c: {  	v10 =	vld [tilespmem:s21+$0xE4A0];
	v5 =	vmul.f32 $1.442695020e+00, v5;
	(erf) = vpow2.f32 v3;
	v3 =	vpop (erf)  }
0x15d: {  	v0 =	vadd.f32 v0, v0;
	(erf) = vpow2.f32 v2;
	v2 =	vadd.f32 v3, v3  }
0x15e: {  	v1 =	vadd.f32 v7, v7;
	v3 =	vadd.f32 v9, v9;
	v9 =	vpop (erf)  }
0x15f: {  	(erf) = vpow2.f32 v5;
	v2 =	vsub.f32 $1.000000000e+00, v2;
	v5 =	vadd.f32 v9, v9  }
0x160: {  	v0 =	vmul.f32 $1.442695020e+00, v0  }
0x161: {  	v7 =	vadd.f32 v10, v10;
	v1 =	vmul.f32 $1.442695020e+00, v1;
	[tilespmem:s6+$0x1A4B0] =	vst v2;
	v2 =	vsub.f32 $1.000000000e+00, v5  }
0x162: {  	(erf) = vpow2.f32 v0;
	v0 =	vadd.f32 $1.000000000e+00, v4;
	v3 =	vmul.f32 $1.442695020e+00, v3;
	v4 =	vpop (erf)  }
0x163: {  	s8 =	simm.s32 $0x200;
	v7 =	vmul.f32 $1.442695020e+00, v7;
	(erf) = vpow2.f32 v1;
	v5 =	vadd.f32 $1.000000000e+00, v6;
	v6 =	vpop (erf)  }
0x164: {  	v1 =	vadd.f32 v4, v4;
	v4 =	vadd.f32 $1.000000000e+00, v8;
	(erf) = vpow2.f32 v3;
	v3 =	vld [tilespmem:s8+$0xE4B0];
	v8 =	vpop (erf)  }
0x165: {  	(erf) = vpow2.f32 v7;
	v7 =	vld [tilespmem:s8+$0xE400];
	[tilespmem:s6+$0x1A400] =	vst v2;
	v2 =	vpop (erf)  }
0x166: {  	v6 =	vadd.f32 v6, v6;
	(erf) = vrcp.f32 v0;
	v2 =	vadd.f32 $1.000000000e+00, v2  }
0x167: {  	v1 =	vsub.f32 $1.000000000e+00, v1;
	v0 =	vadd.f32 $1.000000000e+00, v8;
	(erf) = vrcp.f32 v4  }
0x168: {  	v4 =	vld [tilespmem:s8+$0xE410];
	(erf) = vrcp.f32 v5;
	v8 =	vpop (erf)  }
0x169: {  	v6 =	vsub.f32 $1.000000000e+00, v6;
	[tilespmem:s6+$0x1A410] =	vst v1;
	(erf) = vrcp.f32 v0;
	v1 =	vadd.f32 $1.000000000e+00, v8  }
0x16a: {  	(erf) = vrcp.f32 v2;
	v2 =	vpop (erf)  }
0x16b: {  	v0 =	vld [tilespmem:s8+$0xE420];
	[tilespmem:s6+$0x1A420] =	vst v6;
	v3 =	vadd.f32 v3, v3;
	v2 =	vadd.f32 $1.000000000e+00, v2  }
0x16c: {  	v5 =	vadd.f32 $1.000000000e+00, v11;
	v6 =	vld [tilespmem:s8+$0xE430]  }
0x16d: {  	v8 =	vld [tilespmem:s8+$0xE480];
	v4 =	vadd.f32 v4, v4;
	v3 =	vmul.f32 $1.442695020e+00, v3;
	(erf) = vrcp.f32 v1;
	v1 =	vpop (erf)  }
0x16e: {  	(erf) = vrcp.f32 v5;
	v5 =	vadd.f32 v7, v7;
	v7 =	vld [tilespmem:s8+$0xE490];
	v11 =	vadd.f32 $1.000000000e+00, v1;
	v1 =	vpop (erf)  }
0x16f: {  	v9 =	vld [tilespmem:s8+$0xE4A0];
	(erf) = vrcp.f32 v2;
	v2 =	vpop (erf)  }
0x170: {  	v61 =	vadd.f32 v0, v0;
	v4 =	vmul.f32 $1.442695020e+00, v4;
	v10 =	vpop (erf)  }
0x171: {  	v6 =	vadd.f32 v6, v6;
	v5 =	vmul.f32 $1.442695020e+00, v5;
	v0 =	vadd.f32 $1.000000000e+00, v10;
	v10 =	vpop (erf)  }
0x172: {  	v8 =	vadd.f32 v8, v8;
	v12 =	vmul.f32 $1.442695020e+00, v61;
	(erf) = vpow2.f32 v3;
	v3 =	vpop (erf)  }
0x173: {  	(erf) = vpow2.f32 v5;
	v5 =	vmul.f32 $1.442695020e+00, v6;
	v6 =	vadd.f32 v7, v7;
	v62 =	vpop (erf)  }
0x174: {  	v7 =	vmul.f32 $1.442695020e+00, v8;
	v8 =	vadd.f32 v9, v9;
	(erf) = vpow2.f32 v4;
	v4 =	vpop (erf)  }
0x175: {  	v1 =	vadd.f32 $1.000000000e+00, v1;
	v14 =	vmul.f32 $1.442695020e+00, v6;
	v4 =	vadd.f32 v4, v4  }
0x176: {  	v2 =	vadd.f32 $1.000000000e+00, v2;
	(erf) = vpow2.f32 v12;
	v8 =	vmul.f32 $1.442695020e+00, v8;
	v9 =	vpop (erf)  }
0x177: {  	(erf) = vpow2.f32 v5;
	v63 =	vadd.f32 v9, v9;
	v6 =	vpop (erf);
	v9 =	vsub.f32 $1.000000000e+00, v4  }
0x178: {  	v5 =	vadd.f32 v3, v3;
	v15 =	vpop (erf);
	(erf) = vpow2.f32 v7;
	v16 =	vadd.f32 v6, v6  }
0x179: {  	v6 =	vadd.f32 v10, v10;
	(erf) = vpow2.f32 v14;
	v3 =	vadd.f32 v15, v15;
	v4 =	vpop (erf)  }
0x17a: {  	v10 =	vsub.f32 $1.000000000e+00, v63;
	(erf) = vpow2.f32 v8;
	v7 =	vadd.f32 v4, v4  }
0x17b: {  	s12 =	simm.s32 $0x1000;
	s9 =	simm.s32 $0x300;
	[tilespmem:s21+$0x1A4B0] =	vst v9;
	v8 =	vsub.f32 $1.000000000e+00, v16;
	v4 =	vadd.f32 v62, v62;
	(erf) = vrcp.f32 v11;
	v9 =	vpop (erf)  }
.LBB2_6:
0x17c: {  	p0 =	sne.s32 s12, $0xFC00;
	v11 =	vld [tilespmem:s9+$0xE4B0];
	v14 =	vadd.f32 $1.000000000e+00, v9;
	v12 =	vpop (erf);
	v7 =	vsub.f32 $1.000000000e+00, v7;
	(erf) = vrcp.f32 v1  }
0x17d: {  	v1 =	vld [tilespmem:s9+$0xE400];
	v12 =	vadd.f32 $1.000000000e+00, v12;
	v13 =	vpop (erf);
	[tilespmem:s21+$0x1A400] =	vst v10;
	(erf) = vrcp.f32 v2;
	v2 =	vsub.f32 $1.000000000e+00, v6  }
0x17e: {  	v5 =	vsub.f32 $1.000000000e+00, v5;
	v6 =	vld [tilespmem:s9+$0xE410];
	v13 =	vadd.f32 $1.000000000e+00, v13;
	(erf) = vrcp.f32 v14;
	[tilespmem:s21+$0x1A410] =	vst v8  }
0x17f: {  	v4 =	vsub.f32 $1.000000000e+00, v4;
	v3 =	vsub.f32 $1.000000000e+00, v3;
	v8 =	vld [tilespmem:s9+$0xE420];
	(erf) = vrcp.f32 v12;
	v9 =	vpop (erf);
	[tilespmem:s21+$0x1A420] =	vst v7  }
0x180: {  	v7 =	vld [tilespmem:s9+$0xE430];
	v14 =	vadd.f32 $1.000000000e+00, v9;
	(erf) = vrcp.f32 v13;
	v10 =	vpop (erf);
	[tilespmem:s6+$0x1A430] =	vst v2  }
0x181: {  	v12 =	vld [tilespmem:s9+$0xE480];
	v2 =	vadd.f32 v11, v11;
	v11 =	vadd.f32 $1.000000000e+00, v10;
	v10 =	vpop (erf);
	(erf) = vrcp.f32 v0;
	[tilespmem:s6+$0x1A480] =	vst v5  }
0x182: {  	v0 =	vadd.f32 v1, v1;
	v5 =	vld [tilespmem:s9+$0xE490];
	v1 =	vadd.f32 $1.000000000e+00, v10;
	(erf) = vrcp.f32 v14;
	v9 =	vpop (erf);
	[tilespmem:s6+$0x1A490] =	vst v4  }
0x183: {  	v4 =	vadd.f32 v6, v6;
	v6 =	vld [tilespmem:s9+$0xE4A0];
	v13 =	vmul.f32 $1.442695020e+00, v2;
	v2 =	vadd.f32 $1.000000000e+00, v9;
	v9 =	vpop (erf);
	[tilespmem:s6+$0x1A4A0] =	vst v3;
	s6 =	smov.u32 s21;
	s21 =	smov.u32 s8;
	s8 =	smov.u32 s9  }
0x184: {  	v14 =	vmul.f32 $1.442695020e+00, v0;
	v8 =	vadd.f32 v8, v8;
	v0 =	vadd.f32 $1.000000000e+00, v9;
	v9 =	vpop (erf)  }
0x185: {  	v15 =	vmul.f32 $1.442695020e+00, v4;
	v7 =	vadd.f32 v7, v7;
	(erf) = vpow2.f32 v13;
	v10 =	vpop (erf)  }
0x186: {  	v8 =	vmul.f32 $1.442695020e+00, v8;
	v12 =	vadd.f32 v12, v12;
	(erf) = vpow2.f32 v14;
	v3 =	vpop (erf)  }
0x187: {  	v7 =	vmul.f32 $1.442695020e+00, v7;
	v5 =	vadd.f32 v5, v5;
	(erf) = vpow2.f32 v15;
	v4 =	vpop (erf)  }
0x188: {  	v12 =	vmul.f32 $1.442695020e+00, v12;
	v6 =	vadd.f32 v6, v6;
	v4 =	vadd.f32 v4, v4;
	v13 =	vpop (erf)  }
0x189: {  	v5 =	vmul.f32 $1.442695020e+00, v5;
	(erf) = vpow2.f32 v8;
	v8 =	vadd.f32 v13, v13;
	v13 =	vpop (erf)  }
.Ltmp2:
0x18a: {  	v14 =	vmul.f32 $1.442695020e+00, v6;
	(erf) = vpow2.f32 v7;
	v4 =	vsub.f32 $1.000000000e+00, v4;
	v15 =	vpop (erf);
	(pc) =	sbr.rel @p0 .LBB2_6-.Ltmp2, $4  }
0x18b: {  	v6 =	vadd.f32 v9, v9;
	(erf) = vpow2.f32 v12;
	v12 =	vadd.f32 v13, v13;
	v7 =	vpop (erf)  }
0x18c: {  	(erf) = vpow2.f32 v5;
	v7 =	vadd.f32 v7, v7;
	[tilespmem:s21+$0x1A4B0] =	vst v4;
	v5 =	vadd.f32 v10, v10  }
0x18d: {  	v4 =	vadd.f32 v3, v3;
	v3 =	vadd.f32 v15, v15;
	(erf) = vpow2.f32 v14  }
0x18e: {  	s9 =	sshra.s32 s12, $0x2;
	s12 =	sadd.s32 $0x400, s12;
	v10 =	vsub.f32 $1.000000000e+00, v8;
	v8 =	vsub.f32 $1.000000000e+00, v12;
	v9 =	vpop (erf);
	(erf) = vrcp.f32 v11  }
0x18f: {  	v11 =	vld [tilespmem:s9+$0xE4B0]  }
0x190: {  	v12 =	vld [tilespmem:s9+$0xE400];
	[tilespmem:s21+$0x1A400] =	vst v10  }
0x191: {  	v7 =	vsub.f32 $1.000000000e+00, v7;
	v40 =	vadd.f32 $1.000000000e+00, v9;
	v41 =	vpop (erf);
	(erf) = vrcp.f32 v1;
	v10 =	vld [tilespmem:s9+$0xE410]  }
0x192: {  	v6 =	vsub.f32 $1.000000000e+00, v6;
	v9 =	vadd.f32 $1.000000000e+00, v41;
	v13 =	vpop (erf);
	(erf) = vrcp.f32 v2;
	[tilespmem:s21+$0x1A410] =	vst v8  }
0x193: {  	v43 =	vsub.f32 $1.000000000e+00, v5;
	v44 =	vadd.f32 $1.000000000e+00, v13;
	(erf) = vrcp.f32 v40;
	v8 =	vld [tilespmem:s9+$0xE420];
	[tilespmem:s21+$0x1A420] =	vst v7  }
0x194: {  	v4 =	vsub.f32 $1.000000000e+00, v4;
	(erf) = vrcp.f32 v9;
	v45 =	vpop (erf);
	v42 =	vld [tilespmem:s9+$0xE430];
	[tilespmem:s6+$0x1A430] =	vst v6;
	v46 =	vadd.f32 v11, v11  }
0x195: {  	v47 =	vadd.f32 $1.000000000e+00, v45;
	(erf) = vrcp.f32 v44;
	v48 =	vpop (erf);
	v6 =	vld [tilespmem:s9+$0xE480];
	[tilespmem:s6+$0x1A480] =	vst v43;
	v49 =	vadd.f32 v12, v12  }
0x196: {  	v51 =	vpop (erf);
	(erf) = vrcp.f32 v0;
	v50 =	vld [tilespmem:s9+$0xE490];
	[tilespmem:s6+$0x1A490] =	vst v4;
	v52 =	vadd.f32 v10, v10;
	v53 =	vmul.f32 $1.442695020e+00, v46  }
0x197: {  	(erf) = vrcp.f32 v47;
	v54 =	vpop (erf);
	v55 =	vld [tilespmem:s9+$0xE4A0];
	v7 =	vmul.f32 $1.442695020e+00, v49  }
0x198: {  	v56 =	vpop (erf);
	v8 =	vadd.f32 v8, v8;
	v0 =	vmul.f32 $1.442695020e+00, v52;
	(erf) = vpow2.f32 v53  }
0x199: {  	v57 =	vpop (erf);
	v1 =	vadd.f32 v42, v42;
	(erf) = vpow2.f32 v7  }
0x19a: {  	v58 =	vpop (erf);
	v8 =	vmul.f32 $1.442695020e+00, v8;
	v6 =	vadd.f32 v6, v6;
	(erf) = vpow2.f32 v0  }
0x19b: {  	v59 =	vpop (erf);
	v1 =	vmul.f32 $1.442695020e+00, v1;
	v11 =	vadd.f32 v50, v50  }
0x19c: {  	v60 =	vpop (erf);
	v6 =	vmul.f32 $1.442695020e+00, v6;
	v9 =	vadd.f32 v55, v55;
	(erf) = vpow2.f32 v8  }
0x19d: {  	v61 =	vpop (erf);
	v11 =	vmul.f32 $1.442695020e+00, v11;
	(erf) = vpow2.f32 v1  }
0x19e: {  	v62 =	vpop (erf);
	v9 =	vmul.f32 $1.442695020e+00, v9;
	(erf) = vpow2.f32 v6  }
0x19f: {  	v5 =	vadd.f32 $1.000000000e+00, v48;
	v63 =	vpop (erf);
	(erf) = vpow2.f32 v11  }
0x1a0: {  	v16 =	vadd.f32 $1.000000000e+00, v51;
	v17 =	vpop (erf);
	(erf) = vpow2.f32 v9  }
0x1a1: {  	v2 =	vadd.f32 $1.000000000e+00, v54;
	v18 =	vpop (erf);
	(erf) = vrcp.f32 v5  }
0x1a2: {  	v19 =	vadd.f32 $1.000000000e+00, v18;
	v20 =	vpop (erf);
	(erf) = vrcp.f32 v16  }
0x1a3: {  	v9 =	vadd.f32 $1.000000000e+00, v20;
	v21 =	vpop (erf);
	(erf) = vrcp.f32 v2  }
0x1a4: {  	v22 =	vsub.f32 $1.000000000e+00, v3;
	v23 =	vadd.f32 $1.000000000e+00, v21;
	(erf) = vrcp.f32 v19  }
0x1a5: {  	v24 =	vadd.f32 $1.000000000e+00, v56;
	v4 =	vadd.f32 v57, v57;
	v26 =	vpop (erf);
	(erf) = vrcp.f32 v9  }
0x1a6: {  	v25 =	vadd.f32 v60, v60;
	v9 =	vadd.f32 $1.000000000e+00, v26;
	v27 =	vpop (erf);
	(erf) = vrcp.f32 v23  }
0x1a7: {  	v7 =	vadd.f32 v58, v58;
	v8 =	vadd.f32 v61, v61;
	v28 =	vpop (erf);
	(erf) = vrcp.f32 v24  }
0x1a8: {  	v0 =	vadd.f32 v59, v59;
	v10 =	vsub.f32 $1.000000000e+00, v25;
	v30 =	vpop (erf);
	(erf) = vrcp.f32 v9  }
0x1a9: {  	v1 =	vadd.f32 v62, v62;
	v33 =	vsub.f32 $1.000000000e+00, v8;
	v31 =	vpop (erf)  }
0x1aa: {  	[tilespmem:s6+$0x1A4A0] =	vst v22;
	v29 =	vadd.f32 v17, v17;
	v3 =	vadd.f32 $1.000000000e+00, v27;
	v34 =	vpop (erf)  }
0x1ab: {  	[tilespmem:s8+$0x1A4B0] =	vst v10;
	v1 =	vsub.f32 $1.000000000e+00, v1;
	v36 =	vadd.f32 $1.000000000e+00, v28;
	v35 =	vpop (erf)  }
0x1ac: {  	v4 =	vsub.f32 $1.000000000e+00, v4;
	[tilespmem:s8+$0x1A400] =	vst v33;
	v5 =	vsub.f32 $1.000000000e+00, v29;
	(erf) = vrcp.f32 v3;
	v37 =	vpop (erf)  }
0x1ad: {  	v40 =	vsub.f32 $1.000000000e+00, v7;
	[tilespmem:s8+$0x1A410] =	vst v1;
	v38 =	vadd.f32 $1.000000000e+00, v30;
	(erf) = vrcp.f32 v36;
	v39 =	vpop (erf)  }
0x1ae: {  	v32 =	vadd.f32 v63, v63;
	[tilespmem:s8+$0x1A420] =	vst v5;
	v41 =	vadd.f32 $1.000000000e+00, v31;
	v42 =	vpop (erf)  }
0x1af: {  	v0 =	vsub.f32 $1.000000000e+00, v0;
	[tilespmem:s21+$0x1A430] =	vst v4;
	(erf) = vrcp.f32 v38;
	v43 =	vadd.f32 v39, v39;
	v44 =	vpop (erf)  }
0x1b0: {  	v45 =	vsub.f32 $1.000000000e+00, v32;
	[tilespmem:s21+$0x1A480] =	vst v40;
	(erf) = vrcp.f32 v41;
	v46 =	vadd.f32 v42, v42;
	v47 =	vpop (erf)  }
0x1b1: {  	[tilespmem:s21+$0x1A490] =	vst v0;
	v48 =	vsub.f32 $1.000000000e+00, v43;
	v49 =	vadd.f32 v44, v44;
	v50 =	vpop (erf)  }
0x1b2: {  	[tilespmem:s21+$0x1A4A0] =	vst v45;
	v2 =	vsub.f32 $1.000000000e+00, v46;
	v51 =	vadd.f32 v50, v50  }
0x1b3: {  	v52 =	vadd.f32 v34, v34;
	[tilespmem:s9+$0x1A4B0] =	vst v48;
	v53 =	vsub.f32 $1.000000000e+00, v49  }
0x1b4: {  	v54 =	vadd.f32 v35, v35;
	[tilespmem:s9+$0x1A400] =	vst v2;
	v1 =	vsub.f32 $1.000000000e+00, v51  }
0x1b5: {  	v55 =	vadd.f32 v37, v37;
	v5 =	vsub.f32 $1.000000000e+00, v52;
	v58 =	vpop (erf);
	[tilespmem:s9+$0x1A410] =	vst v53  }
0x1b6: {  	v57 =	vsub.f32 $1.000000000e+00, v54;
	v56 =	vadd.f32 v47, v47;
	v59 =	vpop (erf);
	[tilespmem:s9+$0x1A420] =	vst v1  }
0x1b7: {  	v2 =	vsub.f32 $1.000000000e+00, v55;
	v4 =	vadd.f32 v59, v59;
	[tilespmem:s8+$0x1A430] =	vst v5  }
0x1b8: {  	v0 =	vsub.f32 $1.000000000e+00, v56;
	v60 =	vpop (erf);
	v1 =	vadd.f32 v58, v58;
	[tilespmem:s8+$0x1A480] =	vst v57  }
0x1b9: {  	v61 =	vpop (erf);
	v3 =	vadd.f32 v60, v60;
	[tilespmem:s8+$0x1A490] =	vst v2;
	v63 =	vsub.f32 $1.000000000e+00, v4  }
0x1ba: {  	[tilespmem:s8+$0x1A4A0] =	vst v0;
	v62 =	vadd.f32 v61, v61;
	v1 =	vsub.f32 $1.000000000e+00, v1  }
0x1bb: {  	v3 =	vsub.f32 $1.000000000e+00, v3;
	[tilespmem:s9+$0x1A480] =	vst v63  }
0x1bc: {  	v0 =	vsub.f32 $1.000000000e+00, v62;
	[tilespmem:s9+$0x1A430] =	vst v1  }
0x1bd: {  	[tilespmem:s9+$0x1A490] =	vst v3  }
0x1be: {  	s26 =	rddreg [dreg:$0x5];
	s21 =	simm.s32 $0x0;
	[tilespmem:s9+$0x1A4A0] =	vst v0  }
0x1bf: {  	[hbm4b:s26+s21] =	stream.linear.scatter [tilespmem:s29], [sflag:$0x6], $0x4000, $0x38;
	[tilespmem:$0x1E400] =	vst v63  }
0x1c0: {  	_ =	swait.ge [sflag:s30], $0x4000  }
0x1c1: {  	[sflag:s30] =	ssyncset.done $0x0  }
0x1c2: {  	s31 =	simm.s32 $0x200;
	[sflag:s30] =	ssyncadd.s32 $0xFFFFC000  }
0x1c3: {  	[tilespmem:s18], [sflag:$0x2] =	stream.indirect.gather [hbm4b:s3+s16], $0x80, s31, s16, $0xb8;
	[tilespmem:$0x1E400] =	vst v63  }
.LBB2_8:
0x1c4: {  	_ =	swait.ge [sflag:s19], $0x4000  }
0x1c5: {  	[sflag:s19] =	ssyncset.done $0x0  }
0x1c6: {  	s6 =	simm.s32 $0x0;
	[sflag:s19] =	ssyncadd.s32 $0xFFFFC000  }
0x1c7: {  	v0 =	vld [tilespmem:s6+$0x64B0];
	_ =	sdelay $0x1  }
0x1c8: {  	v1 =	vld [tilespmem:s6+$0x6400]  }
0x1c9: {  	v2 =	vld [tilespmem:s6+$0x6410]  }
0x1ca: {  	v3 =	vld [tilespmem:s6+$0x6420]  }
0x1cb: {  	v0 =	vadd.f32 v0, v0  }
0x1cc: {  	v4 =	vld [tilespmem:s6+$0x6430]  }
0x1cd: {  	v5 =	vld [tilespmem:s6+$0x6480];
	v1 =	vadd.f32 v1, v1;
	v0 =	vmul.f32 $1.442695020e+00, v0  }
0x1ce: {  	v2 =	vadd.f32 v2, v2  }
0x1cf: {  	v3 =	vadd.f32 v3, v3;
	v1 =	vmul.f32 $1.442695020e+00, v1;
	(erf) = vpow2.f32 v0  }
0x1d0: {  	v2 =	vmul.f32 $1.442695020e+00, v2;
	v0 =	vld [tilespmem:s6+$0x6490]  }
0x1d1: {  	v6 =	vld [tilespmem:s6+$0x64A0];
	v3 =	vmul.f32 $1.442695020e+00, v3;
	(erf) = vpow2.f32 v1  }
0x1d2: {  	v1 =	vadd.f32 v4, v4;
	v4 =	vadd.f32 v5, v5;
	(erf) = vpow2.f32 v2;
	_ =	sdelay $0x1  }
0x1d3: {  	v2 =	vmul.f32 $1.442695020e+00, v4;
	(erf) = vpow2.f32 v3  }
0x1d4: {  	v1 =	vmul.f32 $1.442695020e+00, v1;
	v0 =	vadd.f32 v0, v0  }
0x1d5: {  	v4 =	vadd.f32 v6, v6  }
0x1d6: {  	(erf) = vpow2.f32 v1;
	v0 =	vmul.f32 $1.442695020e+00, v0  }
0x1d7: {  	s26 =	simm.s32 $0x100;
	v1 =	vmul.f32 $1.442695020e+00, v4;
	(erf) = vpow2.f32 v2;
	v2 =	vpop (erf)  }
0x1d8: {  	v3 =	vld [tilespmem:s26+$0x6400];
	(erf) = vpow2.f32 v0;
	v0 =	vadd.f32 $1.000000000e+00, v2  }
0x1d9: {  	(erf) = vpow2.f32 v1;
	v1 =	vld [tilespmem:s26+$0x64B0];
	v2 =	vpop (erf)  }
0x1da: {  	v4 =	vpop (erf);
	(erf) = vrcp.f32 v0;
	v0 =	vadd.f32 $1.000000000e+00, v2  }
0x1db: {  	v2 =	vld [tilespmem:s26+$0x6410];
	v4 =	vadd.f32 $1.000000000e+00, v4  }
0x1dc: {  	v5 =	vld [tilespmem:s26+$0x6420];
	v6 =	vpop (erf);
	(erf) = vrcp.f32 v0  }
0x1dd: {  	v3 =	vadd.f32 v3, v3;
	v6 =	vadd.f32 $1.000000000e+00, v6  }
0x1de: {  	v7 =	vld [tilespmem:s26+$0x6480];
	v1 =	vadd.f32 v1, v1  }
0x1df: {  	v3 =	vmul.f32 $1.442695020e+00, v3;
	v0 =	vld [tilespmem:s26+$0x6430];
	(erf) = vrcp.f32 v4;
	v4 =	vpop (erf)  }
0x1e0: {  	v9 =	vld [tilespmem:s26+$0x6490];
	v8 =	vpop (erf);
	v2 =	vadd.f32 v2, v2;
	v1 =	vmul.f32 $1.442695020e+00, v1  }
0x1e1: {  	v5 =	vadd.f32 v5, v5;
	(erf) = vrcp.f32 v6;
	v6 =	vpop (erf)  }
0x1e2: {  	v11 =	vpop (erf);
	v2 =	vmul.f32 $1.442695020e+00, v2;
	(erf) = vpow2.f32 v1  }
0x1e3: {  	v10 =	vld [tilespmem:s26+$0x64A0];
	v5 =	vmul.f32 $1.442695020e+00, v5;
	(erf) = vpow2.f32 v3;
	v3 =	vpop (erf)  }
0x1e4: {  	v0 =	vadd.f32 v0, v0;
	(erf) = vpow2.f32 v2;
	v2 =	vadd.f32 v3, v3  }
0x1e5: {  	v1 =	vadd.f32 v7, v7;
	v3 =	vadd.f32 v9, v9;
	v9 =	vpop (erf)  }
0x1e6: {  	(erf) = vpow2.f32 v5;
	v2 =	vsub.f32 $1.000000000e+00, v2;
	v5 =	vadd.f32 v9, v9  }
0x1e7: {  	v0 =	vmul.f32 $1.442695020e+00, v0  }
0x1e8: {  	v7 =	vadd.f32 v10, v10;
	v1 =	vmul.f32 $1.442695020e+00, v1;
	[tilespmem:s6+$0x124B0] =	vst v2;
	v2 =	vsub.f32 $1.000000000e+00, v5  }
0x1e9: {  	(erf) = vpow2.f32 v0;
	v0 =	vadd.f32 $1.000000000e+00, v4;
	v3 =	vmul.f32 $1.442695020e+00, v3;
	v4 =	vpop (erf)  }
0x1ea: {  	s8 =	simm.s32 $0x200;
	v7 =	vmul.f32 $1.442695020e+00, v7;
	(erf) = vpow2.f32 v1;
	v5 =	vadd.f32 $1.000000000e+00, v6;
	v6 =	vpop (erf)  }
0x1eb: {  	v1 =	vadd.f32 v4, v4;
	v4 =	vadd.f32 $1.000000000e+00, v8;
	(erf) = vpow2.f32 v3;
	v3 =	vld [tilespmem:s8+$0x64B0];
	v8 =	vpop (erf)  }
0x1ec: {  	(erf) = vpow2.f32 v7;
	v7 =	vld [tilespmem:s8+$0x6400];
	[tilespmem:s6+$0x12400] =	vst v2;
	v2 =	vpop (erf)  }
0x1ed: {  	v6 =	vadd.f32 v6, v6;
	(erf) = vrcp.f32 v0;
	v2 =	vadd.f32 $1.000000000e+00, v2  }
0x1ee: {  	v1 =	vsub.f32 $1.000000000e+00, v1;
	v0 =	vadd.f32 $1.000000000e+00, v8;
	(erf) = vrcp.f32 v4  }
0x1ef: {  	v4 =	vld [tilespmem:s8+$0x6410];
	(erf) = vrcp.f32 v5;
	v8 =	vpop (erf)  }
0x1f0: {  	v6 =	vsub.f32 $1.000000000e+00, v6;
	[tilespmem:s6+$0x12410] =	vst v1;
	(erf) = vrcp.f32 v0;
	v1 =	vadd.f32 $1.000000000e+00, v8  }
0x1f1: {  	(erf) = vrcp.f32 v2;
	v2 =	vpop (erf)  }
0x1f2: {  	v0 =	vld [tilespmem:s8+$0x6420];
	[tilespmem:s6+$0x12420] =	vst v6;
	v3 =	vadd.f32 v3, v3;
	v2 =	vadd.f32 $1.000000000e+00, v2  }
0x1f3: {  	v5 =	vadd.f32 $1.000000000e+00, v11;
	v6 =	vld [tilespmem:s8+$0x6430]  }
0x1f4: {  	v8 =	vld [tilespmem:s8+$0x6480];
	v4 =	vadd.f32 v4, v4;
	v3 =	vmul.f32 $1.442695020e+00, v3;
	(erf) = vrcp.f32 v1;
	v1 =	vpop (erf)  }
0x1f5: {  	(erf) = vrcp.f32 v5;
	v5 =	vadd.f32 v7, v7;
	v7 =	vld [tilespmem:s8+$0x6490];
	v11 =	vadd.f32 $1.000000000e+00, v1;
	v1 =	vpop (erf)  }
0x1f6: {  	v9 =	vld [tilespmem:s8+$0x64A0];
	(erf) = vrcp.f32 v2;
	v2 =	vpop (erf)  }
0x1f7: {  	v12 =	vadd.f32 v0, v0;
	v4 =	vmul.f32 $1.442695020e+00, v4;
	v10 =	vpop (erf)  }
0x1f8: {  	v6 =	vadd.f32 v6, v6;
	v5 =	vmul.f32 $1.442695020e+00, v5;
	v0 =	vadd.f32 $1.000000000e+00, v10;
	v10 =	vpop (erf)  }
0x1f9: {  	v8 =	vadd.f32 v8, v8;
	v12 =	vmul.f32 $1.442695020e+00, v12;
	(erf) = vpow2.f32 v3;
	v3 =	vpop (erf)  }
0x1fa: {  	(erf) = vpow2.f32 v5;
	v5 =	vmul.f32 $1.442695020e+00, v6;
	v6 =	vadd.f32 v7, v7;
	v13 =	vpop (erf)  }
0x1fb: {  	v7 =	vmul.f32 $1.442695020e+00, v8;
	v8 =	vadd.f32 v9, v9;
	(erf) = vpow2.f32 v4;
	v4 =	vpop (erf)  }
0x1fc: {  	v1 =	vadd.f32 $1.000000000e+00, v1;
	v14 =	vmul.f32 $1.442695020e+00, v6;
	v4 =	vadd.f32 v4, v4  }
0x1fd: {  	v2 =	vadd.f32 $1.000000000e+00, v2;
	(erf) = vpow2.f32 v12;
	v8 =	vmul.f32 $1.442695020e+00, v8;
	v9 =	vpop (erf)  }
0x1fe: {  	(erf) = vpow2.f32 v5;
	v63 =	vadd.f32 v9, v9;
	v6 =	vpop (erf);
	v9 =	vsub.f32 $1.000000000e+00, v4  }
0x1ff: {  	v5 =	vadd.f32 v3, v3;
	v15 =	vpop (erf);
	(erf) = vpow2.f32 v7;
	v16 =	vadd.f32 v6, v6  }
0x200: {  	v6 =	vadd.f32 v10, v10;
	(erf) = vpow2.f32 v14;
	v3 =	vadd.f32 v15, v15;
	v4 =	vpop (erf)  }
0x201: {  	v10 =	vsub.f32 $1.000000000e+00, v63;
	(erf) = vpow2.f32 v8;
	v7 =	vadd.f32 v4, v4  }
0x202: {  	s9 =	simm.s32 $0x300;
	s12 =	simm.s32 $0x1000;
	[tilespmem:s26+$0x124B0] =	vst v9;
	v8 =	vsub.f32 $1.000000000e+00, v16;
	v4 =	vadd.f32 v13, v13;
	(erf) = vrcp.f32 v11;
	v9 =	vpop (erf)  }
.LBB2_9:
0x203: {  	p0 =	sne.s32 s12, $0xFC00;
	v11 =	vld [tilespmem:s9+$0x64B0];
	v14 =	vadd.f32 $1.000000000e+00, v9;
	v12 =	vpop (erf);
	v7 =	vsub.f32 $1.000000000e+00, v7;
	(erf) = vrcp.f32 v1  }
0x204: {  	v1 =	vld [tilespmem:s9+$0x6400];
	v12 =	vadd.f32 $1.000000000e+00, v12;
	v13 =	vpop (erf);
	[tilespmem:s26+$0x12400] =	vst v10;
	(erf) = vrcp.f32 v2;
	v2 =	vsub.f32 $1.000000000e+00, v6  }
0x205: {  	v5 =	vsub.f32 $1.000000000e+00, v5;
	v6 =	vld [tilespmem:s9+$0x6410];
	v13 =	vadd.f32 $1.000000000e+00, v13;
	(erf) = vrcp.f32 v14;
	[tilespmem:s26+$0x12410] =	vst v8  }
0x206: {  	v4 =	vsub.f32 $1.000000000e+00, v4;
	v3 =	vsub.f32 $1.000000000e+00, v3;
	v8 =	vld [tilespmem:s9+$0x6420];
	(erf) = vrcp.f32 v12;
	v9 =	vpop (erf);
	[tilespmem:s26+$0x12420] =	vst v7  }
0x207: {  	v7 =	vld [tilespmem:s9+$0x6430];
	v14 =	vadd.f32 $1.000000000e+00, v9;
	(erf) = vrcp.f32 v13;
	v10 =	vpop (erf);
	[tilespmem:s6+$0x12430] =	vst v2  }
0x208: {  	v12 =	vld [tilespmem:s9+$0x6480];
	v2 =	vadd.f32 v11, v11;
	v11 =	vadd.f32 $1.000000000e+00, v10;
	v10 =	vpop (erf);
	(erf) = vrcp.f32 v0;
	[tilespmem:s6+$0x12480] =	vst v5  }
0x209: {  	v0 =	vadd.f32 v1, v1;
	v5 =	vld [tilespmem:s9+$0x6490];
	v1 =	vadd.f32 $1.000000000e+00, v10;
	(erf) = vrcp.f32 v14;
	v9 =	vpop (erf);
	[tilespmem:s6+$0x12490] =	vst v4  }
0x20a: {  	v4 =	vadd.f32 v6, v6;
	v6 =	vld [tilespmem:s9+$0x64A0];
	v13 =	vmul.f32 $1.442695020e+00, v2;
	v2 =	vadd.f32 $1.000000000e+00, v9;
	v9 =	vpop (erf);
	[tilespmem:s6+$0x124A0] =	vst v3;
	s6 =	smov.u32 s26;
	s26 =	smov.u32 s8;
	s8 =	smov.u32 s9  }
0x20b: {  	v14 =	vmul.f32 $1.442695020e+00, v0;
	v8 =	vadd.f32 v8, v8;
	v0 =	vadd.f32 $1.000000000e+00, v9;
	v9 =	vpop (erf)  }
0x20c: {  	v15 =	vmul.f32 $1.442695020e+00, v4;
	v7 =	vadd.f32 v7, v7;
	(erf) = vpow2.f32 v13;
	v10 =	vpop (erf)  }
0x20d: {  	v8 =	vmul.f32 $1.442695020e+00, v8;
	v12 =	vadd.f32 v12, v12;
	(erf) = vpow2.f32 v14;
	v3 =	vpop (erf)  }
0x20e: {  	v7 =	vmul.f32 $1.442695020e+00, v7;
	v5 =	vadd.f32 v5, v5;
	(erf) = vpow2.f32 v15;
	v4 =	vpop (erf)  }
0x20f: {  	v12 =	vmul.f32 $1.442695020e+00, v12;
	v6 =	vadd.f32 v6, v6;
	v4 =	vadd.f32 v4, v4;
	v13 =	vpop (erf)  }
0x210: {  	v5 =	vmul.f32 $1.442695020e+00, v5;
	(erf) = vpow2.f32 v8;
	v8 =	vadd.f32 v13, v13;
	v13 =	vpop (erf)  }
.Ltmp3:
0x211: {  	v14 =	vmul.f32 $1.442695020e+00, v6;
	(erf) = vpow2.f32 v7;
	v4 =	vsub.f32 $1.000000000e+00, v4;
	v15 =	vpop (erf);
	(pc) =	sbr.rel @p0 .LBB2_9-.Ltmp3, $4  }
0x212: {  	v6 =	vadd.f32 v9, v9;
	(erf) = vpow2.f32 v12;
	v12 =	vadd.f32 v13, v13;
	v7 =	vpop (erf)  }
0x213: {  	(erf) = vpow2.f32 v5;
	v7 =	vadd.f32 v7, v7;
	[tilespmem:s26+$0x124B0] =	vst v4;
	v5 =	vadd.f32 v10, v10  }
0x214: {  	v4 =	vadd.f32 v3, v3;
	v3 =	vadd.f32 v15, v15;
	(erf) = vpow2.f32 v14  }
0x215: {  	s9 =	sshra.s32 s12, $0x2;
	s12 =	sadd.s32 $0x400, s12;
	v10 =	vsub.f32 $1.000000000e+00, v8;
	v8 =	vsub.f32 $1.000000000e+00, v12;
	v9 =	vpop (erf);
	(erf) = vrcp.f32 v11  }
0x216: {  	v11 =	vld [tilespmem:s9+$0x64B0]  }
0x217: {  	v12 =	vld [tilespmem:s9+$0x6400];
	v7 =	vsub.f32 $1.000000000e+00, v7;
	[tilespmem:s26+$0x12400] =	vst v10  }
0x218: {  	v10 =	vld [tilespmem:s9+$0x6410];
	[tilespmem:s26+$0x12410] =	vst v8  }
0x219: {  	v8 =	vld [tilespmem:s9+$0x6420];
	[tilespmem:s26+$0x12420] =	vst v7;
	v7 =	vadd.f32 $1.000000000e+00, v9;
	v9 =	vpop (erf)  }
0x21a: {  	v6 =	vsub.f32 $1.000000000e+00, v6;
	(erf) = vrcp.f32 v1;
	v13 =	vpop (erf)  }
0x21b: {  	(erf) = vrcp.f32 v2;
	v2 =	vsub.f32 $1.000000000e+00, v5;
	v5 =	vadd.f32 $1.000000000e+00, v13  }
0x21c: {  	v9 =	vadd.f32 $1.000000000e+00, v9  }
0x21d: {  	v4 =	vsub.f32 $1.000000000e+00, v4;
	v1 =	vld [tilespmem:s9+$0x6430];
	[tilespmem:s6+$0x12430] =	vst v6;
	(erf) = vrcp.f32 v7;
	v7 =	vpop (erf)  }
0x21e: {  	v6 =	vld [tilespmem:s9+$0x6480];
	(erf) = vrcp.f32 v9;
	v9 =	vadd.f32 v11, v11;
	[tilespmem:s6+$0x12480] =	vst v2;
	v2 =	vadd.f32 $1.000000000e+00, v7  }
0x21f: {  	(erf) = vrcp.f32 v5;
	v7 =	vadd.f32 v12, v12;
	v5 =	vpop (erf)  }
0x220: {  	v11 =	vld [tilespmem:s9+$0x6490];
	[tilespmem:s6+$0x12490] =	vst v4;
	v4 =	vmul.f32 $1.442695020e+00, v9;
	v57 =	vpop (erf);
	(erf) = vrcp.f32 v0;
	v0 =	vadd.f32 v10, v10  }
0x221: {  	v9 =	vld [tilespmem:s9+$0x64A0];
	v7 =	vmul.f32 $1.442695020e+00, v7  }
0x222: {  	v8 =	vadd.f32 v8, v8;
	(erf) = vrcp.f32 v2;
	v2 =	vpop (erf);
	v0 =	vmul.f32 $1.442695020e+00, v0  }
0x223: {  	v1 =	vadd.f32 v1, v1;
	v10 =	vpop (erf);
	(erf) = vpow2.f32 v4  }
0x224: {  	v8 =	vmul.f32 $1.442695020e+00, v8;
	v6 =	vadd.f32 v6, v6;
	v4 =	vpop (erf);
	(erf) = vpow2.f32 v7  }
0x225: {  	v1 =	vmul.f32 $1.442695020e+00, v1;
	v7 =	vpop (erf)  }
0x226: {  	v6 =	vmul.f32 $1.442695020e+00, v6;
	v9 =	vadd.f32 v9, v9;
	(erf) = vpow2.f32 v0;
	v0 =	vpop (erf)  }
0x227: {  	v11 =	vadd.f32 v11, v11;
	v58 =	vpop (erf)  }
0x228: {  	v9 =	vmul.f32 $1.442695020e+00, v9;
	(erf) = vpow2.f32 v8;
	v8 =	vpop (erf)  }
0x229: {  	v11 =	vmul.f32 $1.442695020e+00, v11;
	(erf) = vpow2.f32 v1;
	v1 =	vpop (erf)  }
0x22a: {  	(erf) = vpow2.f32 v6;
	v6 =	vpop (erf)  }
0x22b: {  	v5 =	vadd.f32 $1.000000000e+00, v5;
	(erf) = vpow2.f32 v11;
	v59 =	vpop (erf)  }
0x22c: {  	v11 =	vadd.f32 $1.000000000e+00, v57;
	(erf) = vpow2.f32 v9;
	v9 =	vpop (erf)  }
0x22d: {  	(erf) = vrcp.f32 v5;
	v5 =	vadd.f32 $1.000000000e+00, v9;
	v9 =	vpop (erf)  }
0x22e: {  	v2 =	vadd.f32 $1.000000000e+00, v2;
	v9 =	vadd.f32 $1.000000000e+00, v9  }
0x22f: {  	(erf) = vrcp.f32 v11  }
0x230: {  	v11 =	vpop (erf);
	(erf) = vrcp.f32 v2  }
0x231: {  	v2 =	vsub.f32 $1.000000000e+00, v3;
	v3 =	vadd.f32 $1.000000000e+00, v11;
	(erf) = vrcp.f32 v5  }
0x232: {  	(erf) = vrcp.f32 v9;
	v9 =	vpop (erf)  }
0x233: {  	v9 =	vadd.f32 $1.000000000e+00, v9  }
0x234: {  	v5 =	vadd.f32 $1.000000000e+00, v10;
	v10 =	vadd.f32 v58, v58  }
0x235: {  	v8 =	vadd.f32 v8, v8;
	(erf) = vrcp.f32 v3;
	v3 =	vpop (erf)  }
0x236: {  	v4 =	vadd.f32 v4, v4;
	v10 =	vsub.f32 $1.000000000e+00, v10;
	v11 =	vpop (erf);
	(erf) = vrcp.f32 v5  }
0x237: {  	v7 =	vadd.f32 v7, v7;
	v0 =	vadd.f32 v0, v0;
	(erf) = vrcp.f32 v9;
	v9 =	vpop (erf)  }
0x238: {  	v1 =	vadd.f32 v1, v1;
	[tilespmem:s6+$0x124A0] =	vst v2;
	v2 =	vadd.f32 v6, v6;
	v60 =	vpop (erf)  }
0x239: {  	v6 =	vsub.f32 $1.000000000e+00, v8;
	v5 =	vadd.f32 v59, v59;
	v8 =	vpop (erf)  }
0x23a: {  	v1 =	vsub.f32 $1.000000000e+00, v1;
	[tilespmem:s8+$0x124B0] =	vst v10;
	v3 =	vadd.f32 $1.000000000e+00, v3;
	v10 =	vpop (erf)  }
0x23b: {  	[tilespmem:s8+$0x12400] =	vst v6;
	v6 =	vadd.f32 $1.000000000e+00, v11;
	v5 =	vsub.f32 $1.000000000e+00, v5;
	v11 =	vpop (erf)  }
0x23c: {  	[tilespmem:s8+$0x12410] =	vst v1;
	v1 =	vadd.f32 $1.000000000e+00, v9;
	v9 =	vpop (erf);
	(erf) = vrcp.f32 v3;
	v3 =	vsub.f32 $1.000000000e+00, v7  }
0x23d: {  	v4 =	vsub.f32 $1.000000000e+00, v4;
	[tilespmem:s8+$0x12420] =	vst v5;
	v5 =	vadd.f32 $1.000000000e+00, v60  }
0x23e: {  	v7 =	vpop (erf)  }
0x23f: {  	v0 =	vsub.f32 $1.000000000e+00, v0;
	[tilespmem:s26+$0x12430] =	vst v4;
	(erf) = vrcp.f32 v6;
	v4 =	vadd.f32 v9, v9;
	v6 =	vpop (erf)  }
0x240: {  	(erf) = vrcp.f32 v1;
	v1 =	vsub.f32 $1.000000000e+00, v2;
	[tilespmem:s26+$0x12480] =	vst v3;
	v2 =	vadd.f32 v7, v7;
	v3 =	vpop (erf)  }
0x241: {  	[tilespmem:s26+$0x12490] =	vst v0;
	v0 =	vsub.f32 $1.000000000e+00, v4;
	v4 =	vadd.f32 v6, v6;
	(erf) = vrcp.f32 v5;
	v5 =	vpop (erf)  }
0x242: {  	[tilespmem:s26+$0x124A0] =	vst v1;
	v1 =	vadd.f32 v5, v5  }
0x243: {  	v2 =	vsub.f32 $1.000000000e+00, v2;
	[tilespmem:s9+$0x124B0] =	vst v0;
	v0 =	vsub.f32 $1.000000000e+00, v4  }
0x244: {  	v4 =	vadd.f32 v10, v10;
	v1 =	vsub.f32 $1.000000000e+00, v1  }
0x245: {  	v5 =	vadd.f32 v8, v8;
	[tilespmem:s9+$0x12400] =	vst v2;
	v2 =	vadd.f32 v11, v11  }
0x246: {  	[tilespmem:s9+$0x12410] =	vst v0;
	v0 =	vadd.f32 v3, v3;
	v3 =	vsub.f32 $1.000000000e+00, v4  }
0x247: {  	v5 =	vsub.f32 $1.000000000e+00, v5;
	v2 =	vsub.f32 $1.000000000e+00, v2  }
0x248: {  	[tilespmem:s9+$0x12420] =	vst v1;
	v1 =	vpop (erf)  }
0x249: {  	[tilespmem:s8+$0x12430] =	vst v5;
	v4 =	vpop (erf);
	v1 =	vadd.f32 v1, v1  }
0x24a: {  	v0 =	vsub.f32 $1.000000000e+00, v0;
	[tilespmem:s8+$0x12480] =	vst v3;
	v3 =	vpop (erf);
	v4 =	vadd.f32 v4, v4  }
0x24b: {  	s31 =	smul.u32 $0x3, s21;
	[tilespmem:s8+$0x12490] =	vst v2;
	v2 =	vpop (erf);
	v3 =	vadd.f32 v3, v3;
	v1 =	vsub.f32 $1.000000000e+00, v1  }
0x24c: {  	[tilespmem:s8+$0x124A0] =	vst v0;
	v0 =	vadd.f32 v2, v2;
	v2 =	vsub.f32 $1.000000000e+00, v4  }
0x24d: {  	s8 =	sadd.s32 s31, s10;
	v3 =	vsub.f32 $1.000000000e+00, v3;
	[tilespmem:s9+$0x12430] =	vst v1  }
0x24e: {  	s6 =	sshll.u32 s8, $0xB;
	v0 =	vsub.f32 $1.000000000e+00, v0;
	[tilespmem:s9+$0x12480] =	vst v2  }
0x24f: {  	s6 =	sand.u32 $0x1FFFF800, s6;
	[tilespmem:s9+$0x12490] =	vst v3  }
0x250: {  	s12 =	simm.s32 $0x0;
	s6 =	sadd.s32 s4, s6;
	[tilespmem:s9+$0x124A0] =	vst v0  }
0x251: {  	[hbm4b:s6+s12] =	stream.linear.scatter [tilespmem:s20], [sflag:$0x4], $0x4000, $0x38;
	[tilespmem:$0x1E400] =	vst v63  }
0x252: {  	s26 =	sadd.s32 $0x5, s31;
	_ =	swait.ge [sflag:s0], $0x4000  }
0x253: {  	s13 =	sshll.u32 s26, $0x7;
	[sflag:s0] =	ssyncset.done $0x0  }
0x254: {  	s6 =	sand.u32 $0x3FFFFF80, s13;
	[sflag:s0] =	ssyncadd.s32 $0xFFFFC000  }
0x255: {  	[tilespmem:s22], [sflag:$0x3] =	stream.indirect.gather [hbm4b:s3+s16], $0x80, s6, s16, $0xb8;
	[tilespmem:$0x1E400] =	vst v63  }
0x256: {  	_ =	swait.ge [sflag:s23], $0x4000  }
0x257: {  	[sflag:s23] =	ssyncset.done $0x0  }
0x258: {  	s8 =	simm.s32 $0x0;
	[sflag:s23] =	ssyncadd.s32 $0xFFFFC000  }
0x259: {  	v0 =	vld [tilespmem:s8+$0xA4B0];
	_ =	sdelay $0x1  }
0x25a: {  	v1 =	vld [tilespmem:s8+$0xA400]  }
0x25b: {  	v2 =	vld [tilespmem:s8+$0xA410]  }
0x25c: {  	v3 =	vld [tilespmem:s8+$0xA420]  }
0x25d: {  	v0 =	vadd.f32 v0, v0  }
0x25e: {  	v4 =	vld [tilespmem:s8+$0xA430]  }
0x25f: {  	v5 =	vld [tilespmem:s8+$0xA480];
	v1 =	vadd.f32 v1, v1;
	v0 =	vmul.f32 $1.442695020e+00, v0  }
0x260: {  	v2 =	vadd.f32 v2, v2  }
0x261: {  	v3 =	vadd.f32 v3, v3;
	v1 =	vmul.f32 $1.442695020e+00, v1;
	(erf) = vpow2.f32 v0  }
0x262: {  	v2 =	vmul.f32 $1.442695020e+00, v2;
	v0 =	vld [tilespmem:s8+$0xA490]  }
0x263: {  	v6 =	vld [tilespmem:s8+$0xA4A0];
	v3 =	vmul.f32 $1.442695020e+00, v3;
	(erf) = vpow2.f32 v1  }
0x264: {  	v1 =	vadd.f32 v4, v4;
	v4 =	vadd.f32 v5, v5;
	(erf) = vpow2.f32 v2;
	_ =	sdelay $0x1  }
0x265: {  	v2 =	vmul.f32 $1.442695020e+00, v4;
	(erf) = vpow2.f32 v3  }
0x266: {  	v1 =	vmul.f32 $1.442695020e+00, v1;
	v0 =	vadd.f32 v0, v0  }
0x267: {  	v4 =	vadd.f32 v6, v6  }
0x268: {  	(erf) = vpow2.f32 v1;
	v0 =	vmul.f32 $1.442695020e+00, v0  }
0x269: {  	s6 =	simm.s32 $0x100;
	v1 =	vmul.f32 $1.442695020e+00, v4;
	(erf) = vpow2.f32 v2;
	v2 =	vpop (erf)  }
0x26a: {  	v3 =	vld [tilespmem:s6+$0xA400];
	(erf) = vpow2.f32 v0;
	v0 =	vadd.f32 $1.000000000e+00, v2  }
0x26b: {  	(erf) = vpow2.f32 v1;
	v1 =	vld [tilespmem:s6+$0xA4B0];
	v2 =	vpop (erf)  }
0x26c: {  	v4 =	vpop (erf);
	(erf) = vrcp.f32 v0;
	v0 =	vadd.f32 $1.000000000e+00, v2  }
0x26d: {  	v2 =	vld [tilespmem:s6+$0xA410];
	v4 =	vadd.f32 $1.000000000e+00, v4  }
0x26e: {  	v5 =	vld [tilespmem:s6+$0xA420];
	v6 =	vpop (erf);
	(erf) = vrcp.f32 v0  }
0x26f: {  	v3 =	vadd.f32 v3, v3;
	v6 =	vadd.f32 $1.000000000e+00, v6  }
0x270: {  	v7 =	vld [tilespmem:s6+$0xA480];
	v1 =	vadd.f32 v1, v1  }
0x271: {  	v3 =	vmul.f32 $1.442695020e+00, v3;
	v0 =	vld [tilespmem:s6+$0xA430];
	(erf) = vrcp.f32 v4;
	v4 =	vpop (erf)  }
0x272: {  	v9 =	vld [tilespmem:s6+$0xA490];
	v8 =	vpop (erf);
	v2 =	vadd.f32 v2, v2;
	v1 =	vmul.f32 $1.442695020e+00, v1  }
0x273: {  	v5 =	vadd.f32 v5, v5;
	(erf) = vrcp.f32 v6;
	v6 =	vpop (erf)  }
0x274: {  	v11 =	vpop (erf);
	v2 =	vmul.f32 $1.442695020e+00, v2;
	(erf) = vpow2.f32 v1  }
0x275: {  	v10 =	vld [tilespmem:s6+$0xA4A0];
	v5 =	vmul.f32 $1.442695020e+00, v5;
	(erf) = vpow2.f32 v3;
	v3 =	vpop (erf)  }
0x276: {  	v0 =	vadd.f32 v0, v0;
	(erf) = vpow2.f32 v2;
	v2 =	vadd.f32 v3, v3  }
0x277: {  	v1 =	vadd.f32 v7, v7;
	v3 =	vadd.f32 v9, v9;
	v9 =	vpop (erf)  }
0x278: {  	(erf) = vpow2.f32 v5;
	v2 =	vsub.f32 $1.000000000e+00, v2;
	v5 =	vadd.f32 v9, v9  }
0x279: {  	v0 =	vmul.f32 $1.442695020e+00, v0  }
0x27a: {  	v7 =	vadd.f32 v10, v10;
	v1 =	vmul.f32 $1.442695020e+00, v1;
	[tilespmem:s8+$0x164B0] =	vst v2;
	v2 =	vsub.f32 $1.000000000e+00, v5  }
0x27b: {  	(erf) = vpow2.f32 v0;
	v0 =	vadd.f32 $1.000000000e+00, v4;
	v3 =	vmul.f32 $1.442695020e+00, v3;
	v4 =	vpop (erf)  }
0x27c: {  	s9 =	simm.s32 $0x200;
	v7 =	vmul.f32 $1.442695020e+00, v7;
	(erf) = vpow2.f32 v1;
	v5 =	vadd.f32 $1.000000000e+00, v6;
	v6 =	vpop (erf)  }
0x27d: {  	v1 =	vadd.f32 v4, v4;
	v4 =	vadd.f32 $1.000000000e+00, v8;
	(erf) = vpow2.f32 v3;
	v3 =	vld [tilespmem:s9+$0xA4B0];
	v8 =	vpop (erf)  }
0x27e: {  	(erf) = vpow2.f32 v7;
	v7 =	vld [tilespmem:s9+$0xA400];
	[tilespmem:s8+$0x16400] =	vst v2;
	v2 =	vpop (erf)  }
0x27f: {  	v6 =	vadd.f32 v6, v6;
	(erf) = vrcp.f32 v0;
	v2 =	vadd.f32 $1.000000000e+00, v2  }
0x280: {  	v1 =	vsub.f32 $1.000000000e+00, v1;
	v0 =	vadd.f32 $1.000000000e+00, v8;
	(erf) = vrcp.f32 v4  }
0x281: {  	v4 =	vld [tilespmem:s9+$0xA410];
	(erf) = vrcp.f32 v5;
	v8 =	vpop (erf)  }
0x282: {  	v6 =	vsub.f32 $1.000000000e+00, v6;
	[tilespmem:s8+$0x16410] =	vst v1;
	(erf) = vrcp.f32 v0;
	v1 =	vadd.f32 $1.000000000e+00, v8  }
0x283: {  	(erf) = vrcp.f32 v2;
	v2 =	vpop (erf)  }
0x284: {  	v0 =	vld [tilespmem:s9+$0xA420];
	[tilespmem:s8+$0x16420] =	vst v6;
	v3 =	vadd.f32 v3, v3;
	v2 =	vadd.f32 $1.000000000e+00, v2  }
0x285: {  	v5 =	vadd.f32 $1.000000000e+00, v11;
	v6 =	vld [tilespmem:s9+$0xA430]  }
0x286: {  	v8 =	vld [tilespmem:s9+$0xA480];
	v4 =	vadd.f32 v4, v4;
	v3 =	vmul.f32 $1.442695020e+00, v3;
	(erf) = vrcp.f32 v1;
	v1 =	vpop (erf)  }
0x287: {  	(erf) = vrcp.f32 v5;
	v5 =	vadd.f32 v7, v7;
	v7 =	vld [tilespmem:s9+$0xA490];
	v11 =	vadd.f32 $1.000000000e+00, v1;
	v1 =	vpop (erf)  }
0x288: {  	v9 =	vld [tilespmem:s9+$0xA4A0];
	(erf) = vrcp.f32 v2;
	v2 =	vpop (erf)  }
0x289: {  	v61 =	vadd.f32 v0, v0;
	v4 =	vmul.f32 $1.442695020e+00, v4;
	v10 =	vpop (erf)  }
0x28a: {  	v6 =	vadd.f32 v6, v6;
	v5 =	vmul.f32 $1.442695020e+00, v5;
	v0 =	vadd.f32 $1.000000000e+00, v10;
	v10 =	vpop (erf)  }
0x28b: {  	v8 =	vadd.f32 v8, v8;
	v12 =	vmul.f32 $1.442695020e+00, v61;
	(erf) = vpow2.f32 v3;
	v3 =	vpop (erf)  }
0x28c: {  	(erf) = vpow2.f32 v5;
	v5 =	vmul.f32 $1.442695020e+00, v6;
	v6 =	vadd.f32 v7, v7;
	v62 =	vpop (erf)  }
0x28d: {  	v7 =	vmul.f32 $1.442695020e+00, v8;
	v8 =	vadd.f32 v9, v9;
	(erf) = vpow2.f32 v4;
	v4 =	vpop (erf)  }
0x28e: {  	v1 =	vadd.f32 $1.000000000e+00, v1;
	v14 =	vmul.f32 $1.442695020e+00, v6;
	v4 =	vadd.f32 v4, v4  }
0x28f: {  	v2 =	vadd.f32 $1.000000000e+00, v2;
	(erf) = vpow2.f32 v12;
	v8 =	vmul.f32 $1.442695020e+00, v8;
	v9 =	vpop (erf)  }
0x290: {  	(erf) = vpow2.f32 v5;
	v63 =	vadd.f32 v9, v9;
	v6 =	vpop (erf);
	v9 =	vsub.f32 $1.000000000e+00, v4  }
0x291: {  	v5 =	vadd.f32 v3, v3;
	v15 =	vpop (erf);
	(erf) = vpow2.f32 v7;
	v16 =	vadd.f32 v6, v6  }
0x292: {  	v6 =	vadd.f32 v10, v10;
	(erf) = vpow2.f32 v14;
	v3 =	vadd.f32 v15, v15;
	v4 =	vpop (erf)  }
0x293: {  	v10 =	vsub.f32 $1.000000000e+00, v63;
	(erf) = vpow2.f32 v8;
	v7 =	vadd.f32 v4, v4  }
0x294: {  	s12 =	simm.s32 $0x300;
	s13 =	simm.s32 $0x1000;
	[tilespmem:s6+$0x164B0] =	vst v9;
	v8 =	vsub.f32 $1.000000000e+00, v16;
	v4 =	vadd.f32 v62, v62;
	(erf) = vrcp.f32 v11;
	v9 =	vpop (erf)  }
.LBB2_11:
0x295: {  	p0 =	sne.s32 s13, $0xFC00;
	v11 =	vld [tilespmem:s12+$0xA4B0];
	v14 =	vadd.f32 $1.000000000e+00, v9;
	v12 =	vpop (erf);
	v7 =	vsub.f32 $1.000000000e+00, v7;
	(erf) = vrcp.f32 v1  }
0x296: {  	v1 =	vld [tilespmem:s12+$0xA400];
	v12 =	vadd.f32 $1.000000000e+00, v12;
	v13 =	vpop (erf);
	[tilespmem:s6+$0x16400] =	vst v10;
	(erf) = vrcp.f32 v2;
	v2 =	vsub.f32 $1.000000000e+00, v6  }
0x297: {  	v5 =	vsub.f32 $1.000000000e+00, v5;
	v6 =	vld [tilespmem:s12+$0xA410];
	v13 =	vadd.f32 $1.000000000e+00, v13;
	(erf) = vrcp.f32 v14;
	[tilespmem:s6+$0x16410] =	vst v8  }
0x298: {  	v4 =	vsub.f32 $1.000000000e+00, v4;
	v3 =	vsub.f32 $1.000000000e+00, v3;
	v8 =	vld [tilespmem:s12+$0xA420];
	(erf) = vrcp.f32 v12;
	v9 =	vpop (erf);
	[tilespmem:s6+$0x16420] =	vst v7  }
0x299: {  	v7 =	vld [tilespmem:s12+$0xA430];
	v14 =	vadd.f32 $1.000000000e+00, v9;
	(erf) = vrcp.f32 v13;
	v10 =	vpop (erf);
	[tilespmem:s8+$0x16430] =	vst v2  }
0x29a: {  	v12 =	vld [tilespmem:s12+$0xA480];
	v2 =	vadd.f32 v11, v11;
	v11 =	vadd.f32 $1.000000000e+00, v10;
	v10 =	vpop (erf);
	(erf) = vrcp.f32 v0;
	[tilespmem:s8+$0x16480] =	vst v5  }
0x29b: {  	v0 =	vadd.f32 v1, v1;
	v5 =	vld [tilespmem:s12+$0xA490];
	v1 =	vadd.f32 $1.000000000e+00, v10;
	(erf) = vrcp.f32 v14;
	v9 =	vpop (erf);
	[tilespmem:s8+$0x16490] =	vst v4  }
0x29c: {  	v4 =	vadd.f32 v6, v6;
	v6 =	vld [tilespmem:s12+$0xA4A0];
	v13 =	vmul.f32 $1.442695020e+00, v2;
	v2 =	vadd.f32 $1.000000000e+00, v9;
	v9 =	vpop (erf);
	[tilespmem:s8+$0x164A0] =	vst v3;
	s8 =	smov.u32 s6;
	s6 =	smov.u32 s9;
	s9 =	smov.u32 s12  }
0x29d: {  	v14 =	vmul.f32 $1.442695020e+00, v0;
	v8 =	vadd.f32 v8, v8;
	v0 =	vadd.f32 $1.000000000e+00, v9;
	v9 =	vpop (erf)  }
0x29e: {  	v15 =	vmul.f32 $1.442695020e+00, v4;
	v7 =	vadd.f32 v7, v7;
	(erf) = vpow2.f32 v13;
	v10 =	vpop (erf)  }
0x29f: {  	v8 =	vmul.f32 $1.442695020e+00, v8;
	v12 =	vadd.f32 v12, v12;
	(erf) = vpow2.f32 v14;
	v3 =	vpop (erf)  }
0x2a0: {  	v7 =	vmul.f32 $1.442695020e+00, v7;
	v5 =	vadd.f32 v5, v5;
	(erf) = vpow2.f32 v15;
	v4 =	vpop (erf)  }
0x2a1: {  	v12 =	vmul.f32 $1.442695020e+00, v12;
	v6 =	vadd.f32 v6, v6;
	v4 =	vadd.f32 v4, v4;
	v13 =	vpop (erf)  }
0x2a2: {  	v5 =	vmul.f32 $1.442695020e+00, v5;
	(erf) = vpow2.f32 v8;
	v8 =	vadd.f32 v13, v13;
	v13 =	vpop (erf)  }
.Ltmp4:
0x2a3: {  	v14 =	vmul.f32 $1.442695020e+00, v6;
	(erf) = vpow2.f32 v7;
	v4 =	vsub.f32 $1.000000000e+00, v4;
	v15 =	vpop (erf);
	(pc) =	sbr.rel @p0 .LBB2_11-.Ltmp4, $4  }
0x2a4: {  	v6 =	vadd.f32 v9, v9;
	(erf) = vpow2.f32 v12;
	v12 =	vadd.f32 v13, v13;
	v7 =	vpop (erf)  }
0x2a5: {  	(erf) = vpow2.f32 v5;
	v7 =	vadd.f32 v7, v7;
	[tilespmem:s6+$0x164B0] =	vst v4;
	v5 =	vadd.f32 v10, v10  }
0x2a6: {  	v4 =	vadd.f32 v3, v3;
	v3 =	vadd.f32 v15, v15;
	(erf) = vpow2.f32 v14  }
0x2a7: {  	s12 =	sshra.s32 s13, $0x2;
	s13 =	sadd.s32 $0x400, s13;
	v10 =	vsub.f32 $1.000000000e+00, v8;
	v8 =	vsub.f32 $1.000000000e+00, v12;
	v9 =	vpop (erf);
	(erf) = vrcp.f32 v11  }
0x2a8: {  	v11 =	vld [tilespmem:s12+$0xA4B0]  }
0x2a9: {  	v12 =	vld [tilespmem:s12+$0xA400];
	v7 =	vsub.f32 $1.000000000e+00, v7;
	[tilespmem:s6+$0x16400] =	vst v10  }
0x2aa: {  	v10 =	vld [tilespmem:s12+$0xA410];
	[tilespmem:s6+$0x16410] =	vst v8  }
0x2ab: {  	v8 =	vld [tilespmem:s12+$0xA420];
	[tilespmem:s6+$0x16420] =	vst v7;
	v7 =	vadd.f32 $1.000000000e+00, v9;
	v9 =	vpop (erf)  }
0x2ac: {  	v6 =	vsub.f32 $1.000000000e+00, v6;
	(erf) = vrcp.f32 v1;
	v13 =	vpop (erf)  }
0x2ad: {  	(erf) = vrcp.f32 v2;
	v2 =	vsub.f32 $1.000000000e+00, v5;
	v5 =	vadd.f32 $1.000000000e+00, v13  }
0x2ae: {  	v9 =	vadd.f32 $1.000000000e+00, v9  }
0x2af: {  	v4 =	vsub.f32 $1.000000000e+00, v4;
	v1 =	vld [tilespmem:s12+$0xA430];
	[tilespmem:s8+$0x16430] =	vst v6;
	(erf) = vrcp.f32 v7;
	v7 =	vpop (erf)  }
0x2b0: {  	v6 =	vld [tilespmem:s12+$0xA480];
	(erf) = vrcp.f32 v9;
	v9 =	vadd.f32 v11, v11;
	[tilespmem:s8+$0x16480] =	vst v2;
	v2 =	vadd.f32 $1.000000000e+00, v7  }
0x2b1: {  	(erf) = vrcp.f32 v5;
	v7 =	vadd.f32 v12, v12;
	v5 =	vpop (erf)  }
0x2b2: {  	v11 =	vld [tilespmem:s12+$0xA490];
	[tilespmem:s8+$0x16490] =	vst v4;
	v4 =	vmul.f32 $1.442695020e+00, v9;
	v57 =	vpop (erf);
	(erf) = vrcp.f32 v0;
	v0 =	vadd.f32 v10, v10  }
0x2b3: {  	v9 =	vld [tilespmem:s12+$0xA4A0];
	v7 =	vmul.f32 $1.442695020e+00, v7  }
0x2b4: {  	v8 =	vadd.f32 v8, v8;
	(erf) = vrcp.f32 v2;
	v2 =	vpop (erf);
	v0 =	vmul.f32 $1.442695020e+00, v0  }
0x2b5: {  	v1 =	vadd.f32 v1, v1;
	v10 =	vpop (erf);
	(erf) = vpow2.f32 v4  }
0x2b6: {  	v8 =	vmul.f32 $1.442695020e+00, v8;
	v6 =	vadd.f32 v6, v6;
	v4 =	vpop (erf);
	(erf) = vpow2.f32 v7  }
0x2b7: {  	v1 =	vmul.f32 $1.442695020e+00, v1;
	v7 =	vpop (erf)  }
0x2b8: {  	v6 =	vmul.f32 $1.442695020e+00, v6;
	v9 =	vadd.f32 v9, v9;
	(erf) = vpow2.f32 v0;
	v0 =	vpop (erf)  }
0x2b9: {  	v11 =	vadd.f32 v11, v11;
	v58 =	vpop (erf)  }
0x2ba: {  	v9 =	vmul.f32 $1.442695020e+00, v9;
	(erf) = vpow2.f32 v8;
	v8 =	vpop (erf)  }
0x2bb: {  	v11 =	vmul.f32 $1.442695020e+00, v11;
	(erf) = vpow2.f32 v1;
	v1 =	vpop (erf)  }
0x2bc: {  	(erf) = vpow2.f32 v6;
	v6 =	vpop (erf)  }
0x2bd: {  	v5 =	vadd.f32 $1.000000000e+00, v5;
	(erf) = vpow2.f32 v11;
	v59 =	vpop (erf)  }
0x2be: {  	v11 =	vadd.f32 $1.000000000e+00, v57;
	(erf) = vpow2.f32 v9;
	v9 =	vpop (erf)  }
0x2bf: {  	(erf) = vrcp.f32 v5;
	v5 =	vadd.f32 $1.000000000e+00, v9;
	v9 =	vpop (erf)  }
0x2c0: {  	v2 =	vadd.f32 $1.000000000e+00, v2;
	v9 =	vadd.f32 $1.000000000e+00, v9  }
0x2c1: {  	(erf) = vrcp.f32 v11  }
0x2c2: {  	v11 =	vpop (erf);
	(erf) = vrcp.f32 v2  }
0x2c3: {  	v2 =	vsub.f32 $1.000000000e+00, v3;
	v3 =	vadd.f32 $1.000000000e+00, v11;
	(erf) = vrcp.f32 v5  }
0x2c4: {  	(erf) = vrcp.f32 v9;
	v9 =	vpop (erf)  }
0x2c5: {  	v9 =	vadd.f32 $1.000000000e+00, v9  }
0x2c6: {  	v5 =	vadd.f32 $1.000000000e+00, v10;
	v10 =	vadd.f32 v58, v58  }
0x2c7: {  	v8 =	vadd.f32 v8, v8;
	(erf) = vrcp.f32 v3;
	v3 =	vpop (erf)  }
0x2c8: {  	v4 =	vadd.f32 v4, v4;
	v10 =	vsub.f32 $1.000000000e+00, v10;
	v11 =	vpop (erf);
	(erf) = vrcp.f32 v5  }
0x2c9: {  	v7 =	vadd.f32 v7, v7;
	v0 =	vadd.f32 v0, v0;
	(erf) = vrcp.f32 v9;
	v9 =	vpop (erf)  }
0x2ca: {  	v1 =	vadd.f32 v1, v1;
	[tilespmem:s8+$0x164A0] =	vst v2;
	v2 =	vadd.f32 v6, v6;
	v60 =	vpop (erf)  }
0x2cb: {  	v6 =	vsub.f32 $1.000000000e+00, v8;
	v5 =	vadd.f32 v59, v59;
	v8 =	vpop (erf)  }
0x2cc: {  	v1 =	vsub.f32 $1.000000000e+00, v1;
	[tilespmem:s9+$0x164B0] =	vst v10;
	v3 =	vadd.f32 $1.000000000e+00, v3;
	v10 =	vpop (erf)  }
0x2cd: {  	[tilespmem:s9+$0x16400] =	vst v6;
	v6 =	vadd.f32 $1.000000000e+00, v11;
	v5 =	vsub.f32 $1.000000000e+00, v5;
	v11 =	vpop (erf)  }
0x2ce: {  	[tilespmem:s9+$0x16410] =	vst v1;
	v1 =	vadd.f32 $1.000000000e+00, v9;
	v9 =	vpop (erf);
	(erf) = vrcp.f32 v3;
	v3 =	vsub.f32 $1.000000000e+00, v7  }
0x2cf: {  	v4 =	vsub.f32 $1.000000000e+00, v4;
	[tilespmem:s9+$0x16420] =	vst v5;
	v5 =	vadd.f32 $1.000000000e+00, v60  }
0x2d0: {  	v7 =	vpop (erf)  }
0x2d1: {  	v0 =	vsub.f32 $1.000000000e+00, v0;
	[tilespmem:s6+$0x16430] =	vst v4;
	(erf) = vrcp.f32 v6;
	v4 =	vadd.f32 v9, v9;
	v6 =	vpop (erf)  }
0x2d2: {  	(erf) = vrcp.f32 v1;
	v1 =	vsub.f32 $1.000000000e+00, v2;
	[tilespmem:s6+$0x16480] =	vst v3;
	v2 =	vadd.f32 v7, v7;
	v3 =	vpop (erf)  }
0x2d3: {  	[tilespmem:s6+$0x16490] =	vst v0;
	v0 =	vsub.f32 $1.000000000e+00, v4;
	v4 =	vadd.f32 v6, v6;
	(erf) = vrcp.f32 v5;
	v5 =	vpop (erf)  }
0x2d4: {  	[tilespmem:s6+$0x164A0] =	vst v1;
	v1 =	vadd.f32 v5, v5  }
0x2d5: {  	v2 =	vsub.f32 $1.000000000e+00, v2;
	[tilespmem:s12+$0x164B0] =	vst v0;
	v0 =	vsub.f32 $1.000000000e+00, v4  }
0x2d6: {  	v4 =	vadd.f32 v10, v10;
	v1 =	vsub.f32 $1.000000000e+00, v1  }
0x2d7: {  	v5 =	vadd.f32 v8, v8;
	[tilespmem:s12+$0x16400] =	vst v2;
	v2 =	vadd.f32 v11, v11  }
0x2d8: {  	[tilespmem:s12+$0x16410] =	vst v0;
	v0 =	vadd.f32 v3, v3;
	v3 =	vsub.f32 $1.000000000e+00, v4  }
0x2d9: {  	v5 =	vsub.f32 $1.000000000e+00, v5;
	v2 =	vsub.f32 $1.000000000e+00, v2  }
0x2da: {  	[tilespmem:s12+$0x16420] =	vst v1;
	v1 =	vpop (erf)  }
0x2db: {  	[tilespmem:s9+$0x16430] =	vst v5;
	v4 =	vpop (erf);
	v1 =	vadd.f32 v1, v1  }
0x2dc: {  	v0 =	vsub.f32 $1.000000000e+00, v0;
	[tilespmem:s9+$0x16480] =	vst v3;
	v3 =	vpop (erf);
	v4 =	vadd.f32 v4, v4  }
0x2dd: {  	[tilespmem:s9+$0x16490] =	vst v2;
	v2 =	vpop (erf);
	v3 =	vadd.f32 v3, v3;
	v1 =	vsub.f32 $1.000000000e+00, v1  }
0x2de: {  	[tilespmem:s9+$0x164A0] =	vst v0;
	v0 =	vadd.f32 v2, v2;
	v2 =	vsub.f32 $1.000000000e+00, v4  }
0x2df: {  	s9 =	sadd.s32 s31, s11;
	v3 =	vsub.f32 $1.000000000e+00, v3;
	[tilespmem:s12+$0x16430] =	vst v1  }
0x2e0: {  	s6 =	sshll.u32 s9, $0xB;
	v0 =	vsub.f32 $1.000000000e+00, v0;
	[tilespmem:s12+$0x16480] =	vst v2  }
0x2e1: {  	s6 =	sand.u32 $0x1FFFF800, s6;
	[tilespmem:s12+$0x16490] =	vst v3  }
0x2e2: {  	s13 =	smul.u32 $0x600, s21;
	s6 =	sadd.s32 s4, s6;
	[tilespmem:s12+$0x164A0] =	vst v0;
	s12 =	simm.s32 $0x0  }
0x2e3: {  	[hbm4b:s6+s12] =	stream.linear.scatter [tilespmem:s24], [sflag:$0x5], $0x4000, $0x38;
	[tilespmem:$0x1E400] =	vst v63  }
0x2e4: {  	_ =	swait.ge [sflag:s25], $0x4000  }
0x2e5: {  	s31 =	sshra.s32 s13, $0x2;
	[sflag:s25] =	ssyncset.done $0x0  }
0x2e6: {  	s6 =	sadd.s32 $0x300, s31;
	[sflag:s25] =	ssyncadd.s32 $0xFFFFC000  }
0x2e7: {  	[tilespmem:s17], [sflag:$0x1] =	stream.indirect.gather [hbm4b:s3+s16], $0x80, s6, s16, $0xb8;
	[tilespmem:$0x1E400] =	vst v63  }
0x2e8: {  	_ =	swait.ge [sflag:s28], $0x4000  }
0x2e9: {  	[sflag:s28] =	ssyncset.done $0x0  }
0x2ea: {  	s8 =	simm.s32 $0x0;
	[sflag:s28] =	ssyncadd.s32 $0xFFFFC000  }
0x2eb: {  	v0 =	vld [tilespmem:s8+$0xE4B0];
	_ =	sdelay $0x1  }
0x2ec: {  	v1 =	vld [tilespmem:s8+$0xE400]  }
0x2ed: {  	v2 =	vld [tilespmem:s8+$0xE410]  }
0x2ee: {  	v3 =	vld [tilespmem:s8+$0xE420]  }
0x2ef: {  	v0 =	vadd.f32 v0, v0  }
0x2f0: {  	v4 =	vld [tilespmem:s8+$0xE430]  }
0x2f1: {  	v5 =	vld [tilespmem:s8+$0xE480];
	v1 =	vadd.f32 v1, v1;
	v0 =	vmul.f32 $1.442695020e+00, v0  }
0x2f2: {  	v2 =	vadd.f32 v2, v2  }
0x2f3: {  	v3 =	vadd.f32 v3, v3;
	v1 =	vmul.f32 $1.442695020e+00, v1;
	(erf) = vpow2.f32 v0  }
0x2f4: {  	v2 =	vmul.f32 $1.442695020e+00, v2;
	v0 =	vld [tilespmem:s8+$0xE490]  }
0x2f5: {  	v6 =	vld [tilespmem:s8+$0xE4A0];
	v3 =	vmul.f32 $1.442695020e+00, v3;
	(erf) = vpow2.f32 v1  }
0x2f6: {  	v1 =	vadd.f32 v4, v4;
	v4 =	vadd.f32 v5, v5;
	(erf) = vpow2.f32 v2;
	_ =	sdelay $0x1  }
0x2f7: {  	v2 =	vmul.f32 $1.442695020e+00, v4;
	(erf) = vpow2.f32 v3  }
0x2f8: {  	v1 =	vmul.f32 $1.442695020e+00, v1;
	v0 =	vadd.f32 v0, v0  }
0x2f9: {  	v4 =	vadd.f32 v6, v6  }
0x2fa: {  	(erf) = vpow2.f32 v1;
	v0 =	vmul.f32 $1.442695020e+00, v0  }
0x2fb: {  	s6 =	simm.s32 $0x100;
	v1 =	vmul.f32 $1.442695020e+00, v4;
	(erf) = vpow2.f32 v2;
	v2 =	vpop (erf)  }
0x2fc: {  	v3 =	vld [tilespmem:s6+$0xE400];
	(erf) = vpow2.f32 v0;
	v0 =	vadd.f32 $1.000000000e+00, v2  }
0x2fd: {  	(erf) = vpow2.f32 v1;
	v1 =	vld [tilespmem:s6+$0xE4B0];
	v2 =	vpop (erf)  }
0x2fe: {  	v4 =	vpop (erf);
	(erf) = vrcp.f32 v0;
	v0 =	vadd.f32 $1.000000000e+00, v2  }
0x2ff: {  	v2 =	vld [tilespmem:s6+$0xE410];
	v4 =	vadd.f32 $1.000000000e+00, v4  }
0x300: {  	v5 =	vld [tilespmem:s6+$0xE420];
	v6 =	vpop (erf);
	(erf) = vrcp.f32 v0  }
0x301: {  	v3 =	vadd.f32 v3, v3;
	v6 =	vadd.f32 $1.000000000e+00, v6  }
0x302: {  	v7 =	vld [tilespmem:s6+$0xE480];
	v1 =	vadd.f32 v1, v1  }
0x303: {  	v3 =	vmul.f32 $1.442695020e+00, v3;
	v0 =	vld [tilespmem:s6+$0xE430];
	(erf) = vrcp.f32 v4;
	v4 =	vpop (erf)  }
0x304: {  	v9 =	vld [tilespmem:s6+$0xE490];
	v8 =	vpop (erf);
	v2 =	vadd.f32 v2, v2;
	v1 =	vmul.f32 $1.442695020e+00, v1  }
0x305: {  	v5 =	vadd.f32 v5, v5;
	(erf) = vrcp.f32 v6;
	v6 =	vpop (erf)  }
0x306: {  	v11 =	vpop (erf);
	v2 =	vmul.f32 $1.442695020e+00, v2;
	(erf) = vpow2.f32 v1  }
0x307: {  	v10 =	vld [tilespmem:s6+$0xE4A0];
	v5 =	vmul.f32 $1.442695020e+00, v5;
	(erf) = vpow2.f32 v3;
	v3 =	vpop (erf)  }
0x308: {  	v0 =	vadd.f32 v0, v0;
	(erf) = vpow2.f32 v2;
	v2 =	vadd.f32 v3, v3  }
0x309: {  	v1 =	vadd.f32 v7, v7;
	v3 =	vadd.f32 v9, v9;
	v9 =	vpop (erf)  }
0x30a: {  	(erf) = vpow2.f32 v5;
	v2 =	vsub.f32 $1.000000000e+00, v2;
	v5 =	vadd.f32 v9, v9  }
0x30b: {  	v0 =	vmul.f32 $1.442695020e+00, v0  }
0x30c: {  	v7 =	vadd.f32 v10, v10;
	v1 =	vmul.f32 $1.442695020e+00, v1;
	[tilespmem:s8+$0x1A4B0] =	vst v2;
	v2 =	vsub.f32 $1.000000000e+00, v5  }
0x30d: {  	(erf) = vpow2.f32 v0;
	v0 =	vadd.f32 $1.000000000e+00, v4;
	v3 =	vmul.f32 $1.442695020e+00, v3;
	v4 =	vpop (erf)  }
0x30e: {  	s9 =	simm.s32 $0x200;
	v7 =	vmul.f32 $1.442695020e+00, v7;
	(erf) = vpow2.f32 v1;
	v5 =	vadd.f32 $1.000000000e+00, v6;
	v6 =	vpop (erf)  }
0x30f: {  	v1 =	vadd.f32 v4, v4;
	v4 =	vadd.f32 $1.000000000e+00, v8;
	(erf) = vpow2.f32 v3;
	v3 =	vld [tilespmem:s9+$0xE4B0];
	v8 =	vpop (erf)  }
0x310: {  	(erf) = vpow2.f32 v7;
	v7 =	vld [tilespmem:s9+$0xE400];
	[tilespmem:s8+$0x1A400] =	vst v2;
	v2 =	vpop (erf)  }
0x311: {  	v6 =	vadd.f32 v6, v6;
	(erf) = vrcp.f32 v0;
	v2 =	vadd.f32 $1.000000000e+00, v2  }
0x312: {  	v1 =	vsub.f32 $1.000000000e+00, v1;
	v0 =	vadd.f32 $1.000000000e+00, v8;
	(erf) = vrcp.f32 v4  }
0x313: {  	v4 =	vld [tilespmem:s9+$0xE410];
	(erf) = vrcp.f32 v5;
	v8 =	vpop (erf)  }
0x314: {  	v6 =	vsub.f32 $1.000000000e+00, v6;
	[tilespmem:s8+$0x1A410] =	vst v1;
	(erf) = vrcp.f32 v0;
	v1 =	vadd.f32 $1.000000000e+00, v8  }
0x315: {  	(erf) = vrcp.f32 v2;
	v2 =	vpop (erf)  }
0x316: {  	v0 =	vld [tilespmem:s9+$0xE420];
	[tilespmem:s8+$0x1A420] =	vst v6;
	v3 =	vadd.f32 v3, v3;
	v2 =	vadd.f32 $1.000000000e+00, v2  }
0x317: {  	v5 =	vadd.f32 $1.000000000e+00, v11;
	v6 =	vld [tilespmem:s9+$0xE430]  }
0x318: {  	v8 =	vld [tilespmem:s9+$0xE480];
	v4 =	vadd.f32 v4, v4;
	v3 =	vmul.f32 $1.442695020e+00, v3;
	(erf) = vrcp.f32 v1;
	v1 =	vpop (erf)  }
0x319: {  	(erf) = vrcp.f32 v5;
	v5 =	vadd.f32 v7, v7;
	v7 =	vld [tilespmem:s9+$0xE490];
	v11 =	vadd.f32 $1.000000000e+00, v1;
	v1 =	vpop (erf)  }
0x31a: {  	v9 =	vld [tilespmem:s9+$0xE4A0];
	(erf) = vrcp.f32 v2;
	v2 =	vpop (erf)  }
0x31b: {  	v61 =	vadd.f32 v0, v0;
	v4 =	vmul.f32 $1.442695020e+00, v4;
	v10 =	vpop (erf)  }
0x31c: {  	v6 =	vadd.f32 v6, v6;
	v5 =	vmul.f32 $1.442695020e+00, v5;
	v0 =	vadd.f32 $1.000000000e+00, v10;
	v10 =	vpop (erf)  }
0x31d: {  	v8 =	vadd.f32 v8, v8;
	v12 =	vmul.f32 $1.442695020e+00, v61;
	(erf) = vpow2.f32 v3;
	v3 =	vpop (erf)  }
0x31e: {  	(erf) = vpow2.f32 v5;
	v5 =	vmul.f32 $1.442695020e+00, v6;
	v6 =	vadd.f32 v7, v7;
	v62 =	vpop (erf)  }
0x31f: {  	v7 =	vmul.f32 $1.442695020e+00, v8;
	v8 =	vadd.f32 v9, v9;
	(erf) = vpow2.f32 v4;
	v4 =	vpop (erf)  }
0x320: {  	v1 =	vadd.f32 $1.000000000e+00, v1;
	v14 =	vmul.f32 $1.442695020e+00, v6;
	v4 =	vadd.f32 v4, v4  }
0x321: {  	v2 =	vadd.f32 $1.000000000e+00, v2;
	(erf) = vpow2.f32 v12;
	v8 =	vmul.f32 $1.442695020e+00, v8;
	v9 =	vpop (erf)  }
0x322: {  	(erf) = vpow2.f32 v5;
	v63 =	vadd.f32 v9, v9;
	v6 =	vpop (erf);
	v9 =	vsub.f32 $1.000000000e+00, v4  }
0x323: {  	v5 =	vadd.f32 v3, v3;
	v15 =	vpop (erf);
	(erf) = vpow2.f32 v7;
	v16 =	vadd.f32 v6, v6  }
0x324: {  	v6 =	vadd.f32 v10, v10;
	(erf) = vpow2.f32 v14;
	v3 =	vadd.f32 v15, v15;
	v4 =	vpop (erf)  }
0x325: {  	v10 =	vsub.f32 $1.000000000e+00, v63;
	(erf) = vpow2.f32 v8;
	v7 =	vadd.f32 v4, v4  }
0x326: {  	s13 =	simm.s32 $0x1000;
	s12 =	simm.s32 $0x300;
	[tilespmem:s6+$0x1A4B0] =	vst v9;
	v8 =	vsub.f32 $1.000000000e+00, v16;
	v4 =	vadd.f32 v62, v62;
	(erf) = vrcp.f32 v11;
	v9 =	vpop (erf)  }
.LBB2_13:
0x327: {  	p0 =	sne.s32 s13, $0xFC00;
	v11 =	vld [tilespmem:s12+$0xE4B0];
	v14 =	vadd.f32 $1.000000000e+00, v9;
	v12 =	vpop (erf);
	v7 =	vsub.f32 $1.000000000e+00, v7;
	(erf) = vrcp.f32 v1  }
0x328: {  	v1 =	vld [tilespmem:s12+$0xE400];
	v12 =	vadd.f32 $1.000000000e+00, v12;
	v13 =	vpop (erf);
	[tilespmem:s6+$0x1A400] =	vst v10;
	(erf) = vrcp.f32 v2;
	v2 =	vsub.f32 $1.000000000e+00, v6  }
0x329: {  	v5 =	vsub.f32 $1.000000000e+00, v5;
	v6 =	vld [tilespmem:s12+$0xE410];
	v13 =	vadd.f32 $1.000000000e+00, v13;
	(erf) = vrcp.f32 v14;
	[tilespmem:s6+$0x1A410] =	vst v8  }
0x32a: {  	v4 =	vsub.f32 $1.000000000e+00, v4;
	v3 =	vsub.f32 $1.000000000e+00, v3;
	v8 =	vld [tilespmem:s12+$0xE420];
	(erf) = vrcp.f32 v12;
	v9 =	vpop (erf);
	[tilespmem:s6+$0x1A420] =	vst v7  }
0x32b: {  	v7 =	vld [tilespmem:s12+$0xE430];
	v14 =	vadd.f32 $1.000000000e+00, v9;
	(erf) = vrcp.f32 v13;
	v10 =	vpop (erf);
	[tilespmem:s8+$0x1A430] =	vst v2  }
0x32c: {  	v12 =	vld [tilespmem:s12+$0xE480];
	v2 =	vadd.f32 v11, v11;
	v11 =	vadd.f32 $1.000000000e+00, v10;
	v10 =	vpop (erf);
	(erf) = vrcp.f32 v0;
	[tilespmem:s8+$0x1A480] =	vst v5  }
0x32d: {  	v0 =	vadd.f32 v1, v1;
	v5 =	vld [tilespmem:s12+$0xE490];
	v1 =	vadd.f32 $1.000000000e+00, v10;
	(erf) = vrcp.f32 v14;
	v9 =	vpop (erf);
	[tilespmem:s8+$0x1A490] =	vst v4  }
0x32e: {  	v4 =	vadd.f32 v6, v6;
	v6 =	vld [tilespmem:s12+$0xE4A0];
	v13 =	vmul.f32 $1.442695020e+00, v2;
	v2 =	vadd.f32 $1.000000000e+00, v9;
	v9 =	vpop (erf);
	[tilespmem:s8+$0x1A4A0] =	vst v3;
	s8 =	smov.u32 s6;
	s6 =	smov.u32 s9;
	s9 =	smov.u32 s12  }
0x32f: {  	v14 =	vmul.f32 $1.442695020e+00, v0;
	v8 =	vadd.f32 v8, v8;
	v0 =	vadd.f32 $1.000000000e+00, v9;
	v9 =	vpop (erf)  }
0x330: {  	v15 =	vmul.f32 $1.442695020e+00, v4;
	v7 =	vadd.f32 v7, v7;
	(erf) = vpow2.f32 v13;
	v10 =	vpop (erf)  }
0x331: {  	v8 =	vmul.f32 $1.442695020e+00, v8;
	v12 =	vadd.f32 v12, v12;
	(erf) = vpow2.f32 v14;
	v3 =	vpop (erf)  }
0x332: {  	v7 =	vmul.f32 $1.442695020e+00, v7;
	v5 =	vadd.f32 v5, v5;
	(erf) = vpow2.f32 v15;
	v4 =	vpop (erf)  }
0x333: {  	v12 =	vmul.f32 $1.442695020e+00, v12;
	v6 =	vadd.f32 v6, v6;
	v4 =	vadd.f32 v4, v4;
	v13 =	vpop (erf)  }
0x334: {  	v5 =	vmul.f32 $1.442695020e+00, v5;
	(erf) = vpow2.f32 v8;
	v8 =	vadd.f32 v13, v13;
	v13 =	vpop (erf)  }
.Ltmp5:
0x335: {  	v14 =	vmul.f32 $1.442695020e+00, v6;
	(erf) = vpow2.f32 v7;
	v4 =	vsub.f32 $1.000000000e+00, v4;
	v15 =	vpop (erf);
	(pc) =	sbr.rel @p0 .LBB2_13-.Ltmp5, $4  }
0x336: {  	v6 =	vadd.f32 v9, v9;
	(erf) = vpow2.f32 v12;
	v12 =	vadd.f32 v13, v13;
	v7 =	vpop (erf)  }
0x337: {  	(erf) = vpow2.f32 v5;
	v7 =	vadd.f32 v7, v7;
	[tilespmem:s6+$0x1A4B0] =	vst v4;
	v5 =	vadd.f32 v10, v10  }
0x338: {  	v4 =	vadd.f32 v3, v3;
	v3 =	vadd.f32 v15, v15;
	(erf) = vpow2.f32 v14  }
0x339: {  	s12 =	sshra.s32 s13, $0x2;
	s13 =	sadd.s32 $0x400, s13;
	v10 =	vsub.f32 $1.000000000e+00, v8;
	v8 =	vsub.f32 $1.000000000e+00, v12;
	v9 =	vpop (erf);
	(erf) = vrcp.f32 v11  }
0x33a: {  	v11 =	vld [tilespmem:s12+$0xE4B0]  }
0x33b: {  	v12 =	vld [tilespmem:s12+$0xE400];
	[tilespmem:s6+$0x1A400] =	vst v10  }
0x33c: {  	v7 =	vsub.f32 $1.000000000e+00, v7;
	v40 =	vadd.f32 $1.000000000e+00, v9;
	v41 =	vpop (erf);
	(erf) = vrcp.f32 v1;
	v10 =	vld [tilespmem:s12+$0xE410]  }
0x33d: {  	v6 =	vsub.f32 $1.000000000e+00, v6;
	v9 =	vadd.f32 $1.000000000e+00, v41;
	v13 =	vpop (erf);
	(erf) = vrcp.f32 v2;
	[tilespmem:s6+$0x1A410] =	vst v8  }
0x33e: {  	v43 =	vsub.f32 $1.000000000e+00, v5;
	v44 =	vadd.f32 $1.000000000e+00, v13;
	(erf) = vrcp.f32 v40;
	v8 =	vld [tilespmem:s12+$0xE420];
	[tilespmem:s6+$0x1A420] =	vst v7  }
0x33f: {  	v4 =	vsub.f32 $1.000000000e+00, v4;
	(erf) = vrcp.f32 v9;
	v45 =	vpop (erf);
	v42 =	vld [tilespmem:s12+$0xE430];
	[tilespmem:s8+$0x1A430] =	vst v6;
	v46 =	vadd.f32 v11, v11  }
0x340: {  	v47 =	vadd.f32 $1.000000000e+00, v45;
	(erf) = vrcp.f32 v44;
	v48 =	vpop (erf);
	v6 =	vld [tilespmem:s12+$0xE480];
	[tilespmem:s8+$0x1A480] =	vst v43;
	v49 =	vadd.f32 v12, v12  }
0x341: {  	v51 =	vpop (erf);
	(erf) = vrcp.f32 v0;
	v50 =	vld [tilespmem:s12+$0xE490];
	[tilespmem:s8+$0x1A490] =	vst v4;
	v52 =	vadd.f32 v10, v10;
	v53 =	vmul.f32 $1.442695020e+00, v46  }
0x342: {  	(erf) = vrcp.f32 v47;
	v54 =	vpop (erf);
	v55 =	vld [tilespmem:s12+$0xE4A0];
	v7 =	vmul.f32 $1.442695020e+00, v49  }
0x343: {  	v56 =	vpop (erf);
	v8 =	vadd.f32 v8, v8;
	v0 =	vmul.f32 $1.442695020e+00, v52;
	(erf) = vpow2.f32 v53  }
0x344: {  	v57 =	vpop (erf);
	v1 =	vadd.f32 v42, v42;
	(erf) = vpow2.f32 v7  }
0x345: {  	v58 =	vpop (erf);
	v8 =	vmul.f32 $1.442695020e+00, v8;
	v6 =	vadd.f32 v6, v6;
	(erf) = vpow2.f32 v0  }
0x346: {  	v59 =	vpop (erf);
	v1 =	vmul.f32 $1.442695020e+00, v1;
	v11 =	vadd.f32 v50, v50  }
0x347: {  	v60 =	vpop (erf);
	v6 =	vmul.f32 $1.442695020e+00, v6;
	v9 =	vadd.f32 v55, v55;
	(erf) = vpow2.f32 v8  }
0x348: {  	v61 =	vpop (erf);
	v11 =	vmul.f32 $1.442695020e+00, v11;
	(erf) = vpow2.f32 v1  }
0x349: {  	v62 =	vpop (erf);
	v9 =	vmul.f32 $1.442695020e+00, v9;
	(erf) = vpow2.f32 v6  }
0x34a: {  	v5 =	vadd.f32 $1.000000000e+00, v48;
	v63 =	vpop (erf);
	(erf) = vpow2.f32 v11  }
0x34b: {  	v16 =	vadd.f32 $1.000000000e+00, v51;
	v17 =	vpop (erf);
	(erf) = vpow2.f32 v9  }
0x34c: {  	v2 =	vadd.f32 $1.000000000e+00, v54;
	v18 =	vpop (erf);
	(erf) = vrcp.f32 v5  }
0x34d: {  	v19 =	vadd.f32 $1.000000000e+00, v18;
	v20 =	vpop (erf);
	(erf) = vrcp.f32 v16  }
0x34e: {  	v9 =	vadd.f32 $1.000000000e+00, v20;
	v21 =	vpop (erf);
	(erf) = vrcp.f32 v2  }
0x34f: {  	v22 =	vsub.f32 $1.000000000e+00, v3;
	v23 =	vadd.f32 $1.000000000e+00, v21;
	(erf) = vrcp.f32 v19  }
0x350: {  	v24 =	vadd.f32 $1.000000000e+00, v56;
	v4 =	vadd.f32 v57, v57;
	v26 =	vpop (erf);
	(erf) = vrcp.f32 v9  }
0x351: {  	v25 =	vadd.f32 v60, v60;
	v9 =	vadd.f32 $1.000000000e+00, v26;
	v27 =	vpop (erf);
	(erf) = vrcp.f32 v23  }
0x352: {  	v7 =	vadd.f32 v58, v58;
	v8 =	vadd.f32 v61, v61;
	v28 =	vpop (erf);
	(erf) = vrcp.f32 v24  }
0x353: {  	v0 =	vadd.f32 v59, v59;
	v10 =	vsub.f32 $1.000000000e+00, v25;
	v30 =	vpop (erf);
	(erf) = vrcp.f32 v9  }
0x354: {  	v1 =	vadd.f32 v62, v62;
	v33 =	vsub.f32 $1.000000000e+00, v8;
	v31 =	vpop (erf)  }
0x355: {  	[tilespmem:s8+$0x1A4A0] =	vst v22;
	v29 =	vadd.f32 v17, v17;
	v3 =	vadd.f32 $1.000000000e+00, v27;
	v34 =	vpop (erf)  }
0x356: {  	[tilespmem:s9+$0x1A4B0] =	vst v10;
	v1 =	vsub.f32 $1.000000000e+00, v1;
	v36 =	vadd.f32 $1.000000000e+00, v28;
	v35 =	vpop (erf)  }
0x357: {  	v4 =	vsub.f32 $1.000000000e+00, v4;
	[tilespmem:s9+$0x1A400] =	vst v33;
	v5 =	vsub.f32 $1.000000000e+00, v29;
	(erf) = vrcp.f32 v3;
	v37 =	vpop (erf)  }
0x358: {  	v40 =	vsub.f32 $1.000000000e+00, v7;
	[tilespmem:s9+$0x1A410] =	vst v1;
	v38 =	vadd.f32 $1.000000000e+00, v30;
	(erf) = vrcp.f32 v36;
	v39 =	vpop (erf)  }
0x359: {  	v32 =	vadd.f32 v63, v63;
	[tilespmem:s9+$0x1A420] =	vst v5;
	v41 =	vadd.f32 $1.000000000e+00, v31;
	v42 =	vpop (erf)  }
0x35a: {  	v0 =	vsub.f32 $1.000000000e+00, v0;
	[tilespmem:s6+$0x1A430] =	vst v4;
	(erf) = vrcp.f32 v38;
	v43 =	vadd.f32 v39, v39;
	v44 =	vpop (erf)  }
0x35b: {  	v45 =	vsub.f32 $1.000000000e+00, v32;
	[tilespmem:s6+$0x1A480] =	vst v40;
	(erf) = vrcp.f32 v41;
	v46 =	vadd.f32 v42, v42;
	v47 =	vpop (erf)  }
0x35c: {  	[tilespmem:s6+$0x1A490] =	vst v0;
	v48 =	vsub.f32 $1.000000000e+00, v43;
	v49 =	vadd.f32 v44, v44;
	v50 =	vpop (erf)  }
0x35d: {  	[tilespmem:s6+$0x1A4A0] =	vst v45;
	v2 =	vsub.f32 $1.000000000e+00, v46;
	v51 =	vadd.f32 v50, v50  }
0x35e: {  	v52 =	vadd.f32 v34, v34;
	[tilespmem:s12+$0x1A4B0] =	vst v48;
	v53 =	vsub.f32 $1.000000000e+00, v49  }
0x35f: {  	v54 =	vadd.f32 v35, v35;
	[tilespmem:s12+$0x1A400] =	vst v2;
	v1 =	vsub.f32 $1.000000000e+00, v51  }
0x360: {  	v55 =	vadd.f32 v37, v37;
	v5 =	vsub.f32 $1.000000000e+00, v52;
	v58 =	vpop (erf);
	[tilespmem:s12+$0x1A410] =	vst v53  }
0x361: {  	v57 =	vsub.f32 $1.000000000e+00, v54;
	v56 =	vadd.f32 v47, v47;
	v59 =	vpop (erf);
	[tilespmem:s12+$0x1A420] =	vst v1  }
0x362: {  	v2 =	vsub.f32 $1.000000000e+00, v55;
	v4 =	vadd.f32 v59, v59;
	[tilespmem:s9+$0x1A430] =	vst v5  }
0x363: {  	v0 =	vsub.f32 $1.000000000e+00, v56;
	v60 =	vpop (erf);
	v1 =	vadd.f32 v58, v58;
	[tilespmem:s9+$0x1A480] =	vst v57  }
0x364: {  	v61 =	vpop (erf);
	v3 =	vadd.f32 v60, v60;
	[tilespmem:s9+$0x1A490] =	vst v2;
	v63 =	vsub.f32 $1.000000000e+00, v4  }
0x365: {  	[tilespmem:s9+$0x1A4A0] =	vst v0;
	v62 =	vadd.f32 v61, v61;
	v1 =	vsub.f32 $1.000000000e+00, v1  }
0x366: {  	s26 =	sadd.s32 s5, s26;
	v3 =	vsub.f32 $1.000000000e+00, v3;
	[tilespmem:s12+$0x1A480] =	vst v63  }
0x367: {  	s6 =	sshll.u32 s26, $0xB;
	v0 =	vsub.f32 $1.000000000e+00, v62;
	[tilespmem:s12+$0x1A430] =	vst v1  }
0x368: {  	s21 =	sadd.s32 $0x1, s21;
	s6 =	sand.u32 $0x1FFFF800, s6;
	[tilespmem:s12+$0x1A490] =	vst v3  }
0x369: {  	p0 =	sne.s32 s21, $0x41;
	s6 =	sadd.s32 s4, s6;
	[tilespmem:s12+$0x1A4A0] =	vst v0  }
0x36a: {  	[hbm4b:s6+s2] =	stream.linear.scatter [tilespmem:s29], [sflag:$0x6], $0x4000, $0x38;
	[tilespmem:$0x1E400] =	vst v63  }
.Ltmp6:
0x36b: {  	_ = 	snop;
	(pc) =	sbr.rel @p0 .LBB2_8-.Ltmp6, $4  }
0x36c: {  	_ =	swait.ge [sflag:s30], $0x4000  }
0x36d: {  	[sflag:s30] =	ssyncset.done $0x0  }
0x36e: {  	s31 =	sadd.s32 $0x380, s31;
	[sflag:s30] =	ssyncadd.s32 $0xFFFFC000  }
0x36f: {  	[tilespmem:s18], [sflag:$0x2] =	stream.indirect.gather [hbm4b:s3+s16], $0x80, s31, s16, $0xb8;
	[tilespmem:$0x1E400] =	vst v63  }
0x370: {  	_ =	swait.ge [sflag:s19], $0x4000  }
0x371: {  	[sflag:s19] =	ssyncset.done $0x0  }
0x372: {  	s8 =	simm.s32 $0x0;
	[sflag:s19] =	ssyncadd.s32 $0xFFFFC000  }
0x373: {  	v0 =	vld [tilespmem:s8+$0x64B0];
	_ =	sdelay $0x1  }
0x374: {  	v1 =	vld [tilespmem:s8+$0x6400]  }
0x375: {  	v2 =	vld [tilespmem:s8+$0x6410]  }
0x376: {  	v3 =	vld [tilespmem:s8+$0x6420]  }
0x377: {  	v0 =	vadd.f32 v0, v0  }
0x378: {  	v4 =	vld [tilespmem:s8+$0x6430]  }
0x379: {  	v5 =	vld [tilespmem:s8+$0x6480];
	v1 =	vadd.f32 v1, v1;
	v0 =	vmul.f32 $1.442695020e+00, v0  }
0x37a: {  	v2 =	vadd.f32 v2, v2  }
0x37b: {  	v3 =	vadd.f32 v3, v3;
	v1 =	vmul.f32 $1.442695020e+00, v1;
	(erf) = vpow2.f32 v0  }
0x37c: {  	v2 =	vmul.f32 $1.442695020e+00, v2;
	v0 =	vld [tilespmem:s8+$0x6490]  }
0x37d: {  	v6 =	vld [tilespmem:s8+$0x64A0];
	v3 =	vmul.f32 $1.442695020e+00, v3;
	(erf) = vpow2.f32 v1  }
0x37e: {  	v1 =	vadd.f32 v4, v4;
	v4 =	vadd.f32 v5, v5;
	(erf) = vpow2.f32 v2;
	_ =	sdelay $0x1  }
0x37f: {  	v2 =	vmul.f32 $1.442695020e+00, v4;
	(erf) = vpow2.f32 v3  }
0x380: {  	v1 =	vmul.f32 $1.442695020e+00, v1;
	v0 =	vadd.f32 v0, v0  }
0x381: {  	v4 =	vadd.f32 v6, v6  }
0x382: {  	(erf) = vpow2.f32 v1;
	v0 =	vmul.f32 $1.442695020e+00, v0  }
0x383: {  	s6 =	simm.s32 $0x100;
	v1 =	vmul.f32 $1.442695020e+00, v4;
	(erf) = vpow2.f32 v2;
	v2 =	vpop (erf)  }
0x384: {  	v3 =	vld [tilespmem:s6+$0x6400];
	(erf) = vpow2.f32 v0;
	v0 =	vadd.f32 $1.000000000e+00, v2  }
0x385: {  	(erf) = vpow2.f32 v1;
	v1 =	vld [tilespmem:s6+$0x64B0];
	v2 =	vpop (erf)  }
0x386: {  	v4 =	vpop (erf);
	(erf) = vrcp.f32 v0;
	v0 =	vadd.f32 $1.000000000e+00, v2  }
0x387: {  	v2 =	vld [tilespmem:s6+$0x6410];
	v4 =	vadd.f32 $1.000000000e+00, v4  }
0x388: {  	v5 =	vld [tilespmem:s6+$0x6420];
	v6 =	vpop (erf);
	(erf) = vrcp.f32 v0  }
0x389: {  	v3 =	vadd.f32 v3, v3;
	v6 =	vadd.f32 $1.000000000e+00, v6  }
0x38a: {  	v7 =	vld [tilespmem:s6+$0x6480];
	v1 =	vadd.f32 v1, v1  }
0x38b: {  	v3 =	vmul.f32 $1.442695020e+00, v3;
	v0 =	vld [tilespmem:s6+$0x6430];
	(erf) = vrcp.f32 v4;
	v4 =	vpop (erf)  }
0x38c: {  	v9 =	vld [tilespmem:s6+$0x6490];
	v8 =	vpop (erf);
	v2 =	vadd.f32 v2, v2;
	v1 =	vmul.f32 $1.442695020e+00, v1  }
0x38d: {  	v5 =	vadd.f32 v5, v5;
	(erf) = vrcp.f32 v6;
	v6 =	vpop (erf)  }
0x38e: {  	v11 =	vpop (erf);
	v2 =	vmul.f32 $1.442695020e+00, v2;
	(erf) = vpow2.f32 v1  }
0x38f: {  	v10 =	vld [tilespmem:s6+$0x64A0];
	v5 =	vmul.f32 $1.442695020e+00, v5;
	(erf) = vpow2.f32 v3;
	v3 =	vpop (erf)  }
0x390: {  	v0 =	vadd.f32 v0, v0;
	(erf) = vpow2.f32 v2;
	v2 =	vadd.f32 v3, v3  }
0x391: {  	v1 =	vadd.f32 v7, v7;
	v3 =	vadd.f32 v9, v9;
	v9 =	vpop (erf)  }
0x392: {  	(erf) = vpow2.f32 v5;
	v2 =	vsub.f32 $1.000000000e+00, v2;
	v5 =	vadd.f32 v9, v9  }
0x393: {  	v0 =	vmul.f32 $1.442695020e+00, v0  }
0x394: {  	v7 =	vadd.f32 v10, v10;
	v1 =	vmul.f32 $1.442695020e+00, v1;
	[tilespmem:s8+$0x124B0] =	vst v2;
	v2 =	vsub.f32 $1.000000000e+00, v5  }
0x395: {  	(erf) = vpow2.f32 v0;
	v0 =	vadd.f32 $1.000000000e+00, v4;
	v3 =	vmul.f32 $1.442695020e+00, v3;
	v4 =	vpop (erf)  }
0x396: {  	s9 =	simm.s32 $0x200;
	v7 =	vmul.f32 $1.442695020e+00, v7;
	(erf) = vpow2.f32 v1;
	v5 =	vadd.f32 $1.000000000e+00, v6;
	v6 =	vpop (erf)  }
0x397: {  	v1 =	vadd.f32 v4, v4;
	v4 =	vadd.f32 $1.000000000e+00, v8;
	(erf) = vpow2.f32 v3;
	v3 =	vld [tilespmem:s9+$0x64B0];
	v8 =	vpop (erf)  }
0x398: {  	(erf) = vpow2.f32 v7;
	v7 =	vld [tilespmem:s9+$0x6400];
	[tilespmem:s8+$0x12400] =	vst v2;
	v2 =	vpop (erf)  }
0x399: {  	v6 =	vadd.f32 v6, v6;
	(erf) = vrcp.f32 v0;
	v2 =	vadd.f32 $1.000000000e+00, v2  }
0x39a: {  	v1 =	vsub.f32 $1.000000000e+00, v1;
	v0 =	vadd.f32 $1.000000000e+00, v8;
	(erf) = vrcp.f32 v4  }
0x39b: {  	v4 =	vld [tilespmem:s9+$0x6410];
	(erf) = vrcp.f32 v5;
	v8 =	vpop (erf)  }
0x39c: {  	v6 =	vsub.f32 $1.000000000e+00, v6;
	[tilespmem:s8+$0x12410] =	vst v1;
	(erf) = vrcp.f32 v0;
	v1 =	vadd.f32 $1.000000000e+00, v8  }
0x39d: {  	(erf) = vrcp.f32 v2;
	v2 =	vpop (erf)  }
0x39e: {  	v0 =	vld [tilespmem:s9+$0x6420];
	[tilespmem:s8+$0x12420] =	vst v6;
	v3 =	vadd.f32 v3, v3;
	v2 =	vadd.f32 $1.000000000e+00, v2  }
0x39f: {  	v5 =	vadd.f32 $1.000000000e+00, v11;
	v6 =	vld [tilespmem:s9+$0x6430]  }
0x3a0: {  	v8 =	vld [tilespmem:s9+$0x6480];
	v4 =	vadd.f32 v4, v4;
	v3 =	vmul.f32 $1.442695020e+00, v3;
	(erf) = vrcp.f32 v1;
	v1 =	vpop (erf)  }
0x3a1: {  	(erf) = vrcp.f32 v5;
	v5 =	vadd.f32 v7, v7;
	v7 =	vld [tilespmem:s9+$0x6490];
	v11 =	vadd.f32 $1.000000000e+00, v1;
	v1 =	vpop (erf)  }
0x3a2: {  	v9 =	vld [tilespmem:s9+$0x64A0];
	(erf) = vrcp.f32 v2;
	v2 =	vpop (erf)  }
0x3a3: {  	v12 =	vadd.f32 v0, v0;
	v4 =	vmul.f32 $1.442695020e+00, v4;
	v10 =	vpop (erf)  }
0x3a4: {  	v6 =	vadd.f32 v6, v6;
	v5 =	vmul.f32 $1.442695020e+00, v5;
	v0 =	vadd.f32 $1.000000000e+00, v10;
	v10 =	vpop (erf)  }
0x3a5: {  	v8 =	vadd.f32 v8, v8;
	v12 =	vmul.f32 $1.442695020e+00, v12;
	(erf) = vpow2.f32 v3;
	v3 =	vpop (erf)  }
0x3a6: {  	(erf) = vpow2.f32 v5;
	v5 =	vmul.f32 $1.442695020e+00, v6;
	v6 =	vadd.f32 v7, v7;
	v13 =	vpop (erf)  }
0x3a7: {  	v7 =	vmul.f32 $1.442695020e+00, v8;
	v8 =	vadd.f32 v9, v9;
	(erf) = vpow2.f32 v4;
	v4 =	vpop (erf)  }
0x3a8: {  	v1 =	vadd.f32 $1.000000000e+00, v1;
	v14 =	vmul.f32 $1.442695020e+00, v6;
	v4 =	vadd.f32 v4, v4  }
0x3a9: {  	v2 =	vadd.f32 $1.000000000e+00, v2;
	(erf) = vpow2.f32 v12;
	v8 =	vmul.f32 $1.442695020e+00, v8;
	v9 =	vpop (erf)  }
0x3aa: {  	(erf) = vpow2.f32 v5;
	v63 =	vadd.f32 v9, v9;
	v6 =	vpop (erf);
	v9 =	vsub.f32 $1.000000000e+00, v4  }
0x3ab: {  	v5 =	vadd.f32 v3, v3;
	v15 =	vpop (erf);
	(erf) = vpow2.f32 v7;
	v16 =	vadd.f32 v6, v6  }
0x3ac: {  	v6 =	vadd.f32 v10, v10;
	(erf) = vpow2.f32 v14;
	v3 =	vadd.f32 v15, v15;
	v4 =	vpop (erf)  }
0x3ad: {  	v10 =	vsub.f32 $1.000000000e+00, v63;
	(erf) = vpow2.f32 v8;
	v7 =	vadd.f32 v4, v4  }
0x3ae: {  	s12 =	simm.s32 $0x300;
	s13 =	simm.s32 $0x1000;
	[tilespmem:s6+$0x124B0] =	vst v9;
	v8 =	vsub.f32 $1.000000000e+00, v16;
	v4 =	vadd.f32 v13, v13;
	(erf) = vrcp.f32 v11;
	v9 =	vpop (erf)  }
.LBB2_16:
0x3af: {  	p0 =	sne.s32 s13, $0xFC00;
	v11 =	vld [tilespmem:s12+$0x64B0];
	v14 =	vadd.f32 $1.000000000e+00, v9;
	v12 =	vpop (erf);
	v7 =	vsub.f32 $1.000000000e+00, v7;
	(erf) = vrcp.f32 v1  }
0x3b0: {  	v1 =	vld [tilespmem:s12+$0x6400];
	v12 =	vadd.f32 $1.000000000e+00, v12;
	v13 =	vpop (erf);
	[tilespmem:s6+$0x12400] =	vst v10;
	(erf) = vrcp.f32 v2;
	v2 =	vsub.f32 $1.000000000e+00, v6  }
0x3b1: {  	v5 =	vsub.f32 $1.000000000e+00, v5;
	v6 =	vld [tilespmem:s12+$0x6410];
	v13 =	vadd.f32 $1.000000000e+00, v13;
	(erf) = vrcp.f32 v14;
	[tilespmem:s6+$0x12410] =	vst v8  }
0x3b2: {  	v4 =	vsub.f32 $1.000000000e+00, v4;
	v3 =	vsub.f32 $1.000000000e+00, v3;
	v8 =	vld [tilespmem:s12+$0x6420];
	(erf) = vrcp.f32 v12;
	v9 =	vpop (erf);
	[tilespmem:s6+$0x12420] =	vst v7  }
0x3b3: {  	v7 =	vld [tilespmem:s12+$0x6430];
	v14 =	vadd.f32 $1.000000000e+00, v9;
	(erf) = vrcp.f32 v13;
	v10 =	vpop (erf);
	[tilespmem:s8+$0x12430] =	vst v2  }
0x3b4: {  	v12 =	vld [tilespmem:s12+$0x6480];
	v2 =	vadd.f32 v11, v11;
	v11 =	vadd.f32 $1.000000000e+00, v10;
	v10 =	vpop (erf);
	(erf) = vrcp.f32 v0;
	[tilespmem:s8+$0x12480] =	vst v5  }
0x3b5: {  	v0 =	vadd.f32 v1, v1;
	v5 =	vld [tilespmem:s12+$0x6490];
	v1 =	vadd.f32 $1.000000000e+00, v10;
	(erf) = vrcp.f32 v14;
	v9 =	vpop (erf);
	[tilespmem:s8+$0x12490] =	vst v4  }
0x3b6: {  	v4 =	vadd.f32 v6, v6;
	v6 =	vld [tilespmem:s12+$0x64A0];
	v13 =	vmul.f32 $1.442695020e+00, v2;
	v2 =	vadd.f32 $1.000000000e+00, v9;
	v9 =	vpop (erf);
	[tilespmem:s8+$0x124A0] =	vst v3;
	s8 =	smov.u32 s6;
	s6 =	smov.u32 s9;
	s9 =	smov.u32 s12  }
0x3b7: {  	v14 =	vmul.f32 $1.442695020e+00, v0;
	v8 =	vadd.f32 v8, v8;
	v0 =	vadd.f32 $1.000000000e+00, v9;
	v9 =	vpop (erf)  }
0x3b8: {  	v15 =	vmul.f32 $1.442695020e+00, v4;
	v7 =	vadd.f32 v7, v7;
	(erf) = vpow2.f32 v13;
	v10 =	vpop (erf)  }
0x3b9: {  	v8 =	vmul.f32 $1.442695020e+00, v8;
	v12 =	vadd.f32 v12, v12;
	(erf) = vpow2.f32 v14;
	v3 =	vpop (erf)  }
0x3ba: {  	v7 =	vmul.f32 $1.442695020e+00, v7;
	v5 =	vadd.f32 v5, v5;
	(erf) = vpow2.f32 v15;
	v4 =	vpop (erf)  }
0x3bb: {  	v12 =	vmul.f32 $1.442695020e+00, v12;
	v6 =	vadd.f32 v6, v6;
	v4 =	vadd.f32 v4, v4;
	v13 =	vpop (erf)  }
0x3bc: {  	v5 =	vmul.f32 $1.442695020e+00, v5;
	(erf) = vpow2.f32 v8;
	v8 =	vadd.f32 v13, v13;
	v13 =	vpop (erf)  }
.Ltmp7:
0x3bd: {  	v14 =	vmul.f32 $1.442695020e+00, v6;
	(erf) = vpow2.f32 v7;
	v4 =	vsub.f32 $1.000000000e+00, v4;
	v15 =	vpop (erf);
	(pc) =	sbr.rel @p0 .LBB2_16-.Ltmp7, $4  }
0x3be: {  	v6 =	vadd.f32 v9, v9;
	(erf) = vpow2.f32 v12;
	v12 =	vadd.f32 v13, v13;
	v7 =	vpop (erf)  }
0x3bf: {  	(erf) = vpow2.f32 v5;
	v7 =	vadd.f32 v7, v7;
	[tilespmem:s6+$0x124B0] =	vst v4;
	v5 =	vadd.f32 v10, v10  }
0x3c0: {  	v4 =	vadd.f32 v3, v3;
	v3 =	vadd.f32 v15, v15;
	(erf) = vpow2.f32 v14  }
0x3c1: {  	s12 =	sshra.s32 s13, $0x2;
	s13 =	sadd.s32 $0x400, s13;
	v10 =	vsub.f32 $1.000000000e+00, v8;
	v8 =	vsub.f32 $1.000000000e+00, v12;
	v9 =	vpop (erf);
	(erf) = vrcp.f32 v11  }
0x3c2: {  	v11 =	vld [tilespmem:s12+$0x64B0]  }
0x3c3: {  	v12 =	vld [tilespmem:s12+$0x6400];
	v7 =	vsub.f32 $1.000000000e+00, v7;
	[tilespmem:s6+$0x12400] =	vst v10  }
0x3c4: {  	v10 =	vld [tilespmem:s12+$0x6410];
	[tilespmem:s6+$0x12410] =	vst v8  }
0x3c5: {  	v8 =	vld [tilespmem:s12+$0x6420];
	[tilespmem:s6+$0x12420] =	vst v7;
	v7 =	vadd.f32 $1.000000000e+00, v9;
	v9 =	vpop (erf)  }
0x3c6: {  	v6 =	vsub.f32 $1.000000000e+00, v6;
	(erf) = vrcp.f32 v1;
	v13 =	vpop (erf)  }
0x3c7: {  	(erf) = vrcp.f32 v2;
	v2 =	vsub.f32 $1.000000000e+00, v5;
	v5 =	vadd.f32 $1.000000000e+00, v13  }
0x3c8: {  	v9 =	vadd.f32 $1.000000000e+00, v9  }
0x3c9: {  	v4 =	vsub.f32 $1.000000000e+00, v4;
	v1 =	vld [tilespmem:s12+$0x6430];
	[tilespmem:s8+$0x12430] =	vst v6;
	(erf) = vrcp.f32 v7;
	v7 =	vpop (erf)  }
0x3ca: {  	v6 =	vld [tilespmem:s12+$0x6480];
	(erf) = vrcp.f32 v9;
	v9 =	vadd.f32 v11, v11;
	[tilespmem:s8+$0x12480] =	vst v2;
	v2 =	vadd.f32 $1.000000000e+00, v7  }
0x3cb: {  	(erf) = vrcp.f32 v5;
	v7 =	vadd.f32 v12, v12;
	v5 =	vpop (erf)  }
0x3cc: {  	v11 =	vld [tilespmem:s12+$0x6490];
	[tilespmem:s8+$0x12490] =	vst v4;
	v4 =	vmul.f32 $1.442695020e+00, v9;
	v57 =	vpop (erf);
	(erf) = vrcp.f32 v0;
	v0 =	vadd.f32 v10, v10  }
0x3cd: {  	v9 =	vld [tilespmem:s12+$0x64A0];
	v7 =	vmul.f32 $1.442695020e+00, v7  }
0x3ce: {  	v8 =	vadd.f32 v8, v8;
	(erf) = vrcp.f32 v2;
	v2 =	vpop (erf);
	v0 =	vmul.f32 $1.442695020e+00, v0  }
0x3cf: {  	v1 =	vadd.f32 v1, v1;
	v10 =	vpop (erf);
	(erf) = vpow2.f32 v4  }
0x3d0: {  	v8 =	vmul.f32 $1.442695020e+00, v8;
	v6 =	vadd.f32 v6, v6;
	v4 =	vpop (erf);
	(erf) = vpow2.f32 v7  }
0x3d1: {  	v1 =	vmul.f32 $1.442695020e+00, v1;
	v7 =	vpop (erf)  }
0x3d2: {  	v6 =	vmul.f32 $1.442695020e+00, v6;
	v9 =	vadd.f32 v9, v9;
	(erf) = vpow2.f32 v0;
	v0 =	vpop (erf)  }
0x3d3: {  	v11 =	vadd.f32 v11, v11;
	v58 =	vpop (erf)  }
0x3d4: {  	v9 =	vmul.f32 $1.442695020e+00, v9;
	(erf) = vpow2.f32 v8;
	v8 =	vpop (erf)  }
0x3d5: {  	v11 =	vmul.f32 $1.442695020e+00, v11;
	(erf) = vpow2.f32 v1;
	v1 =	vpop (erf)  }
0x3d6: {  	(erf) = vpow2.f32 v6;
	v6 =	vpop (erf)  }
0x3d7: {  	v5 =	vadd.f32 $1.000000000e+00, v5;
	(erf) = vpow2.f32 v11;
	v59 =	vpop (erf)  }
0x3d8: {  	v11 =	vadd.f32 $1.000000000e+00, v57;
	(erf) = vpow2.f32 v9;
	v9 =	vpop (erf)  }
0x3d9: {  	(erf) = vrcp.f32 v5;
	v5 =	vadd.f32 $1.000000000e+00, v9;
	v9 =	vpop (erf)  }
0x3da: {  	v2 =	vadd.f32 $1.000000000e+00, v2;
	v9 =	vadd.f32 $1.000000000e+00, v9  }
0x3db: {  	(erf) = vrcp.f32 v11  }
0x3dc: {  	v11 =	vpop (erf);
	(erf) = vrcp.f32 v2  }
0x3dd: {  	v2 =	vsub.f32 $1.000000000e+00, v3;
	v3 =	vadd.f32 $1.000000000e+00, v11;
	(erf) = vrcp.f32 v5  }
0x3de: {  	(erf) = vrcp.f32 v9;
	v9 =	vpop (erf)  }
0x3df: {  	v9 =	vadd.f32 $1.000000000e+00, v9  }
0x3e0: {  	v5 =	vadd.f32 $1.000000000e+00, v10;
	v10 =	vadd.f32 v58, v58  }
0x3e1: {  	v8 =	vadd.f32 v8, v8;
	(erf) = vrcp.f32 v3;
	v3 =	vpop (erf)  }
0x3e2: {  	v4 =	vadd.f32 v4, v4;
	v10 =	vsub.f32 $1.000000000e+00, v10;
	v11 =	vpop (erf);
	(erf) = vrcp.f32 v5  }
0x3e3: {  	v7 =	vadd.f32 v7, v7;
	v0 =	vadd.f32 v0, v0;
	(erf) = vrcp.f32 v9;
	v9 =	vpop (erf)  }
0x3e4: {  	v1 =	vadd.f32 v1, v1;
	[tilespmem:s8+$0x124A0] =	vst v2;
	v2 =	vadd.f32 v6, v6;
	v60 =	vpop (erf)  }
0x3e5: {  	v6 =	vsub.f32 $1.000000000e+00, v8;
	v5 =	vadd.f32 v59, v59;
	v8 =	vpop (erf)  }
0x3e6: {  	v1 =	vsub.f32 $1.000000000e+00, v1;
	[tilespmem:s9+$0x124B0] =	vst v10;
	v3 =	vadd.f32 $1.000000000e+00, v3;
	v10 =	vpop (erf)  }
0x3e7: {  	[tilespmem:s9+$0x12400] =	vst v6;
	v6 =	vadd.f32 $1.000000000e+00, v11;
	v5 =	vsub.f32 $1.000000000e+00, v5;
	v11 =	vpop (erf)  }
0x3e8: {  	[tilespmem:s9+$0x12410] =	vst v1;
	v1 =	vadd.f32 $1.000000000e+00, v9;
	v9 =	vpop (erf);
	(erf) = vrcp.f32 v3;
	v3 =	vsub.f32 $1.000000000e+00, v7  }
0x3e9: {  	v4 =	vsub.f32 $1.000000000e+00, v4;
	[tilespmem:s9+$0x12420] =	vst v5;
	v5 =	vadd.f32 $1.000000000e+00, v60  }
0x3ea: {  	v7 =	vpop (erf)  }
0x3eb: {  	v0 =	vsub.f32 $1.000000000e+00, v0;
	[tilespmem:s6+$0x12430] =	vst v4;
	(erf) = vrcp.f32 v6;
	v4 =	vadd.f32 v9, v9;
	v6 =	vpop (erf)  }
0x3ec: {  	(erf) = vrcp.f32 v1;
	v1 =	vsub.f32 $1.000000000e+00, v2;
	[tilespmem:s6+$0x12480] =	vst v3;
	v2 =	vadd.f32 v7, v7;
	v3 =	vpop (erf)  }
0x3ed: {  	[tilespmem:s6+$0x12490] =	vst v0;
	v0 =	vsub.f32 $1.000000000e+00, v4;
	v4 =	vadd.f32 v6, v6;
	(erf) = vrcp.f32 v5;
	v5 =	vpop (erf)  }
0x3ee: {  	[tilespmem:s6+$0x124A0] =	vst v1;
	v1 =	vadd.f32 v5, v5  }
0x3ef: {  	v2 =	vsub.f32 $1.000000000e+00, v2;
	[tilespmem:s12+$0x124B0] =	vst v0;
	v0 =	vsub.f32 $1.000000000e+00, v4  }
0x3f0: {  	v4 =	vadd.f32 v10, v10;
	v1 =	vsub.f32 $1.000000000e+00, v1  }
0x3f1: {  	v5 =	vadd.f32 v8, v8;
	[tilespmem:s12+$0x12400] =	vst v2;
	v2 =	vadd.f32 v11, v11  }
0x3f2: {  	[tilespmem:s12+$0x12410] =	vst v0;
	v0 =	vadd.f32 v3, v3;
	v3 =	vsub.f32 $1.000000000e+00, v4  }
0x3f3: {  	v5 =	vsub.f32 $1.000000000e+00, v5;
	v2 =	vsub.f32 $1.000000000e+00, v2  }
0x3f4: {  	[tilespmem:s12+$0x12420] =	vst v1;
	v1 =	vpop (erf)  }
0x3f5: {  	[tilespmem:s9+$0x12430] =	vst v5;
	v4 =	vpop (erf);
	v1 =	vadd.f32 v1, v1  }
0x3f6: {  	v0 =	vsub.f32 $1.000000000e+00, v0;
	[tilespmem:s9+$0x12480] =	vst v3;
	v3 =	vpop (erf);
	v4 =	vadd.f32 v4, v4  }
0x3f7: {  	[tilespmem:s9+$0x12490] =	vst v2;
	v2 =	vpop (erf);
	v3 =	vadd.f32 v3, v3;
	v1 =	vsub.f32 $1.000000000e+00, v1  }
0x3f8: {  	[tilespmem:s9+$0x124A0] =	vst v0;
	v0 =	vadd.f32 v2, v2;
	v2 =	vsub.f32 $1.000000000e+00, v4  }
0x3f9: {  	v3 =	vsub.f32 $1.000000000e+00, v3;
	[tilespmem:s12+$0x12430] =	vst v1  }
0x3fa: {  	v0 =	vsub.f32 $1.000000000e+00, v0;
	[tilespmem:s12+$0x12480] =	vst v2  }
0x3fb: {  	[tilespmem:s12+$0x12490] =	vst v3  }
0x3fc: {  	s26 =	simm.s32 $0x0;
	s31 =	rddreg [dreg:$0x6];
	[tilespmem:s12+$0x124A0] =	vst v0  }
0x3fd: {  	[hbm4b:s31+s26] =	stream.linear.scatter [tilespmem:s20], [sflag:$0x4], $0x4000, $0x38;
	[tilespmem:$0x1E400] =	vst v63  }
0x3fe: {  	_ =	swait.ge [sflag:s23], $0x4000  }
0x3ff: {  	[sflag:s23] =	ssyncset.done $0x0  }
0x400: {  	s8 =	simm.s32 $0x0;
	[sflag:s23] =	ssyncadd.s32 $0xFFFFC000  }
0x401: {  	v0 =	vld [tilespmem:s8+$0xA4B0];
	_ =	sdelay $0x1  }
0x402: {  	v1 =	vld [tilespmem:s8+$0xA400]  }
0x403: {  	v2 =	vld [tilespmem:s8+$0xA410]  }
0x404: {  	v3 =	vld [tilespmem:s8+$0xA420]  }
0x405: {  	v0 =	vadd.f32 v0, v0  }
0x406: {  	v4 =	vld [tilespmem:s8+$0xA430]  }
0x407: {  	v5 =	vld [tilespmem:s8+$0xA480];
	v1 =	vadd.f32 v1, v1;
	v0 =	vmul.f32 $1.442695020e+00, v0  }
0x408: {  	v2 =	vadd.f32 v2, v2  }
0x409: {  	v3 =	vadd.f32 v3, v3;
	v1 =	vmul.f32 $1.442695020e+00, v1;
	(erf) = vpow2.f32 v0  }
0x40a: {  	v2 =	vmul.f32 $1.442695020e+00, v2;
	v0 =	vld [tilespmem:s8+$0xA490]  }
0x40b: {  	v6 =	vld [tilespmem:s8+$0xA4A0];
	v3 =	vmul.f32 $1.442695020e+00, v3;
	(erf) = vpow2.f32 v1  }
0x40c: {  	v1 =	vadd.f32 v4, v4;
	v4 =	vadd.f32 v5, v5;
	(erf) = vpow2.f32 v2;
	_ =	sdelay $0x1  }
0x40d: {  	v2 =	vmul.f32 $1.442695020e+00, v4;
	(erf) = vpow2.f32 v3  }
0x40e: {  	v1 =	vmul.f32 $1.442695020e+00, v1;
	v0 =	vadd.f32 v0, v0  }
0x40f: {  	v4 =	vadd.f32 v6, v6  }
0x410: {  	(erf) = vpow2.f32 v1;
	v0 =	vmul.f32 $1.442695020e+00, v0  }
0x411: {  	s6 =	simm.s32 $0x100;
	v1 =	vmul.f32 $1.442695020e+00, v4;
	(erf) = vpow2.f32 v2;
	v2 =	vpop (erf)  }
0x412: {  	v3 =	vld [tilespmem:s6+$0xA400];
	(erf) = vpow2.f32 v0;
	v0 =	vadd.f32 $1.000000000e+00, v2  }
0x413: {  	(erf) = vpow2.f32 v1;
	v1 =	vld [tilespmem:s6+$0xA4B0];
	v2 =	vpop (erf)  }
0x414: {  	v4 =	vpop (erf);
	(erf) = vrcp.f32 v0;
	v0 =	vadd.f32 $1.000000000e+00, v2  }
0x415: {  	v2 =	vld [tilespmem:s6+$0xA410];
	v4 =	vadd.f32 $1.000000000e+00, v4  }
0x416: {  	v5 =	vld [tilespmem:s6+$0xA420];
	v6 =	vpop (erf);
	(erf) = vrcp.f32 v0  }
0x417: {  	v3 =	vadd.f32 v3, v3;
	v6 =	vadd.f32 $1.000000000e+00, v6  }
0x418: {  	v7 =	vld [tilespmem:s6+$0xA480];
	v1 =	vadd.f32 v1, v1  }
0x419: {  	v3 =	vmul.f32 $1.442695020e+00, v3;
	v0 =	vld [tilespmem:s6+$0xA430];
	(erf) = vrcp.f32 v4;
	v4 =	vpop (erf)  }
0x41a: {  	v9 =	vld [tilespmem:s6+$0xA490];
	v8 =	vpop (erf);
	v2 =	vadd.f32 v2, v2;
	v1 =	vmul.f32 $1.442695020e+00, v1  }
0x41b: {  	v5 =	vadd.f32 v5, v5;
	(erf) = vrcp.f32 v6;
	v6 =	vpop (erf)  }
0x41c: {  	v11 =	vpop (erf);
	v2 =	vmul.f32 $1.442695020e+00, v2;
	(erf) = vpow2.f32 v1  }
0x41d: {  	v10 =	vld [tilespmem:s6+$0xA4A0];
	v5 =	vmul.f32 $1.442695020e+00, v5;
	(erf) = vpow2.f32 v3;
	v3 =	vpop (erf)  }
0x41e: {  	v0 =	vadd.f32 v0, v0;
	(erf) = vpow2.f32 v2;
	v2 =	vadd.f32 v3, v3  }
0x41f: {  	v1 =	vadd.f32 v7, v7;
	v3 =	vadd.f32 v9, v9;
	v9 =	vpop (erf)  }
0x420: {  	(erf) = vpow2.f32 v5;
	v2 =	vsub.f32 $1.000000000e+00, v2;
	v5 =	vadd.f32 v9, v9  }
0x421: {  	v0 =	vmul.f32 $1.442695020e+00, v0  }
0x422: {  	v7 =	vadd.f32 v10, v10;
	v1 =	vmul.f32 $1.442695020e+00, v1;
	[tilespmem:s8+$0x164B0] =	vst v2;
	v2 =	vsub.f32 $1.000000000e+00, v5  }
0x423: {  	(erf) = vpow2.f32 v0;
	v0 =	vadd.f32 $1.000000000e+00, v4;
	v3 =	vmul.f32 $1.442695020e+00, v3;
	v4 =	vpop (erf)  }
0x424: {  	s9 =	simm.s32 $0x200;
	v7 =	vmul.f32 $1.442695020e+00, v7;
	(erf) = vpow2.f32 v1;
	v5 =	vadd.f32 $1.000000000e+00, v6;
	v6 =	vpop (erf)  }
0x425: {  	v1 =	vadd.f32 v4, v4;
	v4 =	vadd.f32 $1.000000000e+00, v8;
	(erf) = vpow2.f32 v3;
	v3 =	vld [tilespmem:s9+$0xA4B0];
	v8 =	vpop (erf)  }
0x426: {  	(erf) = vpow2.f32 v7;
	v7 =	vld [tilespmem:s9+$0xA400];
	[tilespmem:s8+$0x16400] =	vst v2;
	v2 =	vpop (erf)  }
0x427: {  	v6 =	vadd.f32 v6, v6;
	(erf) = vrcp.f32 v0;
	v2 =	vadd.f32 $1.000000000e+00, v2  }
0x428: {  	v1 =	vsub.f32 $1.000000000e+00, v1;
	v0 =	vadd.f32 $1.000000000e+00, v8;
	(erf) = vrcp.f32 v4  }
0x429: {  	v4 =	vld [tilespmem:s9+$0xA410];
	(erf) = vrcp.f32 v5;
	v8 =	vpop (erf)  }
0x42a: {  	v6 =	vsub.f32 $1.000000000e+00, v6;
	[tilespmem:s8+$0x16410] =	vst v1;
	(erf) = vrcp.f32 v0;
	v1 =	vadd.f32 $1.000000000e+00, v8  }
0x42b: {  	(erf) = vrcp.f32 v2;
	v2 =	vpop (erf)  }
0x42c: {  	v0 =	vld [tilespmem:s9+$0xA420];
	[tilespmem:s8+$0x16420] =	vst v6;
	v3 =	vadd.f32 v3, v3;
	v2 =	vadd.f32 $1.000000000e+00, v2  }
0x42d: {  	v5 =	vadd.f32 $1.000000000e+00, v11;
	v6 =	vld [tilespmem:s9+$0xA430]  }
0x42e: {  	v8 =	vld [tilespmem:s9+$0xA480];
	v4 =	vadd.f32 v4, v4;
	v3 =	vmul.f32 $1.442695020e+00, v3;
	(erf) = vrcp.f32 v1;
	v1 =	vpop (erf)  }
0x42f: {  	(erf) = vrcp.f32 v5;
	v5 =	vadd.f32 v7, v7;
	v7 =	vld [tilespmem:s9+$0xA490];
	v11 =	vadd.f32 $1.000000000e+00, v1;
	v1 =	vpop (erf)  }
0x430: {  	v9 =	vld [tilespmem:s9+$0xA4A0];
	(erf) = vrcp.f32 v2;
	v2 =	vpop (erf)  }
0x431: {  	v61 =	vadd.f32 v0, v0;
	v4 =	vmul.f32 $1.442695020e+00, v4;
	v10 =	vpop (erf)  }
0x432: {  	v6 =	vadd.f32 v6, v6;
	v5 =	vmul.f32 $1.442695020e+00, v5;
	v0 =	vadd.f32 $1.000000000e+00, v10;
	v10 =	vpop (erf)  }
0x433: {  	v8 =	vadd.f32 v8, v8;
	v12 =	vmul.f32 $1.442695020e+00, v61;
	(erf) = vpow2.f32 v3;
	v3 =	vpop (erf)  }
0x434: {  	(erf) = vpow2.f32 v5;
	v5 =	vmul.f32 $1.442695020e+00, v6;
	v6 =	vadd.f32 v7, v7;
	v62 =	vpop (erf)  }
0x435: {  	v7 =	vmul.f32 $1.442695020e+00, v8;
	v8 =	vadd.f32 v9, v9;
	(erf) = vpow2.f32 v4;
	v4 =	vpop (erf)  }
0x436: {  	v1 =	vadd.f32 $1.000000000e+00, v1;
	v14 =	vmul.f32 $1.442695020e+00, v6;
	v4 =	vadd.f32 v4, v4  }
0x437: {  	v2 =	vadd.f32 $1.000000000e+00, v2;
	(erf) = vpow2.f32 v12;
	v8 =	vmul.f32 $1.442695020e+00, v8;
	v9 =	vpop (erf)  }
0x438: {  	(erf) = vpow2.f32 v5;
	v63 =	vadd.f32 v9, v9;
	v6 =	vpop (erf);
	v9 =	vsub.f32 $1.000000000e+00, v4  }
0x439: {  	v5 =	vadd.f32 v3, v3;
	v15 =	vpop (erf);
	(erf) = vpow2.f32 v7;
	v16 =	vadd.f32 v6, v6  }
0x43a: {  	v6 =	vadd.f32 v10, v10;
	(erf) = vpow2.f32 v14;
	v3 =	vadd.f32 v15, v15;
	v4 =	vpop (erf)  }
0x43b: {  	v10 =	vsub.f32 $1.000000000e+00, v63;
	(erf) = vpow2.f32 v8;
	v7 =	vadd.f32 v4, v4  }
0x43c: {  	s13 =	simm.s32 $0x1000;
	s12 =	simm.s32 $0x300;
	[tilespmem:s6+$0x164B0] =	vst v9;
	v8 =	vsub.f32 $1.000000000e+00, v16;
	v4 =	vadd.f32 v62, v62;
	(erf) = vrcp.f32 v11;
	v9 =	vpop (erf)  }
.LBB2_18:
0x43d: {  	p0 =	sne.s32 s13, $0xFC00;
	v11 =	vld [tilespmem:s12+$0xA4B0];
	v14 =	vadd.f32 $1.000000000e+00, v9;
	v12 =	vpop (erf);
	v7 =	vsub.f32 $1.000000000e+00, v7;
	(erf) = vrcp.f32 v1  }
0x43e: {  	v1 =	vld [tilespmem:s12+$0xA400];
	v12 =	vadd.f32 $1.000000000e+00, v12;
	v13 =	vpop (erf);
	[tilespmem:s6+$0x16400] =	vst v10;
	(erf) = vrcp.f32 v2;
	v2 =	vsub.f32 $1.000000000e+00, v6  }
0x43f: {  	v5 =	vsub.f32 $1.000000000e+00, v5;
	v6 =	vld [tilespmem:s12+$0xA410];
	v13 =	vadd.f32 $1.000000000e+00, v13;
	(erf) = vrcp.f32 v14;
	[tilespmem:s6+$0x16410] =	vst v8  }
0x440: {  	v4 =	vsub.f32 $1.000000000e+00, v4;
	v3 =	vsub.f32 $1.000000000e+00, v3;
	v8 =	vld [tilespmem:s12+$0xA420];
	(erf) = vrcp.f32 v12;
	v9 =	vpop (erf);
	[tilespmem:s6+$0x16420] =	vst v7  }
0x441: {  	v7 =	vld [tilespmem:s12+$0xA430];
	v14 =	vadd.f32 $1.000000000e+00, v9;
	(erf) = vrcp.f32 v13;
	v10 =	vpop (erf);
	[tilespmem:s8+$0x16430] =	vst v2  }
0x442: {  	v12 =	vld [tilespmem:s12+$0xA480];
	v2 =	vadd.f32 v11, v11;
	v11 =	vadd.f32 $1.000000000e+00, v10;
	v10 =	vpop (erf);
	(erf) = vrcp.f32 v0;
	[tilespmem:s8+$0x16480] =	vst v5  }
0x443: {  	v0 =	vadd.f32 v1, v1;
	v5 =	vld [tilespmem:s12+$0xA490];
	v1 =	vadd.f32 $1.000000000e+00, v10;
	(erf) = vrcp.f32 v14;
	v9 =	vpop (erf);
	[tilespmem:s8+$0x16490] =	vst v4  }
0x444: {  	v4 =	vadd.f32 v6, v6;
	v6 =	vld [tilespmem:s12+$0xA4A0];
	v13 =	vmul.f32 $1.442695020e+00, v2;
	v2 =	vadd.f32 $1.000000000e+00, v9;
	v9 =	vpop (erf);
	[tilespmem:s8+$0x164A0] =	vst v3;
	s8 =	smov.u32 s6;
	s6 =	smov.u32 s9;
	s9 =	smov.u32 s12  }
0x445: {  	v14 =	vmul.f32 $1.442695020e+00, v0;
	v8 =	vadd.f32 v8, v8;
	v0 =	vadd.f32 $1.000000000e+00, v9;
	v9 =	vpop (erf)  }
0x446: {  	v15 =	vmul.f32 $1.442695020e+00, v4;
	v7 =	vadd.f32 v7, v7;
	(erf) = vpow2.f32 v13;
	v10 =	vpop (erf)  }
0x447: {  	v8 =	vmul.f32 $1.442695020e+00, v8;
	v12 =	vadd.f32 v12, v12;
	(erf) = vpow2.f32 v14;
	v3 =	vpop (erf)  }
0x448: {  	v7 =	vmul.f32 $1.442695020e+00, v7;
	v5 =	vadd.f32 v5, v5;
	(erf) = vpow2.f32 v15;
	v4 =	vpop (erf)  }
0x449: {  	v12 =	vmul.f32 $1.442695020e+00, v12;
	v6 =	vadd.f32 v6, v6;
	v4 =	vadd.f32 v4, v4;
	v13 =	vpop (erf)  }
0x44a: {  	v5 =	vmul.f32 $1.442695020e+00, v5;
	(erf) = vpow2.f32 v8;
	v8 =	vadd.f32 v13, v13;
	v13 =	vpop (erf)  }
.Ltmp8:
0x44b: {  	v14 =	vmul.f32 $1.442695020e+00, v6;
	(erf) = vpow2.f32 v7;
	v4 =	vsub.f32 $1.000000000e+00, v4;
	v15 =	vpop (erf);
	(pc) =	sbr.rel @p0 .LBB2_18-.Ltmp8, $4  }
0x44c: {  	v6 =	vadd.f32 v9, v9;
	(erf) = vpow2.f32 v12;
	v12 =	vadd.f32 v13, v13;
	v7 =	vpop (erf)  }
0x44d: {  	(erf) = vpow2.f32 v5;
	v7 =	vadd.f32 v7, v7;
	[tilespmem:s6+$0x164B0] =	vst v4;
	v5 =	vadd.f32 v10, v10  }
0x44e: {  	v4 =	vadd.f32 v3, v3;
	v3 =	vadd.f32 v15, v15;
	(erf) = vpow2.f32 v14  }
0x44f: {  	s12 =	sshra.s32 s13, $0x2;
	s13 =	sadd.s32 $0x400, s13;
	v10 =	vsub.f32 $1.000000000e+00, v8;
	v8 =	vsub.f32 $1.000000000e+00, v12;
	v9 =	vpop (erf);
	(erf) = vrcp.f32 v11  }
0x450: {  	v11 =	vld [tilespmem:s12+$0xA4B0]  }
0x451: {  	v12 =	vld [tilespmem:s12+$0xA400];
	[tilespmem:s6+$0x16400] =	vst v10  }
0x452: {  	v7 =	vsub.f32 $1.000000000e+00, v7;
	v40 =	vadd.f32 $1.000000000e+00, v9;
	v41 =	vpop (erf);
	(erf) = vrcp.f32 v1;
	v10 =	vld [tilespmem:s12+$0xA410]  }
0x453: {  	v6 =	vsub.f32 $1.000000000e+00, v6;
	v9 =	vadd.f32 $1.000000000e+00, v41;
	v13 =	vpop (erf);
	(erf) = vrcp.f32 v2;
	[tilespmem:s6+$0x16410] =	vst v8  }
0x454: {  	v43 =	vsub.f32 $1.000000000e+00, v5;
	v44 =	vadd.f32 $1.000000000e+00, v13;
	(erf) = vrcp.f32 v40;
	v8 =	vld [tilespmem:s12+$0xA420];
	[tilespmem:s6+$0x16420] =	vst v7  }
0x455: {  	v4 =	vsub.f32 $1.000000000e+00, v4;
	(erf) = vrcp.f32 v9;
	v45 =	vpop (erf);
	v42 =	vld [tilespmem:s12+$0xA430];
	[tilespmem:s8+$0x16430] =	vst v6;
	v46 =	vadd.f32 v11, v11  }
0x456: {  	v47 =	vadd.f32 $1.000000000e+00, v45;
	(erf) = vrcp.f32 v44;
	v48 =	vpop (erf);
	v6 =	vld [tilespmem:s12+$0xA480];
	[tilespmem:s8+$0x16480] =	vst v43;
	v49 =	vadd.f32 v12, v12  }
0x457: {  	v51 =	vpop (erf);
	(erf) = vrcp.f32 v0;
	v50 =	vld [tilespmem:s12+$0xA490];
	[tilespmem:s8+$0x16490] =	vst v4;
	v52 =	vadd.f32 v10, v10;
	v53 =	vmul.f32 $1.442695020e+00, v46  }
0x458: {  	(erf) = vrcp.f32 v47;
	v54 =	vpop (erf);
	v55 =	vld [tilespmem:s12+$0xA4A0];
	v7 =	vmul.f32 $1.442695020e+00, v49  }
0x459: {  	v56 =	vpop (erf);
	v8 =	vadd.f32 v8, v8;
	v0 =	vmul.f32 $1.442695020e+00, v52;
	(erf) = vpow2.f32 v53  }
0x45a: {  	v57 =	vpop (erf);
	v1 =	vadd.f32 v42, v42;
	(erf) = vpow2.f32 v7  }
0x45b: {  	v58 =	vpop (erf);
	v8 =	vmul.f32 $1.442695020e+00, v8;
	v6 =	vadd.f32 v6, v6;
	(erf) = vpow2.f32 v0  }
0x45c: {  	v59 =	vpop (erf);
	v1 =	vmul.f32 $1.442695020e+00, v1;
	v11 =	vadd.f32 v50, v50  }
0x45d: {  	v60 =	vpop (erf);
	v6 =	vmul.f32 $1.442695020e+00, v6;
	v9 =	vadd.f32 v55, v55;
	(erf) = vpow2.f32 v8  }
0x45e: {  	v61 =	vpop (erf);
	v11 =	vmul.f32 $1.442695020e+00, v11;
	(erf) = vpow2.f32 v1  }
0x45f: {  	v62 =	vpop (erf);
	v9 =	vmul.f32 $1.442695020e+00, v9;
	(erf) = vpow2.f32 v6  }
0x460: {  	v5 =	vadd.f32 $1.000000000e+00, v48;
	v63 =	vpop (erf);
	(erf) = vpow2.f32 v11  }
0x461: {  	v16 =	vadd.f32 $1.000000000e+00, v51;
	v17 =	vpop (erf);
	(erf) = vpow2.f32 v9  }
0x462: {  	v2 =	vadd.f32 $1.000000000e+00, v54;
	v18 =	vpop (erf);
	(erf) = vrcp.f32 v5  }
0x463: {  	v19 =	vadd.f32 $1.000000000e+00, v18;
	v20 =	vpop (erf);
	(erf) = vrcp.f32 v16  }
0x464: {  	v9 =	vadd.f32 $1.000000000e+00, v20;
	v21 =	vpop (erf);
	(erf) = vrcp.f32 v2  }
0x465: {  	v22 =	vsub.f32 $1.000000000e+00, v3;
	v23 =	vadd.f32 $1.000000000e+00, v21;
	(erf) = vrcp.f32 v19  }
0x466: {  	v24 =	vadd.f32 $1.000000000e+00, v56;
	v4 =	vadd.f32 v57, v57;
	v26 =	vpop (erf);
	(erf) = vrcp.f32 v9  }
0x467: {  	v25 =	vadd.f32 v60, v60;
	v9 =	vadd.f32 $1.000000000e+00, v26;
	v27 =	vpop (erf);
	(erf) = vrcp.f32 v23  }
0x468: {  	v7 =	vadd.f32 v58, v58;
	v8 =	vadd.f32 v61, v61;
	v28 =	vpop (erf);
	(erf) = vrcp.f32 v24  }
0x469: {  	v0 =	vadd.f32 v59, v59;
	v10 =	vsub.f32 $1.000000000e+00, v25;
	v30 =	vpop (erf);
	(erf) = vrcp.f32 v9  }
0x46a: {  	v1 =	vadd.f32 v62, v62;
	v33 =	vsub.f32 $1.000000000e+00, v8;
	v31 =	vpop (erf)  }
0x46b: {  	[tilespmem:s8+$0x164A0] =	vst v22;
	v29 =	vadd.f32 v17, v17;
	v3 =	vadd.f32 $1.000000000e+00, v27;
	v34 =	vpop (erf)  }
0x46c: {  	[tilespmem:s9+$0x164B0] =	vst v10;
	v1 =	vsub.f32 $1.000000000e+00, v1;
	v36 =	vadd.f32 $1.000000000e+00, v28;
	v35 =	vpop (erf)  }
0x46d: {  	v4 =	vsub.f32 $1.000000000e+00, v4;
	[tilespmem:s9+$0x16400] =	vst v33;
	v5 =	vsub.f32 $1.000000000e+00, v29;
	(erf) = vrcp.f32 v3;
	v37 =	vpop (erf)  }
0x46e: {  	v40 =	vsub.f32 $1.000000000e+00, v7;
	[tilespmem:s9+$0x16410] =	vst v1;
	v38 =	vadd.f32 $1.000000000e+00, v30;
	(erf) = vrcp.f32 v36;
	v39 =	vpop (erf)  }
0x46f: {  	v32 =	vadd.f32 v63, v63;
	[tilespmem:s9+$0x16420] =	vst v5;
	v41 =	vadd.f32 $1.000000000e+00, v31;
	v42 =	vpop (erf)  }
0x470: {  	v0 =	vsub.f32 $1.000000000e+00, v0;
	[tilespmem:s6+$0x16430] =	vst v4;
	(erf) = vrcp.f32 v38;
	v43 =	vadd.f32 v39, v39;
	v44 =	vpop (erf)  }
0x471: {  	v45 =	vsub.f32 $1.000000000e+00, v32;
	[tilespmem:s6+$0x16480] =	vst v40;
	(erf) = vrcp.f32 v41;
	v46 =	vadd.f32 v42, v42;
	v47 =	vpop (erf)  }
0x472: {  	[tilespmem:s6+$0x16490] =	vst v0;
	v48 =	vsub.f32 $1.000000000e+00, v43;
	v49 =	vadd.f32 v44, v44;
	v50 =	vpop (erf)  }
0x473: {  	[tilespmem:s6+$0x164A0] =	vst v45;
	v2 =	vsub.f32 $1.000000000e+00, v46;
	v51 =	vadd.f32 v50, v50  }
0x474: {  	v52 =	vadd.f32 v34, v34;
	[tilespmem:s12+$0x164B0] =	vst v48;
	v53 =	vsub.f32 $1.000000000e+00, v49  }
0x475: {  	v54 =	vadd.f32 v35, v35;
	[tilespmem:s12+$0x16400] =	vst v2;
	v1 =	vsub.f32 $1.000000000e+00, v51  }
0x476: {  	v55 =	vadd.f32 v37, v37;
	v5 =	vsub.f32 $1.000000000e+00, v52;
	v58 =	vpop (erf);
	[tilespmem:s12+$0x16410] =	vst v53  }
0x477: {  	v57 =	vsub.f32 $1.000000000e+00, v54;
	v56 =	vadd.f32 v47, v47;
	v59 =	vpop (erf);
	[tilespmem:s12+$0x16420] =	vst v1  }
0x478: {  	v2 =	vsub.f32 $1.000000000e+00, v55;
	v4 =	vadd.f32 v59, v59;
	[tilespmem:s9+$0x16430] =	vst v5  }
0x479: {  	v0 =	vsub.f32 $1.000000000e+00, v56;
	v60 =	vpop (erf);
	v1 =	vadd.f32 v58, v58;
	[tilespmem:s9+$0x16480] =	vst v57  }
0x47a: {  	v61 =	vpop (erf);
	v3 =	vadd.f32 v60, v60;
	[tilespmem:s9+$0x16490] =	vst v2;
	v63 =	vsub.f32 $1.000000000e+00, v4  }
0x47b: {  	[tilespmem:s9+$0x164A0] =	vst v0;
	v62 =	vadd.f32 v61, v61;
	v1 =	vsub.f32 $1.000000000e+00, v1  }
0x47c: {  	v3 =	vsub.f32 $1.000000000e+00, v3;
	[tilespmem:s12+$0x16480] =	vst v63  }
0x47d: {  	v0 =	vsub.f32 $1.000000000e+00, v62;
	[tilespmem:s12+$0x16430] =	vst v1  }
0x47e: {  	[tilespmem:s12+$0x16490] =	vst v3  }
0x47f: {  	s31 =	rddreg [dreg:$0x7];
	[tilespmem:s12+$0x164A0] =	vst v0  }
0x480: {  	[hbm4b:s31+s2] =	stream.linear.scatter [tilespmem:s24], [sflag:$0x5], $0x4000, $0x38;
	[tilespmem:$0x1E400] =	vst v63  }
0x481: {  	_ =	swait.ge [sflag:s25], $0x4000  }
0x482: {  	[sflag:s25] =	ssyncset.done $0x0  }
0x483: {  	s1 =	sadd.s32 $0x1, s1;
	[sflag:s25] =	ssyncadd.s32 $0xFFFFC000  }
0x484: {  	p0 =	sne.s32 s1, s14;
	_ =	swait.ge [sflag:s30], $0x4000  }
.Ltmp9:
0x485: {  	[sflag:s30] =	ssyncset.done $0x0;
	(pc) =	sbr.rel @p0 .LBB2_1-.Ltmp9, $4  }
0x486: {  	[sflag:s30] =	ssyncadd.s32 $0xFFFFC000  }
0x487: {  	_ =	swait.ge [sflag:s0], $0x4000  }
0x488: {  	[sflag:s0] =	ssyncset.done $0x0  }
0x489: {  	[sflag:s0] =	ssyncadd.s32 $0xFFFFC000  }
0x48a: {  	_ =	sfence.sel $0x180000  }
0x48b: {  	[bflag:$0x0] =	sbarrier.arrive $0xFFFF  }
0x48c: {  	_ =	strace $0x90000047  }
0x48d: {  	s0 =	stileid.u32;
	[bflag:$0x2] =	sbarrier.arrive $0xFFFF  }
0x48e: {  	p0 =	sne.s32 s0, $0x0;
	s0 =	rddreg [dreg:$0x2]  }
0x48f: {  	s0 =	sadd.s32 @!p0 $0x100000, s0  }
0x490: {  	[sflag:s0] =	ssyncadd.tile.s32 @!p0 $0x1;
	_ =	shalt  }
.Lfunc_end2:
_tile_overlayer_lowered:
.L_overlay_start_2:
0x491: {  	(tag) =	ssettag $0x2  }
0x492: {  	s0 =	rddreg [dreg:$0x0];
	s2 =	stileid.u32  }
0x493: {  	s1 =	rddreg [dreg:$0x1];
	p0 =	sne.s32 s2, $0x0  }
0x494: {  	s3 =	rddreg [dreg:$0x2];
	[bflag:$0x3] =	sbarrier.arrive $0xFFFF;
	s2 =	simm.s32 @!p0 $0x1C07  }
0x495: {  	[timem:s3], [sflag:s2] =	dma.local @!p0 [hbm:s0], s1  }
0x496: {  	s0 =	simm.s32 @!p0 $0x7  }
0x497: {  	_ =	swait.ge @!p0 [sflag:s0], s1  }
0x498: {  	s1 =	ssub.s32 @!p0 $0x0, s1;
	[sflag:s0] =	ssyncset.done @!p0 $0x0  }
0x499: {  	[sflag:s0] =	ssyncadd.s32 @!p0 s1  }
0x49a: {  	[bflag:$0x3] =	sbarrier.arrive $0xFFFF  }
0x49b: {  	_ =	shalt  }

// kernel: sparse-core-data-format-call.cloned.1.call-start
scs
called_computation_lowered:
.L_overlay_start_0:
0x0: {  	s2 =	sld [smem:$0x3FD9]  }
0x1: {  	s3 =	sld [smem:$0x3FFE];
	_ =	sdelay $0x1  }
0x2: {  	s1 =	srdreg.scid  }
0x3: {  	s0 =	sand.u32 $0x1, s1  }
0x4: {  	s18 =	sshll.u32 s0, $0xA;
	s2 =	sadd.s32 s3, s2  }
0x5: {  	s2 =	sadd.s32 s2, s18  }
0x6: {  	[smem:$0x3FC6] =	sst s2  }
0x7: {  	_ = 	snop  }
0x8: {  	s2 =	sld [smem:$0x3FD0];
	(tm) =	ssettm $0x1  }
0x9: {  	s19 =	sld [smem:$0x3FFB];
	_ =	sdelay $0x3  }
0xa: {  	_ =	strace s19  }
0xb: {  	s3 =	sld [smem:$0x3FFC];
	_ =	sdelay $0x3  }
0xc: {  	_ =	strace s3  }
0xd: {  	s3 =	sld [smem:$0x3FFD];
	_ =	sdelay $0x3  }
0xe: {  	_ =	strace s3  }
0xf: {  	_ =	strace $0x8FFFFFFF  }
0x10: {  	s20 =	sld [smem:$0x3FDB];
	_ =	sdelay $0x1  }
0x11: {  	s4 =	simm.s32 $_scs_section_size  }
0x12: {  	s5 =	simm.s32 $_size__tile_overlayer_lowered;
	s6 =	simm.s32 $_tile_overlayer_lowered  }
0x13: {  	s23 =	simm.s32 $0x1BFF;
	s22 =	sshll.u32 s6, $0x1;
	s3 =	sadd.s32 s4, s20  }
0x14: {  	s7 =	simm.s32 $0x0;
	s21 =	sshll.u32 s5, $0x1;
	s5 =	sadd.s32 s22, s3  }
0x15: {  	[timem:s7], [sflag:s23] =	dma.local [hbm:s5], s21  }
0x16: {  	_ =	swait.ge [sflag:s23], s21  }
0x17: {  	s4 =	ssub.s32 $0x0, s21;
	[sflag:s23] =	ssyncset.done $0x0  }
0x18: {  	[sflag:s23] =	ssyncadd.s32 s4;
	_ =	sdelay $0x1  }
0x19: {  	s24 =	simm.s32 $0x1B8B  }
0x1a: {  	_ =	swait.ge [sflag:s24], $0x1  }
0x1b: {  	[sflag:s24] =	ssyncset.done $0x0  }
0x1c: {  	s26 =	simm.s32 $0x1B8E;
	s25 =	sld [smem:$0x3FFE];
	[sflag:s24] =	ssyncadd.s32 $0xFFFFFFFF  }
0x1d: {  	s27 =	simm.s32 $execute0_lowered;
	[smem:$0x3FD2] =	sst s26  }
0x1e: {  	s5 =	sshll.u32 s27, $0x1;
	_ =	strace $0x80000049;
	[dreg:$0x1] =	wrdreg $0xFFFFFFFF  }
0x1f: {  	s28 =	simm.s32 $_size_execute0_lowered;
	s3 =	sadd.s32 s3, s5;
	[dreg:$0x0] =	wrdreg $0x0  }
0x20: {  	s5 =	sshll.u32 s28, $0x1;
	[dreg:$0x2] =	wrdreg s3  }
0x21: {  	[dreg:$0x3] =	wrdreg s5  }
0x22: {  	[dreg:$0x4] =	wrdreg $0xC0  }
0x23: {  	_ =	task [dreg:s7], $0x5FFFF  }
0x24: {  	[dreg:$0x1] =	wrdreg $0xFFFFFFFF  }
0x25: {  	[dreg:$0x0] =	wrdreg $0x60  }
0x26: {  	[dreg:$0x2] =	wrdreg s25  }
0x27: {  	[dreg:$0x3] =	wrdreg s2  }
0x28: {  	[dreg:$0x4] =	wrdreg $0x9  }
0x29: {  	_ =	task.clear_ibuf [dreg:s7], $0x5FFFF;
	_ =	strace $0x90000049  }
0x2a: {  	s29 =	simm.s32 $0x9;
	_ =	strace $0x8000004B  }
0x2b: {  	_ =	swait.ge [sflag:s29], $0x1  }
0x2c: {  	[sflag:s29] =	ssyncadd.s32 $0xFFFFFFFF  }
0x2d: {  	_ =	strace $0x9000004B  }
0x2e: {  	_ =	sfence  }
0x2f: {  	s30 =	sld [smem:$0x0];
	_ =	sdelay $0x2  }
0x30: {  	s31 =	sshll.u32 s1, $0xD;
	s1 =	sshrl.u32 s1, $0x2  }
0x31: {  	s3 =	sand.u32 $0x4000, s31;
	s1 =	sadd.s32 s1, s30  }
0x32: {  	s0 =	sor.u32 s3, s0;
	s1 =	sshll.u32 s1, $0x11  }
0x33: {  	s0 =	sor.u32 s1, s0  }
0x34: {  	s0 =	sadd.s32 $0x8F2B, s0  }
0x35: {  	[sflag:s0] =	ssyncadd.remote.s32 $0x1  }
0x36: {  	_ =	sfence.sel $0xFFFF  }
0x37: {  	[dreg:$0x0] =	wrdreg $0xFFFFFFFF;
	(pc) =	sbr.abs _section_cstart, $3  }
0x38: {  	[dreg:$0x1] =	wrdreg $0xFFFFFFFF  }
0x39: {  	_ =	task.clear_ibuf [dreg:s7], $0x2FFFF;
	_ =	strace $0x9FFFFFFF  }
0x3a: {  	(tm) =	ssettm $0x7FFFFFFF  }
0x3b: {  	_ =	shalt  }
tec
execute0_lowered:
.L_overlay_start_1:
0x0: {  	(tag) =	ssettag $0x1  }
0x1: {  	s0 =	srdreg.scid  }
0x2: {  	s1 =	sshll.u32 s0, $0x4  }
0x3: {  	s0 =	stileid.u32;
	s1 =	sand.u32 $0x10, s1  }
0x4: {  	s1 =	sor.u32 s0, s1  }
0x5: {  	s6 =	rddreg [dreg:$0x0];
	s4 =	simm.s32 $0x1;
	s2 =	sshll.u32 s1, $0x7  }
0x6: {  	s7 =	simm.s32 $0x2;
	s12 =	simm.s32 $0x0;
	s1 =	ssub.s32 $0x1000, s2  }
0x7: {  	s8 =	simm.s32 $0x8000;
	s13 =	simm.s32 $0x0;
	s3 =	sand.u32 $0xF80, s1  }
0x8: {  	s9 =	simm.s32 $0x0;
	s5 =	sshrl.u32 s1, $0xC;
	p0 =	sne.s32 s3, $0x0  }
.Ltmp0:
0x9: {  	s1 =	rddreg [dreg:$0x2];
	s4 =	simm.s32 @!p0 $0x0;
	(pc) =	sbr.rel .LBB1_1-.Ltmp0, $4  }
0xa: {  	s11 =	simm.s32 $0x0;
	s3 =	rddreg [dreg:$0x1];
	s5 =	sadd.s32 s4, s5  }
0xb: {  	_ =	strace $0x8000004A;
	s4 =	simm.s32 $0x1;
	s5 =	smul.u32 $0xC8, s5  }
0xc: {  	s6 =	sadd.s32 $0xF42E00, s6;
	s10 =	smov.u32 s2;
	[sflag:s4] =	ssyncpa.u1 $0x0  }
0xd: {  	p0 =	por $0x0, $0x0;
	[sflag:s7] =	ssyncpa.u1 $0x0;
	s7 =	sor.u32 $0x1, s5  }
.LBB1_4:
0xe: {  	s16 =	sshll.u32 s13, $0x3;
	s17 =	sand.u32 $0x78, s13  }
0xf: {  	s30 =	sand.u32 $0x7E00, s13;
	s12 =	sshll.u32 s12, $0xF;
	s16 =	sand.u32 $0xC00, s16  }
0x10: {  	[tilespmem:s15+$0x810 ss:$0x81] =	vst.msk $0xffff, v2;
	s31 =	sand.u32 $0x7, s13;
	s16 =	sor.u32 s17, s16;
	s17 =	sadd.s32 s3, s30  }
0x11: {  	[tilespmem:s15+$0x1020 ss:$0x81] =	vst.msk $0xffff, v0;
	s13 =	sshll.u32 s31, $0x12;
	s12 =	sadd.s32 s12, s17;
	s16 =	sshrl.u32 s16, $0x3  }
0x12: {  	[tilespmem:s15+$0x0 ss:$0x81] =	vst.msk $0xffff, v1;
	s13 =	sor.u32 $0x400, s13;
	s12 =	sadd.s32 s16, s12  }
0x13: {  	[hbm4b:s12+s13] =	stream.strided.scatter [tilespmem:s14], [sflag:$0x2], $0x2000, s8, s13, $0x20;
	[tilespmem:$0x8080] =	vst v63  }
.LBB1_5:
0x14: {  	s14 =	sadd.s32 $0x1, s9  }
0x15: {  	s12 =	sadd.s32 $0x1000, s10;
	s16 =	smov.u32 s10;
	p2 =	sgt.s32 s14, $0xC7  }
0x16: {  	s16 =	smov.u32 @p2 s12  }
0x17: {  	s14 =	simm.s32 @p2 $0x0;
	p2 =	sgt.s32 s16, $0xFFF  }
0x18: {  	s16 =	smov.u32 @p2 s2;
	p2 =	sne.s32 s11, s7  }
.Ltmp1:
0x19: {  	p1 =	slt.u32 s11, $0x2;
	(pc) =	sbr.rel @!p2 .LBB1_6-.Ltmp1, $4  }
0x1a: {  	s15 =	simm.s32 @!p1 $0x2  }
0x1b: {  	s13 =	smov.u32 s10;
	p0 =	por !p0, !p0;
	_ =	swait.ge @!p1 [sflag:s15], $0x2000  }
0x1c: {  	s12 =	smov.u32 s9;
	[sflag:s15] =	ssyncset.done @!p1 $0x0;
	s9 =	smov.u32 s14  }
0x1d: {  	s11 =	sadd.s32 $0x1, s11;
	[sflag:s15] =	ssyncadd.s32 @!p1 $0xFFFFE000;
	s10 =	smov.u32 s16  }
.LBB1_1:
0x1e: {  	p1 =	sge.u32 s11, s5  }
0x1f: {  	s14 =	sand.u32 @!p1 $0x1FFFFFF, s9  }
0x20: {  	s15 =	smulhi.u32 @!p1 $0x147AE15, s14;
	_ =	sdelay $0x1  }
0x21: {  	s15 =	smul.u32 @!p1 $0xC8, s15  }
0x22: {  	s16 =	sxor.u32 @!p1 $0xFFFFFFFF, s11;
	s17 =	smul.u32 @!p1 $0xC80, s10  }
0x23: {  	s31 =	sadd.s32 $0xFFFFFFFF, s11;
	s16 =	sshll.u32 @!p1 s16, $0xD;
	s14 =	ssub.s32 @!p1 s14, s15  }
0x24: {  	s15 =	sand.u32 @!p1 $0x2000, s16;
	s16 =	sadd.s32 @!p1 s6, s17;
	s14 =	sshll.u32 @!p1 s14, $0x4  }
0x25: {  	s17 =	simm.s32 @!p1 $0x6400;
	s14 =	sadd.s32 @!p1 s14, s16;
	s16 =	simm.s32 @!p1 $0x40  }
0x26: {  	[tilespmem:s15], [sflag:$0x1] =	stream.strided.gather @!p1 [hbm4b:s14+s16], $0x2000, s17, s16, $0x38;
	[tilespmem:$0x8080] =	vst v63  }
0x27: {  	p1 =	sge.u32 s31, s5  }
.Ltmp2:
0x28: {  	_ = 	snop;
	(pc) =	sbr.rel @p1 .LBB1_5-.Ltmp2, $1  }
0x29: {  	_ =	sdelay $0x3  }
0x2a: {  	s14 =	simm.s32 $0x1  }
0x2b: {  	_ =	swait.ge [sflag:s4], $0x2000;
	s14 =	simm.s32 @!p0 $0x0  }
0x2c: {  	[sflag:s4] =	ssyncset.done $0x0;
	s15 =	sshll.u32 s14, $0xD  }
0x2d: {  	[sflag:s4] =	ssyncadd.s32 $0xFFFFE000;
	s18 =	sor.u32 $0x20, s15  }
0x2e: {  	s14 =	smul.u32 $0x8100, s14;
	v3 =	vld [tilespmem:s18+$0x10]  }
0x2f: {  	s30 =	sand.u32 $0x1, s11;
	v2 =	vld [tilespmem:s18+$0xFFFFFFF0]  }
0x30: {  	s15 =	smul.u32 $0x8100, s30;
	s14 =	sshrl.u32 s14, $0x2;
	v0 =	vld [tilespmem:s18+$0x0]  }
0x31: {  	v1 =	vld [tilespmem:s18+$0xFFFFFFE0];
	s16 =	sor.u32 $0x4000, s14  }
0x32: {  	s31 =	sshrl.u32 s15, $0x2;
	s15 =	sadd.s32 $0x0, s16  }
0x33: {  	s17 =	simm.s32 $0x4;
	s18 =	sadd.s32 $0x40, s18;
	s14 =	sor.u32 $0x4000, s31;
	[tilespmem:s15+$0x1830 ss:$0x81] =	vst.msk $0xffff, v3  }
.LBB1_3:
0x34: {  	v3 =	vld [tilespmem:s18+$0x10];
	p1 =	sne.s32 s17, $0x1FC;
	[tilespmem:s15+$0x810 ss:$0x81] =	vst.msk $0xffff, v2;
	s19 =	smov.u32 s17;
	s17 =	sadd.s32 $0x4, s17  }
.Ltmp3:
0x35: {  	v2 =	vld [tilespmem:s18+$0xFFFFFFF0];
	[tilespmem:s15+$0x1020 ss:$0x81] =	vst.msk $0xffff, v0;
	(pc) =	sbr.rel @p1 .LBB1_3-.Ltmp3, $4  }
0x36: {  	v0 =	vld [tilespmem:s18+$0x0];
	[tilespmem:s15+$0x0 ss:$0x81] =	vst.msk $0xffff, v1  }
0x37: {  	s15 =	sshra.s32 s19, $0x2;
	v1 =	vld [tilespmem:s18+$0xFFFFFFE0]  }
0x38: {  	s15 =	sadd.s32 s15, s16  }
0x39: {  	s18 =	sadd.s32 $0x40, s18;
	[tilespmem:s15+$0x1830 ss:$0x81] =	vst.msk $0xffff, v3  }
.Ltmp4:
0x3a: {  	_ = 	snop;
	(pc) =	sbr.rel .LBB1_4-.Ltmp4, $1  }
0x3b: {  	_ =	sdelay $0x3  }
.LBB1_6:
0x3c: {  	_ =	sfence.sel $0x180000  }
0x3d: {  	s2 =	simm.s32 $0x1;
	[bflag:$0x0] =	sbarrier.arrive $0xFFFF  }
0x3e: {  	s31 =	simm.s32 $0x2;
	[sflag:s2] =	ssyncpa.u1 $0x1  }
0x3f: {  	[sflag:s31] =	ssyncpa.u1 $0x1  }
0x40: {  	p0 =	sne.s32 s0, $0x0;
	_ =	strace $0x9000004A  }
0x41: {  	s0 =	sadd.s32 @!p0 $0x100000, s1;
	[bflag:$0x2] =	sbarrier.arrive $0xFFFF  }
0x42: {  	[sflag:s0] =	ssyncadd.tile.s32 @!p0 $0x1;
	_ =	shalt  }
.Lfunc_end1:
_tile_overlayer_lowered:
.L_overlay_start_2:
0x43: {  	(tag) =	ssettag $0x2  }
0x44: {  	s0 =	rddreg [dreg:$0x0];
	s2 =	stileid.u32  }
0x45: {  	s1 =	rddreg [dreg:$0x1];
	p0 =	sne.s32 s2, $0x0  }
0x46: {  	s3 =	rddreg [dreg:$0x2];
	[bflag:$0x3] =	sbarrier.arrive $0xFFFF;
	s2 =	simm.s32 @!p0 $0x1C01  }
0x47: {  	[timem:s3], [sflag:s2] =	dma.local @!p0 [hbm:s0], s1  }
0x48: {  	s0 =	simm.s32 @!p0 $0x1  }
0x49: {  	_ =	swait.ge @!p0 [sflag:s0], s1  }
0x4a: {  	s1 =	ssub.s32 @!p0 $0x0, s1;
	[sflag:s0] =	ssyncset.done @!p0 $0x0  }
0x4b: {  	[sflag:s0] =	ssyncadd.s32 @!p0 s1  }
0x4c: {  	[bflag:$0x3] =	sbarrier.arrive $0xFFFF  }
0x4d: {  	_ =	shalt  }

</sc_bundles>
